<compile_context>
chip_gen: v7x
topology: tpu7x:2x2x1
jax: 0.10.2.dev20260603
libtpu: 0.0.44.dev20260713+nightly
codegen_flags: <defaults>
</compile_context>

<pallas_src>
import jax
import jax.numpy as jnp
from jax import lax
from jax.experimental import pallas as pl
from jax.experimental.pallas import tpu as pltpu, tpu_sc as plsc

B = 16384
V = 100000
D = 128
P = 20
N = 50
C = P + N

NC = 2
NS = 16
NW = NC * NS
BPW = B // NW
SR = 256
NSC = BPW // SR
E = SR * C
L = 16


NB = 4
CP = (C + L - 1) // L * L
NG = CP // L


def _w2v_body(cids_hbm, wid_hbm, wtab_hbm, ctab_hbm, out_hbm,
              cids_v, widx_v, wrows_v, crows_v, dots_v, wsem, sems):
    wid = lax.axis_index("s") * NC + lax.axis_index("c")
    base = wid * BPW

    def gather_row(r, b):
        return pltpu.make_async_copy(
            ctab_hbm.at[cids_v.at[r]], crows_v.at[b, pl.ds(0, C), :], sems.at[b]
        )

    def superchunk(sc, _):
        row0 = base + sc * SR
        pltpu.sync_copy(wid_hbm.at[pl.ds(row0, SR)], widx_v)
        pltpu.sync_copy(cids_hbm.at[pl.ds(row0, SR), :], cids_v)
        wcopies = [
            pltpu.make_async_copy(
                wtab_hbm.at[widx_v.at[pl.ds(c * 128, 128)]],
                wrows_v.at[pl.ds(c * 128, 128), :], wsem)
            for c in range(SR // 128)
        ]
        for wc in wcopies:
            wc.start()
        for b in range(NB - 1):
            gather_row(b, b).start()
        for wc in wcopies:
            wc.wait()

        lane = lax.iota(jnp.int32, L)

        def step(r, _):
            b = lax.rem(r, NB)
            gather_row(r, b).wait()

            @pl.when(r + NB - 1 < SR)
            def _():
                nxt = r + NB - 1
                gather_row(nxt, lax.rem(nxt, NB)).start()

            wv = [wrows_v[r, pl.ds(k * L, L)] for k in range(D // L)]
            for g in range(NG):
                gvec = jnp.zeros((L,), jnp.float32)
                for i in range(L):
                    j = g * L + i
                    p = [crows_v[b, j, pl.ds(k * L, L)] * wv[k]
                         for k in range(D // L)]
                    while len(p) > 1:
                        p = [p[z] + p[z + 1] for z in range(0, len(p), 2)]
                    gvec = jnp.where(lane == i, jnp.sum(p[0]), gvec)
                sig = 1.0 / (1.0 + jnp.exp(-gvec))
                dots_v[pl.ds(r * C + g * L, L)] = sig
            return 0

        lax.fori_loop(0, SR, step, 0)
        pltpu.sync_copy(dots_v.at[pl.ds(0, E)], out_hbm.at[pl.ds(row0 * C, E)])
        return 0

    lax.fori_loop(0, NSC, superchunk, 0)


def kernel(word_id, positive_context_ids, negative_context_ids, W_word, W_ctx):
    ctx_ids = jnp.concatenate(
        [positive_context_ids, negative_context_ids], axis=1
    ).astype(jnp.int32)
    wid32 = word_id.astype(jnp.int32)

    mesh = plsc.VectorSubcoreMesh(core_axis_name="c", subcore_axis_name="s")
    run = pl.kernel(
        _w2v_body,
        out_type=jax.ShapeDtypeStruct((B * C,), jnp.float32),
        mesh=mesh,
        compiler_params=pltpu.CompilerParams(needs_layout_passes=False),
        scratch_types=[
            pltpu.VMEM((SR, C), jnp.int32),
            pltpu.VMEM((SR,), jnp.int32),
            pltpu.VMEM((SR, D), jnp.float32),
            pltpu.VMEM((NB, CP, D), jnp.float32),
            pltpu.VMEM((E + L,), jnp.float32),
            pltpu.SemaphoreType.DMA,
            pltpu.SemaphoreType.DMA((NB,)),
        ],
    )
    out = run(ctx_ids, wid32, W_word, W_ctx).reshape(B, C)
    return out[:, :P], out[:, P:]

# --- scband reference (transcript-rebuilt; emitter-appended) ---
"""Pipeline reference for scband-word2vec-41257455845924 (READ-ONLY COPY).

The authoritative reference and input builder live on the scoring server;
editing this copy changes nothing except your own understanding.
"""

import jax, jax.numpy as jnp
import numpy as np

B = 16384
V = 100000
D = 128
P = 20
N = 50

def setup_inputs(seed: int = 0) -> dict:
    key = jax.random.key(seed)
    k1, k2, k3, k4, k5 = jax.random.split(key, 5)
    word_id = jax.random.randint(k1, (B,), 0, V)
    positive_context_ids = jax.random.randint(k2, (B, P), 0, V)
    negative_context_ids = jax.random.randint(k3, (B, N), 0, V)
    W_word = jax.random.normal(k4, (V, D), dtype=jnp.float32) * 0.02
    W_ctx = jax.random.normal(k5, (V, D), dtype=jnp.float32) * 0.02
    return {
        'word_id': word_id,
        'positive_context_ids': positive_context_ids,
        'negative_context_ids': negative_context_ids,
        'W_word': W_word,
        'W_ctx': W_ctx,
    }

def reference(word_id, positive_context_ids, negative_context_ids, W_word, W_ctx):
    # words = embedding(word_id).unsqueeze(-1) -> [B, D, 1]
    words = jnp.take(W_word, word_id, axis=0)[:, :, None]
    # positive/negative = embedding_cont(ids) -> [B, P, D] / [B, N, D]
    positive = jnp.take(W_ctx, positive_context_ids, axis=0)
    negative = jnp.take(W_ctx, negative_context_ids, axis=0)
    # bmm(positive, words).squeeze(-1) -> [B, P]
    mult1 = jnp.squeeze(jnp.matmul(positive, words), -1)
    mult2 = jnp.squeeze(jnp.matmul(negative, words), -1)
    sig1 = jax.nn.sigmoid(mult1)
    sig2 = jax.nn.sigmoid(mult2)
    return (sig1, sig2)

if __name__ == "__main__":
    import jax
    _d = setup_inputs()
    print(jax.jit(kernel)(*tuple(_d.values())))

</pallas_src>

<mosaic_0001>
#map = affine_map<(d0, d1) -> (0, 0)>
#map1 = affine_map<(d0, d1) -> (0)>
module attributes {stable_mosaic.version = 14 : i64} {
  func.func @_w2v_body(%arg0: i32, %arg1: i32, %arg2: memref<16384x70xi32, #tpu.memory_space<hbm>>, %arg3: memref<16384xi32, #tpu.memory_space<hbm>>, %arg4: memref<100000x128xf32, #tpu.memory_space<hbm>>, %arg5: memref<100000x128xf32, #tpu.memory_space<hbm>>, %arg6: memref<1146880xf32, #tpu.memory_space<hbm>>, %arg7: memref<256x70xi32, #tpu.memory_space<vmem>>, %arg8: memref<256xi32, #tpu.memory_space<vmem>>, %arg9: memref<256x128xf32, #tpu.memory_space<vmem>>, %arg10: memref<4x80x128xf32, #tpu.memory_space<vmem>>, %arg11: memref<17936xf32, #tpu.memory_space<vmem>>, %arg12: memref<!tpu.dma_semaphore, #tpu.memory_space<semaphore_mem>>, %arg13: memref<4x!tpu.dma_semaphore, #tpu.memory_space<semaphore_mem>>) attributes {dimension_semantics = [#tpu.dimension_semantics<core_parallel>, #tpu.dimension_semantics<subcore_parallel>], iteration_bounds = array<i64: 2, 16>, scalar_prefetch = 0 : i64, scratch_operands = 7 : i64, tpu.core_type = #tpu.core_type<sc_vector_subcore>, window_params = [{transform_indices = #map}, {transform_indices = #map1}, {transform_indices = #map}, {transform_indices = #map}, {transform_indices = #map1}]} {
    %mul3A = arith.constant 2 : i32
    %mul3A_0 = arith.muli %arg1, %mul3A : i32
    %add3A = arith.addi %mul3A_0, %arg0 : i32
    %mul3A_1 = arith.constant 512 : i32
    %mul3A_2 = arith.muli %add3A, %mul3A_1 : i32
    %scan3A = arith.constant 0 : i32
    %scan3A_3 = arith.constant 0 : i32
    %scan3A_4 = arith.constant 2 : i32
    %scan3A_5 = arith.addi %scan3A_3, %scan3A_4 : i32
    %scan3A_6 = arith.constant 1 : i32
    %scan3A_7 = scf.for %scan3A_9 = %scan3A_3 to %scan3A_5 step %scan3A_6 iter_args(%scan3A_10 = %scan3A) -> (i32)  : i32 {
      %mul3A_11 = arith.constant 256 : i32
      %mul3A_12 = arith.muli %scan3A_9, %mul3A_11 : i32
      %add3A_13 = arith.addi %mul3A_2, %mul3A_12 : i32
      "tpu.region"() ({
        %run_scoped3A = tpu.sem_alloc : memref<!tpu.dma_semaphore, #tpu.memory_space<semaphore_mem>>
        %dma_start3A_99 = tpu.memref_slice %arg3[%add3A_13] : memref<16384xi32, #tpu.memory_space<hbm>> -> memref<256xi32, #tpu.memory_space<hbm>>
        %dma_start3A_100 = tpu.memref_slice %arg3[%add3A_13] : memref<16384xi32, #tpu.memory_space<hbm>> -> memref<256xi32, #tpu.memory_space<hbm>>
        tpu.enqueue_dma source(%dma_start3A_100 : memref<256xi32, #tpu.memory_space<hbm>>) target(%arg8 : memref<256xi32, #tpu.memory_space<vmem>>) target_semaphore(%run_scoped3A : memref<!tpu.dma_semaphore, #tpu.memory_space<semaphore_mem>>)
        %dma_wait3A_101 = tpu.memref_slice %arg3[%add3A_13] : memref<16384xi32, #tpu.memory_space<hbm>> -> memref<256xi32, #tpu.memory_space<hbm>>
        %dma_wait3A_102 = tpu.memref_slice %arg3[%add3A_13] : memref<16384xi32, #tpu.memory_space<hbm>> -> memref<256xi32, #tpu.memory_space<hbm>>
        tpu.wait_dma2 semaphore(%run_scoped3A : memref<!tpu.dma_semaphore, #tpu.memory_space<semaphore_mem>>) src(%dma_wait3A_102 : memref<256xi32, #tpu.memory_space<hbm>>) dst(%arg8 : memref<256xi32, #tpu.memory_space<vmem>>)
        tpu.yield
      }) : () -> ()
      "tpu.region"() ({
        %run_scoped3A = tpu.sem_alloc : memref<!tpu.dma_semaphore, #tpu.memory_space<semaphore_mem>>
        %dma_start3A_99 = arith.constant 0 : i32
        %dma_start3A_100 = tpu.memref_slice %arg2[%add3A_13, %dma_start3A_99] : memref<16384x70xi32, #tpu.memory_space<hbm>> -> memref<256x70xi32, #tpu.memory_space<hbm>>
        %dma_start3A_101 = arith.constant 0 : i32
        %dma_start3A_102 = tpu.memref_slice %arg2[%add3A_13, %dma_start3A_101] : memref<16384x70xi32, #tpu.memory_space<hbm>> -> memref<256x70xi32, #tpu.memory_space<hbm>>
        tpu.enqueue_dma source(%dma_start3A_102 : memref<256x70xi32, #tpu.memory_space<hbm>>) target(%arg7 : memref<256x70xi32, #tpu.memory_space<vmem>>) target_semaphore(%run_scoped3A : memref<!tpu.dma_semaphore, #tpu.memory_space<semaphore_mem>>)
        %dma_wait3A_103 = arith.constant 0 : i32
        %dma_wait3A_104 = tpu.memref_slice %arg2[%add3A_13, %dma_wait3A_103] : memref<16384x70xi32, #tpu.memory_space<hbm>> -> memref<256x70xi32, #tpu.memory_space<hbm>>
        %dma_wait3A_105 = arith.constant 0 : i32
        %dma_wait3A_106 = tpu.memref_slice %arg2[%add3A_13, %dma_wait3A_105] : memref<16384x70xi32, #tpu.memory_space<hbm>> -> memref<256x70xi32, #tpu.memory_space<hbm>>
        tpu.wait_dma2 semaphore(%run_scoped3A : memref<!tpu.dma_semaphore, #tpu.memory_space<semaphore_mem>>) src(%dma_wait3A_106 : memref<256x70xi32, #tpu.memory_space<hbm>>) dst(%arg7 : memref<256x70xi32, #tpu.memory_space<vmem>>)
        tpu.yield
      }) : () -> ()
      %dma_start3A = arith.constant 0 : i32
      %dma_start3A_14 = arith.constant 0 : i32
      %dma_start3A_15 = tpu.memref_slice %arg9[%dma_start3A, %dma_start3A_14] : memref<256x128xf32, #tpu.memory_space<vmem>> -> memref<128x128xf32, #tpu.memory_space<vmem>>
      %dma_start3A_16 = arith.constant 0 : i32
      %dma_start3A_17 = tpu.memref_slice %arg8[%dma_start3A_16] : memref<256xi32, #tpu.memory_space<vmem>> -> memref<128xi32, #tpu.memory_space<vmem>>
      %dma_start3A_18 = arith.constant 0 : i32
      %dma_start3A_19 = arith.constant 0 : i32
      %dma_start3A_20 = tpu.memref_slice %arg4[%dma_start3A_18, %dma_start3A_19] : memref<100000x128xf32, #tpu.memory_space<hbm>> -> memref<100000x128xf32, #tpu.memory_space<hbm>>
      tpu.enqueue_indirect_dma source(%dma_start3A_20 : memref<100000x128xf32, #tpu.memory_space<hbm>>) target(%dma_start3A_15 : memref<128x128xf32, #tpu.memory_space<vmem>>) offsets(%dma_start3A_17 : memref<128xi32, #tpu.memory_space<vmem>>) semaphore(%arg12 : memref<!tpu.dma_semaphore, #tpu.memory_space<semaphore_mem>>)
      %dma_start3A_21 = arith.constant 128 : i32
      %dma_start3A_22 = arith.constant 0 : i32
      %dma_start3A_23 = tpu.memref_slice %arg9[%dma_start3A_21, %dma_start3A_22] : memref<256x128xf32, #tpu.memory_space<vmem>> -> memref<128x128xf32, #tpu.memory_space<vmem>>
      %dma_start3A_24 = arith.constant 128 : i32
      %dma_start3A_25 = tpu.memref_slice %arg8[%dma_start3A_24] : memref<256xi32, #tpu.memory_space<vmem>> -> memref<128xi32, #tpu.memory_space<vmem>>
      %dma_start3A_26 = arith.constant 0 : i32
      %dma_start3A_27 = arith.constant 0 : i32
      %dma_start3A_28 = tpu.memref_slice %arg4[%dma_start3A_26, %dma_start3A_27] : memref<100000x128xf32, #tpu.memory_space<hbm>> -> memref<100000x128xf32, #tpu.memory_space<hbm>>
      tpu.enqueue_indirect_dma source(%dma_start3A_28 : memref<100000x128xf32, #tpu.memory_space<hbm>>) target(%dma_start3A_23 : memref<128x128xf32, #tpu.memory_space<vmem>>) offsets(%dma_start3A_25 : memref<128xi32, #tpu.memory_space<vmem>>) semaphore(%arg12 : memref<!tpu.dma_semaphore, #tpu.memory_space<semaphore_mem>>)
      %dma_start3A_29 = arith.constant 0 : i32
      %dma_start3A_30 = arith.constant 0 : i32
      %dma_start3A_31 = arith.constant 0 : i32
      %dma_start3A_32 = arith.constant 0 : i32
      %dma_start3A_33 = arith.constant 0 : i32
      %dma_start3A_34 = tpu.memref_slice %arg10[%dma_start3A_30, %dma_start3A_32, %dma_start3A_33] : memref<4x80x128xf32, #tpu.memory_space<vmem>> -> memref<1x70x128xf32, #tpu.memory_space<vmem>>
      %dma_start3A_35 = tpu.memref_squeeze %dma_start3A_34 : memref<1x70x128xf32, #tpu.memory_space<vmem>> -> memref<70x128xf32, #tpu.memory_space<vmem>>
      %dma_start3A_36 = arith.constant 0 : i32
      %dma_start3A_37 = tpu.memref_slice %arg7[%dma_start3A_29, %dma_start3A_36] : memref<256x70xi32, #tpu.memory_space<vmem>> -> memref<1x70xi32, #tpu.memory_space<vmem>>
      %dma_start3A_38 = tpu.memref_squeeze %dma_start3A_37 : memref<1x70xi32, #tpu.memory_space<vmem>> -> memref<70xi32, #tpu.memory_space<vmem>>
      %dma_start3A_39 = arith.constant 0 : i32
      %dma_start3A_40 = arith.constant 0 : i32
      %dma_start3A_41 = tpu.memref_slice %arg5[%dma_start3A_39, %dma_start3A_40] : memref<100000x128xf32, #tpu.memory_space<hbm>> -> memref<100000x128xf32, #tpu.memory_space<hbm>>
      %dma_start3A_42 = tpu.memref_slice %arg13[%dma_start3A_31] : memref<4x!tpu.dma_semaphore, #tpu.memory_space<semaphore_mem>> -> memref<1x!tpu.dma_semaphore, #tpu.memory_space<semaphore_mem>>
      %dma_start3A_43 = tpu.memref_squeeze %dma_start3A_42 : memref<1x!tpu.dma_semaphore, #tpu.memory_space<semaphore_mem>> -> memref<!tpu.dma_semaphore, #tpu.memory_space<semaphore_mem>>
      tpu.enqueue_indirect_dma source(%dma_start3A_41 : memref<100000x128xf32, #tpu.memory_space<hbm>>) target(%dma_start3A_35 : memref<70x128xf32, #tpu.memory_space<vmem>>) offsets(%dma_start3A_38 : memref<70xi32, #tpu.memory_space<vmem>>) semaphore(%dma_start3A_43 : memref<!tpu.dma_semaphore, #tpu.memory_space<semaphore_mem>>)
      %dma_start3A_44 = arith.constant 1 : i32
      %dma_start3A_45 = arith.constant 1 : i32
      %dma_start3A_46 = arith.constant 1 : i32
      %dma_start3A_47 = arith.constant 0 : i32
      %dma_start3A_48 = arith.constant 0 : i32
      %dma_start3A_49 = tpu.memref_slice %arg10[%dma_start3A_45, %dma_start3A_47, %dma_start3A_48] : memref<4x80x128xf32, #tpu.memory_space<vmem>> -> memref<1x70x128xf32, #tpu.memory_space<vmem>>
      %dma_start3A_50 = tpu.memref_squeeze %dma_start3A_49 : memref<1x70x128xf32, #tpu.memory_space<vmem>> -> memref<70x128xf32, #tpu.memory_space<vmem>>
      %dma_start3A_51 = arith.constant 0 : i32
      %dma_start3A_52 = tpu.memref_slice %arg7[%dma_start3A_44, %dma_start3A_51] : memref<256x70xi32, #tpu.memory_space<vmem>> -> memref<1x70xi32, #tpu.memory_space<vmem>>
      %dma_start3A_53 = tpu.memref_squeeze %dma_start3A_52 : memref<1x70xi32, #tpu.memory_space<vmem>> -> memref<70xi32, #tpu.memory_space<vmem>>
      %dma_start3A_54 = arith.constant 0 : i32
      %dma_start3A_55 = arith.constant 0 : i32
      %dma_start3A_56 = tpu.memref_slice %arg5[%dma_start3A_54, %dma_start3A_55] : memref<100000x128xf32, #tpu.memory_space<hbm>> -> memref<100000x128xf32, #tpu.memory_space<hbm>>
      %dma_start3A_57 = tpu.memref_slice %arg13[%dma_start3A_46] : memref<4x!tpu.dma_semaphore, #tpu.memory_space<semaphore_mem>> -> memref<1x!tpu.dma_semaphore, #tpu.memory_space<semaphore_mem>>
      %dma_start3A_58 = tpu.memref_squeeze %dma_start3A_57 : memref<1x!tpu.dma_semaphore, #tpu.memory_space<semaphore_mem>> -> memref<!tpu.dma_semaphore, #tpu.memory_space<semaphore_mem>>
      tpu.enqueue_indirect_dma source(%dma_start3A_56 : memref<100000x128xf32, #tpu.memory_space<hbm>>) target(%dma_start3A_50 : memref<70x128xf32, #tpu.memory_space<vmem>>) offsets(%dma_start3A_53 : memref<70xi32, #tpu.memory_space<vmem>>) semaphore(%dma_start3A_58 : memref<!tpu.dma_semaphore, #tpu.memory_space<semaphore_mem>>)
      %dma_start3A_59 = arith.constant 2 : i32
      %dma_start3A_60 = arith.constant 2 : i32
      %dma_start3A_61 = arith.constant 2 : i32
      %dma_start3A_62 = arith.constant 0 : i32
      %dma_start3A_63 = arith.constant 0 : i32
      %dma_start3A_64 = tpu.memref_slice %arg10[%dma_start3A_60, %dma_start3A_62, %dma_start3A_63] : memref<4x80x128xf32, #tpu.memory_space<vmem>> -> memref<1x70x128xf32, #tpu.memory_space<vmem>>
      %dma_start3A_65 = tpu.memref_squeeze %dma_start3A_64 : memref<1x70x128xf32, #tpu.memory_space<vmem>> -> memref<70x128xf32, #tpu.memory_space<vmem>>
      %dma_start3A_66 = arith.constant 0 : i32
      %dma_start3A_67 = tpu.memref_slice %arg7[%dma_start3A_59, %dma_start3A_66] : memref<256x70xi32, #tpu.memory_space<vmem>> -> memref<1x70xi32, #tpu.memory_space<vmem>>
      %dma_start3A_68 = tpu.memref_squeeze %dma_start3A_67 : memref<1x70xi32, #tpu.memory_space<vmem>> -> memref<70xi32, #tpu.memory_space<vmem>>
      %dma_start3A_69 = arith.constant 0 : i32
      %dma_start3A_70 = arith.constant 0 : i32
      %dma_start3A_71 = tpu.memref_slice %arg5[%dma_start3A_69, %dma_start3A_70] : memref<100000x128xf32, #tpu.memory_space<hbm>> -> memref<100000x128xf32, #tpu.memory_space<hbm>>
      %dma_start3A_72 = tpu.memref_slice %arg13[%dma_start3A_61] : memref<4x!tpu.dma_semaphore, #tpu.memory_space<semaphore_mem>> -> memref<1x!tpu.dma_semaphore, #tpu.memory_space<semaphore_mem>>
      %dma_start3A_73 = tpu.memref_squeeze %dma_start3A_72 : memref<1x!tpu.dma_semaphore, #tpu.memory_space<semaphore_mem>> -> memref<!tpu.dma_semaphore, #tpu.memory_space<semaphore_mem>>
      tpu.enqueue_indirect_dma source(%dma_start3A_71 : memref<100000x128xf32, #tpu.memory_space<hbm>>) target(%dma_start3A_65 : memref<70x128xf32, #tpu.memory_space<vmem>>) offsets(%dma_start3A_68 : memref<70xi32, #tpu.memory_space<vmem>>) semaphore(%dma_start3A_73 : memref<!tpu.dma_semaphore, #tpu.memory_space<semaphore_mem>>)
      %dma_wait3A = arith.constant 0 : i32
      %dma_wait3A_74 = arith.constant 0 : i32
      %dma_wait3A_75 = tpu.memref_slice %arg9[%dma_wait3A, %dma_wait3A_74] : memref<256x128xf32, #tpu.memory_space<vmem>> -> memref<128x128xf32, #tpu.memory_space<vmem>>
      %dma_wait3A_76 = arith.constant 0 : i32
      %dma_wait3A_77 = tpu.memref_slice %arg8[%dma_wait3A_76] : memref<256xi32, #tpu.memory_space<vmem>> -> memref<128xi32, #tpu.memory_space<vmem>>
      %dma_wait3A_78 = arith.constant 0 : i32
      %dma_wait3A_79 = arith.constant 0 : i32
      %dma_wait3A_80 = tpu.memref_slice %arg4[%dma_wait3A_78, %dma_wait3A_79] : memref<100000x128xf32, #tpu.memory_space<hbm>> -> memref<100000x128xf32, #tpu.memory_space<hbm>>
      tpu.wait_indirect_dma semaphore(%arg12 : memref<!tpu.dma_semaphore, #tpu.memory_space<semaphore_mem>>) src(%dma_wait3A_80 : memref<100000x128xf32, #tpu.memory_space<hbm>>) dst(%dma_wait3A_75 : memref<128x128xf32, #tpu.memory_space<vmem>>)
      %dma_wait3A_81 = arith.constant 128 : i32
      %dma_wait3A_82 = arith.constant 0 : i32
      %dma_wait3A_83 = tpu.memref_slice %arg9[%dma_wait3A_81, %dma_wait3A_82] : memref<256x128xf32, #tpu.memory_space<vmem>> -> memref<128x128xf32, #tpu.memory_space<vmem>>
      %dma_wait3A_84 = arith.constant 128 : i32
      %dma_wait3A_85 = tpu.memref_slice %arg8[%dma_wait3A_84] : memref<256xi32, #tpu.memory_space<vmem>> -> memref<128xi32, #tpu.memory_space<vmem>>
      %dma_wait3A_86 = arith.constant 0 : i32
      %dma_wait3A_87 = arith.constant 0 : i32
      %dma_wait3A_88 = tpu.memref_slice %arg4[%dma_wait3A_86, %dma_wait3A_87] : memref<100000x128xf32, #tpu.memory_space<hbm>> -> memref<100000x128xf32, #tpu.memory_space<hbm>>
      tpu.wait_indirect_dma semaphore(%arg12 : memref<!tpu.dma_semaphore, #tpu.memory_space<semaphore_mem>>) src(%dma_wait3A_88 : memref<100000x128xf32, #tpu.memory_space<hbm>>) dst(%dma_wait3A_83 : memref<128x128xf32, #tpu.memory_space<vmem>>)
      %iota3A = tpu.iota {dimensions = array<i32: 0>} : vector<16xi32>
      %scan3A_89 = arith.constant 0 : i32
      %scan3A_90 = arith.constant 0 : i32
      %scan3A_91 = arith.constant 256 : i32
      %scan3A_92 = arith.addi %scan3A_90, %scan3A_91 : i32
      %scan3A_93 = arith.constant 1 : i32
      %scan3A_94 = scf.for %scan3A_99 = %scan3A_90 to %scan3A_92 step %scan3A_93 iter_args(%scan3A_100 = %scan3A_89) -> (i32)  : i32 {
        %rem3A = arith.constant 4 : i32
        %rem3A_101 = arith.remsi %scan3A_99, %rem3A : i32
        %dma_wait3A_102 = arith.constant 0 : i32
        %dma_wait3A_103 = arith.constant 0 : i32
        %dma_wait3A_104 = tpu.memref_slice %arg10[%rem3A_101, %dma_wait3A_102, %dma_wait3A_103] : memref<4x80x128xf32, #tpu.memory_space<vmem>> -> memref<1x70x128xf32, #tpu.memory_space<vmem>>
        %dma_wait3A_105 = tpu.memref_squeeze %dma_wait3A_104 : memref<1x70x128xf32, #tpu.memory_space<vmem>> -> memref<70x128xf32, #tpu.memory_space<vmem>>
        %dma_wait3A_106 = arith.constant 0 : i32
        %dma_wait3A_107 = tpu.memref_slice %arg7[%scan3A_99, %dma_wait3A_106] : memref<256x70xi32, #tpu.memory_space<vmem>> -> memref<1x70xi32, #tpu.memory_space<vmem>>
        %dma_wait3A_108 = tpu.memref_squeeze %dma_wait3A_107 : memref<1x70xi32, #tpu.memory_space<vmem>> -> memref<70xi32, #tpu.memory_space<vmem>>
        %dma_wait3A_109 = arith.constant 0 : i32
        %dma_wait3A_110 = arith.constant 0 : i32
        %dma_wait3A_111 = tpu.memref_slice %arg5[%dma_wait3A_109, %dma_wait3A_110] : memref<100000x128xf32, #tpu.memory_space<hbm>> -> memref<100000x128xf32, #tpu.memory_space<hbm>>
        %dma_wait3A_112 = tpu.memref_slice %arg13[%rem3A_101] : memref<4x!tpu.dma_semaphore, #tpu.memory_space<semaphore_mem>> -> memref<1x!tpu.dma_semaphore, #tpu.memory_space<semaphore_mem>>
        %dma_wait3A_113 = tpu.memref_squeeze %dma_wait3A_112 : memref<1x!tpu.dma_semaphore, #tpu.memory_space<semaphore_mem>> -> memref<!tpu.dma_semaphore, #tpu.memory_space<semaphore_mem>>
        tpu.wait_indirect_dma semaphore(%dma_wait3A_113 : memref<!tpu.dma_semaphore, #tpu.memory_space<semaphore_mem>>) src(%dma_wait3A_111 : memref<100000x128xf32, #tpu.memory_space<hbm>>) dst(%dma_wait3A_105 : memref<70x128xf32, #tpu.memory_space<vmem>>)
        %add3A_114 = arith.constant 4 : i32
        %add3A_115 = arith.addi %scan3A_99, %add3A_114 : i32
        %sub3A = arith.constant 1 : i32
        %sub3A_116 = arith.subi %add3A_115, %sub3A : i32
        %lt3A = arith.constant 256 : i32
        %lt3A_117 = arith.cmpi slt, %sub3A_116, %lt3A : i32
        %convert_element_type3A = arith.extui %lt3A_117 : i1 to i32
        %cond3A = arith.constant 0 : i32
        %cond3A_118 = arith.cmpi ne, %convert_element_type3A, %cond3A : i32
        scf.if %cond3A_118 {
          %add3A_5345 = arith.constant 4 : i32
          %add3A_5346 = arith.addi %scan3A_99, %add3A_5345 : i32
          %sub3A_5347 = arith.constant 1 : i32
          %sub3A_5348 = arith.subi %add3A_5346, %sub3A_5347 : i32
          %rem3A_5349 = arith.constant 4 : i32
          %rem3A_5350 = arith.remsi %sub3A_5348, %rem3A_5349 : i32
          %dma_start3A_5351 = arith.constant 0 : i32
          %dma_start3A_5352 = arith.constant 0 : i32
          %dma_start3A_5353 = tpu.memref_slice %arg10[%rem3A_5350, %dma_start3A_5351, %dma_start3A_5352] : memref<4x80x128xf32, #tpu.memory_space<vmem>> -> memref<1x70x128xf32, #tpu.memory_space<vmem>>
          %dma_start3A_5354 = tpu.memref_squeeze %dma_start3A_5353 : memref<1x70x128xf32, #tpu.memory_space<vmem>> -> memref<70x128xf32, #tpu.memory_space<vmem>>
          %dma_start3A_5355 = arith.constant 0 : i32
          %dma_start3A_5356 = tpu.memref_slice %arg7[%sub3A_5348, %dma_start3A_5355] : memref<256x70xi32, #tpu.memory_space<vmem>> -> memref<1x70xi32, #tpu.memory_space<vmem>>
          %dma_start3A_5357 = tpu.memref_squeeze %dma_start3A_5356 : memref<1x70xi32, #tpu.memory_space<vmem>> -> memref<70xi32, #tpu.memory_space<vmem>>
          %dma_start3A_5358 = arith.constant 0 : i32
          %dma_start3A_5359 = arith.constant 0 : i32
          %dma_start3A_5360 = tpu.memref_slice %arg5[%dma_start3A_5358, %dma_start3A_5359] : memref<100000x128xf32, #tpu.memory_space<hbm>> -> memref<100000x128xf32, #tpu.memory_space<hbm>>
          %dma_start3A_5361 = tpu.memref_slice %arg13[%rem3A_5350] : memref<4x!tpu.dma_semaphore, #tpu.memory_space<semaphore_mem>> -> memref<1x!tpu.dma_semaphore, #tpu.memory_space<semaphore_mem>>
          %dma_start3A_5362 = tpu.memref_squeeze %dma_start3A_5361 : memref<1x!tpu.dma_semaphore, #tpu.memory_space<semaphore_mem>> -> memref<!tpu.dma_semaphore, #tpu.memory_space<semaphore_mem>>
          tpu.enqueue_indirect_dma source(%dma_start3A_5360 : memref<100000x128xf32, #tpu.memory_space<hbm>>) target(%dma_start3A_5354 : memref<70x128xf32, #tpu.memory_space<vmem>>) offsets(%dma_start3A_5357 : memref<70xi32, #tpu.memory_space<vmem>>) semaphore(%dma_start3A_5362 : memref<!tpu.dma_semaphore, #tpu.memory_space<semaphore_mem>>)
        } else {
        }
        %get3A = arith.index_cast %scan3A_99 : i32 to index
        %get3A_119 = arith.constant 0 : index
        %get3A_120 = tpu.vector_load %arg9[%get3A, %get3A_119] {strides = array<i32>} : memref<256x128xf32, #tpu.memory_space<vmem>>, vector<16xf32>,
        %get3A_121 = arith.index_cast %scan3A_99 : i32 to index
        %get3A_122 = arith.constant 16 : index
        %get3A_123 = tpu.vector_load %arg9[%get3A_121, %get3A_122] {strides = array<i32>} : memref<256x128xf32, #tpu.memory_space<vmem>>, vector<16xf32>,
        %get3A_124 = arith.index_cast %scan3A_99 : i32 to index
        %get3A_125 = arith.constant 32 : index
        %get3A_126 = tpu.vector_load %arg9[%get3A_124, %get3A_125] {strides = array<i32>} : memref<256x128xf32, #tpu.memory_space<vmem>>, vector<16xf32>,
        %get3A_127 = arith.index_cast %scan3A_99 : i32 to index
        %get3A_128 = arith.constant 48 : index
        %get3A_129 = tpu.vector_load %arg9[%get3A_127, %get3A_128] {strides = array<i32>} : memref<256x128xf32, #tpu.memory_space<vmem>>, vector<16xf32>,
        %get3A_130 = arith.index_cast %scan3A_99 : i32 to index
        %get3A_131 = arith.constant 64 : index
        %get3A_132 = tpu.vector_load %arg9[%get3A_130, %get3A_131] {strides = array<i32>} : memref<256x128xf32, #tpu.memory_space<vmem>>, vector<16xf32>,
        %get3A_133 = arith.index_cast %scan3A_99 : i32 to index
        %get3A_134 = arith.constant 80 : index
        %get3A_135 = tpu.vector_load %arg9[%get3A_133, %get3A_134] {strides = array<i32>} : memref<256x128xf32, #tpu.memory_space<vmem>>, vector<16xf32>,
        %get3A_136 = arith.index_cast %scan3A_99 : i32 to index
        %get3A_137 = arith.constant 96 : index
        %get3A_138 = tpu.vector_load %arg9[%get3A_136, %get3A_137] {strides = array<i32>} : memref<256x128xf32, #tpu.memory_space<vmem>>, vector<16xf32>,
        %get3A_139 = arith.index_cast %scan3A_99 : i32 to index
        %get3A_140 = arith.constant 112 : index
        %get3A_141 = tpu.vector_load %arg9[%get3A_139, %get3A_140] {strides = array<i32>} : memref<256x128xf32, #tpu.memory_space<vmem>>, vector<16xf32>,
        %broadcast_in_dim3A = arith.constant 0.000000e+00 : f32
        %broadcast_in_dim3A_142 = vector.broadcast %broadcast_in_dim3A : f32 to vector<16xf32>
        %get3A_143 = arith.constant 0 : i32
        %get3A_144 = arith.index_cast %rem3A_101 : i32 to index
        %get3A_145 = arith.index_cast %get3A_143 : i32 to index
        %get3A_146 = arith.constant 0 : index
        %get3A_147 = tpu.vector_load %arg10[%get3A_144, %get3A_145, %get3A_146] {strides = array<i32>} : memref<4x80x128xf32, #tpu.memory_space<vmem>>, vector<16xf32>,
        %mul3A_148 = arith.mulf %get3A_147, %get3A_120 : vector<16xf32>
        %get3A_149 = arith.constant 0 : i32
        %get3A_150 = arith.index_cast %rem3A_101 : i32 to index
        %get3A_151 = arith.index_cast %get3A_149 : i32 to index
        %get3A_152 = arith.constant 16 : index
        %get3A_153 = tpu.vector_load %arg10[%get3A_150, %get3A_151, %get3A_152] {strides = array<i32>} : memref<4x80x128xf32, #tpu.memory_space<vmem>>, vector<16xf32>,
        %mul3A_154 = arith.mulf %get3A_153, %get3A_123 : vector<16xf32>
        %get3A_155 = arith.constant 0 : i32
        %get3A_156 = arith.index_cast %rem3A_101 : i32 to index
        %get3A_157 = arith.index_cast %get3A_155 : i32 to index
        %get3A_158 = arith.constant 32 : index
        %get3A_159 = tpu.vector_load %arg10[%get3A_156, %get3A_157, %get3A_158] {strides = array<i32>} : memref<4x80x128xf32, #tpu.memory_space<vmem>>, vector<16xf32>,
        %mul3A_160 = arith.mulf %get3A_159, %get3A_126 : vector<16xf32>
        %get3A_161 = arith.constant 0 : i32
        %get3A_162 = arith.index_cast %rem3A_101 : i32 to index
        %get3A_163 = arith.index_cast %get3A_161 : i32 to index
        %get3A_164 = arith.constant 48 : index
        %get3A_165 = tpu.vector_load %arg10[%get3A_162, %get3A_163, %get3A_164] {strides = array<i32>} : memref<4x80x128xf32, #tpu.memory_space<vmem>>, vector<16xf32>,
        %mul3A_166 = arith.mulf %get3A_165, %get3A_129 : vector<16xf32>
        %get3A_167 = arith.constant 0 : i32
        %get3A_168 = arith.index_cast %rem3A_101 : i32 to index
        %get3A_169 = arith.index_cast %get3A_167 : i32 to index
        %get3A_170 = arith.constant 64 : index
        %get3A_171 = tpu.vector_load %arg10[%get3A_168, %get3A_169, %get3A_170] {strides = array<i32>} : memref<4x80x128xf32, #tpu.memory_space<vmem>>, vector<16xf32>,
        %mul3A_172 = arith.mulf %get3A_171, %get3A_132 : vector<16xf32>
        %get3A_173 = arith.constant 0 : i32
        %get3A_174 = arith.index_cast %rem3A_101 : i32 to index
        %get3A_175 = arith.index_cast %get3A_173 : i32 to index
        %get3A_176 = arith.constant 80 : index
        %get3A_177 = tpu.vector_load %arg10[%get3A_174, %get3A_175, %get3A_176] {strides = array<i32>} : memref<4x80x128xf32, #tpu.memory_space<vmem>>, vector<16xf32>,
        %mul3A_178 = arith.mulf %get3A_177, %get3A_135 : vector<16xf32>
        %get3A_179 = arith.constant 0 : i32
        %get3A_180 = arith.index_cast %rem3A_101 : i32 to index
        %get3A_181 = arith.index_cast %get3A_179 : i32 to index
        %get3A_182 = arith.constant 96 : index
        %get3A_183 = tpu.vector_load %arg10[%get3A_180, %get3A_181, %get3A_182] {strides = array<i32>} : memref<4x80x128xf32, #tpu.memory_space<vmem>>, vector<16xf32>,
        %mul3A_184 = arith.mulf %get3A_183, %get3A_138 : vector<16xf32>
        %get3A_185 = arith.constant 0 : i32
        %get3A_186 = arith.index_cast %rem3A_101 : i32 to index
        %get3A_187 = arith.index_cast %get3A_185 : i32 to index
        %get3A_188 = arith.constant 112 : index
        %get3A_189 = tpu.vector_load %arg10[%get3A_186, %get3A_187, %get3A_188] {strides = array<i32>} : memref<4x80x128xf32, #tpu.memory_space<vmem>>, vector<16xf32>,
        %mul3A_190 = arith.mulf %get3A_189, %get3A_141 : vector<16xf32>
        %add3A_191 = arith.addf %mul3A_148, %mul3A_154 : vector<16xf32>
        %add3A_192 = arith.addf %mul3A_160, %mul3A_166 : vector<16xf32>
        %add3A_193 = arith.addf %mul3A_172, %mul3A_178 : vector<16xf32>
        %add3A_194 = arith.addf %mul3A_184, %mul3A_190 : vector<16xf32>
        %add3A_195 = arith.addf %add3A_191, %add3A_192 : vector<16xf32>
        %add3A_196 = arith.addf %add3A_193, %add3A_194 : vector<16xf32>
        %add3A_197 = arith.addf %add3A_195, %add3A_196 : vector<16xf32>
        %eq3A = arith.constant 0 : i32
        %eq3A_198 = vector.broadcast %eq3A : i32 to vector<16xi32>
        %eq3A_199 = arith.cmpi eq, %iota3A, %eq3A_198 : vector<16xi32>
        %reduce_sum3A = arith.constant true
        %reduce_sum3A_200 = vector.broadcast %reduce_sum3A : i1 to vector<16xi1>
        %reduce_sum3A_201 = tpu.scan <sum>, %add3A_197 masked %reduce_sum3A_200 : vector<16xf32>, vector<16xi1> -> vector<16xf32>
        %reduce_sum3A_202 = vector.extract %reduce_sum3A_201[15] : f32 from vector<16xf32>
        %broadcast_in_dim3A_203 = vector.broadcast %reduce_sum3A_202 : f32 to vector<16xf32>
        %select_n3A = arith.select %eq3A_199, %broadcast_in_dim3A_203, %broadcast_in_dim3A_142 : vector<16xi1>, vector<16xf32>
        %get3A_204 = arith.constant 1 : i32
        %get3A_205 = arith.index_cast %rem3A_101 : i32 to index
        %get3A_206 = arith.index_cast %get3A_204 : i32 to index
        %get3A_207 = arith.constant 0 : index
        %get3A_208 = tpu.vector_load %arg10[%get3A_205, %get3A_206, %get3A_207] {strides = array<i32>} : memref<4x80x128xf32, #tpu.memory_space<vmem>>, vector<16xf32>,
        %mul3A_209 = arith.mulf %get3A_208, %get3A_120 : vector<16xf32>
        %get3A_210 = arith.constant 1 : i32
        %get3A_211 = arith.index_cast %rem3A_101 : i32 to index
        %get3A_212 = arith.index_cast %get3A_210 : i32 to index
        %get3A_213 = arith.constant 16 : index
        %get3A_214 = tpu.vector_load %arg10[%get3A_211, %get3A_212, %get3A_213] {strides = array<i32>} : memref<4x80x128xf32, #tpu.memory_space<vmem>>, vector<16xf32>,
        %mul3A_215 = arith.mulf %get3A_214, %get3A_123 : vector<16xf32>
        %get3A_216 = arith.constant 1 : i32
        %get3A_217 = arith.index_cast %rem3A_101 : i32 to index
        %get3A_218 = arith.index_cast %get3A_216 : i32 to index
        %get3A_219 = arith.constant 32 : index
        %get3A_220 = tpu.vector_load %arg10[%get3A_217, %get3A_218, %get3A_219] {strides = array<i32>} : memref<4x80x128xf32, #tpu.memory_space<vmem>>, vector<16xf32>,
        %mul3A_221 = arith.mulf %get3A_220, %get3A_126 : vector<16xf32>
        %get3A_222 = arith.constant 1 : i32
        %get3A_223 = arith.index_cast %rem3A_101 : i32 to index
        %get3A_224 = arith.index_cast %get3A_222 : i32 to index
        %get3A_225 = arith.constant 48 : index
        %get3A_226 = tpu.vector_load %arg10[%get3A_223, %get3A_224, %get3A_225] {strides = array<i32>} : memref<4x80x128xf32, #tpu.memory_space<vmem>>, vector<16xf32>,
        %mul3A_227 = arith.mulf %get3A_226, %get3A_129 : vector<16xf32>
        %get3A_228 = arith.constant 1 : i32
        %get3A_229 = arith.index_cast %rem3A_101 : i32 to index
        %get3A_230 = arith.index_cast %get3A_228 : i32 to index
        %get3A_231 = arith.constant 64 : index
        %get3A_232 = tpu.vector_load %arg10[%get3A_229, %get3A_230, %get3A_231] {strides = array<i32>} : memref<4x80x128xf32, #tpu.memory_space<vmem>>, vector<16xf32>,
        %mul3A_233 = arith.mulf %get3A_232, %get3A_132 : vector<16xf32>
        %get3A_234 = arith.constant 1 : i32
        %get3A_235 = arith.index_cast %rem3A_101 : i32 to index
        %get3A_236 = arith.index_cast %get3A_234 : i32 to index
        %get3A_237 = arith.constant 80 : index
        %get3A_238 = tpu.vector_load %arg10[%get3A_235, %get3A_236, %get3A_237] {strides = array<i32>} : memref<4x80x128xf32, #tpu.memory_space<vmem>>, vector<16xf32>,
        %mul3A_239 = arith.mulf %get3A_238, %get3A_135 : vector<16xf32>
        %get3A_240 = arith.constant 1 : i32
        %get3A_241 = arith.index_cast %rem3A_101 : i32 to index
        %get3A_242 = arith.index_cast %get3A_240 : i32 to index
        %get3A_243 = arith.constant 96 : index
        %get3A_244 = tpu.vector_load %arg10[%get3A_241, %get3A_242, %get3A_243] {strides = array<i32>} : memref<4x80x128xf32, #tpu.memory_space<vmem>>, vector<16xf32>,
        %mul3A_245 = arith.mulf %get3A_244, %get3A_138 : vector<16xf32>
        %get3A_246 = arith.constant 1 : i32
        %get3A_247 = arith.index_cast %rem3A_101 : i32 to index
        %get3A_248 = arith.index_cast %get3A_246 : i32 to index
        %get3A_249 = arith.constant 112 : index
        %get3A_250 = tpu.vector_load %arg10[%get3A_247, %get3A_248, %get3A_249] {strides = array<i32>} : memref<4x80x128xf32, #tpu.memory_space<vmem>>, vector<16xf32>,
        %mul3A_251 = arith.mulf %get3A_250, %get3A_141 : vector<16xf32>
        %add3A_252 = arith.addf %mul3A_209, %mul3A_215 : vector<16xf32>
        %add3A_253 = arith.addf %mul3A_221, %mul3A_227 : vector<16xf32>
        %add3A_254 = arith.addf %mul3A_233, %mul3A_239 : vector<16xf32>
        %add3A_255 = arith.addf %mul3A_245, %mul3A_251 : vector<16xf32>
        %add3A_256 = arith.addf %add3A_252, %add3A_253 : vector<16xf32>
        %add3A_257 = arith.addf %add3A_254, %add3A_255 : vector<16xf32>
        %add3A_258 = arith.addf %add3A_256, %add3A_257 : vector<16xf32>
        %eq3A_259 = arith.constant 1 : i32
        %eq3A_260 = vector.broadcast %eq3A_259 : i32 to vector<16xi32>
        %eq3A_261 = arith.cmpi eq, %iota3A, %eq3A_260 : vector<16xi32>
        %reduce_sum3A_262 = arith.constant true
        %reduce_sum3A_263 = vector.broadcast %reduce_sum3A_262 : i1 to vector<16xi1>
        %reduce_sum3A_264 = tpu.scan <sum>, %add3A_258 masked %reduce_sum3A_263 : vector<16xf32>, vector<16xi1> -> vector<16xf32>
        %reduce_sum3A_265 = vector.extract %reduce_sum3A_264[15] : f32 from vector<16xf32>
        %broadcast_in_dim3A_266 = vector.broadcast %reduce_sum3A_265 : f32 to vector<16xf32>
        %select_n3A_267 = arith.select %eq3A_261, %broadcast_in_dim3A_266, %select_n3A : vector<16xi1>, vector<16xf32>
        %get3A_268 = arith.constant 2 : i32
        %get3A_269 = arith.index_cast %rem3A_101 : i32 to index
        %get3A_270 = arith.index_cast %get3A_268 : i32 to index
        %get3A_271 = arith.constant 0 : index
        %get3A_272 = tpu.vector_load %arg10[%get3A_269, %get3A_270, %get3A_271] {strides = array<i32>} : memref<4x80x128xf32, #tpu.memory_space<vmem>>, vector<16xf32>,
        %mul3A_273 = arith.mulf %get3A_272, %get3A_120 : vector<16xf32>
        %get3A_274 = arith.constant 2 : i32
        %get3A_275 = arith.index_cast %rem3A_101 : i32 to index
        %get3A_276 = arith.index_cast %get3A_274 : i32 to index
        %get3A_277 = arith.constant 16 : index
        %get3A_278 = tpu.vector_load %arg10[%get3A_275, %get3A_276, %get3A_277] {strides = array<i32>} : memref<4x80x128xf32, #tpu.memory_space<vmem>>, vector<16xf32>,
        %mul3A_279 = arith.mulf %get3A_278, %get3A_123 : vector<16xf32>
        %get3A_280 = arith.constant 2 : i32
        %get3A_281 = arith.index_cast %rem3A_101 : i32 to index
        %get3A_282 = arith.index_cast %get3A_280 : i32 to index
        %get3A_283 = arith.constant 32 : index
        %get3A_284 = tpu.vector_load %arg10[%get3A_281, %get3A_282, %get3A_283] {strides = array<i32>} : memref<4x80x128xf32, #tpu.memory_space<vmem>>, vector<16xf32>,
        %mul3A_285 = arith.mulf %get3A_284, %get3A_126 : vector<16xf32>
        %get3A_286 = arith.constant 2 : i32
        %get3A_287 = arith.index_cast %rem3A_101 : i32 to index
        %get3A_288 = arith.index_cast %get3A_286 : i32 to index
        %get3A_289 = arith.constant 48 : index
        %get3A_290 = tpu.vector_load %arg10[%get3A_287, %get3A_288, %get3A_289] {strides = array<i32>} : memref<4x80x128xf32, #tpu.memory_space<vmem>>, vector<16xf32>,
        %mul3A_291 = arith.mulf %get3A_290, %get3A_129 : vector<16xf32>
        %get3A_292 = arith.constant 2 : i32
        %get3A_293 = arith.index_cast %rem3A_101 : i32 to index
        %get3A_294 = arith.index_cast %get3A_292 : i32 to index
        %get3A_295 = arith.constant 64 : index
        %get3A_296 = tpu.vector_load %arg10[%get3A_293, %get3A_294, %get3A_295] {strides = array<i32>} : memref<4x80x128xf32, #tpu.memory_space<vmem>>, vector<16xf32>,
        %mul3A_297 = arith.mulf %get3A_296, %get3A_132 : vector<16xf32>
        %get3A_298 = arith.constant 2 : i32
        %get3A_299 = arith.index_cast %rem3A_101 : i32 to index
        %get3A_300 = arith.index_cast %get3A_298 : i32 to index
        %get3A_301 = arith.constant 80 : index
        %get3A_302 = tpu.vector_load %arg10[%get3A_299, %get3A_300, %get3A_301] {strides = array<i32>} : memref<4x80x128xf32, #tpu.memory_space<vmem>>, vector<16xf32>,
        %mul3A_303 = arith.mulf %get3A_302, %get3A_135 : vector<16xf32>
        %get3A_304 = arith.constant 2 : i32
        %get3A_305 = arith.index_cast %rem3A_101 : i32 to index
        %get3A_306 = arith.index_cast %get3A_304 : i32 to index
        %get3A_307 = arith.constant 96 : index
        %get3A_308 = tpu.vector_load %arg10[%get3A_305, %get3A_306, %get3A_307] {strides = array<i32>} : memref<4x80x128xf32, #tpu.memory_space<vmem>>, vector<16xf32>,
        %mul3A_309 = arith.mulf %get3A_308, %get3A_138 : vector<16xf32>
        %get3A_310 = arith.constant 2 : i32
        %get3A_311 = arith.index_cast %rem3A_101 : i32 to index
        %get3A_312 = arith.index_cast %get3A_310 : i32 to index
        %get3A_313 = arith.constant 112 : index
        %get3A_314 = tpu.vector_load %arg10[%get3A_311, %get3A_312, %get3A_313] {strides = array<i32>} : memref<4x80x128xf32, #tpu.memory_space<vmem>>, vector<16xf32>,
        %mul3A_315 = arith.mulf %get3A_314, %get3A_141 : vector<16xf32>
        %add3A_316 = arith.addf %mul3A_273, %mul3A_279 : vector<16xf32>
        %add3A_317 = arith.addf %mul3A_285, %mul3A_291 : vector<16xf32>
        %add3A_318 = arith.addf %mul3A_297, %mul3A_303 : vector<16xf32>
        %add3A_319 = arith.addf %mul3A_309, %mul3A_315 : vector<16xf32>
        %add3A_320 = arith.addf %add3A_316, %add3A_317 : vector<16xf32>
        %add3A_321 = arith.addf %add3A_318, %add3A_319 : vector<16xf32>
        %add3A_322 = arith.addf %add3A_320, %add3A_321 : vector<16xf32>
        %eq3A_323 = arith.constant 2 : i32
        %eq3A_324 = vector.broadcast %eq3A_323 : i32 to vector<16xi32>
        %eq3A_325 = arith.cmpi eq, %iota3A, %eq3A_324 : vector<16xi32>
        %reduce_sum3A_326 = arith.constant true
        %reduce_sum3A_327 = vector.broadcast %reduce_sum3A_326 : i1 to vector<16xi1>
        %reduce_sum3A_328 = tpu.scan <sum>, %add3A_322 masked %reduce_sum3A_327 : vector<16xf32>, vector<16xi1> -> vector<16xf32>
        %reduce_sum3A_329 = vector.extract %reduce_sum3A_328[15] : f32 from vector<16xf32>
        %broadcast_in_dim3A_330 = vector.broadcast %reduce_sum3A_329 : f32 to vector<16xf32>
        %select_n3A_331 = arith.select %eq3A_325, %broadcast_in_dim3A_330, %select_n3A_267 : vector<16xi1>, vector<16xf32>
        %get3A_332 = arith.constant 3 : i32
        %get3A_333 = arith.index_cast %rem3A_101 : i32 to index
        %get3A_334 = arith.index_cast %get3A_332 : i32 to index
        %get3A_335 = arith.constant 0 : index
        %get3A_336 = tpu.vector_load %arg10[%get3A_333, %get3A_334, %get3A_335] {strides = array<i32>} : memref<4x80x128xf32, #tpu.memory_space<vmem>>, vector<16xf32>,
        %mul3A_337 = arith.mulf %get3A_336, %get3A_120 : vector<16xf32>
        %get3A_338 = arith.constant 3 : i32
        %get3A_339 = arith.index_cast %rem3A_101 : i32 to index
        %get3A_340 = arith.index_cast %get3A_338 : i32 to index
        %get3A_341 = arith.constant 16 : index
        %get3A_342 = tpu.vector_load %arg10[%get3A_339, %get3A_340, %get3A_341] {strides = array<i32>} : memref<4x80x128xf32, #tpu.memory_space<vmem>>, vector<16xf32>,
        %mul3A_343 = arith.mulf %get3A_342, %get3A_123 : vector<16xf32>
        %get3A_344 = arith.constant 3 : i32
        %get3A_345 = arith.index_cast %rem3A_101 : i32 to index
        %get3A_346 = arith.index_cast %get3A_344 : i32 to index
        %get3A_347 = arith.constant 32 : index
        %get3A_348 = tpu.vector_load %arg10[%get3A_345, %get3A_346, %get3A_347] {strides = array<i32>} : memref<4x80x128xf32, #tpu.memory_space<vmem>>, vector<16xf32>,
        %mul3A_349 = arith.mulf %get3A_348, %get3A_126 : vector<16xf32>
        %get3A_350 = arith.constant 3 : i32
        %get3A_351 = arith.index_cast %rem3A_101 : i32 to index
        %get3A_352 = arith.index_cast %get3A_350 : i32 to index
        %get3A_353 = arith.constant 48 : index
        %get3A_354 = tpu.vector_load %arg10[%get3A_351, %get3A_352, %get3A_353] {strides = array<i32>} : memref<4x80x128xf32, #tpu.memory_space<vmem>>, vector<16xf32>,
        %mul3A_355 = arith.mulf %get3A_354, %get3A_129 : vector<16xf32>
        %get3A_356 = arith.constant 3 : i32
        %get3A_357 = arith.index_cast %rem3A_101 : i32 to index
        %get3A_358 = arith.index_cast %get3A_356 : i32 to index
        %get3A_359 = arith.constant 64 : index
        %get3A_360 = tpu.vector_load %arg10[%get3A_357, %get3A_358, %get3A_359] {strides = array<i32>} : memref<4x80x128xf32, #tpu.memory_space<vmem>>, vector<16xf32>,
        %mul3A_361 = arith.mulf %get3A_360, %get3A_132 : vector<16xf32>
        %get3A_362 = arith.constant 3 : i32
        %get3A_363 = arith.index_cast %rem3A_101 : i32 to index
        %get3A_364 = arith.index_cast %get3A_362 : i32 to index
        %get3A_365 = arith.constant 80 : index
        %get3A_366 = tpu.vector_load %arg10[%get3A_363, %get3A_364, %get3A_365] {strides = array<i32>} : memref<4x80x128xf32, #tpu.memory_space<vmem>>, vector<16xf32>,
        %mul3A_367 = arith.mulf %get3A_366, %get3A_135 : vector<16xf32>
        %get3A_368 = arith.constant 3 : i32
        %get3A_369 = arith.index_cast %rem3A_101 : i32 to index
        %get3A_370 = arith.index_cast %get3A_368 : i32 to index
        %get3A_371 = arith.constant 96 : index
        %get3A_372 = tpu.vector_load %arg10[%get3A_369, %get3A_370, %get3A_371] {strides = array<i32>} : memref<4x80x128xf32, #tpu.memory_space<vmem>>, vector<16xf32>,
        %mul3A_373 = arith.mulf %get3A_372, %get3A_138 : vector<16xf32>
        %get3A_374 = arith.constant 3 : i32
        %get3A_375 = arith.index_cast %rem3A_101 : i32 to index
        %get3A_376 = arith.index_cast %get3A_374 : i32 to index
        %get3A_377 = arith.constant 112 : index
        %get3A_378 = tpu.vector_load %arg10[%get3A_375, %get3A_376, %get3A_377] {strides = array<i32>} : memref<4x80x128xf32, #tpu.memory_space<vmem>>, vector<16xf32>,
        %mul3A_379 = arith.mulf %get3A_378, %get3A_141 : vector<16xf32>
        %add3A_380 = arith.addf %mul3A_337, %mul3A_343 : vector<16xf32>
        %add3A_381 = arith.addf %mul3A_349, %mul3A_355 : vector<16xf32>
        %add3A_382 = arith.addf %mul3A_361, %mul3A_367 : vector<16xf32>
        %add3A_383 = arith.addf %mul3A_373, %mul3A_379 : vector<16xf32>
        %add3A_384 = arith.addf %add3A_380, %add3A_381 : vector<16xf32>
        %add3A_385 = arith.addf %add3A_382, %add3A_383 : vector<16xf32>
        %add3A_386 = arith.addf %add3A_384, %add3A_385 : vector<16xf32>
        %eq3A_387 = arith.constant 3 : i32
        %eq3A_388 = vector.broadcast %eq3A_387 : i32 to vector<16xi32>
        %eq3A_389 = arith.cmpi eq, %iota3A, %eq3A_388 : vector<16xi32>
        %reduce_sum3A_390 = arith.constant true
        %reduce_sum3A_391 = vector.broadcast %reduce_sum3A_390 : i1 to vector<16xi1>
        %reduce_sum3A_392 = tpu.scan <sum>, %add3A_386 masked %reduce_sum3A_391 : vector<16xf32>, vector<16xi1> -> vector<16xf32>
        %reduce_sum3A_393 = vector.extract %reduce_sum3A_392[15] : f32 from vector<16xf32>
        %broadcast_in_dim3A_394 = vector.broadcast %reduce_sum3A_393 : f32 to vector<16xf32>
        %select_n3A_395 = arith.select %eq3A_389, %broadcast_in_dim3A_394, %select_n3A_331 : vector<16xi1>, vector<16xf32>
        %get3A_396 = arith.constant 4 : i32
        %get3A_397 = arith.index_cast %rem3A_101 : i32 to index
        %get3A_398 = arith.index_cast %get3A_396 : i32 to index
        %get3A_399 = arith.constant 0 : index
        %get3A_400 = tpu.vector_load %arg10[%get3A_397, %get3A_398, %get3A_399] {strides = array<i32>} : memref<4x80x128xf32, #tpu.memory_space<vmem>>, vector<16xf32>,
        %mul3A_401 = arith.mulf %get3A_400, %get3A_120 : vector<16xf32>
        %get3A_402 = arith.constant 4 : i32
        %get3A_403 = arith.index_cast %rem3A_101 : i32 to index
        %get3A_404 = arith.index_cast %get3A_402 : i32 to index
        %get3A_405 = arith.constant 16 : index
        %get3A_406 = tpu.vector_load %arg10[%get3A_403, %get3A_404, %get3A_405] {strides = array<i32>} : memref<4x80x128xf32, #tpu.memory_space<vmem>>, vector<16xf32>,
        %mul3A_407 = arith.mulf %get3A_406, %get3A_123 : vector<16xf32>
        %get3A_408 = arith.constant 4 : i32
        %get3A_409 = arith.index_cast %rem3A_101 : i32 to index
        %get3A_410 = arith.index_cast %get3A_408 : i32 to index
        %get3A_411 = arith.constant 32 : index
        %get3A_412 = tpu.vector_load %arg10[%get3A_409, %get3A_410, %get3A_411] {strides = array<i32>} : memref<4x80x128xf32, #tpu.memory_space<vmem>>, vector<16xf32>,
        %mul3A_413 = arith.mulf %get3A_412, %get3A_126 : vector<16xf32>
        %get3A_414 = arith.constant 4 : i32
        %get3A_415 = arith.index_cast %rem3A_101 : i32 to index
        %get3A_416 = arith.index_cast %get3A_414 : i32 to index
        %get3A_417 = arith.constant 48 : index
        %get3A_418 = tpu.vector_load %arg10[%get3A_415, %get3A_416, %get3A_417] {strides = array<i32>} : memref<4x80x128xf32, #tpu.memory_space<vmem>>, vector<16xf32>,
        %mul3A_419 = arith.mulf %get3A_418, %get3A_129 : vector<16xf32>
        %get3A_420 = arith.constant 4 : i32
        %get3A_421 = arith.index_cast %rem3A_101 : i32 to index
        %get3A_422 = arith.index_cast %get3A_420 : i32 to index
        %get3A_423 = arith.constant 64 : index
        %get3A_424 = tpu.vector_load %arg10[%get3A_421, %get3A_422, %get3A_423] {strides = array<i32>} : memref<4x80x128xf32, #tpu.memory_space<vmem>>, vector<16xf32>,
        %mul3A_425 = arith.mulf %get3A_424, %get3A_132 : vector<16xf32>
        %get3A_426 = arith.constant 4 : i32
        %get3A_427 = arith.index_cast %rem3A_101 : i32 to index
        %get3A_428 = arith.index_cast %get3A_426 : i32 to index
        %get3A_429 = arith.constant 80 : index
        %get3A_430 = tpu.vector_load %arg10[%get3A_427, %get3A_428, %get3A_429] {strides = array<i32>} : memref<4x80x128xf32, #tpu.memory_space<vmem>>, vector<16xf32>,
        %mul3A_431 = arith.mulf %get3A_430, %get3A_135 : vector<16xf32>
        %get3A_432 = arith.constant 4 : i32
        %get3A_433 = arith.index_cast %rem3A_101 : i32 to index
        %get3A_434 = arith.index_cast %get3A_432 : i32 to index
        %get3A_435 = arith.constant 96 : index
        %get3A_436 = tpu.vector_load %arg10[%get3A_433, %get3A_434, %get3A_435] {strides = array<i32>} : memref<4x80x128xf32, #tpu.memory_space<vmem>>, vector<16xf32>,
        %mul3A_437 = arith.mulf %get3A_436, %get3A_138 : vector<16xf32>
        %get3A_438 = arith.constant 4 : i32
        %get3A_439 = arith.index_cast %rem3A_101 : i32 to index
        %get3A_440 = arith.index_cast %get3A_438 : i32 to index
        %get3A_441 = arith.constant 112 : index
        %get3A_442 = tpu.vector_load %arg10[%get3A_439, %get3A_440, %get3A_441] {strides = array<i32>} : memref<4x80x128xf32, #tpu.memory_space<vmem>>, vector<16xf32>,
        %mul3A_443 = arith.mulf %get3A_442, %get3A_141 : vector<16xf32>
        %add3A_444 = arith.addf %mul3A_401, %mul3A_407 : vector<16xf32>
        %add3A_445 = arith.addf %mul3A_413, %mul3A_419 : vector<16xf32>
        %add3A_446 = arith.addf %mul3A_425, %mul3A_431 : vector<16xf32>
        %add3A_447 = arith.addf %mul3A_437, %mul3A_443 : vector<16xf32>
        %add3A_448 = arith.addf %add3A_444, %add3A_445 : vector<16xf32>
        %add3A_449 = arith.addf %add3A_446, %add3A_447 : vector<16xf32>
        %add3A_450 = arith.addf %add3A_448, %add3A_449 : vector<16xf32>
        %eq3A_451 = arith.constant 4 : i32
        %eq3A_452 = vector.broadcast %eq3A_451 : i32 to vector<16xi32>
        %eq3A_453 = arith.cmpi eq, %iota3A, %eq3A_452 : vector<16xi32>
        %reduce_sum3A_454 = arith.constant true
        %reduce_sum3A_455 = vector.broadcast %reduce_sum3A_454 : i1 to vector<16xi1>
        %reduce_sum3A_456 = tpu.scan <sum>, %add3A_450 masked %reduce_sum3A_455 : vector<16xf32>, vector<16xi1> -> vector<16xf32>
        %reduce_sum3A_457 = vector.extract %reduce_sum3A_456[15] : f32 from vector<16xf32>
        %broadcast_in_dim3A_458 = vector.broadcast %reduce_sum3A_457 : f32 to vector<16xf32>
        %select_n3A_459 = arith.select %eq3A_453, %broadcast_in_dim3A_458, %select_n3A_395 : vector<16xi1>, vector<16xf32>
        %get3A_460 = arith.constant 5 : i32
        %get3A_461 = arith.index_cast %rem3A_101 : i32 to index
        %get3A_462 = arith.index_cast %get3A_460 : i32 to index
        %get3A_463 = arith.constant 0 : index
        %get3A_464 = tpu.vector_load %arg10[%get3A_461, %get3A_462, %get3A_463] {strides = array<i32>} : memref<4x80x128xf32, #tpu.memory_space<vmem>>, vector<16xf32>,
        %mul3A_465 = arith.mulf %get3A_464, %get3A_120 : vector<16xf32>
        %get3A_466 = arith.constant 5 : i32
        %get3A_467 = arith.index_cast %rem3A_101 : i32 to index
        %get3A_468 = arith.index_cast %get3A_466 : i32 to index
        %get3A_469 = arith.constant 16 : index
        %get3A_470 = tpu.vector_load %arg10[%get3A_467, %get3A_468, %get3A_469] {strides = array<i32>} : memref<4x80x128xf32, #tpu.memory_space<vmem>>, vector<16xf32>,
        %mul3A_471 = arith.mulf %get3A_470, %get3A_123 : vector<16xf32>
        %get3A_472 = arith.constant 5 : i32
        %get3A_473 = arith.index_cast %rem3A_101 : i32 to index
        %get3A_474 = arith.index_cast %get3A_472 : i32 to index
        %get3A_475 = arith.constant 32 : index
        %get3A_476 = tpu.vector_load %arg10[%get3A_473, %get3A_474, %get3A_475] {strides = array<i32>} : memref<4x80x128xf32, #tpu.memory_space<vmem>>, vector<16xf32>,
        %mul3A_477 = arith.mulf %get3A_476, %get3A_126 : vector<16xf32>
        %get3A_478 = arith.constant 5 : i32
        %get3A_479 = arith.index_cast %rem3A_101 : i32 to index
        %get3A_480 = arith.index_cast %get3A_478 : i32 to index
        %get3A_481 = arith.constant 48 : index
        %get3A_482 = tpu.vector_load %arg10[%get3A_479, %get3A_480, %get3A_481] {strides = array<i32>} : memref<4x80x128xf32, #tpu.memory_space<vmem>>, vector<16xf32>,
        %mul3A_483 = arith.mulf %get3A_482, %get3A_129 : vector<16xf32>
        %get3A_484 = arith.constant 5 : i32
        %get3A_485 = arith.index_cast %rem3A_101 : i32 to index
        %get3A_486 = arith.index_cast %get3A_484 : i32 to index
        %get3A_487 = arith.constant 64 : index
        %get3A_488 = tpu.vector_load %arg10[%get3A_485, %get3A_486, %get3A_487] {strides = array<i32>} : memref<4x80x128xf32, #tpu.memory_space<vmem>>, vector<16xf32>,
        %mul3A_489 = arith.mulf %get3A_488, %get3A_132 : vector<16xf32>
        %get3A_490 = arith.constant 5 : i32
        %get3A_491 = arith.index_cast %rem3A_101 : i32 to index
        %get3A_492 = arith.index_cast %get3A_490 : i32 to index
        %get3A_493 = arith.constant 80 : index
        %get3A_494 = tpu.vector_load %arg10[%get3A_491, %get3A_492, %get3A_493] {strides = array<i32>} : memref<4x80x128xf32, #tpu.memory_space<vmem>>, vector<16xf32>,
        %mul3A_495 = arith.mulf %get3A_494, %get3A_135 : vector<16xf32>
        %get3A_496 = arith.constant 5 : i32
        %get3A_497 = arith.index_cast %rem3A_101 : i32 to index
        %get3A_498 = arith.index_cast %get3A_496 : i32 to index
        %get3A_499 = arith.constant 96 : index
        %get3A_500 = tpu.vector_load %arg10[%get3A_497, %get3A_498, %get3A_499] {strides = array<i32>} : memref<4x80x128xf32, #tpu.memory_space<vmem>>, vector<16xf32>,
        %mul3A_501 = arith.mulf %get3A_500, %get3A_138 : vector<16xf32>
        %get3A_502 = arith.constant 5 : i32
        %get3A_503 = arith.index_cast %rem3A_101 : i32 to index
        %get3A_504 = arith.index_cast %get3A_502 : i32 to index
        %get3A_505 = arith.constant 112 : index
        %get3A_506 = tpu.vector_load %arg10[%get3A_503, %get3A_504, %get3A_505] {strides = array<i32>} : memref<4x80x128xf32, #tpu.memory_space<vmem>>, vector<16xf32>,
        %mul3A_507 = arith.mulf %get3A_506, %get3A_141 : vector<16xf32>
        %add3A_508 = arith.addf %mul3A_465, %mul3A_471 : vector<16xf32>
        %add3A_509 = arith.addf %mul3A_477, %mul3A_483 : vector<16xf32>
        %add3A_510 = arith.addf %mul3A_489, %mul3A_495 : vector<16xf32>
        %add3A_511 = arith.addf %mul3A_501, %mul3A_507 : vector<16xf32>
        %add3A_512 = arith.addf %add3A_508, %add3A_509 : vector<16xf32>
        %add3A_513 = arith.addf %add3A_510, %add3A_511 : vector<16xf32>
        %add3A_514 = arith.addf %add3A_512, %add3A_513 : vector<16xf32>
        %eq3A_515 = arith.constant 5 : i32
        %eq3A_516 = vector.broadcast %eq3A_515 : i32 to vector<16xi32>
        %eq3A_517 = arith.cmpi eq, %iota3A, %eq3A_516 : vector<16xi32>
        %reduce_sum3A_518 = arith.constant true
        %reduce_sum3A_519 = vector.broadcast %reduce_sum3A_518 : i1 to vector<16xi1>
        %reduce_sum3A_520 = tpu.scan <sum>, %add3A_514 masked %reduce_sum3A_519 : vector<16xf32>, vector<16xi1> -> vector<16xf32>
        %reduce_sum3A_521 = vector.extract %reduce_sum3A_520[15] : f32 from vector<16xf32>
        %broadcast_in_dim3A_522 = vector.broadcast %reduce_sum3A_521 : f32 to vector<16xf32>
        %select_n3A_523 = arith.select %eq3A_517, %broadcast_in_dim3A_522, %select_n3A_459 : vector<16xi1>, vector<16xf32>
        %get3A_524 = arith.constant 6 : i32
        %get3A_525 = arith.index_cast %rem3A_101 : i32 to index
        %get3A_526 = arith.index_cast %get3A_524 : i32 to index
        %get3A_527 = arith.constant 0 : index
        %get3A_528 = tpu.vector_load %arg10[%get3A_525, %get3A_526, %get3A_527] {strides = array<i32>} : memref<4x80x128xf32, #tpu.memory_space<vmem>>, vector<16xf32>,
        %mul3A_529 = arith.mulf %get3A_528, %get3A_120 : vector<16xf32>
        %get3A_530 = arith.constant 6 : i32
        %get3A_531 = arith.index_cast %rem3A_101 : i32 to index
        %get3A_532 = arith.index_cast %get3A_530 : i32 to index
        %get3A_533 = arith.constant 16 : index
        %get3A_534 = tpu.vector_load %arg10[%get3A_531, %get3A_532, %get3A_533] {strides = array<i32>} : memref<4x80x128xf32, #tpu.memory_space<vmem>>, vector<16xf32>,
        %mul3A_535 = arith.mulf %get3A_534, %get3A_123 : vector<16xf32>
        %get3A_536 = arith.constant 6 : i32
        %get3A_537 = arith.index_cast %rem3A_101 : i32 to index
        %get3A_538 = arith.index_cast %get3A_536 : i32 to index
        %get3A_539 = arith.constant 32 : index
        %get3A_540 = tpu.vector_load %arg10[%get3A_537, %get3A_538, %get3A_539] {strides = array<i32>} : memref<4x80x128xf32, #tpu.memory_space<vmem>>, vector<16xf32>,
        %mul3A_541 = arith.mulf %get3A_540, %get3A_126 : vector<16xf32>
        %get3A_542 = arith.constant 6 : i32
        %get3A_543 = arith.index_cast %rem3A_101 : i32 to index
        %get3A_544 = arith.index_cast %get3A_542 : i32 to index
        %get3A_545 = arith.constant 48 : index
        %get3A_546 = tpu.vector_load %arg10[%get3A_543, %get3A_544, %get3A_545] {strides = array<i32>} : memref<4x80x128xf32, #tpu.memory_space<vmem>>, vector<16xf32>,
        %mul3A_547 = arith.mulf %get3A_546, %get3A_129 : vector<16xf32>
        %get3A_548 = arith.constant 6 : i32
        %get3A_549 = arith.index_cast %rem3A_101 : i32 to index
        %get3A_550 = arith.index_cast %get3A_548 : i32 to index
        %get3A_551 = arith.constant 64 : index
        %get3A_552 = tpu.vector_load %arg10[%get3A_549, %get3A_550, %get3A_551] {strides = array<i32>} : memref<4x80x128xf32, #tpu.memory_space<vmem>>, vector<16xf32>,
        %mul3A_553 = arith.mulf %get3A_552, %get3A_132 : vector<16xf32>
        %get3A_554 = arith.constant 6 : i32
        %get3A_555 = arith.index_cast %rem3A_101 : i32 to index
        %get3A_556 = arith.index_cast %get3A_554 : i32 to index
        %get3A_557 = arith.constant 80 : index
        %get3A_558 = tpu.vector_load %arg10[%get3A_555, %get3A_556, %get3A_557] {strides = array<i32>} : memref<4x80x128xf32, #tpu.memory_space<vmem>>, vector<16xf32>,
        %mul3A_559 = arith.mulf %get3A_558, %get3A_135 : vector<16xf32>
        %get3A_560 = arith.constant 6 : i32
        %get3A_561 = arith.index_cast %rem3A_101 : i32 to index
        %get3A_562 = arith.index_cast %get3A_560 : i32 to index
        %get3A_563 = arith.constant 96 : index
        %get3A_564 = tpu.vector_load %arg10[%get3A_561, %get3A_562, %get3A_563] {strides = array<i32>} : memref<4x80x128xf32, #tpu.memory_space<vmem>>, vector<16xf32>,
        %mul3A_565 = arith.mulf %get3A_564, %get3A_138 : vector<16xf32>
        %get3A_566 = arith.constant 6 : i32
        %get3A_567 = arith.index_cast %rem3A_101 : i32 to index
        %get3A_568 = arith.index_cast %get3A_566 : i32 to index
        %get3A_569 = arith.constant 112 : index
        %get3A_570 = tpu.vector_load %arg10[%get3A_567, %get3A_568, %get3A_569] {strides = array<i32>} : memref<4x80x128xf32, #tpu.memory_space<vmem>>, vector<16xf32>,
        %mul3A_571 = arith.mulf %get3A_570, %get3A_141 : vector<16xf32>
        %add3A_572 = arith.addf %mul3A_529, %mul3A_535 : vector<16xf32>
        %add3A_573 = arith.addf %mul3A_541, %mul3A_547 : vector<16xf32>
        %add3A_574 = arith.addf %mul3A_553, %mul3A_559 : vector<16xf32>
        %add3A_575 = arith.addf %mul3A_565, %mul3A_571 : vector<16xf32>
        %add3A_576 = arith.addf %add3A_572, %add3A_573 : vector<16xf32>
        %add3A_577 = arith.addf %add3A_574, %add3A_575 : vector<16xf32>
        %add3A_578 = arith.addf %add3A_576, %add3A_577 : vector<16xf32>
        %eq3A_579 = arith.constant 6 : i32
        %eq3A_580 = vector.broadcast %eq3A_579 : i32 to vector<16xi32>
        %eq3A_581 = arith.cmpi eq, %iota3A, %eq3A_580 : vector<16xi32>
        %reduce_sum3A_582 = arith.constant true
        %reduce_sum3A_583 = vector.broadcast %reduce_sum3A_582 : i1 to vector<16xi1>
        %reduce_sum3A_584 = tpu.scan <sum>, %add3A_578 masked %reduce_sum3A_583 : vector<16xf32>, vector<16xi1> -> vector<16xf32>
        %reduce_sum3A_585 = vector.extract %reduce_sum3A_584[15] : f32 from vector<16xf32>
        %broadcast_in_dim3A_586 = vector.broadcast %reduce_sum3A_585 : f32 to vector<16xf32>
        %select_n3A_587 = arith.select %eq3A_581, %broadcast_in_dim3A_586, %select_n3A_523 : vector<16xi1>, vector<16xf32>
        %get3A_588 = arith.constant 7 : i32
        %get3A_589 = arith.index_cast %rem3A_101 : i32 to index
        %get3A_590 = arith.index_cast %get3A_588 : i32 to index
        %get3A_591 = arith.constant 0 : index
        %get3A_592 = tpu.vector_load %arg10[%get3A_589, %get3A_590, %get3A_591] {strides = array<i32>} : memref<4x80x128xf32, #tpu.memory_space<vmem>>, vector<16xf32>,
        %mul3A_593 = arith.mulf %get3A_592, %get3A_120 : vector<16xf32>
        %get3A_594 = arith.constant 7 : i32
        %get3A_595 = arith.index_cast %rem3A_101 : i32 to index
        %get3A_596 = arith.index_cast %get3A_594 : i32 to index
        %get3A_597 = arith.constant 16 : index
        %get3A_598 = tpu.vector_load %arg10[%get3A_595, %get3A_596, %get3A_597] {strides = array<i32>} : memref<4x80x128xf32, #tpu.memory_space<vmem>>, vector<16xf32>,
        %mul3A_599 = arith.mulf %get3A_598, %get3A_123 : vector<16xf32>
        %get3A_600 = arith.constant 7 : i32
        %get3A_601 = arith.index_cast %rem3A_101 : i32 to index
        %get3A_602 = arith.index_cast %get3A_600 : i32 to index
        %get3A_603 = arith.constant 32 : index
        %get3A_604 = tpu.vector_load %arg10[%get3A_601, %get3A_602, %get3A_603] {strides = array<i32>} : memref<4x80x128xf32, #tpu.memory_space<vmem>>, vector<16xf32>,
        %mul3A_605 = arith.mulf %get3A_604, %get3A_126 : vector<16xf32>
        %get3A_606 = arith.constant 7 : i32
        %get3A_607 = arith.index_cast %rem3A_101 : i32 to index
        %get3A_608 = arith.index_cast %get3A_606 : i32 to index
        %get3A_609 = arith.constant 48 : index
        %get3A_610 = tpu.vector_load %arg10[%get3A_607, %get3A_608, %get3A_609] {strides = array<i32>} : memref<4x80x128xf32, #tpu.memory_space<vmem>>, vector<16xf32>,
        %mul3A_611 = arith.mulf %get3A_610, %get3A_129 : vector<16xf32>
        %get3A_612 = arith.constant 7 : i32
        %get3A_613 = arith.index_cast %rem3A_101 : i32 to index
        %get3A_614 = arith.index_cast %get3A_612 : i32 to index
        %get3A_615 = arith.constant 64 : index
        %get3A_616 = tpu.vector_load %arg10[%get3A_613, %get3A_614, %get3A_615] {strides = array<i32>} : memref<4x80x128xf32, #tpu.memory_space<vmem>>, vector<16xf32>,
        %mul3A_617 = arith.mulf %get3A_616, %get3A_132 : vector<16xf32>
        %get3A_618 = arith.constant 7 : i32
        %get3A_619 = arith.index_cast %rem3A_101 : i32 to index
        %get3A_620 = arith.index_cast %get3A_618 : i32 to index
        %get3A_621 = arith.constant 80 : index
        %get3A_622 = tpu.vector_load %arg10[%get3A_619, %get3A_620, %get3A_621] {strides = array<i32>} : memref<4x80x128xf32, #tpu.memory_space<vmem>>, vector<16xf32>,
        %mul3A_623 = arith.mulf %get3A_622, %get3A_135 : vector<16xf32>
        %get3A_624 = arith.constant 7 : i32
        %get3A_625 = arith.index_cast %rem3A_101 : i32 to index
        %get3A_626 = arith.index_cast %get3A_624 : i32 to index
        %get3A_627 = arith.constant 96 : index
        %get3A_628 = tpu.vector_load %arg10[%get3A_625, %get3A_626, %get3A_627] {strides = array<i32>} : memref<4x80x128xf32, #tpu.memory_space<vmem>>, vector<16xf32>,
        %mul3A_629 = arith.mulf %get3A_628, %get3A_138 : vector<16xf32>
        %get3A_630 = arith.constant 7 : i32
        %get3A_631 = arith.index_cast %rem3A_101 : i32 to index
        %get3A_632 = arith.index_cast %get3A_630 : i32 to index
        %get3A_633 = arith.constant 112 : index
        %get3A_634 = tpu.vector_load %arg10[%get3A_631, %get3A_632, %get3A_633] {strides = array<i32>} : memref<4x80x128xf32, #tpu.memory_space<vmem>>, vector<16xf32>,
        %mul3A_635 = arith.mulf %get3A_634, %get3A_141 : vector<16xf32>
        %add3A_636 = arith.addf %mul3A_593, %mul3A_599 : vector<16xf32>
        %add3A_637 = arith.addf %mul3A_605, %mul3A_611 : vector<16xf32>
        %add3A_638 = arith.addf %mul3A_617, %mul3A_623 : vector<16xf32>
        %add3A_639 = arith.addf %mul3A_629, %mul3A_635 : vector<16xf32>
        %add3A_640 = arith.addf %add3A_636, %add3A_637 : vector<16xf32>
        %add3A_641 = arith.addf %add3A_638, %add3A_639 : vector<16xf32>
        %add3A_642 = arith.addf %add3A_640, %add3A_641 : vector<16xf32>
        %eq3A_643 = arith.constant 7 : i32
        %eq3A_644 = vector.broadcast %eq3A_643 : i32 to vector<16xi32>
        %eq3A_645 = arith.cmpi eq, %iota3A, %eq3A_644 : vector<16xi32>
        %reduce_sum3A_646 = arith.constant true
        %reduce_sum3A_647 = vector.broadcast %reduce_sum3A_646 : i1 to vector<16xi1>
        %reduce_sum3A_648 = tpu.scan <sum>, %add3A_642 masked %reduce_sum3A_647 : vector<16xf32>, vector<16xi1> -> vector<16xf32>
        %reduce_sum3A_649 = vector.extract %reduce_sum3A_648[15] : f32 from vector<16xf32>
        %broadcast_in_dim3A_650 = vector.broadcast %reduce_sum3A_649 : f32 to vector<16xf32>
        %select_n3A_651 = arith.select %eq3A_645, %broadcast_in_dim3A_650, %select_n3A_587 : vector<16xi1>, vector<16xf32>
        %get3A_652 = arith.constant 8 : i32
        %get3A_653 = arith.index_cast %rem3A_101 : i32 to index
        %get3A_654 = arith.index_cast %get3A_652 : i32 to index
        %get3A_655 = arith.constant 0 : index
        %get3A_656 = tpu.vector_load %arg10[%get3A_653, %get3A_654, %get3A_655] {strides = array<i32>} : memref<4x80x128xf32, #tpu.memory_space<vmem>>, vector<16xf32>,
        %mul3A_657 = arith.mulf %get3A_656, %get3A_120 : vector<16xf32>
        %get3A_658 = arith.constant 8 : i32
        %get3A_659 = arith.index_cast %rem3A_101 : i32 to index
        %get3A_660 = arith.index_cast %get3A_658 : i32 to index
        %get3A_661 = arith.constant 16 : index
        %get3A_662 = tpu.vector_load %arg10[%get3A_659, %get3A_660, %get3A_661] {strides = array<i32>} : memref<4x80x128xf32, #tpu.memory_space<vmem>>, vector<16xf32>,
        %mul3A_663 = arith.mulf %get3A_662, %get3A_123 : vector<16xf32>
        %get3A_664 = arith.constant 8 : i32
        %get3A_665 = arith.index_cast %rem3A_101 : i32 to index
        %get3A_666 = arith.index_cast %get3A_664 : i32 to index
        %get3A_667 = arith.constant 32 : index
        %get3A_668 = tpu.vector_load %arg10[%get3A_665, %get3A_666, %get3A_667] {strides = array<i32>} : memref<4x80x128xf32, #tpu.memory_space<vmem>>, vector<16xf32>,
        %mul3A_669 = arith.mulf %get3A_668, %get3A_126 : vector<16xf32>
        %get3A_670 = arith.constant 8 : i32
        %get3A_671 = arith.index_cast %rem3A_101 : i32 to index
        %get3A_672 = arith.index_cast %get3A_670 : i32 to index
        %get3A_673 = arith.constant 48 : index
        %get3A_674 = tpu.vector_load %arg10[%get3A_671, %get3A_672, %get3A_673] {strides = array<i32>} : memref<4x80x128xf32, #tpu.memory_space<vmem>>, vector<16xf32>,
        %mul3A_675 = arith.mulf %get3A_674, %get3A_129 : vector<16xf32>
        %get3A_676 = arith.constant 8 : i32
        %get3A_677 = arith.index_cast %rem3A_101 : i32 to index
        %get3A_678 = arith.index_cast %get3A_676 : i32 to index
        %get3A_679 = arith.constant 64 : index
        %get3A_680 = tpu.vector_load %arg10[%get3A_677, %get3A_678, %get3A_679] {strides = array<i32>} : memref<4x80x128xf32, #tpu.memory_space<vmem>>, vector<16xf32>,
        %mul3A_681 = arith.mulf %get3A_680, %get3A_132 : vector<16xf32>
        %get3A_682 = arith.constant 8 : i32
        %get3A_683 = arith.index_cast %rem3A_101 : i32 to index
        %get3A_684 = arith.index_cast %get3A_682 : i32 to index
        %get3A_685 = arith.constant 80 : index
        %get3A_686 = tpu.vector_load %arg10[%get3A_683, %get3A_684, %get3A_685] {strides = array<i32>} : memref<4x80x128xf32, #tpu.memory_space<vmem>>, vector<16xf32>,
        %mul3A_687 = arith.mulf %get3A_686, %get3A_135 : vector<16xf32>
        %get3A_688 = arith.constant 8 : i32
        %get3A_689 = arith.index_cast %rem3A_101 : i32 to index
        %get3A_690 = arith.index_cast %get3A_688 : i32 to index
        %get3A_691 = arith.constant 96 : index
        %get3A_692 = tpu.vector_load %arg10[%get3A_689, %get3A_690, %get3A_691] {strides = array<i32>} : memref<4x80x128xf32, #tpu.memory_space<vmem>>, vector<16xf32>,
        %mul3A_693 = arith.mulf %get3A_692, %get3A_138 : vector<16xf32>
        %get3A_694 = arith.constant 8 : i32
        %get3A_695 = arith.index_cast %rem3A_101 : i32 to index
        %get3A_696 = arith.index_cast %get3A_694 : i32 to index
        %get3A_697 = arith.constant 112 : index
        %get3A_698 = tpu.vector_load %arg10[%get3A_695, %get3A_696, %get3A_697] {strides = array<i32>} : memref<4x80x128xf32, #tpu.memory_space<vmem>>, vector<16xf32>,
        %mul3A_699 = arith.mulf %get3A_698, %get3A_141 : vector<16xf32>
        %add3A_700 = arith.addf %mul3A_657, %mul3A_663 : vector<16xf32>
        %add3A_701 = arith.addf %mul3A_669, %mul3A_675 : vector<16xf32>
        %add3A_702 = arith.addf %mul3A_681, %mul3A_687 : vector<16xf32>
        %add3A_703 = arith.addf %mul3A_693, %mul3A_699 : vector<16xf32>
        %add3A_704 = arith.addf %add3A_700, %add3A_701 : vector<16xf32>
        %add3A_705 = arith.addf %add3A_702, %add3A_703 : vector<16xf32>
        %add3A_706 = arith.addf %add3A_704, %add3A_705 : vector<16xf32>
        %eq3A_707 = arith.constant 8 : i32
        %eq3A_708 = vector.broadcast %eq3A_707 : i32 to vector<16xi32>
        %eq3A_709 = arith.cmpi eq, %iota3A, %eq3A_708 : vector<16xi32>
        %reduce_sum3A_710 = arith.constant true
        %reduce_sum3A_711 = vector.broadcast %reduce_sum3A_710 : i1 to vector<16xi1>
        %reduce_sum3A_712 = tpu.scan <sum>, %add3A_706 masked %reduce_sum3A_711 : vector<16xf32>, vector<16xi1> -> vector<16xf32>
        %reduce_sum3A_713 = vector.extract %reduce_sum3A_712[15] : f32 from vector<16xf32>
        %broadcast_in_dim3A_714 = vector.broadcast %reduce_sum3A_713 : f32 to vector<16xf32>
        %select_n3A_715 = arith.select %eq3A_709, %broadcast_in_dim3A_714, %select_n3A_651 : vector<16xi1>, vector<16xf32>
        %get3A_716 = arith.constant 9 : i32
        %get3A_717 = arith.index_cast %rem3A_101 : i32 to index
        %get3A_718 = arith.index_cast %get3A_716 : i32 to index
        %get3A_719 = arith.constant 0 : index
        %get3A_720 = tpu.vector_load %arg10[%get3A_717, %get3A_718, %get3A_719] {strides = array<i32>} : memref<4x80x128xf32, #tpu.memory_space<vmem>>, vector<16xf32>,
        %mul3A_721 = arith.mulf %get3A_720, %get3A_120 : vector<16xf32>
        %get3A_722 = arith.constant 9 : i32
        %get3A_723 = arith.index_cast %rem3A_101 : i32 to index
        %get3A_724 = arith.index_cast %get3A_722 : i32 to index
        %get3A_725 = arith.constant 16 : index
        %get3A_726 = tpu.vector_load %arg10[%get3A_723, %get3A_724, %get3A_725] {strides = array<i32>} : memref<4x80x128xf32, #tpu.memory_space<vmem>>, vector<16xf32>,
        %mul3A_727 = arith.mulf %get3A_726, %get3A_123 : vector<16xf32>
        %get3A_728 = arith.constant 9 : i32
        %get3A_729 = arith.index_cast %rem3A_101 : i32 to index
        %get3A_730 = arith.index_cast %get3A_728 : i32 to index
        %get3A_731 = arith.constant 32 : index
        %get3A_732 = tpu.vector_load %arg10[%get3A_729, %get3A_730, %get3A_731] {strides = array<i32>} : memref<4x80x128xf32, #tpu.memory_space<vmem>>, vector<16xf32>,
        %mul3A_733 = arith.mulf %get3A_732, %get3A_126 : vector<16xf32>
        %get3A_734 = arith.constant 9 : i32
        %get3A_735 = arith.index_cast %rem3A_101 : i32 to index
        %get3A_736 = arith.index_cast %get3A_734 : i32 to index
        %get3A_737 = arith.constant 48 : index
        %get3A_738 = tpu.vector_load %arg10[%get3A_735, %get3A_736, %get3A_737] {strides = array<i32>} : memref<4x80x128xf32, #tpu.memory_space<vmem>>, vector<16xf32>,
        %mul3A_739 = arith.mulf %get3A_738, %get3A_129 : vector<16xf32>
        %get3A_740 = arith.constant 9 : i32
        %get3A_741 = arith.index_cast %rem3A_101 : i32 to index
        %get3A_742 = arith.index_cast %get3A_740 : i32 to index
        %get3A_743 = arith.constant 64 : index
        %get3A_744 = tpu.vector_load %arg10[%get3A_741, %get3A_742, %get3A_743] {strides = array<i32>} : memref<4x80x128xf32, #tpu.memory_space<vmem>>, vector<16xf32>,
        %mul3A_745 = arith.mulf %get3A_744, %get3A_132 : vector<16xf32>
        %get3A_746 = arith.constant 9 : i32
        %get3A_747 = arith.index_cast %rem3A_101 : i32 to index
        %get3A_748 = arith.index_cast %get3A_746 : i32 to index
        %get3A_749 = arith.constant 80 : index
        %get3A_750 = tpu.vector_load %arg10[%get3A_747, %get3A_748, %get3A_749] {strides = array<i32>} : memref<4x80x128xf32, #tpu.memory_space<vmem>>, vector<16xf32>,
        %mul3A_751 = arith.mulf %get3A_750, %get3A_135 : vector<16xf32>
        %get3A_752 = arith.constant 9 : i32
        %get3A_753 = arith.index_cast %rem3A_101 : i32 to index
        %get3A_754 = arith.index_cast %get3A_752 : i32 to index
        %get3A_755 = arith.constant 96 : index
        %get3A_756 = tpu.vector_load %arg10[%get3A_753, %get3A_754, %get3A_755] {strides = array<i32>} : memref<4x80x128xf32, #tpu.memory_space<vmem>>, vector<16xf32>,
        %mul3A_757 = arith.mulf %get3A_756, %get3A_138 : vector<16xf32>
        %get3A_758 = arith.constant 9 : i32
        %get3A_759 = arith.index_cast %rem3A_101 : i32 to index
        %get3A_760 = arith.index_cast %get3A_758 : i32 to index
        %get3A_761 = arith.constant 112 : index
        %get3A_762 = tpu.vector_load %arg10[%get3A_759, %get3A_760, %get3A_761] {strides = array<i32>} : memref<4x80x128xf32, #tpu.memory_space<vmem>>, vector<16xf32>,
        %mul3A_763 = arith.mulf %get3A_762, %get3A_141 : vector<16xf32>
        %add3A_764 = arith.addf %mul3A_721, %mul3A_727 : vector<16xf32>
        %add3A_765 = arith.addf %mul3A_733, %mul3A_739 : vector<16xf32>
        %add3A_766 = arith.addf %mul3A_745, %mul3A_751 : vector<16xf32>
        %add3A_767 = arith.addf %mul3A_757, %mul3A_763 : vector<16xf32>
        %add3A_768 = arith.addf %add3A_764, %add3A_765 : vector<16xf32>
        %add3A_769 = arith.addf %add3A_766, %add3A_767 : vector<16xf32>
        %add3A_770 = arith.addf %add3A_768, %add3A_769 : vector<16xf32>
        %eq3A_771 = arith.constant 9 : i32
        %eq3A_772 = vector.broadcast %eq3A_771 : i32 to vector<16xi32>
        %eq3A_773 = arith.cmpi eq, %iota3A, %eq3A_772 : vector<16xi32>
        %reduce_sum3A_774 = arith.constant true
        %reduce_sum3A_775 = vector.broadcast %reduce_sum3A_774 : i1 to vector<16xi1>
        %reduce_sum3A_776 = tpu.scan <sum>, %add3A_770 masked %reduce_sum3A_775 : vector<16xf32>, vector<16xi1> -> vector<16xf32>
        %reduce_sum3A_777 = vector.extract %reduce_sum3A_776[15] : f32 from vector<16xf32>
        %broadcast_in_dim3A_778 = vector.broadcast %reduce_sum3A_777 : f32 to vector<16xf32>
        %select_n3A_779 = arith.select %eq3A_773, %broadcast_in_dim3A_778, %select_n3A_715 : vector<16xi1>, vector<16xf32>
        %get3A_780 = arith.constant 10 : i32
        %get3A_781 = arith.index_cast %rem3A_101 : i32 to index
        %get3A_782 = arith.index_cast %get3A_780 : i32 to index
        %get3A_783 = arith.constant 0 : index
        %get3A_784 = tpu.vector_load %arg10[%get3A_781, %get3A_782, %get3A_783] {strides = array<i32>} : memref<4x80x128xf32, #tpu.memory_space<vmem>>, vector<16xf32>,
        %mul3A_785 = arith.mulf %get3A_784, %get3A_120 : vector<16xf32>
        %get3A_786 = arith.constant 10 : i32
        %get3A_787 = arith.index_cast %rem3A_101 : i32 to index
        %get3A_788 = arith.index_cast %get3A_786 : i32 to index
        %get3A_789 = arith.constant 16 : index
        %get3A_790 = tpu.vector_load %arg10[%get3A_787, %get3A_788, %get3A_789] {strides = array<i32>} : memref<4x80x128xf32, #tpu.memory_space<vmem>>, vector<16xf32>,
        %mul3A_791 = arith.mulf %get3A_790, %get3A_123 : vector<16xf32>
        %get3A_792 = arith.constant 10 : i32
        %get3A_793 = arith.index_cast %rem3A_101 : i32 to index
        %get3A_794 = arith.index_cast %get3A_792 : i32 to index
        %get3A_795 = arith.constant 32 : index
        %get3A_796 = tpu.vector_load %arg10[%get3A_793, %get3A_794, %get3A_795] {strides = array<i32>} : memref<4x80x128xf32, #tpu.memory_space<vmem>>, vector<16xf32>,
        %mul3A_797 = arith.mulf %get3A_796, %get3A_126 : vector<16xf32>
        %get3A_798 = arith.constant 10 : i32
        %get3A_799 = arith.index_cast %rem3A_101 : i32 to index
        %get3A_800 = arith.index_cast %get3A_798 : i32 to index
        %get3A_801 = arith.constant 48 : index
        %get3A_802 = tpu.vector_load %arg10[%get3A_799, %get3A_800, %get3A_801] {strides = array<i32>} : memref<4x80x128xf32, #tpu.memory_space<vmem>>, vector<16xf32>,
        %mul3A_803 = arith.mulf %get3A_802, %get3A_129 : vector<16xf32>
        %get3A_804 = arith.constant 10 : i32
        %get3A_805 = arith.index_cast %rem3A_101 : i32 to index
        %get3A_806 = arith.index_cast %get3A_804 : i32 to index
        %get3A_807 = arith.constant 64 : index
        %get3A_808 = tpu.vector_load %arg10[%get3A_805, %get3A_806, %get3A_807] {strides = array<i32>} : memref<4x80x128xf32, #tpu.memory_space<vmem>>, vector<16xf32>,
        %mul3A_809 = arith.mulf %get3A_808, %get3A_132 : vector<16xf32>
        %get3A_810 = arith.constant 10 : i32
        %get3A_811 = arith.index_cast %rem3A_101 : i32 to index
        %get3A_812 = arith.index_cast %get3A_810 : i32 to index
        %get3A_813 = arith.constant 80 : index
        %get3A_814 = tpu.vector_load %arg10[%get3A_811, %get3A_812, %get3A_813] {strides = array<i32>} : memref<4x80x128xf32, #tpu.memory_space<vmem>>, vector<16xf32>,
        %mul3A_815 = arith.mulf %get3A_814, %get3A_135 : vector<16xf32>
        %get3A_816 = arith.constant 10 : i32
        %get3A_817 = arith.index_cast %rem3A_101 : i32 to index
        %get3A_818 = arith.index_cast %get3A_816 : i32 to index
        %get3A_819 = arith.constant 96 : index
        %get3A_820 = tpu.vector_load %arg10[%get3A_817, %get3A_818, %get3A_819] {strides = array<i32>} : memref<4x80x128xf32, #tpu.memory_space<vmem>>, vector<16xf32>,
        %mul3A_821 = arith.mulf %get3A_820, %get3A_138 : vector<16xf32>
        %get3A_822 = arith.constant 10 : i32
        %get3A_823 = arith.index_cast %rem3A_101 : i32 to index
        %get3A_824 = arith.index_cast %get3A_822 : i32 to index
        %get3A_825 = arith.constant 112 : index
        %get3A_826 = tpu.vector_load %arg10[%get3A_823, %get3A_824, %get3A_825] {strides = array<i32>} : memref<4x80x128xf32, #tpu.memory_space<vmem>>, vector<16xf32>,
        %mul3A_827 = arith.mulf %get3A_826, %get3A_141 : vector<16xf32>
        %add3A_828 = arith.addf %mul3A_785, %mul3A_791 : vector<16xf32>
        %add3A_829 = arith.addf %mul3A_797, %mul3A_803 : vector<16xf32>
        %add3A_830 = arith.addf %mul3A_809, %mul3A_815 : vector<16xf32>
        %add3A_831 = arith.addf %mul3A_821, %mul3A_827 : vector<16xf32>
        %add3A_832 = arith.addf %add3A_828, %add3A_829 : vector<16xf32>
        %add3A_833 = arith.addf %add3A_830, %add3A_831 : vector<16xf32>
        %add3A_834 = arith.addf %add3A_832, %add3A_833 : vector<16xf32>
        %eq3A_835 = arith.constant 10 : i32
        %eq3A_836 = vector.broadcast %eq3A_835 : i32 to vector<16xi32>
        %eq3A_837 = arith.cmpi eq, %iota3A, %eq3A_836 : vector<16xi32>
        %reduce_sum3A_838 = arith.constant true
        %reduce_sum3A_839 = vector.broadcast %reduce_sum3A_838 : i1 to vector<16xi1>
        %reduce_sum3A_840 = tpu.scan <sum>, %add3A_834 masked %reduce_sum3A_839 : vector<16xf32>, vector<16xi1> -> vector<16xf32>
        %reduce_sum3A_841 = vector.extract %reduce_sum3A_840[15] : f32 from vector<16xf32>
        %broadcast_in_dim3A_842 = vector.broadcast %reduce_sum3A_841 : f32 to vector<16xf32>
        %select_n3A_843 = arith.select %eq3A_837, %broadcast_in_dim3A_842, %select_n3A_779 : vector<16xi1>, vector<16xf32>
        %get3A_844 = arith.constant 11 : i32
        %get3A_845 = arith.index_cast %rem3A_101 : i32 to index
        %get3A_846 = arith.index_cast %get3A_844 : i32 to index
        %get3A_847 = arith.constant 0 : index
        %get3A_848 = tpu.vector_load %arg10[%get3A_845, %get3A_846, %get3A_847] {strides = array<i32>} : memref<4x80x128xf32, #tpu.memory_space<vmem>>, vector<16xf32>,
        %mul3A_849 = arith.mulf %get3A_848, %get3A_120 : vector<16xf32>
        %get3A_850 = arith.constant 11 : i32
        %get3A_851 = arith.index_cast %rem3A_101 : i32 to index
        %get3A_852 = arith.index_cast %get3A_850 : i32 to index
        %get3A_853 = arith.constant 16 : index
        %get3A_854 = tpu.vector_load %arg10[%get3A_851, %get3A_852, %get3A_853] {strides = array<i32>} : memref<4x80x128xf32, #tpu.memory_space<vmem>>, vector<16xf32>,
        %mul3A_855 = arith.mulf %get3A_854, %get3A_123 : vector<16xf32>
        %get3A_856 = arith.constant 11 : i32
        %get3A_857 = arith.index_cast %rem3A_101 : i32 to index
        %get3A_858 = arith.index_cast %get3A_856 : i32 to index
        %get3A_859 = arith.constant 32 : index
        %get3A_860 = tpu.vector_load %arg10[%get3A_857, %get3A_858, %get3A_859] {strides = array<i32>} : memref<4x80x128xf32, #tpu.memory_space<vmem>>, vector<16xf32>,
        %mul3A_861 = arith.mulf %get3A_860, %get3A_126 : vector<16xf32>
        %get3A_862 = arith.constant 11 : i32
        %get3A_863 = arith.index_cast %rem3A_101 : i32 to index
        %get3A_864 = arith.index_cast %get3A_862 : i32 to index
        %get3A_865 = arith.constant 48 : index
        %get3A_866 = tpu.vector_load %arg10[%get3A_863, %get3A_864, %get3A_865] {strides = array<i32>} : memref<4x80x128xf32, #tpu.memory_space<vmem>>, vector<16xf32>,
        %mul3A_867 = arith.mulf %get3A_866, %get3A_129 : vector<16xf32>
        %get3A_868 = arith.constant 11 : i32
        %get3A_869 = arith.index_cast %rem3A_101 : i32 to index
        %get3A_870 = arith.index_cast %get3A_868 : i32 to index
        %get3A_871 = arith.constant 64 : index
        %get3A_872 = tpu.vector_load %arg10[%get3A_869, %get3A_870, %get3A_871] {strides = array<i32>} : memref<4x80x128xf32, #tpu.memory_space<vmem>>, vector<16xf32>,
        %mul3A_873 = arith.mulf %get3A_872, %get3A_132 : vector<16xf32>
        %get3A_874 = arith.constant 11 : i32
        %get3A_875 = arith.index_cast %rem3A_101 : i32 to index
        %get3A_876 = arith.index_cast %get3A_874 : i32 to index
        %get3A_877 = arith.constant 80 : index
        %get3A_878 = tpu.vector_load %arg10[%get3A_875, %get3A_876, %get3A_877] {strides = array<i32>} : memref<4x80x128xf32, #tpu.memory_space<vmem>>, vector<16xf32>,
        %mul3A_879 = arith.mulf %get3A_878, %get3A_135 : vector<16xf32>
        %get3A_880 = arith.constant 11 : i32
        %get3A_881 = arith.index_cast %rem3A_101 : i32 to index
        %get3A_882 = arith.index_cast %get3A_880 : i32 to index
        %get3A_883 = arith.constant 96 : index
        %get3A_884 = tpu.vector_load %arg10[%get3A_881, %get3A_882, %get3A_883] {strides = array<i32>} : memref<4x80x128xf32, #tpu.memory_space<vmem>>, vector<16xf32>,
        %mul3A_885 = arith.mulf %get3A_884, %get3A_138 : vector<16xf32>
        %get3A_886 = arith.constant 11 : i32
        %get3A_887 = arith.index_cast %rem3A_101 : i32 to index
        %get3A_888 = arith.index_cast %get3A_886 : i32 to index
        %get3A_889 = arith.constant 112 : index
        %get3A_890 = tpu.vector_load %arg10[%get3A_887, %get3A_888, %get3A_889] {strides = array<i32>} : memref<4x80x128xf32, #tpu.memory_space<vmem>>, vector<16xf32>,
        %mul3A_891 = arith.mulf %get3A_890, %get3A_141 : vector<16xf32>
        %add3A_892 = arith.addf %mul3A_849, %mul3A_855 : vector<16xf32>
        %add3A_893 = arith.addf %mul3A_861, %mul3A_867 : vector<16xf32>
        %add3A_894 = arith.addf %mul3A_873, %mul3A_879 : vector<16xf32>
        %add3A_895 = arith.addf %mul3A_885, %mul3A_891 : vector<16xf32>
        %add3A_896 = arith.addf %add3A_892, %add3A_893 : vector<16xf32>
        %add3A_897 = arith.addf %add3A_894, %add3A_895 : vector<16xf32>
        %add3A_898 = arith.addf %add3A_896, %add3A_897 : vector<16xf32>
        %eq3A_899 = arith.constant 11 : i32
        %eq3A_900 = vector.broadcast %eq3A_899 : i32 to vector<16xi32>
        %eq3A_901 = arith.cmpi eq, %iota3A, %eq3A_900 : vector<16xi32>
        %reduce_sum3A_902 = arith.constant true
        %reduce_sum3A_903 = vector.broadcast %reduce_sum3A_902 : i1 to vector<16xi1>
        %reduce_sum3A_904 = tpu.scan <sum>, %add3A_898 masked %reduce_sum3A_903 : vector<16xf32>, vector<16xi1> -> vector<16xf32>
        %reduce_sum3A_905 = vector.extract %reduce_sum3A_904[15] : f32 from vector<16xf32>
        %broadcast_in_dim3A_906 = vector.broadcast %reduce_sum3A_905 : f32 to vector<16xf32>
        %select_n3A_907 = arith.select %eq3A_901, %broadcast_in_dim3A_906, %select_n3A_843 : vector<16xi1>, vector<16xf32>
        %get3A_908 = arith.constant 12 : i32
        %get3A_909 = arith.index_cast %rem3A_101 : i32 to index
        %get3A_910 = arith.index_cast %get3A_908 : i32 to index
        %get3A_911 = arith.constant 0 : index
        %get3A_912 = tpu.vector_load %arg10[%get3A_909, %get3A_910, %get3A_911] {strides = array<i32>} : memref<4x80x128xf32, #tpu.memory_space<vmem>>, vector<16xf32>,
        %mul3A_913 = arith.mulf %get3A_912, %get3A_120 : vector<16xf32>
        %get3A_914 = arith.constant 12 : i32
        %get3A_915 = arith.index_cast %rem3A_101 : i32 to index
        %get3A_916 = arith.index_cast %get3A_914 : i32 to index
        %get3A_917 = arith.constant 16 : index
        %get3A_918 = tpu.vector_load %arg10[%get3A_915, %get3A_916, %get3A_917] {strides = array<i32>} : memref<4x80x128xf32, #tpu.memory_space<vmem>>, vector<16xf32>,
        %mul3A_919 = arith.mulf %get3A_918, %get3A_123 : vector<16xf32>
        %get3A_920 = arith.constant 12 : i32
        %get3A_921 = arith.index_cast %rem3A_101 : i32 to index
        %get3A_922 = arith.index_cast %get3A_920 : i32 to index
        %get3A_923 = arith.constant 32 : index
        %get3A_924 = tpu.vector_load %arg10[%get3A_921, %get3A_922, %get3A_923] {strides = array<i32>} : memref<4x80x128xf32, #tpu.memory_space<vmem>>, vector<16xf32>,
        %mul3A_925 = arith.mulf %get3A_924, %get3A_126 : vector<16xf32>
        %get3A_926 = arith.constant 12 : i32
        %get3A_927 = arith.index_cast %rem3A_101 : i32 to index
        %get3A_928 = arith.index_cast %get3A_926 : i32 to index
        %get3A_929 = arith.constant 48 : index
        %get3A_930 = tpu.vector_load %arg10[%get3A_927, %get3A_928, %get3A_929] {strides = array<i32>} : memref<4x80x128xf32, #tpu.memory_space<vmem>>, vector<16xf32>,
        %mul3A_931 = arith.mulf %get3A_930, %get3A_129 : vector<16xf32>
        %get3A_932 = arith.constant 12 : i32
        %get3A_933 = arith.index_cast %rem3A_101 : i32 to index
        %get3A_934 = arith.index_cast %get3A_932 : i32 to index
        %get3A_935 = arith.constant 64 : index
        %get3A_936 = tpu.vector_load %arg10[%get3A_933, %get3A_934, %get3A_935] {strides = array<i32>} : memref<4x80x128xf32, #tpu.memory_space<vmem>>, vector<16xf32>,
        %mul3A_937 = arith.mulf %get3A_936, %get3A_132 : vector<16xf32>
        %get3A_938 = arith.constant 12 : i32
        %get3A_939 = arith.index_cast %rem3A_101 : i32 to index
        %get3A_940 = arith.index_cast %get3A_938 : i32 to index
        %get3A_941 = arith.constant 80 : index
        %get3A_942 = tpu.vector_load %arg10[%get3A_939, %get3A_940, %get3A_941] {strides = array<i32>} : memref<4x80x128xf32, #tpu.memory_space<vmem>>, vector<16xf32>,
        %mul3A_943 = arith.mulf %get3A_942, %get3A_135 : vector<16xf32>
        %get3A_944 = arith.constant 12 : i32
        %get3A_945 = arith.index_cast %rem3A_101 : i32 to index
        %get3A_946 = arith.index_cast %get3A_944 : i32 to index
        %get3A_947 = arith.constant 96 : index
        %get3A_948 = tpu.vector_load %arg10[%get3A_945, %get3A_946, %get3A_947] {strides = array<i32>} : memref<4x80x128xf32, #tpu.memory_space<vmem>>, vector<16xf32>,
        %mul3A_949 = arith.mulf %get3A_948, %get3A_138 : vector<16xf32>
        %get3A_950 = arith.constant 12 : i32
        %get3A_951 = arith.index_cast %rem3A_101 : i32 to index
        %get3A_952 = arith.index_cast %get3A_950 : i32 to index
        %get3A_953 = arith.constant 112 : index
        %get3A_954 = tpu.vector_load %arg10[%get3A_951, %get3A_952, %get3A_953] {strides = array<i32>} : memref<4x80x128xf32, #tpu.memory_space<vmem>>, vector<16xf32>,
        %mul3A_955 = arith.mulf %get3A_954, %get3A_141 : vector<16xf32>
        %add3A_956 = arith.addf %mul3A_913, %mul3A_919 : vector<16xf32>
        %add3A_957 = arith.addf %mul3A_925, %mul3A_931 : vector<16xf32>
        %add3A_958 = arith.addf %mul3A_937, %mul3A_943 : vector<16xf32>
        %add3A_959 = arith.addf %mul3A_949, %mul3A_955 : vector<16xf32>
        %add3A_960 = arith.addf %add3A_956, %add3A_957 : vector<16xf32>
        %add3A_961 = arith.addf %add3A_958, %add3A_959 : vector<16xf32>
        %add3A_962 = arith.addf %add3A_960, %add3A_961 : vector<16xf32>
        %eq3A_963 = arith.constant 12 : i32
        %eq3A_964 = vector.broadcast %eq3A_963 : i32 to vector<16xi32>
        %eq3A_965 = arith.cmpi eq, %iota3A, %eq3A_964 : vector<16xi32>
        %reduce_sum3A_966 = arith.constant true
        %reduce_sum3A_967 = vector.broadcast %reduce_sum3A_966 : i1 to vector<16xi1>
        %reduce_sum3A_968 = tpu.scan <sum>, %add3A_962 masked %reduce_sum3A_967 : vector<16xf32>, vector<16xi1> -> vector<16xf32>
        %reduce_sum3A_969 = vector.extract %reduce_sum3A_968[15] : f32 from vector<16xf32>
        %broadcast_in_dim3A_970 = vector.broadcast %reduce_sum3A_969 : f32 to vector<16xf32>
        %select_n3A_971 = arith.select %eq3A_965, %broadcast_in_dim3A_970, %select_n3A_907 : vector<16xi1>, vector<16xf32>
        %get3A_972 = arith.constant 13 : i32
        %get3A_973 = arith.index_cast %rem3A_101 : i32 to index
        %get3A_974 = arith.index_cast %get3A_972 : i32 to index
        %get3A_975 = arith.constant 0 : index
        %get3A_976 = tpu.vector_load %arg10[%get3A_973, %get3A_974, %get3A_975] {strides = array<i32>} : memref<4x80x128xf32, #tpu.memory_space<vmem>>, vector<16xf32>,
        %mul3A_977 = arith.mulf %get3A_976, %get3A_120 : vector<16xf32>
        %get3A_978 = arith.constant 13 : i32
        %get3A_979 = arith.index_cast %rem3A_101 : i32 to index
        %get3A_980 = arith.index_cast %get3A_978 : i32 to index
        %get3A_981 = arith.constant 16 : index
        %get3A_982 = tpu.vector_load %arg10[%get3A_979, %get3A_980, %get3A_981] {strides = array<i32>} : memref<4x80x128xf32, #tpu.memory_space<vmem>>, vector<16xf32>,
        %mul3A_983 = arith.mulf %get3A_982, %get3A_123 : vector<16xf32>
        %get3A_984 = arith.constant 13 : i32
        %get3A_985 = arith.index_cast %rem3A_101 : i32 to index
        %get3A_986 = arith.index_cast %get3A_984 : i32 to index
        %get3A_987 = arith.constant 32 : index
        %get3A_988 = tpu.vector_load %arg10[%get3A_985, %get3A_986, %get3A_987] {strides = array<i32>} : memref<4x80x128xf32, #tpu.memory_space<vmem>>, vector<16xf32>,
        %mul3A_989 = arith.mulf %get3A_988, %get3A_126 : vector<16xf32>
        %get3A_990 = arith.constant 13 : i32
        %get3A_991 = arith.index_cast %rem3A_101 : i32 to index
        %get3A_992 = arith.index_cast %get3A_990 : i32 to index
        %get3A_993 = arith.constant 48 : index
        %get3A_994 = tpu.vector_load %arg10[%get3A_991, %get3A_992, %get3A_993] {strides = array<i32>} : memref<4x80x128xf32, #tpu.memory_space<vmem>>, vector<16xf32>,
        %mul3A_995 = arith.mulf %get3A_994, %get3A_129 : vector<16xf32>
        %get3A_996 = arith.constant 13 : i32
        %get3A_997 = arith.index_cast %rem3A_101 : i32 to index
        %get3A_998 = arith.index_cast %get3A_996 : i32 to index
        %get3A_999 = arith.constant 64 : index
        %get3A_1000 = tpu.vector_load %arg10[%get3A_997, %get3A_998, %get3A_999] {strides = array<i32>} : memref<4x80x128xf32, #tpu.memory_space<vmem>>, vector<16xf32>,
        %mul3A_1001 = arith.mulf %get3A_1000, %get3A_132 : vector<16xf32>
        %get3A_1002 = arith.constant 13 : i32
        %get3A_1003 = arith.index_cast %rem3A_101 : i32 to index
        %get3A_1004 = arith.index_cast %get3A_1002 : i32 to index
        %get3A_1005 = arith.constant 80 : index
        %get3A_1006 = tpu.vector_load %arg10[%get3A_1003, %get3A_1004, %get3A_1005] {strides = array<i32>} : memref<4x80x128xf32, #tpu.memory_space<vmem>>, vector<16xf32>,
        %mul3A_1007 = arith.mulf %get3A_1006, %get3A_135 : vector<16xf32>
        %get3A_1008 = arith.constant 13 : i32
        %get3A_1009 = arith.index_cast %rem3A_101 : i32 to index
        %get3A_1010 = arith.index_cast %get3A_1008 : i32 to index
        %get3A_1011 = arith.constant 96 : index
        %get3A_1012 = tpu.vector_load %arg10[%get3A_1009, %get3A_1010, %get3A_1011] {strides = array<i32>} : memref<4x80x128xf32, #tpu.memory_space<vmem>>, vector<16xf32>,
        %mul3A_1013 = arith.mulf %get3A_1012, %get3A_138 : vector<16xf32>
        %get3A_1014 = arith.constant 13 : i32
        %get3A_1015 = arith.index_cast %rem3A_101 : i32 to index
        %get3A_1016 = arith.index_cast %get3A_1014 : i32 to index
        %get3A_1017 = arith.constant 112 : index
        %get3A_1018 = tpu.vector_load %arg10[%get3A_1015, %get3A_1016, %get3A_1017] {strides = array<i32>} : memref<4x80x128xf32, #tpu.memory_space<vmem>>, vector<16xf32>,
        %mul3A_1019 = arith.mulf %get3A_1018, %get3A_141 : vector<16xf32>
        %add3A_1020 = arith.addf %mul3A_977, %mul3A_983 : vector<16xf32>
        %add3A_1021 = arith.addf %mul3A_989, %mul3A_995 : vector<16xf32>
        %add3A_1022 = arith.addf %mul3A_1001, %mul3A_1007 : vector<16xf32>
        %add3A_1023 = arith.addf %mul3A_1013, %mul3A_1019 : vector<16xf32>
        %add3A_1024 = arith.addf %add3A_1020, %add3A_1021 : vector<16xf32>
        %add3A_1025 = arith.addf %add3A_1022, %add3A_1023 : vector<16xf32>
        %add3A_1026 = arith.addf %add3A_1024, %add3A_1025 : vector<16xf32>
        %eq3A_1027 = arith.constant 13 : i32
        %eq3A_1028 = vector.broadcast %eq3A_1027 : i32 to vector<16xi32>
        %eq3A_1029 = arith.cmpi eq, %iota3A, %eq3A_1028 : vector<16xi32>
        %reduce_sum3A_1030 = arith.constant true
        %reduce_sum3A_1031 = vector.broadcast %reduce_sum3A_1030 : i1 to vector<16xi1>
        %reduce_sum3A_1032 = tpu.scan <sum>, %add3A_1026 masked %reduce_sum3A_1031 : vector<16xf32>, vector<16xi1> -> vector<16xf32>
        %reduce_sum3A_1033 = vector.extract %reduce_sum3A_1032[15] : f32 from vector<16xf32>
        %broadcast_in_dim3A_1034 = vector.broadcast %reduce_sum3A_1033 : f32 to vector<16xf32>
        %select_n3A_1035 = arith.select %eq3A_1029, %broadcast_in_dim3A_1034, %select_n3A_971 : vector<16xi1>, vector<16xf32>
        %get3A_1036 = arith.constant 14 : i32
        %get3A_1037 = arith.index_cast %rem3A_101 : i32 to index
        %get3A_1038 = arith.index_cast %get3A_1036 : i32 to index
        %get3A_1039 = arith.constant 0 : index
        %get3A_1040 = tpu.vector_load %arg10[%get3A_1037, %get3A_1038, %get3A_1039] {strides = array<i32>} : memref<4x80x128xf32, #tpu.memory_space<vmem>>, vector<16xf32>,
        %mul3A_1041 = arith.mulf %get3A_1040, %get3A_120 : vector<16xf32>
        %get3A_1042 = arith.constant 14 : i32
        %get3A_1043 = arith.index_cast %rem3A_101 : i32 to index
        %get3A_1044 = arith.index_cast %get3A_1042 : i32 to index
        %get3A_1045 = arith.constant 16 : index
        %get3A_1046 = tpu.vector_load %arg10[%get3A_1043, %get3A_1044, %get3A_1045] {strides = array<i32>} : memref<4x80x128xf32, #tpu.memory_space<vmem>>, vector<16xf32>,
        %mul3A_1047 = arith.mulf %get3A_1046, %get3A_123 : vector<16xf32>
        %get3A_1048 = arith.constant 14 : i32
        %get3A_1049 = arith.index_cast %rem3A_101 : i32 to index
        %get3A_1050 = arith.index_cast %get3A_1048 : i32 to index
        %get3A_1051 = arith.constant 32 : index
        %get3A_1052 = tpu.vector_load %arg10[%get3A_1049, %get3A_1050, %get3A_1051] {strides = array<i32>} : memref<4x80x128xf32, #tpu.memory_space<vmem>>, vector<16xf32>,
        %mul3A_1053 = arith.mulf %get3A_1052, %get3A_126 : vector<16xf32>
        %get3A_1054 = arith.constant 14 : i32
        %get3A_1055 = arith.index_cast %rem3A_101 : i32 to index
        %get3A_1056 = arith.index_cast %get3A_1054 : i32 to index
        %get3A_1057 = arith.constant 48 : index
        %get3A_1058 = tpu.vector_load %arg10[%get3A_1055, %get3A_1056, %get3A_1057] {strides = array<i32>} : memref<4x80x128xf32, #tpu.memory_space<vmem>>, vector<16xf32>,
        %mul3A_1059 = arith.mulf %get3A_1058, %get3A_129 : vector<16xf32>
        %get3A_1060 = arith.constant 14 : i32
        %get3A_1061 = arith.index_cast %rem3A_101 : i32 to index
        %get3A_1062 = arith.index_cast %get3A_1060 : i32 to index
        %get3A_1063 = arith.constant 64 : index
        %get3A_1064 = tpu.vector_load %arg10[%get3A_1061, %get3A_1062, %get3A_1063] {strides = array<i32>} : memref<4x80x128xf32, #tpu.memory_space<vmem>>, vector<16xf32>,
        %mul3A_1065 = arith.mulf %get3A_1064, %get3A_132 : vector<16xf32>
        %get3A_1066 = arith.constant 14 : i32
        %get3A_1067 = arith.index_cast %rem3A_101 : i32 to index
        %get3A_1068 = arith.index_cast %get3A_1066 : i32 to index
        %get3A_1069 = arith.constant 80 : index
        %get3A_1070 = tpu.vector_load %arg10[%get3A_1067, %get3A_1068, %get3A_1069] {strides = array<i32>} : memref<4x80x128xf32, #tpu.memory_space<vmem>>, vector<16xf32>,
        %mul3A_1071 = arith.mulf %get3A_1070, %get3A_135 : vector<16xf32>
        %get3A_1072 = arith.constant 14 : i32
        %get3A_1073 = arith.index_cast %rem3A_101 : i32 to index
        %get3A_1074 = arith.index_cast %get3A_1072 : i32 to index
        %get3A_1075 = arith.constant 96 : index
        %get3A_1076 = tpu.vector_load %arg10[%get3A_1073, %get3A_1074, %get3A_1075] {strides = array<i32>} : memref<4x80x128xf32, #tpu.memory_space<vmem>>, vector<16xf32>,
        %mul3A_1077 = arith.mulf %get3A_1076, %get3A_138 : vector<16xf32>
        %get3A_1078 = arith.constant 14 : i32
        %get3A_1079 = arith.index_cast %rem3A_101 : i32 to index
        %get3A_1080 = arith.index_cast %get3A_1078 : i32 to index
        %get3A_1081 = arith.constant 112 : index
        %get3A_1082 = tpu.vector_load %arg10[%get3A_1079, %get3A_1080, %get3A_1081] {strides = array<i32>} : memref<4x80x128xf32, #tpu.memory_space<vmem>>, vector<16xf32>,
        %mul3A_1083 = arith.mulf %get3A_1082, %get3A_141 : vector<16xf32>
        %add3A_1084 = arith.addf %mul3A_1041, %mul3A_1047 : vector<16xf32>
        %add3A_1085 = arith.addf %mul3A_1053, %mul3A_1059 : vector<16xf32>
        %add3A_1086 = arith.addf %mul3A_1065, %mul3A_1071 : vector<16xf32>
        %add3A_1087 = arith.addf %mul3A_1077, %mul3A_1083 : vector<16xf32>
        %add3A_1088 = arith.addf %add3A_1084, %add3A_1085 : vector<16xf32>
        %add3A_1089 = arith.addf %add3A_1086, %add3A_1087 : vector<16xf32>
        %add3A_1090 = arith.addf %add3A_1088, %add3A_1089 : vector<16xf32>
        %eq3A_1091 = arith.constant 14 : i32
        %eq3A_1092 = vector.broadcast %eq3A_1091 : i32 to vector<16xi32>
        %eq3A_1093 = arith.cmpi eq, %iota3A, %eq3A_1092 : vector<16xi32>
        %reduce_sum3A_1094 = arith.constant true
        %reduce_sum3A_1095 = vector.broadcast %reduce_sum3A_1094 : i1 to vector<16xi1>
        %reduce_sum3A_1096 = tpu.scan <sum>, %add3A_1090 masked %reduce_sum3A_1095 : vector<16xf32>, vector<16xi1> -> vector<16xf32>
        %reduce_sum3A_1097 = vector.extract %reduce_sum3A_1096[15] : f32 from vector<16xf32>
        %broadcast_in_dim3A_1098 = vector.broadcast %reduce_sum3A_1097 : f32 to vector<16xf32>
        %select_n3A_1099 = arith.select %eq3A_1093, %broadcast_in_dim3A_1098, %select_n3A_1035 : vector<16xi1>, vector<16xf32>
        %get3A_1100 = arith.constant 15 : i32
        %get3A_1101 = arith.index_cast %rem3A_101 : i32 to index
        %get3A_1102 = arith.index_cast %get3A_1100 : i32 to index
        %get3A_1103 = arith.constant 0 : index
        %get3A_1104 = tpu.vector_load %arg10[%get3A_1101, %get3A_1102, %get3A_1103] {strides = array<i32>} : memref<4x80x128xf32, #tpu.memory_space<vmem>>, vector<16xf32>,
        %mul3A_1105 = arith.mulf %get3A_1104, %get3A_120 : vector<16xf32>
        %get3A_1106 = arith.constant 15 : i32
        %get3A_1107 = arith.index_cast %rem3A_101 : i32 to index
        %get3A_1108 = arith.index_cast %get3A_1106 : i32 to index
        %get3A_1109 = arith.constant 16 : index
        %get3A_1110 = tpu.vector_load %arg10[%get3A_1107, %get3A_1108, %get3A_1109] {strides = array<i32>} : memref<4x80x128xf32, #tpu.memory_space<vmem>>, vector<16xf32>,
        %mul3A_1111 = arith.mulf %get3A_1110, %get3A_123 : vector<16xf32>
        %get3A_1112 = arith.constant 15 : i32
        %get3A_1113 = arith.index_cast %rem3A_101 : i32 to index
        %get3A_1114 = arith.index_cast %get3A_1112 : i32 to index
        %get3A_1115 = arith.constant 32 : index
        %get3A_1116 = tpu.vector_load %arg10[%get3A_1113, %get3A_1114, %get3A_1115] {strides = array<i32>} : memref<4x80x128xf32, #tpu.memory_space<vmem>>, vector<16xf32>,
        %mul3A_1117 = arith.mulf %get3A_1116, %get3A_126 : vector<16xf32>
        %get3A_1118 = arith.constant 15 : i32
        %get3A_1119 = arith.index_cast %rem3A_101 : i32 to index
        %get3A_1120 = arith.index_cast %get3A_1118 : i32 to index
        %get3A_1121 = arith.constant 48 : index
        %get3A_1122 = tpu.vector_load %arg10[%get3A_1119, %get3A_1120, %get3A_1121] {strides = array<i32>} : memref<4x80x128xf32, #tpu.memory_space<vmem>>, vector<16xf32>,
        %mul3A_1123 = arith.mulf %get3A_1122, %get3A_129 : vector<16xf32>
        %get3A_1124 = arith.constant 15 : i32
        %get3A_1125 = arith.index_cast %rem3A_101 : i32 to index
        %get3A_1126 = arith.index_cast %get3A_1124 : i32 to index
        %get3A_1127 = arith.constant 64 : index
        %get3A_1128 = tpu.vector_load %arg10[%get3A_1125, %get3A_1126, %get3A_1127] {strides = array<i32>} : memref<4x80x128xf32, #tpu.memory_space<vmem>>, vector<16xf32>,
        %mul3A_1129 = arith.mulf %get3A_1128, %get3A_132 : vector<16xf32>
        %get3A_1130 = arith.constant 15 : i32
        %get3A_1131 = arith.index_cast %rem3A_101 : i32 to index
        %get3A_1132 = arith.index_cast %get3A_1130 : i32 to index
        %get3A_1133 = arith.constant 80 : index
        %get3A_1134 = tpu.vector_load %arg10[%get3A_1131, %get3A_1132, %get3A_1133] {strides = array<i32>} : memref<4x80x128xf32, #tpu.memory_space<vmem>>, vector<16xf32>,
        %mul3A_1135 = arith.mulf %get3A_1134, %get3A_135 : vector<16xf32>
        %get3A_1136 = arith.constant 15 : i32
        %get3A_1137 = arith.index_cast %rem3A_101 : i32 to index
        %get3A_1138 = arith.index_cast %get3A_1136 : i32 to index
        %get3A_1139 = arith.constant 96 : index
        %get3A_1140 = tpu.vector_load %arg10[%get3A_1137, %get3A_1138, %get3A_1139] {strides = array<i32>} : memref<4x80x128xf32, #tpu.memory_space<vmem>>, vector<16xf32>,
        %mul3A_1141 = arith.mulf %get3A_1140, %get3A_138 : vector<16xf32>
        %get3A_1142 = arith.constant 15 : i32
        %get3A_1143 = arith.index_cast %rem3A_101 : i32 to index
        %get3A_1144 = arith.index_cast %get3A_1142 : i32 to index
        %get3A_1145 = arith.constant 112 : index
        %get3A_1146 = tpu.vector_load %arg10[%get3A_1143, %get3A_1144, %get3A_1145] {strides = array<i32>} : memref<4x80x128xf32, #tpu.memory_space<vmem>>, vector<16xf32>,
        %mul3A_1147 = arith.mulf %get3A_1146, %get3A_141 : vector<16xf32>
        %add3A_1148 = arith.addf %mul3A_1105, %mul3A_1111 : vector<16xf32>
        %add3A_1149 = arith.addf %mul3A_1117, %mul3A_1123 : vector<16xf32>
        %add3A_1150 = arith.addf %mul3A_1129, %mul3A_1135 : vector<16xf32>
        %add3A_1151 = arith.addf %mul3A_1141, %mul3A_1147 : vector<16xf32>
        %add3A_1152 = arith.addf %add3A_1148, %add3A_1149 : vector<16xf32>
        %add3A_1153 = arith.addf %add3A_1150, %add3A_1151 : vector<16xf32>
        %add3A_1154 = arith.addf %add3A_1152, %add3A_1153 : vector<16xf32>
        %eq3A_1155 = arith.constant 15 : i32
        %eq3A_1156 = vector.broadcast %eq3A_1155 : i32 to vector<16xi32>
        %eq3A_1157 = arith.cmpi eq, %iota3A, %eq3A_1156 : vector<16xi32>
        %reduce_sum3A_1158 = arith.constant true
        %reduce_sum3A_1159 = vector.broadcast %reduce_sum3A_1158 : i1 to vector<16xi1>
        %reduce_sum3A_1160 = tpu.scan <sum>, %add3A_1154 masked %reduce_sum3A_1159 : vector<16xf32>, vector<16xi1> -> vector<16xf32>
        %reduce_sum3A_1161 = vector.extract %reduce_sum3A_1160[15] : f32 from vector<16xf32>
        %broadcast_in_dim3A_1162 = vector.broadcast %reduce_sum3A_1161 : f32 to vector<16xf32>
        %select_n3A_1163 = arith.select %eq3A_1157, %broadcast_in_dim3A_1162, %select_n3A_1099 : vector<16xi1>, vector<16xf32>
        %neg3A = arith.constant 0.000000e+00 : f32
        %neg3A_1164 = vector.broadcast %neg3A : f32 to vector<16xf32>
        %neg3A_1165 = arith.subf %neg3A_1164, %select_n3A_1163 : vector<16xf32>
        %exp3A = math.exp %neg3A_1165 : vector<16xf32>
        %add3A_1166 = arith.constant 1.000000e+00 : f32
        %add3A_1167 = vector.broadcast %add3A_1166 : f32 to vector<16xf32>
        %add3A_1168 = arith.addf %add3A_1167, %exp3A : vector<16xf32>
        %div3A = arith.constant 1.000000e+00 : f32
        %div3A_1169 = vector.broadcast %div3A : f32 to vector<16xf32>
        %div3A_1170 = arith.divf %div3A_1169, %add3A_1168 : vector<16xf32>
        %mul3A_1171 = arith.constant 70 : i32
        %mul3A_1172 = arith.muli %scan3A_99, %mul3A_1171 : i32
        %add3A_1173 = arith.constant 0 : i32
        %add3A_1174 = arith.addi %mul3A_1172, %add3A_1173 : i32
        %swap3A = arith.index_cast %add3A_1174 : i32 to index
        %swap3A_1175 = tpu.vector_load %arg11[%swap3A] {strides = array<i32>} : memref<17936xf32, #tpu.memory_space<vmem>>, vector<16xf32>,
        tpu.vector_store %arg11[%swap3A], %div3A_1170 {strides = array<i32>} : memref<17936xf32, #tpu.memory_space<vmem>>, vector<16xf32>,
        %broadcast_in_dim3A_1176 = arith.constant 0.000000e+00 : f32
        %broadcast_in_dim3A_1177 = vector.broadcast %broadcast_in_dim3A_1176 : f32 to vector<16xf32>
        %get3A_1178 = arith.constant 16 : i32
        %get3A_1179 = arith.index_cast %rem3A_101 : i32 to index
        %get3A_1180 = arith.index_cast %get3A_1178 : i32 to index
        %get3A_1181 = arith.constant 0 : index
        %get3A_1182 = tpu.vector_load %arg10[%get3A_1179, %get3A_1180, %get3A_1181] {strides = array<i32>} : memref<4x80x128xf32, #tpu.memory_space<vmem>>, vector<16xf32>,
        %mul3A_1183 = arith.mulf %get3A_1182, %get3A_120 : vector<16xf32>
        %get3A_1184 = arith.constant 16 : i32
        %get3A_1185 = arith.index_cast %rem3A_101 : i32 to index
        %get3A_1186 = arith.index_cast %get3A_1184 : i32 to index
        %get3A_1187 = arith.constant 16 : index
        %get3A_1188 = tpu.vector_load %arg10[%get3A_1185, %get3A_1186, %get3A_1187] {strides = array<i32>} : memref<4x80x128xf32, #tpu.memory_space<vmem>>, vector<16xf32>,
        %mul3A_1189 = arith.mulf %get3A_1188, %get3A_123 : vector<16xf32>
        %get3A_1190 = arith.constant 16 : i32
        %get3A_1191 = arith.index_cast %rem3A_101 : i32 to index
        %get3A_1192 = arith.index_cast %get3A_1190 : i32 to index
        %get3A_1193 = arith.constant 32 : index
        %get3A_1194 = tpu.vector_load %arg10[%get3A_1191, %get3A_1192, %get3A_1193] {strides = array<i32>} : memref<4x80x128xf32, #tpu.memory_space<vmem>>, vector<16xf32>,
        %mul3A_1195 = arith.mulf %get3A_1194, %get3A_126 : vector<16xf32>
        %get3A_1196 = arith.constant 16 : i32
        %get3A_1197 = arith.index_cast %rem3A_101 : i32 to index
        %get3A_1198 = arith.index_cast %get3A_1196 : i32 to index
        %get3A_1199 = arith.constant 48 : index
        %get3A_1200 = tpu.vector_load %arg10[%get3A_1197, %get3A_1198, %get3A_1199] {strides = array<i32>} : memref<4x80x128xf32, #tpu.memory_space<vmem>>, vector<16xf32>,
        %mul3A_1201 = arith.mulf %get3A_1200, %get3A_129 : vector<16xf32>
        %get3A_1202 = arith.constant 16 : i32
        %get3A_1203 = arith.index_cast %rem3A_101 : i32 to index
        %get3A_1204 = arith.index_cast %get3A_1202 : i32 to index
        %get3A_1205 = arith.constant 64 : index
        %get3A_1206 = tpu.vector_load %arg10[%get3A_1203, %get3A_1204, %get3A_1205] {strides = array<i32>} : memref<4x80x128xf32, #tpu.memory_space<vmem>>, vector<16xf32>,
        %mul3A_1207 = arith.mulf %get3A_1206, %get3A_132 : vector<16xf32>
        %get3A_1208 = arith.constant 16 : i32
        %get3A_1209 = arith.index_cast %rem3A_101 : i32 to index
        %get3A_1210 = arith.index_cast %get3A_1208 : i32 to index
        %get3A_1211 = arith.constant 80 : index
        %get3A_1212 = tpu.vector_load %arg10[%get3A_1209, %get3A_1210, %get3A_1211] {strides = array<i32>} : memref<4x80x128xf32, #tpu.memory_space<vmem>>, vector<16xf32>,
        %mul3A_1213 = arith.mulf %get3A_1212, %get3A_135 : vector<16xf32>
        %get3A_1214 = arith.constant 16 : i32
        %get3A_1215 = arith.index_cast %rem3A_101 : i32 to index
        %get3A_1216 = arith.index_cast %get3A_1214 : i32 to index
        %get3A_1217 = arith.constant 96 : index
        %get3A_1218 = tpu.vector_load %arg10[%get3A_1215, %get3A_1216, %get3A_1217] {strides = array<i32>} : memref<4x80x128xf32, #tpu.memory_space<vmem>>, vector<16xf32>,
        %mul3A_1219 = arith.mulf %get3A_1218, %get3A_138 : vector<16xf32>
        %get3A_1220 = arith.constant 16 : i32
        %get3A_1221 = arith.index_cast %rem3A_101 : i32 to index
        %get3A_1222 = arith.index_cast %get3A_1220 : i32 to index
        %get3A_1223 = arith.constant 112 : index
        %get3A_1224 = tpu.vector_load %arg10[%get3A_1221, %get3A_1222, %get3A_1223] {strides = array<i32>} : memref<4x80x128xf32, #tpu.memory_space<vmem>>, vector<16xf32>,
        %mul3A_1225 = arith.mulf %get3A_1224, %get3A_141 : vector<16xf32>
        %add3A_1226 = arith.addf %mul3A_1183, %mul3A_1189 : vector<16xf32>
        %add3A_1227 = arith.addf %mul3A_1195, %mul3A_1201 : vector<16xf32>
        %add3A_1228 = arith.addf %mul3A_1207, %mul3A_1213 : vector<16xf32>
        %add3A_1229 = arith.addf %mul3A_1219, %mul3A_1225 : vector<16xf32>
        %add3A_1230 = arith.addf %add3A_1226, %add3A_1227 : vector<16xf32>
        %add3A_1231 = arith.addf %add3A_1228, %add3A_1229 : vector<16xf32>
        %add3A_1232 = arith.addf %add3A_1230, %add3A_1231 : vector<16xf32>
        %eq3A_1233 = arith.constant 0 : i32
        %eq3A_1234 = vector.broadcast %eq3A_1233 : i32 to vector<16xi32>
        %eq3A_1235 = arith.cmpi eq, %iota3A, %eq3A_1234 : vector<16xi32>
        %reduce_sum3A_1236 = arith.constant true
        %reduce_sum3A_1237 = vector.broadcast %reduce_sum3A_1236 : i1 to vector<16xi1>
        %reduce_sum3A_1238 = tpu.scan <sum>, %add3A_1232 masked %reduce_sum3A_1237 : vector<16xf32>, vector<16xi1> -> vector<16xf32>
        %reduce_sum3A_1239 = vector.extract %reduce_sum3A_1238[15] : f32 from vector<16xf32>
        %broadcast_in_dim3A_1240 = vector.broadcast %reduce_sum3A_1239 : f32 to vector<16xf32>
        %select_n3A_1241 = arith.select %eq3A_1235, %broadcast_in_dim3A_1240, %broadcast_in_dim3A_1177 : vector<16xi1>, vector<16xf32>
        %get3A_1242 = arith.constant 17 : i32
        %get3A_1243 = arith.index_cast %rem3A_101 : i32 to index
        %get3A_1244 = arith.index_cast %get3A_1242 : i32 to index
        %get3A_1245 = arith.constant 0 : index
        %get3A_1246 = tpu.vector_load %arg10[%get3A_1243, %get3A_1244, %get3A_1245] {strides = array<i32>} : memref<4x80x128xf32, #tpu.memory_space<vmem>>, vector<16xf32>,
        %mul3A_1247 = arith.mulf %get3A_1246, %get3A_120 : vector<16xf32>
        %get3A_1248 = arith.constant 17 : i32
        %get3A_1249 = arith.index_cast %rem3A_101 : i32 to index
        %get3A_1250 = arith.index_cast %get3A_1248 : i32 to index
        %get3A_1251 = arith.constant 16 : index
        %get3A_1252 = tpu.vector_load %arg10[%get3A_1249, %get3A_1250, %get3A_1251] {strides = array<i32>} : memref<4x80x128xf32, #tpu.memory_space<vmem>>, vector<16xf32>,
        %mul3A_1253 = arith.mulf %get3A_1252, %get3A_123 : vector<16xf32>
        %get3A_1254 = arith.constant 17 : i32
        %get3A_1255 = arith.index_cast %rem3A_101 : i32 to index
        %get3A_1256 = arith.index_cast %get3A_1254 : i32 to index
        %get3A_1257 = arith.constant 32 : index
        %get3A_1258 = tpu.vector_load %arg10[%get3A_1255, %get3A_1256, %get3A_1257] {strides = array<i32>} : memref<4x80x128xf32, #tpu.memory_space<vmem>>, vector<16xf32>,
        %mul3A_1259 = arith.mulf %get3A_1258, %get3A_126 : vector<16xf32>
        %get3A_1260 = arith.constant 17 : i32
        %get3A_1261 = arith.index_cast %rem3A_101 : i32 to index
        %get3A_1262 = arith.index_cast %get3A_1260 : i32 to index
        %get3A_1263 = arith.constant 48 : index
        %get3A_1264 = tpu.vector_load %arg10[%get3A_1261, %get3A_1262, %get3A_1263] {strides = array<i32>} : memref<4x80x128xf32, #tpu.memory_space<vmem>>, vector<16xf32>,
        %mul3A_1265 = arith.mulf %get3A_1264, %get3A_129 : vector<16xf32>
        %get3A_1266 = arith.constant 17 : i32
        %get3A_1267 = arith.index_cast %rem3A_101 : i32 to index
        %get3A_1268 = arith.index_cast %get3A_1266 : i32 to index
        %get3A_1269 = arith.constant 64 : index
        %get3A_1270 = tpu.vector_load %arg10[%get3A_1267, %get3A_1268, %get3A_1269] {strides = array<i32>} : memref<4x80x128xf32, #tpu.memory_space<vmem>>, vector<16xf32>,
        %mul3A_1271 = arith.mulf %get3A_1270, %get3A_132 : vector<16xf32>
        %get3A_1272 = arith.constant 17 : i32
        %get3A_1273 = arith.index_cast %rem3A_101 : i32 to index
        %get3A_1274 = arith.index_cast %get3A_1272 : i32 to index
        %get3A_1275 = arith.constant 80 : index
        %get3A_1276 = tpu.vector_load %arg10[%get3A_1273, %get3A_1274, %get3A_1275] {strides = array<i32>} : memref<4x80x128xf32, #tpu.memory_space<vmem>>, vector<16xf32>,
        %mul3A_1277 = arith.mulf %get3A_1276, %get3A_135 : vector<16xf32>
        %get3A_1278 = arith.constant 17 : i32
        %get3A_1279 = arith.index_cast %rem3A_101 : i32 to index
        %get3A_1280 = arith.index_cast %get3A_1278 : i32 to index
        %get3A_1281 = arith.constant 96 : index
        %get3A_1282 = tpu.vector_load %arg10[%get3A_1279, %get3A_1280, %get3A_1281] {strides = array<i32>} : memref<4x80x128xf32, #tpu.memory_space<vmem>>, vector<16xf32>,
        %mul3A_1283 = arith.mulf %get3A_1282, %get3A_138 : vector<16xf32>
        %get3A_1284 = arith.constant 17 : i32
        %get3A_1285 = arith.index_cast %rem3A_101 : i32 to index
        %get3A_1286 = arith.index_cast %get3A_1284 : i32 to index
        %get3A_1287 = arith.constant 112 : index
        %get3A_1288 = tpu.vector_load %arg10[%get3A_1285, %get3A_1286, %get3A_1287] {strides = array<i32>} : memref<4x80x128xf32, #tpu.memory_space<vmem>>, vector<16xf32>,
        %mul3A_1289 = arith.mulf %get3A_1288, %get3A_141 : vector<16xf32>
        %add3A_1290 = arith.addf %mul3A_1247, %mul3A_1253 : vector<16xf32>
        %add3A_1291 = arith.addf %mul3A_1259, %mul3A_1265 : vector<16xf32>
        %add3A_1292 = arith.addf %mul3A_1271, %mul3A_1277 : vector<16xf32>
        %add3A_1293 = arith.addf %mul3A_1283, %mul3A_1289 : vector<16xf32>
        %add3A_1294 = arith.addf %add3A_1290, %add3A_1291 : vector<16xf32>
        %add3A_1295 = arith.addf %add3A_1292, %add3A_1293 : vector<16xf32>
        %add3A_1296 = arith.addf %add3A_1294, %add3A_1295 : vector<16xf32>
        %eq3A_1297 = arith.constant 1 : i32
        %eq3A_1298 = vector.broadcast %eq3A_1297 : i32 to vector<16xi32>
        %eq3A_1299 = arith.cmpi eq, %iota3A, %eq3A_1298 : vector<16xi32>
        %reduce_sum3A_1300 = arith.constant true
        %reduce_sum3A_1301 = vector.broadcast %reduce_sum3A_1300 : i1 to vector<16xi1>
        %reduce_sum3A_1302 = tpu.scan <sum>, %add3A_1296 masked %reduce_sum3A_1301 : vector<16xf32>, vector<16xi1> -> vector<16xf32>
        %reduce_sum3A_1303 = vector.extract %reduce_sum3A_1302[15] : f32 from vector<16xf32>
        %broadcast_in_dim3A_1304 = vector.broadcast %reduce_sum3A_1303 : f32 to vector<16xf32>
        %select_n3A_1305 = arith.select %eq3A_1299, %broadcast_in_dim3A_1304, %select_n3A_1241 : vector<16xi1>, vector<16xf32>
        %get3A_1306 = arith.constant 18 : i32
        %get3A_1307 = arith.index_cast %rem3A_101 : i32 to index
        %get3A_1308 = arith.index_cast %get3A_1306 : i32 to index
        %get3A_1309 = arith.constant 0 : index
        %get3A_1310 = tpu.vector_load %arg10[%get3A_1307, %get3A_1308, %get3A_1309] {strides = array<i32>} : memref<4x80x128xf32, #tpu.memory_space<vmem>>, vector<16xf32>,
        %mul3A_1311 = arith.mulf %get3A_1310, %get3A_120 : vector<16xf32>
        %get3A_1312 = arith.constant 18 : i32
        %get3A_1313 = arith.index_cast %rem3A_101 : i32 to index
        %get3A_1314 = arith.index_cast %get3A_1312 : i32 to index
        %get3A_1315 = arith.constant 16 : index
        %get3A_1316 = tpu.vector_load %arg10[%get3A_1313, %get3A_1314, %get3A_1315] {strides = array<i32>} : memref<4x80x128xf32, #tpu.memory_space<vmem>>, vector<16xf32>,
        %mul3A_1317 = arith.mulf %get3A_1316, %get3A_123 : vector<16xf32>
        %get3A_1318 = arith.constant 18 : i32
        %get3A_1319 = arith.index_cast %rem3A_101 : i32 to index
        %get3A_1320 = arith.index_cast %get3A_1318 : i32 to index
        %get3A_1321 = arith.constant 32 : index
        %get3A_1322 = tpu.vector_load %arg10[%get3A_1319, %get3A_1320, %get3A_1321] {strides = array<i32>} : memref<4x80x128xf32, #tpu.memory_space<vmem>>, vector<16xf32>,
        %mul3A_1323 = arith.mulf %get3A_1322, %get3A_126 : vector<16xf32>
        %get3A_1324 = arith.constant 18 : i32
        %get3A_1325 = arith.index_cast %rem3A_101 : i32 to index
        %get3A_1326 = arith.index_cast %get3A_1324 : i32 to index
        %get3A_1327 = arith.constant 48 : index
        %get3A_1328 = tpu.vector_load %arg10[%get3A_1325, %get3A_1326, %get3A_1327] {strides = array<i32>} : memref<4x80x128xf32, #tpu.memory_space<vmem>>, vector<16xf32>,
        %mul3A_1329 = arith.mulf %get3A_1328, %get3A_129 : vector<16xf32>
        %get3A_1330 = arith.constant 18 : i32
        %get3A_1331 = arith.index_cast %rem3A_101 : i32 to index
        %get3A_1332 = arith.index_cast %get3A_1330 : i32 to index
        %get3A_1333 = arith.constant 64 : index
        %get3A_1334 = tpu.vector_load %arg10[%get3A_1331, %get3A_1332, %get3A_1333] {strides = array<i32>} : memref<4x80x128xf32, #tpu.memory_space<vmem>>, vector<16xf32>,
        %mul3A_1335 = arith.mulf %get3A_1334, %get3A_132 : vector<16xf32>
        %get3A_1336 = arith.constant 18 : i32
        %get3A_1337 = arith.index_cast %rem3A_101 : i32 to index
        %get3A_1338 = arith.index_cast %get3A_1336 : i32 to index
        %get3A_1339 = arith.constant 80 : index
        %get3A_1340 = tpu.vector_load %arg10[%get3A_1337, %get3A_1338, %get3A_1339] {strides = array<i32>} : memref<4x80x128xf32, #tpu.memory_space<vmem>>, vector<16xf32>,
        %mul3A_1341 = arith.mulf %get3A_1340, %get3A_135 : vector<16xf32>
        %get3A_1342 = arith.constant 18 : i32
        %get3A_1343 = arith.index_cast %rem3A_101 : i32 to index
        %get3A_1344 = arith.index_cast %get3A_1342 : i32 to index
        %get3A_1345 = arith.constant 96 : index
        %get3A_1346 = tpu.vector_load %arg10[%get3A_1343, %get3A_1344, %get3A_1345] {strides = array<i32>} : memref<4x80x128xf32, #tpu.memory_space<vmem>>, vector<16xf32>,
        %mul3A_1347 = arith.mulf %get3A_1346, %get3A_138 : vector<16xf32>
        %get3A_1348 = arith.constant 18 : i32
        %get3A_1349 = arith.index_cast %rem3A_101 : i32 to index
        %get3A_1350 = arith.index_cast %get3A_1348 : i32 to index
        %get3A_1351 = arith.constant 112 : index
        %get3A_1352 = tpu.vector_load %arg10[%get3A_1349, %get3A_1350, %get3A_1351] {strides = array<i32>} : memref<4x80x128xf32, #tpu.memory_space<vmem>>, vector<16xf32>,
        %mul3A_1353 = arith.mulf %get3A_1352, %get3A_141 : vector<16xf32>
        %add3A_1354 = arith.addf %mul3A_1311, %mul3A_1317 : vector<16xf32>
        %add3A_1355 = arith.addf %mul3A_1323, %mul3A_1329 : vector<16xf32>
        %add3A_1356 = arith.addf %mul3A_1335, %mul3A_1341 : vector<16xf32>
        %add3A_1357 = arith.addf %mul3A_1347, %mul3A_1353 : vector<16xf32>
        %add3A_1358 = arith.addf %add3A_1354, %add3A_1355 : vector<16xf32>
        %add3A_1359 = arith.addf %add3A_1356, %add3A_1357 : vector<16xf32>
        %add3A_1360 = arith.addf %add3A_1358, %add3A_1359 : vector<16xf32>
        %eq3A_1361 = arith.constant 2 : i32
        %eq3A_1362 = vector.broadcast %eq3A_1361 : i32 to vector<16xi32>
        %eq3A_1363 = arith.cmpi eq, %iota3A, %eq3A_1362 : vector<16xi32>
        %reduce_sum3A_1364 = arith.constant true
        %reduce_sum3A_1365 = vector.broadcast %reduce_sum3A_1364 : i1 to vector<16xi1>
        %reduce_sum3A_1366 = tpu.scan <sum>, %add3A_1360 masked %reduce_sum3A_1365 : vector<16xf32>, vector<16xi1> -> vector<16xf32>
        %reduce_sum3A_1367 = vector.extract %reduce_sum3A_1366[15] : f32 from vector<16xf32>
        %broadcast_in_dim3A_1368 = vector.broadcast %reduce_sum3A_1367 : f32 to vector<16xf32>
        %select_n3A_1369 = arith.select %eq3A_1363, %broadcast_in_dim3A_1368, %select_n3A_1305 : vector<16xi1>, vector<16xf32>
        %get3A_1370 = arith.constant 19 : i32
        %get3A_1371 = arith.index_cast %rem3A_101 : i32 to index
        %get3A_1372 = arith.index_cast %get3A_1370 : i32 to index
        %get3A_1373 = arith.constant 0 : index
        %get3A_1374 = tpu.vector_load %arg10[%get3A_1371, %get3A_1372, %get3A_1373] {strides = array<i32>} : memref<4x80x128xf32, #tpu.memory_space<vmem>>, vector<16xf32>,
        %mul3A_1375 = arith.mulf %get3A_1374, %get3A_120 : vector<16xf32>
        %get3A_1376 = arith.constant 19 : i32
        %get3A_1377 = arith.index_cast %rem3A_101 : i32 to index
        %get3A_1378 = arith.index_cast %get3A_1376 : i32 to index
        %get3A_1379 = arith.constant 16 : index
        %get3A_1380 = tpu.vector_load %arg10[%get3A_1377, %get3A_1378, %get3A_1379] {strides = array<i32>} : memref<4x80x128xf32, #tpu.memory_space<vmem>>, vector<16xf32>,
        %mul3A_1381 = arith.mulf %get3A_1380, %get3A_123 : vector<16xf32>
        %get3A_1382 = arith.constant 19 : i32
        %get3A_1383 = arith.index_cast %rem3A_101 : i32 to index
        %get3A_1384 = arith.index_cast %get3A_1382 : i32 to index
        %get3A_1385 = arith.constant 32 : index
        %get3A_1386 = tpu.vector_load %arg10[%get3A_1383, %get3A_1384, %get3A_1385] {strides = array<i32>} : memref<4x80x128xf32, #tpu.memory_space<vmem>>, vector<16xf32>,
        %mul3A_1387 = arith.mulf %get3A_1386, %get3A_126 : vector<16xf32>
        %get3A_1388 = arith.constant 19 : i32
        %get3A_1389 = arith.index_cast %rem3A_101 : i32 to index
        %get3A_1390 = arith.index_cast %get3A_1388 : i32 to index
        %get3A_1391 = arith.constant 48 : index
        %get3A_1392 = tpu.vector_load %arg10[%get3A_1389, %get3A_1390, %get3A_1391] {strides = array<i32>} : memref<4x80x128xf32, #tpu.memory_space<vmem>>, vector<16xf32>,
        %mul3A_1393 = arith.mulf %get3A_1392, %get3A_129 : vector<16xf32>
        %get3A_1394 = arith.constant 19 : i32
        %get3A_1395 = arith.index_cast %rem3A_101 : i32 to index
        %get3A_1396 = arith.index_cast %get3A_1394 : i32 to index
        %get3A_1397 = arith.constant 64 : index
        %get3A_1398 = tpu.vector_load %arg10[%get3A_1395, %get3A_1396, %get3A_1397] {strides = array<i32>} : memref<4x80x128xf32, #tpu.memory_space<vmem>>, vector<16xf32>,
        %mul3A_1399 = arith.mulf %get3A_1398, %get3A_132 : vector<16xf32>
        %get3A_1400 = arith.constant 19 : i32
        %get3A_1401 = arith.index_cast %rem3A_101 : i32 to index
        %get3A_1402 = arith.index_cast %get3A_1400 : i32 to index
        %get3A_1403 = arith.constant 80 : index
        %get3A_1404 = tpu.vector_load %arg10[%get3A_1401, %get3A_1402, %get3A_1403] {strides = array<i32>} : memref<4x80x128xf32, #tpu.memory_space<vmem>>, vector<16xf32>,
        %mul3A_1405 = arith.mulf %get3A_1404, %get3A_135 : vector<16xf32>
        %get3A_1406 = arith.constant 19 : i32
        %get3A_1407 = arith.index_cast %rem3A_101 : i32 to index
        %get3A_1408 = arith.index_cast %get3A_1406 : i32 to index
        %get3A_1409 = arith.constant 96 : index
        %get3A_1410 = tpu.vector_load %arg10[%get3A_1407, %get3A_1408, %get3A_1409] {strides = array<i32>} : memref<4x80x128xf32, #tpu.memory_space<vmem>>, vector<16xf32>,
        %mul3A_1411 = arith.mulf %get3A_1410, %get3A_138 : vector<16xf32>
        %get3A_1412 = arith.constant 19 : i32
        %get3A_1413 = arith.index_cast %rem3A_101 : i32 to index
        %get3A_1414 = arith.index_cast %get3A_1412 : i32 to index
        %get3A_1415 = arith.constant 112 : index
        %get3A_1416 = tpu.vector_load %arg10[%get3A_1413, %get3A_1414, %get3A_1415] {strides = array<i32>} : memref<4x80x128xf32, #tpu.memory_space<vmem>>, vector<16xf32>,
        %mul3A_1417 = arith.mulf %get3A_1416, %get3A_141 : vector<16xf32>
        %add3A_1418 = arith.addf %mul3A_1375, %mul3A_1381 : vector<16xf32>
        %add3A_1419 = arith.addf %mul3A_1387, %mul3A_1393 : vector<16xf32>
        %add3A_1420 = arith.addf %mul3A_1399, %mul3A_1405 : vector<16xf32>
        %add3A_1421 = arith.addf %mul3A_1411, %mul3A_1417 : vector<16xf32>
        %add3A_1422 = arith.addf %add3A_1418, %add3A_1419 : vector<16xf32>
        %add3A_1423 = arith.addf %add3A_1420, %add3A_1421 : vector<16xf32>
        %add3A_1424 = arith.addf %add3A_1422, %add3A_1423 : vector<16xf32>
        %eq3A_1425 = arith.constant 3 : i32
        %eq3A_1426 = vector.broadcast %eq3A_1425 : i32 to vector<16xi32>
        %eq3A_1427 = arith.cmpi eq, %iota3A, %eq3A_1426 : vector<16xi32>
        %reduce_sum3A_1428 = arith.constant true
        %reduce_sum3A_1429 = vector.broadcast %reduce_sum3A_1428 : i1 to vector<16xi1>
        %reduce_sum3A_1430 = tpu.scan <sum>, %add3A_1424 masked %reduce_sum3A_1429 : vector<16xf32>, vector<16xi1> -> vector<16xf32>
        %reduce_sum3A_1431 = vector.extract %reduce_sum3A_1430[15] : f32 from vector<16xf32>
        %broadcast_in_dim3A_1432 = vector.broadcast %reduce_sum3A_1431 : f32 to vector<16xf32>
        %select_n3A_1433 = arith.select %eq3A_1427, %broadcast_in_dim3A_1432, %select_n3A_1369 : vector<16xi1>, vector<16xf32>
        %get3A_1434 = arith.constant 20 : i32
        %get3A_1435 = arith.index_cast %rem3A_101 : i32 to index
        %get3A_1436 = arith.index_cast %get3A_1434 : i32 to index
        %get3A_1437 = arith.constant 0 : index
        %get3A_1438 = tpu.vector_load %arg10[%get3A_1435, %get3A_1436, %get3A_1437] {strides = array<i32>} : memref<4x80x128xf32, #tpu.memory_space<vmem>>, vector<16xf32>,
        %mul3A_1439 = arith.mulf %get3A_1438, %get3A_120 : vector<16xf32>
        %get3A_1440 = arith.constant 20 : i32
        %get3A_1441 = arith.index_cast %rem3A_101 : i32 to index
        %get3A_1442 = arith.index_cast %get3A_1440 : i32 to index
        %get3A_1443 = arith.constant 16 : index
        %get3A_1444 = tpu.vector_load %arg10[%get3A_1441, %get3A_1442, %get3A_1443] {strides = array<i32>} : memref<4x80x128xf32, #tpu.memory_space<vmem>>, vector<16xf32>,
        %mul3A_1445 = arith.mulf %get3A_1444, %get3A_123 : vector<16xf32>
        %get3A_1446 = arith.constant 20 : i32
        %get3A_1447 = arith.index_cast %rem3A_101 : i32 to index
        %get3A_1448 = arith.index_cast %get3A_1446 : i32 to index
        %get3A_1449 = arith.constant 32 : index
        %get3A_1450 = tpu.vector_load %arg10[%get3A_1447, %get3A_1448, %get3A_1449] {strides = array<i32>} : memref<4x80x128xf32, #tpu.memory_space<vmem>>, vector<16xf32>,
        %mul3A_1451 = arith.mulf %get3A_1450, %get3A_126 : vector<16xf32>
        %get3A_1452 = arith.constant 20 : i32
        %get3A_1453 = arith.index_cast %rem3A_101 : i32 to index
        %get3A_1454 = arith.index_cast %get3A_1452 : i32 to index
        %get3A_1455 = arith.constant 48 : index
        %get3A_1456 = tpu.vector_load %arg10[%get3A_1453, %get3A_1454, %get3A_1455] {strides = array<i32>} : memref<4x80x128xf32, #tpu.memory_space<vmem>>, vector<16xf32>,
        %mul3A_1457 = arith.mulf %get3A_1456, %get3A_129 : vector<16xf32>
        %get3A_1458 = arith.constant 20 : i32
        %get3A_1459 = arith.index_cast %rem3A_101 : i32 to index
        %get3A_1460 = arith.index_cast %get3A_1458 : i32 to index
        %get3A_1461 = arith.constant 64 : index
        %get3A_1462 = tpu.vector_load %arg10[%get3A_1459, %get3A_1460, %get3A_1461] {strides = array<i32>} : memref<4x80x128xf32, #tpu.memory_space<vmem>>, vector<16xf32>,
        %mul3A_1463 = arith.mulf %get3A_1462, %get3A_132 : vector<16xf32>
        %get3A_1464 = arith.constant 20 : i32
        %get3A_1465 = arith.index_cast %rem3A_101 : i32 to index
        %get3A_1466 = arith.index_cast %get3A_1464 : i32 to index
        %get3A_1467 = arith.constant 80 : index
        %get3A_1468 = tpu.vector_load %arg10[%get3A_1465, %get3A_1466, %get3A_1467] {strides = array<i32>} : memref<4x80x128xf32, #tpu.memory_space<vmem>>, vector<16xf32>,
        %mul3A_1469 = arith.mulf %get3A_1468, %get3A_135 : vector<16xf32>
        %get3A_1470 = arith.constant 20 : i32
        %get3A_1471 = arith.index_cast %rem3A_101 : i32 to index
        %get3A_1472 = arith.index_cast %get3A_1470 : i32 to index
        %get3A_1473 = arith.constant 96 : index
        %get3A_1474 = tpu.vector_load %arg10[%get3A_1471, %get3A_1472, %get3A_1473] {strides = array<i32>} : memref<4x80x128xf32, #tpu.memory_space<vmem>>, vector<16xf32>,
        %mul3A_1475 = arith.mulf %get3A_1474, %get3A_138 : vector<16xf32>
        %get3A_1476 = arith.constant 20 : i32
        %get3A_1477 = arith.index_cast %rem3A_101 : i32 to index
        %get3A_1478 = arith.index_cast %get3A_1476 : i32 to index
        %get3A_1479 = arith.constant 112 : index
        %get3A_1480 = tpu.vector_load %arg10[%get3A_1477, %get3A_1478, %get3A_1479] {strides = array<i32>} : memref<4x80x128xf32, #tpu.memory_space<vmem>>, vector<16xf32>,
        %mul3A_1481 = arith.mulf %get3A_1480, %get3A_141 : vector<16xf32>
        %add3A_1482 = arith.addf %mul3A_1439, %mul3A_1445 : vector<16xf32>
        %add3A_1483 = arith.addf %mul3A_1451, %mul3A_1457 : vector<16xf32>
        %add3A_1484 = arith.addf %mul3A_1463, %mul3A_1469 : vector<16xf32>
        %add3A_1485 = arith.addf %mul3A_1475, %mul3A_1481 : vector<16xf32>
        %add3A_1486 = arith.addf %add3A_1482, %add3A_1483 : vector<16xf32>
        %add3A_1487 = arith.addf %add3A_1484, %add3A_1485 : vector<16xf32>
        %add3A_1488 = arith.addf %add3A_1486, %add3A_1487 : vector<16xf32>
        %eq3A_1489 = arith.constant 4 : i32
        %eq3A_1490 = vector.broadcast %eq3A_1489 : i32 to vector<16xi32>
        %eq3A_1491 = arith.cmpi eq, %iota3A, %eq3A_1490 : vector<16xi32>
        %reduce_sum3A_1492 = arith.constant true
        %reduce_sum3A_1493 = vector.broadcast %reduce_sum3A_1492 : i1 to vector<16xi1>
        %reduce_sum3A_1494 = tpu.scan <sum>, %add3A_1488 masked %reduce_sum3A_1493 : vector<16xf32>, vector<16xi1> -> vector<16xf32>
        %reduce_sum3A_1495 = vector.extract %reduce_sum3A_1494[15] : f32 from vector<16xf32>
        %broadcast_in_dim3A_1496 = vector.broadcast %reduce_sum3A_1495 : f32 to vector<16xf32>
        %select_n3A_1497 = arith.select %eq3A_1491, %broadcast_in_dim3A_1496, %select_n3A_1433 : vector<16xi1>, vector<16xf32>
        %get3A_1498 = arith.constant 21 : i32
        %get3A_1499 = arith.index_cast %rem3A_101 : i32 to index
        %get3A_1500 = arith.index_cast %get3A_1498 : i32 to index
        %get3A_1501 = arith.constant 0 : index
        %get3A_1502 = tpu.vector_load %arg10[%get3A_1499, %get3A_1500, %get3A_1501] {strides = array<i32>} : memref<4x80x128xf32, #tpu.memory_space<vmem>>, vector<16xf32>,
        %mul3A_1503 = arith.mulf %get3A_1502, %get3A_120 : vector<16xf32>
        %get3A_1504 = arith.constant 21 : i32
        %get3A_1505 = arith.index_cast %rem3A_101 : i32 to index
        %get3A_1506 = arith.index_cast %get3A_1504 : i32 to index
        %get3A_1507 = arith.constant 16 : index
        %get3A_1508 = tpu.vector_load %arg10[%get3A_1505, %get3A_1506, %get3A_1507] {strides = array<i32>} : memref<4x80x128xf32, #tpu.memory_space<vmem>>, vector<16xf32>,
        %mul3A_1509 = arith.mulf %get3A_1508, %get3A_123 : vector<16xf32>
        %get3A_1510 = arith.constant 21 : i32
        %get3A_1511 = arith.index_cast %rem3A_101 : i32 to index
        %get3A_1512 = arith.index_cast %get3A_1510 : i32 to index
        %get3A_1513 = arith.constant 32 : index
        %get3A_1514 = tpu.vector_load %arg10[%get3A_1511, %get3A_1512, %get3A_1513] {strides = array<i32>} : memref<4x80x128xf32, #tpu.memory_space<vmem>>, vector<16xf32>,
        %mul3A_1515 = arith.mulf %get3A_1514, %get3A_126 : vector<16xf32>
        %get3A_1516 = arith.constant 21 : i32
        %get3A_1517 = arith.index_cast %rem3A_101 : i32 to index
        %get3A_1518 = arith.index_cast %get3A_1516 : i32 to index
        %get3A_1519 = arith.constant 48 : index
        %get3A_1520 = tpu.vector_load %arg10[%get3A_1517, %get3A_1518, %get3A_1519] {strides = array<i32>} : memref<4x80x128xf32, #tpu.memory_space<vmem>>, vector<16xf32>,
        %mul3A_1521 = arith.mulf %get3A_1520, %get3A_129 : vector<16xf32>
        %get3A_1522 = arith.constant 21 : i32
        %get3A_1523 = arith.index_cast %rem3A_101 : i32 to index
        %get3A_1524 = arith.index_cast %get3A_1522 : i32 to index
        %get3A_1525 = arith.constant 64 : index
        %get3A_1526 = tpu.vector_load %arg10[%get3A_1523, %get3A_1524, %get3A_1525] {strides = array<i32>} : memref<4x80x128xf32, #tpu.memory_space<vmem>>, vector<16xf32>,
        %mul3A_1527 = arith.mulf %get3A_1526, %get3A_132 : vector<16xf32>
        %get3A_1528 = arith.constant 21 : i32
        %get3A_1529 = arith.index_cast %rem3A_101 : i32 to index
        %get3A_1530 = arith.index_cast %get3A_1528 : i32 to index
        %get3A_1531 = arith.constant 80 : index
        %get3A_1532 = tpu.vector_load %arg10[%get3A_1529, %get3A_1530, %get3A_1531] {strides = array<i32>} : memref<4x80x128xf32, #tpu.memory_space<vmem>>, vector<16xf32>,
        %mul3A_1533 = arith.mulf %get3A_1532, %get3A_135 : vector<16xf32>
        %get3A_1534 = arith.constant 21 : i32
        %get3A_1535 = arith.index_cast %rem3A_101 : i32 to index
        %get3A_1536 = arith.index_cast %get3A_1534 : i32 to index
        %get3A_1537 = arith.constant 96 : index
        %get3A_1538 = tpu.vector_load %arg10[%get3A_1535, %get3A_1536, %get3A_1537] {strides = array<i32>} : memref<4x80x128xf32, #tpu.memory_space<vmem>>, vector<16xf32>,
        %mul3A_1539 = arith.mulf %get3A_1538, %get3A_138 : vector<16xf32>
        %get3A_1540 = arith.constant 21 : i32
        %get3A_1541 = arith.index_cast %rem3A_101 : i32 to index
        %get3A_1542 = arith.index_cast %get3A_1540 : i32 to index
        %get3A_1543 = arith.constant 112 : index
        %get3A_1544 = tpu.vector_load %arg10[%get3A_1541, %get3A_1542, %get3A_1543] {strides = array<i32>} : memref<4x80x128xf32, #tpu.memory_space<vmem>>, vector<16xf32>,
        %mul3A_1545 = arith.mulf %get3A_1544, %get3A_141 : vector<16xf32>
        %add3A_1546 = arith.addf %mul3A_1503, %mul3A_1509 : vector<16xf32>
        %add3A_1547 = arith.addf %mul3A_1515, %mul3A_1521 : vector<16xf32>
        %add3A_1548 = arith.addf %mul3A_1527, %mul3A_1533 : vector<16xf32>
        %add3A_1549 = arith.addf %mul3A_1539, %mul3A_1545 : vector<16xf32>
        %add3A_1550 = arith.addf %add3A_1546, %add3A_1547 : vector<16xf32>
        %add3A_1551 = arith.addf %add3A_1548, %add3A_1549 : vector<16xf32>
        %add3A_1552 = arith.addf %add3A_1550, %add3A_1551 : vector<16xf32>
        %eq3A_1553 = arith.constant 5 : i32
        %eq3A_1554 = vector.broadcast %eq3A_1553 : i32 to vector<16xi32>
        %eq3A_1555 = arith.cmpi eq, %iota3A, %eq3A_1554 : vector<16xi32>
        %reduce_sum3A_1556 = arith.constant true
        %reduce_sum3A_1557 = vector.broadcast %reduce_sum3A_1556 : i1 to vector<16xi1>
        %reduce_sum3A_1558 = tpu.scan <sum>, %add3A_1552 masked %reduce_sum3A_1557 : vector<16xf32>, vector<16xi1> -> vector<16xf32>
        %reduce_sum3A_1559 = vector.extract %reduce_sum3A_1558[15] : f32 from vector<16xf32>
        %broadcast_in_dim3A_1560 = vector.broadcast %reduce_sum3A_1559 : f32 to vector<16xf32>
        %select_n3A_1561 = arith.select %eq3A_1555, %broadcast_in_dim3A_1560, %select_n3A_1497 : vector<16xi1>, vector<16xf32>
        %get3A_1562 = arith.constant 22 : i32
        %get3A_1563 = arith.index_cast %rem3A_101 : i32 to index
        %get3A_1564 = arith.index_cast %get3A_1562 : i32 to index
        %get3A_1565 = arith.constant 0 : index
        %get3A_1566 = tpu.vector_load %arg10[%get3A_1563, %get3A_1564, %get3A_1565] {strides = array<i32>} : memref<4x80x128xf32, #tpu.memory_space<vmem>>, vector<16xf32>,
        %mul3A_1567 = arith.mulf %get3A_1566, %get3A_120 : vector<16xf32>
        %get3A_1568 = arith.constant 22 : i32
        %get3A_1569 = arith.index_cast %rem3A_101 : i32 to index
        %get3A_1570 = arith.index_cast %get3A_1568 : i32 to index
        %get3A_1571 = arith.constant 16 : index
        %get3A_1572 = tpu.vector_load %arg10[%get3A_1569, %get3A_1570, %get3A_1571] {strides = array<i32>} : memref<4x80x128xf32, #tpu.memory_space<vmem>>, vector<16xf32>,
        %mul3A_1573 = arith.mulf %get3A_1572, %get3A_123 : vector<16xf32>
        %get3A_1574 = arith.constant 22 : i32
        %get3A_1575 = arith.index_cast %rem3A_101 : i32 to index
        %get3A_1576 = arith.index_cast %get3A_1574 : i32 to index
        %get3A_1577 = arith.constant 32 : index
        %get3A_1578 = tpu.vector_load %arg10[%get3A_1575, %get3A_1576, %get3A_1577] {strides = array<i32>} : memref<4x80x128xf32, #tpu.memory_space<vmem>>, vector<16xf32>,
        %mul3A_1579 = arith.mulf %get3A_1578, %get3A_126 : vector<16xf32>
        %get3A_1580 = arith.constant 22 : i32
        %get3A_1581 = arith.index_cast %rem3A_101 : i32 to index
        %get3A_1582 = arith.index_cast %get3A_1580 : i32 to index
        %get3A_1583 = arith.constant 48 : index
        %get3A_1584 = tpu.vector_load %arg10[%get3A_1581, %get3A_1582, %get3A_1583] {strides = array<i32>} : memref<4x80x128xf32, #tpu.memory_space<vmem>>, vector<16xf32>,
        %mul3A_1585 = arith.mulf %get3A_1584, %get3A_129 : vector<16xf32>
        %get3A_1586 = arith.constant 22 : i32
        %get3A_1587 = arith.index_cast %rem3A_101 : i32 to index
        %get3A_1588 = arith.index_cast %get3A_1586 : i32 to index
        %get3A_1589 = arith.constant 64 : index
        %get3A_1590 = tpu.vector_load %arg10[%get3A_1587, %get3A_1588, %get3A_1589] {strides = array<i32>} : memref<4x80x128xf32, #tpu.memory_space<vmem>>, vector<16xf32>,
        %mul3A_1591 = arith.mulf %get3A_1590, %get3A_132 : vector<16xf32>
        %get3A_1592 = arith.constant 22 : i32
        %get3A_1593 = arith.index_cast %rem3A_101 : i32 to index
        %get3A_1594 = arith.index_cast %get3A_1592 : i32 to index
        %get3A_1595 = arith.constant 80 : index
        %get3A_1596 = tpu.vector_load %arg10[%get3A_1593, %get3A_1594, %get3A_1595] {strides = array<i32>} : memref<4x80x128xf32, #tpu.memory_space<vmem>>, vector<16xf32>,
        %mul3A_1597 = arith.mulf %get3A_1596, %get3A_135 : vector<16xf32>
        %get3A_1598 = arith.constant 22 : i32
        %get3A_1599 = arith.index_cast %rem3A_101 : i32 to index
        %get3A_1600 = arith.index_cast %get3A_1598 : i32 to index
        %get3A_1601 = arith.constant 96 : index
        %get3A_1602 = tpu.vector_load %arg10[%get3A_1599, %get3A_1600, %get3A_1601] {strides = array<i32>} : memref<4x80x128xf32, #tpu.memory_space<vmem>>, vector<16xf32>,
        %mul3A_1603 = arith.mulf %get3A_1602, %get3A_138 : vector<16xf32>
        %get3A_1604 = arith.constant 22 : i32
        %get3A_1605 = arith.index_cast %rem3A_101 : i32 to index
        %get3A_1606 = arith.index_cast %get3A_1604 : i32 to index
        %get3A_1607 = arith.constant 112 : index
        %get3A_1608 = tpu.vector_load %arg10[%get3A_1605, %get3A_1606, %get3A_1607] {strides = array<i32>} : memref<4x80x128xf32, #tpu.memory_space<vmem>>, vector<16xf32>,
        %mul3A_1609 = arith.mulf %get3A_1608, %get3A_141 : vector<16xf32>
        %add3A_1610 = arith.addf %mul3A_1567, %mul3A_1573 : vector<16xf32>
        %add3A_1611 = arith.addf %mul3A_1579, %mul3A_1585 : vector<16xf32>
        %add3A_1612 = arith.addf %mul3A_1591, %mul3A_1597 : vector<16xf32>
        %add3A_1613 = arith.addf %mul3A_1603, %mul3A_1609 : vector<16xf32>
        %add3A_1614 = arith.addf %add3A_1610, %add3A_1611 : vector<16xf32>
        %add3A_1615 = arith.addf %add3A_1612, %add3A_1613 : vector<16xf32>
        %add3A_1616 = arith.addf %add3A_1614, %add3A_1615 : vector<16xf32>
        %eq3A_1617 = arith.constant 6 : i32
        %eq3A_1618 = vector.broadcast %eq3A_1617 : i32 to vector<16xi32>
        %eq3A_1619 = arith.cmpi eq, %iota3A, %eq3A_1618 : vector<16xi32>
        %reduce_sum3A_1620 = arith.constant true
        %reduce_sum3A_1621 = vector.broadcast %reduce_sum3A_1620 : i1 to vector<16xi1>
        %reduce_sum3A_1622 = tpu.scan <sum>, %add3A_1616 masked %reduce_sum3A_1621 : vector<16xf32>, vector<16xi1> -> vector<16xf32>
        %reduce_sum3A_1623 = vector.extract %reduce_sum3A_1622[15] : f32 from vector<16xf32>
        %broadcast_in_dim3A_1624 = vector.broadcast %reduce_sum3A_1623 : f32 to vector<16xf32>
        %select_n3A_1625 = arith.select %eq3A_1619, %broadcast_in_dim3A_1624, %select_n3A_1561 : vector<16xi1>, vector<16xf32>
        %get3A_1626 = arith.constant 23 : i32
        %get3A_1627 = arith.index_cast %rem3A_101 : i32 to index
        %get3A_1628 = arith.index_cast %get3A_1626 : i32 to index
        %get3A_1629 = arith.constant 0 : index
        %get3A_1630 = tpu.vector_load %arg10[%get3A_1627, %get3A_1628, %get3A_1629] {strides = array<i32>} : memref<4x80x128xf32, #tpu.memory_space<vmem>>, vector<16xf32>,
        %mul3A_1631 = arith.mulf %get3A_1630, %get3A_120 : vector<16xf32>
        %get3A_1632 = arith.constant 23 : i32
        %get3A_1633 = arith.index_cast %rem3A_101 : i32 to index
        %get3A_1634 = arith.index_cast %get3A_1632 : i32 to index
        %get3A_1635 = arith.constant 16 : index
        %get3A_1636 = tpu.vector_load %arg10[%get3A_1633, %get3A_1634, %get3A_1635] {strides = array<i32>} : memref<4x80x128xf32, #tpu.memory_space<vmem>>, vector<16xf32>,
        %mul3A_1637 = arith.mulf %get3A_1636, %get3A_123 : vector<16xf32>
        %get3A_1638 = arith.constant 23 : i32
        %get3A_1639 = arith.index_cast %rem3A_101 : i32 to index
        %get3A_1640 = arith.index_cast %get3A_1638 : i32 to index
        %get3A_1641 = arith.constant 32 : index
        %get3A_1642 = tpu.vector_load %arg10[%get3A_1639, %get3A_1640, %get3A_1641] {strides = array<i32>} : memref<4x80x128xf32, #tpu.memory_space<vmem>>, vector<16xf32>,
        %mul3A_1643 = arith.mulf %get3A_1642, %get3A_126 : vector<16xf32>
        %get3A_1644 = arith.constant 23 : i32
        %get3A_1645 = arith.index_cast %rem3A_101 : i32 to index
        %get3A_1646 = arith.index_cast %get3A_1644 : i32 to index
        %get3A_1647 = arith.constant 48 : index
        %get3A_1648 = tpu.vector_load %arg10[%get3A_1645, %get3A_1646, %get3A_1647] {strides = array<i32>} : memref<4x80x128xf32, #tpu.memory_space<vmem>>, vector<16xf32>,
        %mul3A_1649 = arith.mulf %get3A_1648, %get3A_129 : vector<16xf32>
        %get3A_1650 = arith.constant 23 : i32
        %get3A_1651 = arith.index_cast %rem3A_101 : i32 to index
        %get3A_1652 = arith.index_cast %get3A_1650 : i32 to index
        %get3A_1653 = arith.constant 64 : index
        %get3A_1654 = tpu.vector_load %arg10[%get3A_1651, %get3A_1652, %get3A_1653] {strides = array<i32>} : memref<4x80x128xf32, #tpu.memory_space<vmem>>, vector<16xf32>,
        %mul3A_1655 = arith.mulf %get3A_1654, %get3A_132 : vector<16xf32>
        %get3A_1656 = arith.constant 23 : i32
        %get3A_1657 = arith.index_cast %rem3A_101 : i32 to index
        %get3A_1658 = arith.index_cast %get3A_1656 : i32 to index
        %get3A_1659 = arith.constant 80 : index
        %get3A_1660 = tpu.vector_load %arg10[%get3A_1657, %get3A_1658, %get3A_1659] {strides = array<i32>} : memref<4x80x128xf32, #tpu.memory_space<vmem>>, vector<16xf32>,
        %mul3A_1661 = arith.mulf %get3A_1660, %get3A_135 : vector<16xf32>
        %get3A_1662 = arith.constant 23 : i32
        %get3A_1663 = arith.index_cast %rem3A_101 : i32 to index
        %get3A_1664 = arith.index_cast %get3A_1662 : i32 to index
        %get3A_1665 = arith.constant 96 : index
        %get3A_1666 = tpu.vector_load %arg10[%get3A_1663, %get3A_1664, %get3A_1665] {strides = array<i32>} : memref<4x80x128xf32, #tpu.memory_space<vmem>>, vector<16xf32>,
        %mul3A_1667 = arith.mulf %get3A_1666, %get3A_138 : vector<16xf32>
        %get3A_1668 = arith.constant 23 : i32
        %get3A_1669 = arith.index_cast %rem3A_101 : i32 to index
        %get3A_1670 = arith.index_cast %get3A_1668 : i32 to index
        %get3A_1671 = arith.constant 112 : index
        %get3A_1672 = tpu.vector_load %arg10[%get3A_1669, %get3A_1670, %get3A_1671] {strides = array<i32>} : memref<4x80x128xf32, #tpu.memory_space<vmem>>, vector<16xf32>,
        %mul3A_1673 = arith.mulf %get3A_1672, %get3A_141 : vector<16xf32>
        %add3A_1674 = arith.addf %mul3A_1631, %mul3A_1637 : vector<16xf32>
        %add3A_1675 = arith.addf %mul3A_1643, %mul3A_1649 : vector<16xf32>
        %add3A_1676 = arith.addf %mul3A_1655, %mul3A_1661 : vector<16xf32>
        %add3A_1677 = arith.addf %mul3A_1667, %mul3A_1673 : vector<16xf32>
        %add3A_1678 = arith.addf %add3A_1674, %add3A_1675 : vector<16xf32>
        %add3A_1679 = arith.addf %add3A_1676, %add3A_1677 : vector<16xf32>
        %add3A_1680 = arith.addf %add3A_1678, %add3A_1679 : vector<16xf32>
        %eq3A_1681 = arith.constant 7 : i32
        %eq3A_1682 = vector.broadcast %eq3A_1681 : i32 to vector<16xi32>
        %eq3A_1683 = arith.cmpi eq, %iota3A, %eq3A_1682 : vector<16xi32>
        %reduce_sum3A_1684 = arith.constant true
        %reduce_sum3A_1685 = vector.broadcast %reduce_sum3A_1684 : i1 to vector<16xi1>
        %reduce_sum3A_1686 = tpu.scan <sum>, %add3A_1680 masked %reduce_sum3A_1685 : vector<16xf32>, vector<16xi1> -> vector<16xf32>
        %reduce_sum3A_1687 = vector.extract %reduce_sum3A_1686[15] : f32 from vector<16xf32>
        %broadcast_in_dim3A_1688 = vector.broadcast %reduce_sum3A_1687 : f32 to vector<16xf32>
        %select_n3A_1689 = arith.select %eq3A_1683, %broadcast_in_dim3A_1688, %select_n3A_1625 : vector<16xi1>, vector<16xf32>
        %get3A_1690 = arith.constant 24 : i32
        %get3A_1691 = arith.index_cast %rem3A_101 : i32 to index
        %get3A_1692 = arith.index_cast %get3A_1690 : i32 to index
        %get3A_1693 = arith.constant 0 : index
        %get3A_1694 = tpu.vector_load %arg10[%get3A_1691, %get3A_1692, %get3A_1693] {strides = array<i32>} : memref<4x80x128xf32, #tpu.memory_space<vmem>>, vector<16xf32>,
        %mul3A_1695 = arith.mulf %get3A_1694, %get3A_120 : vector<16xf32>
        %get3A_1696 = arith.constant 24 : i32
        %get3A_1697 = arith.index_cast %rem3A_101 : i32 to index
        %get3A_1698 = arith.index_cast %get3A_1696 : i32 to index
        %get3A_1699 = arith.constant 16 : index
        %get3A_1700 = tpu.vector_load %arg10[%get3A_1697, %get3A_1698, %get3A_1699] {strides = array<i32>} : memref<4x80x128xf32, #tpu.memory_space<vmem>>, vector<16xf32>,
        %mul3A_1701 = arith.mulf %get3A_1700, %get3A_123 : vector<16xf32>
        %get3A_1702 = arith.constant 24 : i32
        %get3A_1703 = arith.index_cast %rem3A_101 : i32 to index
        %get3A_1704 = arith.index_cast %get3A_1702 : i32 to index
        %get3A_1705 = arith.constant 32 : index
        %get3A_1706 = tpu.vector_load %arg10[%get3A_1703, %get3A_1704, %get3A_1705] {strides = array<i32>} : memref<4x80x128xf32, #tpu.memory_space<vmem>>, vector<16xf32>,
        %mul3A_1707 = arith.mulf %get3A_1706, %get3A_126 : vector<16xf32>
        %get3A_1708 = arith.constant 24 : i32
        %get3A_1709 = arith.index_cast %rem3A_101 : i32 to index
        %get3A_1710 = arith.index_cast %get3A_1708 : i32 to index
        %get3A_1711 = arith.constant 48 : index
        %get3A_1712 = tpu.vector_load %arg10[%get3A_1709, %get3A_1710, %get3A_1711] {strides = array<i32>} : memref<4x80x128xf32, #tpu.memory_space<vmem>>, vector<16xf32>,
        %mul3A_1713 = arith.mulf %get3A_1712, %get3A_129 : vector<16xf32>
        %get3A_1714 = arith.constant 24 : i32
        %get3A_1715 = arith.index_cast %rem3A_101 : i32 to index
        %get3A_1716 = arith.index_cast %get3A_1714 : i32 to index
        %get3A_1717 = arith.constant 64 : index
        %get3A_1718 = tpu.vector_load %arg10[%get3A_1715, %get3A_1716, %get3A_1717] {strides = array<i32>} : memref<4x80x128xf32, #tpu.memory_space<vmem>>, vector<16xf32>,
        %mul3A_1719 = arith.mulf %get3A_1718, %get3A_132 : vector<16xf32>
        %get3A_1720 = arith.constant 24 : i32
        %get3A_1721 = arith.index_cast %rem3A_101 : i32 to index
        %get3A_1722 = arith.index_cast %get3A_1720 : i32 to index
        %get3A_1723 = arith.constant 80 : index
        %get3A_1724 = tpu.vector_load %arg10[%get3A_1721, %get3A_1722, %get3A_1723] {strides = array<i32>} : memref<4x80x128xf32, #tpu.memory_space<vmem>>, vector<16xf32>,
        %mul3A_1725 = arith.mulf %get3A_1724, %get3A_135 : vector<16xf32>
        %get3A_1726 = arith.constant 24 : i32
        %get3A_1727 = arith.index_cast %rem3A_101 : i32 to index
        %get3A_1728 = arith.index_cast %get3A_1726 : i32 to index
        %get3A_1729 = arith.constant 96 : index
        %get3A_1730 = tpu.vector_load %arg10[%get3A_1727, %get3A_1728, %get3A_1729] {strides = array<i32>} : memref<4x80x128xf32, #tpu.memory_space<vmem>>, vector<16xf32>,
        %mul3A_1731 = arith.mulf %get3A_1730, %get3A_138 : vector<16xf32>
        %get3A_1732 = arith.constant 24 : i32
        %get3A_1733 = arith.index_cast %rem3A_101 : i32 to index
        %get3A_1734 = arith.index_cast %get3A_1732 : i32 to index
        %get3A_1735 = arith.constant 112 : index
        %get3A_1736 = tpu.vector_load %arg10[%get3A_1733, %get3A_1734, %get3A_1735] {strides = array<i32>} : memref<4x80x128xf32, #tpu.memory_space<vmem>>, vector<16xf32>,
        %mul3A_1737 = arith.mulf %get3A_1736, %get3A_141 : vector<16xf32>
        %add3A_1738 = arith.addf %mul3A_1695, %mul3A_1701 : vector<16xf32>
        %add3A_1739 = arith.addf %mul3A_1707, %mul3A_1713 : vector<16xf32>
        %add3A_1740 = arith.addf %mul3A_1719, %mul3A_1725 : vector<16xf32>
        %add3A_1741 = arith.addf %mul3A_1731, %mul3A_1737 : vector<16xf32>
        %add3A_1742 = arith.addf %add3A_1738, %add3A_1739 : vector<16xf32>
        %add3A_1743 = arith.addf %add3A_1740, %add3A_1741 : vector<16xf32>
        %add3A_1744 = arith.addf %add3A_1742, %add3A_1743 : vector<16xf32>
        %eq3A_1745 = arith.constant 8 : i32
        %eq3A_1746 = vector.broadcast %eq3A_1745 : i32 to vector<16xi32>
        %eq3A_1747 = arith.cmpi eq, %iota3A, %eq3A_1746 : vector<16xi32>
        %reduce_sum3A_1748 = arith.constant true
        %reduce_sum3A_1749 = vector.broadcast %reduce_sum3A_1748 : i1 to vector<16xi1>
        %reduce_sum3A_1750 = tpu.scan <sum>, %add3A_1744 masked %reduce_sum3A_1749 : vector<16xf32>, vector<16xi1> -> vector<16xf32>
        %reduce_sum3A_1751 = vector.extract %reduce_sum3A_1750[15] : f32 from vector<16xf32>
        %broadcast_in_dim3A_1752 = vector.broadcast %reduce_sum3A_1751 : f32 to vector<16xf32>
        %select_n3A_1753 = arith.select %eq3A_1747, %broadcast_in_dim3A_1752, %select_n3A_1689 : vector<16xi1>, vector<16xf32>
        %get3A_1754 = arith.constant 25 : i32
        %get3A_1755 = arith.index_cast %rem3A_101 : i32 to index
        %get3A_1756 = arith.index_cast %get3A_1754 : i32 to index
        %get3A_1757 = arith.constant 0 : index
        %get3A_1758 = tpu.vector_load %arg10[%get3A_1755, %get3A_1756, %get3A_1757] {strides = array<i32>} : memref<4x80x128xf32, #tpu.memory_space<vmem>>, vector<16xf32>,
        %mul3A_1759 = arith.mulf %get3A_1758, %get3A_120 : vector<16xf32>
        %get3A_1760 = arith.constant 25 : i32
        %get3A_1761 = arith.index_cast %rem3A_101 : i32 to index
        %get3A_1762 = arith.index_cast %get3A_1760 : i32 to index
        %get3A_1763 = arith.constant 16 : index
        %get3A_1764 = tpu.vector_load %arg10[%get3A_1761, %get3A_1762, %get3A_1763] {strides = array<i32>} : memref<4x80x128xf32, #tpu.memory_space<vmem>>, vector<16xf32>,
        %mul3A_1765 = arith.mulf %get3A_1764, %get3A_123 : vector<16xf32>
        %get3A_1766 = arith.constant 25 : i32
        %get3A_1767 = arith.index_cast %rem3A_101 : i32 to index
        %get3A_1768 = arith.index_cast %get3A_1766 : i32 to index
        %get3A_1769 = arith.constant 32 : index
        %get3A_1770 = tpu.vector_load %arg10[%get3A_1767, %get3A_1768, %get3A_1769] {strides = array<i32>} : memref<4x80x128xf32, #tpu.memory_space<vmem>>, vector<16xf32>,
        %mul3A_1771 = arith.mulf %get3A_1770, %get3A_126 : vector<16xf32>
        %get3A_1772 = arith.constant 25 : i32
        %get3A_1773 = arith.index_cast %rem3A_101 : i32 to index
        %get3A_1774 = arith.index_cast %get3A_1772 : i32 to index
        %get3A_1775 = arith.constant 48 : index
        %get3A_1776 = tpu.vector_load %arg10[%get3A_1773, %get3A_1774, %get3A_1775] {strides = array<i32>} : memref<4x80x128xf32, #tpu.memory_space<vmem>>, vector<16xf32>,
        %mul3A_1777 = arith.mulf %get3A_1776, %get3A_129 : vector<16xf32>
        %get3A_1778 = arith.constant 25 : i32
        %get3A_1779 = arith.index_cast %rem3A_101 : i32 to index
        %get3A_1780 = arith.index_cast %get3A_1778 : i32 to index
        %get3A_1781 = arith.constant 64 : index
        %get3A_1782 = tpu.vector_load %arg10[%get3A_1779, %get3A_1780, %get3A_1781] {strides = array<i32>} : memref<4x80x128xf32, #tpu.memory_space<vmem>>, vector<16xf32>,
        %mul3A_1783 = arith.mulf %get3A_1782, %get3A_132 : vector<16xf32>
        %get3A_1784 = arith.constant 25 : i32
        %get3A_1785 = arith.index_cast %rem3A_101 : i32 to index
        %get3A_1786 = arith.index_cast %get3A_1784 : i32 to index
        %get3A_1787 = arith.constant 80 : index
        %get3A_1788 = tpu.vector_load %arg10[%get3A_1785, %get3A_1786, %get3A_1787] {strides = array<i32>} : memref<4x80x128xf32, #tpu.memory_space<vmem>>, vector<16xf32>,
        %mul3A_1789 = arith.mulf %get3A_1788, %get3A_135 : vector<16xf32>
        %get3A_1790 = arith.constant 25 : i32
        %get3A_1791 = arith.index_cast %rem3A_101 : i32 to index
        %get3A_1792 = arith.index_cast %get3A_1790 : i32 to index
        %get3A_1793 = arith.constant 96 : index
        %get3A_1794 = tpu.vector_load %arg10[%get3A_1791, %get3A_1792, %get3A_1793] {strides = array<i32>} : memref<4x80x128xf32, #tpu.memory_space<vmem>>, vector<16xf32>,
        %mul3A_1795 = arith.mulf %get3A_1794, %get3A_138 : vector<16xf32>
        %get3A_1796 = arith.constant 25 : i32
        %get3A_1797 = arith.index_cast %rem3A_101 : i32 to index
        %get3A_1798 = arith.index_cast %get3A_1796 : i32 to index
        %get3A_1799 = arith.constant 112 : index
        %get3A_1800 = tpu.vector_load %arg10[%get3A_1797, %get3A_1798, %get3A_1799] {strides = array<i32>} : memref<4x80x128xf32, #tpu.memory_space<vmem>>, vector<16xf32>,
        %mul3A_1801 = arith.mulf %get3A_1800, %get3A_141 : vector<16xf32>
        %add3A_1802 = arith.addf %mul3A_1759, %mul3A_1765 : vector<16xf32>
        %add3A_1803 = arith.addf %mul3A_1771, %mul3A_1777 : vector<16xf32>
        %add3A_1804 = arith.addf %mul3A_1783, %mul3A_1789 : vector<16xf32>
        %add3A_1805 = arith.addf %mul3A_1795, %mul3A_1801 : vector<16xf32>
        %add3A_1806 = arith.addf %add3A_1802, %add3A_1803 : vector<16xf32>
        %add3A_1807 = arith.addf %add3A_1804, %add3A_1805 : vector<16xf32>
        %add3A_1808 = arith.addf %add3A_1806, %add3A_1807 : vector<16xf32>
        %eq3A_1809 = arith.constant 9 : i32
        %eq3A_1810 = vector.broadcast %eq3A_1809 : i32 to vector<16xi32>
        %eq3A_1811 = arith.cmpi eq, %iota3A, %eq3A_1810 : vector<16xi32>
        %reduce_sum3A_1812 = arith.constant true
        %reduce_sum3A_1813 = vector.broadcast %reduce_sum3A_1812 : i1 to vector<16xi1>
        %reduce_sum3A_1814 = tpu.scan <sum>, %add3A_1808 masked %reduce_sum3A_1813 : vector<16xf32>, vector<16xi1> -> vector<16xf32>
        %reduce_sum3A_1815 = vector.extract %reduce_sum3A_1814[15] : f32 from vector<16xf32>
        %broadcast_in_dim3A_1816 = vector.broadcast %reduce_sum3A_1815 : f32 to vector<16xf32>
        %select_n3A_1817 = arith.select %eq3A_1811, %broadcast_in_dim3A_1816, %select_n3A_1753 : vector<16xi1>, vector<16xf32>
        %get3A_1818 = arith.constant 26 : i32
        %get3A_1819 = arith.index_cast %rem3A_101 : i32 to index
        %get3A_1820 = arith.index_cast %get3A_1818 : i32 to index
        %get3A_1821 = arith.constant 0 : index
        %get3A_1822 = tpu.vector_load %arg10[%get3A_1819, %get3A_1820, %get3A_1821] {strides = array<i32>} : memref<4x80x128xf32, #tpu.memory_space<vmem>>, vector<16xf32>,
        %mul3A_1823 = arith.mulf %get3A_1822, %get3A_120 : vector<16xf32>
        %get3A_1824 = arith.constant 26 : i32
        %get3A_1825 = arith.index_cast %rem3A_101 : i32 to index
        %get3A_1826 = arith.index_cast %get3A_1824 : i32 to index
        %get3A_1827 = arith.constant 16 : index
        %get3A_1828 = tpu.vector_load %arg10[%get3A_1825, %get3A_1826, %get3A_1827] {strides = array<i32>} : memref<4x80x128xf32, #tpu.memory_space<vmem>>, vector<16xf32>,
        %mul3A_1829 = arith.mulf %get3A_1828, %get3A_123 : vector<16xf32>
        %get3A_1830 = arith.constant 26 : i32
        %get3A_1831 = arith.index_cast %rem3A_101 : i32 to index
        %get3A_1832 = arith.index_cast %get3A_1830 : i32 to index
        %get3A_1833 = arith.constant 32 : index
        %get3A_1834 = tpu.vector_load %arg10[%get3A_1831, %get3A_1832, %get3A_1833] {strides = array<i32>} : memref<4x80x128xf32, #tpu.memory_space<vmem>>, vector<16xf32>,
        %mul3A_1835 = arith.mulf %get3A_1834, %get3A_126 : vector<16xf32>
        %get3A_1836 = arith.constant 26 : i32
        %get3A_1837 = arith.index_cast %rem3A_101 : i32 to index
        %get3A_1838 = arith.index_cast %get3A_1836 : i32 to index
        %get3A_1839 = arith.constant 48 : index
        %get3A_1840 = tpu.vector_load %arg10[%get3A_1837, %get3A_1838, %get3A_1839] {strides = array<i32>} : memref<4x80x128xf32, #tpu.memory_space<vmem>>, vector<16xf32>,
        %mul3A_1841 = arith.mulf %get3A_1840, %get3A_129 : vector<16xf32>
        %get3A_1842 = arith.constant 26 : i32
        %get3A_1843 = arith.index_cast %rem3A_101 : i32 to index
        %get3A_1844 = arith.index_cast %get3A_1842 : i32 to index
        %get3A_1845 = arith.constant 64 : index
        %get3A_1846 = tpu.vector_load %arg10[%get3A_1843, %get3A_1844, %get3A_1845] {strides = array<i32>} : memref<4x80x128xf32, #tpu.memory_space<vmem>>, vector<16xf32>,
        %mul3A_1847 = arith.mulf %get3A_1846, %get3A_132 : vector<16xf32>
        %get3A_1848 = arith.constant 26 : i32
        %get3A_1849 = arith.index_cast %rem3A_101 : i32 to index
        %get3A_1850 = arith.index_cast %get3A_1848 : i32 to index
        %get3A_1851 = arith.constant 80 : index
        %get3A_1852 = tpu.vector_load %arg10[%get3A_1849, %get3A_1850, %get3A_1851] {strides = array<i32>} : memref<4x80x128xf32, #tpu.memory_space<vmem>>, vector<16xf32>,
        %mul3A_1853 = arith.mulf %get3A_1852, %get3A_135 : vector<16xf32>
        %get3A_1854 = arith.constant 26 : i32
        %get3A_1855 = arith.index_cast %rem3A_101 : i32 to index
        %get3A_1856 = arith.index_cast %get3A_1854 : i32 to index
        %get3A_1857 = arith.constant 96 : index
        %get3A_1858 = tpu.vector_load %arg10[%get3A_1855, %get3A_1856, %get3A_1857] {strides = array<i32>} : memref<4x80x128xf32, #tpu.memory_space<vmem>>, vector<16xf32>,
        %mul3A_1859 = arith.mulf %get3A_1858, %get3A_138 : vector<16xf32>
        %get3A_1860 = arith.constant 26 : i32
        %get3A_1861 = arith.index_cast %rem3A_101 : i32 to index
        %get3A_1862 = arith.index_cast %get3A_1860 : i32 to index
        %get3A_1863 = arith.constant 112 : index
        %get3A_1864 = tpu.vector_load %arg10[%get3A_1861, %get3A_1862, %get3A_1863] {strides = array<i32>} : memref<4x80x128xf32, #tpu.memory_space<vmem>>, vector<16xf32>,
        %mul3A_1865 = arith.mulf %get3A_1864, %get3A_141 : vector<16xf32>
        %add3A_1866 = arith.addf %mul3A_1823, %mul3A_1829 : vector<16xf32>
        %add3A_1867 = arith.addf %mul3A_1835, %mul3A_1841 : vector<16xf32>
        %add3A_1868 = arith.addf %mul3A_1847, %mul3A_1853 : vector<16xf32>
        %add3A_1869 = arith.addf %mul3A_1859, %mul3A_1865 : vector<16xf32>
        %add3A_1870 = arith.addf %add3A_1866, %add3A_1867 : vector<16xf32>
        %add3A_1871 = arith.addf %add3A_1868, %add3A_1869 : vector<16xf32>
        %add3A_1872 = arith.addf %add3A_1870, %add3A_1871 : vector<16xf32>
        %eq3A_1873 = arith.constant 10 : i32
        %eq3A_1874 = vector.broadcast %eq3A_1873 : i32 to vector<16xi32>
        %eq3A_1875 = arith.cmpi eq, %iota3A, %eq3A_1874 : vector<16xi32>
        %reduce_sum3A_1876 = arith.constant true
        %reduce_sum3A_1877 = vector.broadcast %reduce_sum3A_1876 : i1 to vector<16xi1>
        %reduce_sum3A_1878 = tpu.scan <sum>, %add3A_1872 masked %reduce_sum3A_1877 : vector<16xf32>, vector<16xi1> -> vector<16xf32>
        %reduce_sum3A_1879 = vector.extract %reduce_sum3A_1878[15] : f32 from vector<16xf32>
        %broadcast_in_dim3A_1880 = vector.broadcast %reduce_sum3A_1879 : f32 to vector<16xf32>
        %select_n3A_1881 = arith.select %eq3A_1875, %broadcast_in_dim3A_1880, %select_n3A_1817 : vector<16xi1>, vector<16xf32>
        %get3A_1882 = arith.constant 27 : i32
        %get3A_1883 = arith.index_cast %rem3A_101 : i32 to index
        %get3A_1884 = arith.index_cast %get3A_1882 : i32 to index
        %get3A_1885 = arith.constant 0 : index
        %get3A_1886 = tpu.vector_load %arg10[%get3A_1883, %get3A_1884, %get3A_1885] {strides = array<i32>} : memref<4x80x128xf32, #tpu.memory_space<vmem>>, vector<16xf32>,
        %mul3A_1887 = arith.mulf %get3A_1886, %get3A_120 : vector<16xf32>
        %get3A_1888 = arith.constant 27 : i32
        %get3A_1889 = arith.index_cast %rem3A_101 : i32 to index
        %get3A_1890 = arith.index_cast %get3A_1888 : i32 to index
        %get3A_1891 = arith.constant 16 : index
        %get3A_1892 = tpu.vector_load %arg10[%get3A_1889, %get3A_1890, %get3A_1891] {strides = array<i32>} : memref<4x80x128xf32, #tpu.memory_space<vmem>>, vector<16xf32>,
        %mul3A_1893 = arith.mulf %get3A_1892, %get3A_123 : vector<16xf32>
        %get3A_1894 = arith.constant 27 : i32
        %get3A_1895 = arith.index_cast %rem3A_101 : i32 to index
        %get3A_1896 = arith.index_cast %get3A_1894 : i32 to index
        %get3A_1897 = arith.constant 32 : index
        %get3A_1898 = tpu.vector_load %arg10[%get3A_1895, %get3A_1896, %get3A_1897] {strides = array<i32>} : memref<4x80x128xf32, #tpu.memory_space<vmem>>, vector<16xf32>,
        %mul3A_1899 = arith.mulf %get3A_1898, %get3A_126 : vector<16xf32>
        %get3A_1900 = arith.constant 27 : i32
        %get3A_1901 = arith.index_cast %rem3A_101 : i32 to index
        %get3A_1902 = arith.index_cast %get3A_1900 : i32 to index
        %get3A_1903 = arith.constant 48 : index
        %get3A_1904 = tpu.vector_load %arg10[%get3A_1901, %get3A_1902, %get3A_1903] {strides = array<i32>} : memref<4x80x128xf32, #tpu.memory_space<vmem>>, vector<16xf32>,
        %mul3A_1905 = arith.mulf %get3A_1904, %get3A_129 : vector<16xf32>
        %get3A_1906 = arith.constant 27 : i32
        %get3A_1907 = arith.index_cast %rem3A_101 : i32 to index
        %get3A_1908 = arith.index_cast %get3A_1906 : i32 to index
        %get3A_1909 = arith.constant 64 : index
        %get3A_1910 = tpu.vector_load %arg10[%get3A_1907, %get3A_1908, %get3A_1909] {strides = array<i32>} : memref<4x80x128xf32, #tpu.memory_space<vmem>>, vector<16xf32>,
        %mul3A_1911 = arith.mulf %get3A_1910, %get3A_132 : vector<16xf32>
        %get3A_1912 = arith.constant 27 : i32
        %get3A_1913 = arith.index_cast %rem3A_101 : i32 to index
        %get3A_1914 = arith.index_cast %get3A_1912 : i32 to index
        %get3A_1915 = arith.constant 80 : index
        %get3A_1916 = tpu.vector_load %arg10[%get3A_1913, %get3A_1914, %get3A_1915] {strides = array<i32>} : memref<4x80x128xf32, #tpu.memory_space<vmem>>, vector<16xf32>,
        %mul3A_1917 = arith.mulf %get3A_1916, %get3A_135 : vector<16xf32>
        %get3A_1918 = arith.constant 27 : i32
        %get3A_1919 = arith.index_cast %rem3A_101 : i32 to index
        %get3A_1920 = arith.index_cast %get3A_1918 : i32 to index
        %get3A_1921 = arith.constant 96 : index
        %get3A_1922 = tpu.vector_load %arg10[%get3A_1919, %get3A_1920, %get3A_1921] {strides = array<i32>} : memref<4x80x128xf32, #tpu.memory_space<vmem>>, vector<16xf32>,
        %mul3A_1923 = arith.mulf %get3A_1922, %get3A_138 : vector<16xf32>
        %get3A_1924 = arith.constant 27 : i32
        %get3A_1925 = arith.index_cast %rem3A_101 : i32 to index
        %get3A_1926 = arith.index_cast %get3A_1924 : i32 to index
        %get3A_1927 = arith.constant 112 : index
        %get3A_1928 = tpu.vector_load %arg10[%get3A_1925, %get3A_1926, %get3A_1927] {strides = array<i32>} : memref<4x80x128xf32, #tpu.memory_space<vmem>>, vector<16xf32>,
        %mul3A_1929 = arith.mulf %get3A_1928, %get3A_141 : vector<16xf32>
        %add3A_1930 = arith.addf %mul3A_1887, %mul3A_1893 : vector<16xf32>
        %add3A_1931 = arith.addf %mul3A_1899, %mul3A_1905 : vector<16xf32>
        %add3A_1932 = arith.addf %mul3A_1911, %mul3A_1917 : vector<16xf32>
        %add3A_1933 = arith.addf %mul3A_1923, %mul3A_1929 : vector<16xf32>
        %add3A_1934 = arith.addf %add3A_1930, %add3A_1931 : vector<16xf32>
        %add3A_1935 = arith.addf %add3A_1932, %add3A_1933 : vector<16xf32>
        %add3A_1936 = arith.addf %add3A_1934, %add3A_1935 : vector<16xf32>
        %eq3A_1937 = arith.constant 11 : i32
        %eq3A_1938 = vector.broadcast %eq3A_1937 : i32 to vector<16xi32>
        %eq3A_1939 = arith.cmpi eq, %iota3A, %eq3A_1938 : vector<16xi32>
        %reduce_sum3A_1940 = arith.constant true
        %reduce_sum3A_1941 = vector.broadcast %reduce_sum3A_1940 : i1 to vector<16xi1>
        %reduce_sum3A_1942 = tpu.scan <sum>, %add3A_1936 masked %reduce_sum3A_1941 : vector<16xf32>, vector<16xi1> -> vector<16xf32>
        %reduce_sum3A_1943 = vector.extract %reduce_sum3A_1942[15] : f32 from vector<16xf32>
        %broadcast_in_dim3A_1944 = vector.broadcast %reduce_sum3A_1943 : f32 to vector<16xf32>
        %select_n3A_1945 = arith.select %eq3A_1939, %broadcast_in_dim3A_1944, %select_n3A_1881 : vector<16xi1>, vector<16xf32>
        %get3A_1946 = arith.constant 28 : i32
        %get3A_1947 = arith.index_cast %rem3A_101 : i32 to index
        %get3A_1948 = arith.index_cast %get3A_1946 : i32 to index
        %get3A_1949 = arith.constant 0 : index
        %get3A_1950 = tpu.vector_load %arg10[%get3A_1947, %get3A_1948, %get3A_1949] {strides = array<i32>} : memref<4x80x128xf32, #tpu.memory_space<vmem>>, vector<16xf32>,
        %mul3A_1951 = arith.mulf %get3A_1950, %get3A_120 : vector<16xf32>
        %get3A_1952 = arith.constant 28 : i32
        %get3A_1953 = arith.index_cast %rem3A_101 : i32 to index
        %get3A_1954 = arith.index_cast %get3A_1952 : i32 to index
        %get3A_1955 = arith.constant 16 : index
        %get3A_1956 = tpu.vector_load %arg10[%get3A_1953, %get3A_1954, %get3A_1955] {strides = array<i32>} : memref<4x80x128xf32, #tpu.memory_space<vmem>>, vector<16xf32>,
        %mul3A_1957 = arith.mulf %get3A_1956, %get3A_123 : vector<16xf32>
        %get3A_1958 = arith.constant 28 : i32
        %get3A_1959 = arith.index_cast %rem3A_101 : i32 to index
        %get3A_1960 = arith.index_cast %get3A_1958 : i32 to index
        %get3A_1961 = arith.constant 32 : index
        %get3A_1962 = tpu.vector_load %arg10[%get3A_1959, %get3A_1960, %get3A_1961] {strides = array<i32>} : memref<4x80x128xf32, #tpu.memory_space<vmem>>, vector<16xf32>,
        %mul3A_1963 = arith.mulf %get3A_1962, %get3A_126 : vector<16xf32>
        %get3A_1964 = arith.constant 28 : i32
        %get3A_1965 = arith.index_cast %rem3A_101 : i32 to index
        %get3A_1966 = arith.index_cast %get3A_1964 : i32 to index
        %get3A_1967 = arith.constant 48 : index
        %get3A_1968 = tpu.vector_load %arg10[%get3A_1965, %get3A_1966, %get3A_1967] {strides = array<i32>} : memref<4x80x128xf32, #tpu.memory_space<vmem>>, vector<16xf32>,
        %mul3A_1969 = arith.mulf %get3A_1968, %get3A_129 : vector<16xf32>
        %get3A_1970 = arith.constant 28 : i32
        %get3A_1971 = arith.index_cast %rem3A_101 : i32 to index
        %get3A_1972 = arith.index_cast %get3A_1970 : i32 to index
        %get3A_1973 = arith.constant 64 : index
        %get3A_1974 = tpu.vector_load %arg10[%get3A_1971, %get3A_1972, %get3A_1973] {strides = array<i32>} : memref<4x80x128xf32, #tpu.memory_space<vmem>>, vector<16xf32>,
        %mul3A_1975 = arith.mulf %get3A_1974, %get3A_132 : vector<16xf32>
        %get3A_1976 = arith.constant 28 : i32
        %get3A_1977 = arith.index_cast %rem3A_101 : i32 to index
        %get3A_1978 = arith.index_cast %get3A_1976 : i32 to index
        %get3A_1979 = arith.constant 80 : index
        %get3A_1980 = tpu.vector_load %arg10[%get3A_1977, %get3A_1978, %get3A_1979] {strides = array<i32>} : memref<4x80x128xf32, #tpu.memory_space<vmem>>, vector<16xf32>,
        %mul3A_1981 = arith.mulf %get3A_1980, %get3A_135 : vector<16xf32>
        %get3A_1982 = arith.constant 28 : i32
        %get3A_1983 = arith.index_cast %rem3A_101 : i32 to index
        %get3A_1984 = arith.index_cast %get3A_1982 : i32 to index
        %get3A_1985 = arith.constant 96 : index
        %get3A_1986 = tpu.vector_load %arg10[%get3A_1983, %get3A_1984, %get3A_1985] {strides = array<i32>} : memref<4x80x128xf32, #tpu.memory_space<vmem>>, vector<16xf32>,
        %mul3A_1987 = arith.mulf %get3A_1986, %get3A_138 : vector<16xf32>
        %get3A_1988 = arith.constant 28 : i32
        %get3A_1989 = arith.index_cast %rem3A_101 : i32 to index
        %get3A_1990 = arith.index_cast %get3A_1988 : i32 to index
        %get3A_1991 = arith.constant 112 : index
        %get3A_1992 = tpu.vector_load %arg10[%get3A_1989, %get3A_1990, %get3A_1991] {strides = array<i32>} : memref<4x80x128xf32, #tpu.memory_space<vmem>>, vector<16xf32>,
        %mul3A_1993 = arith.mulf %get3A_1992, %get3A_141 : vector<16xf32>
        %add3A_1994 = arith.addf %mul3A_1951, %mul3A_1957 : vector<16xf32>
        %add3A_1995 = arith.addf %mul3A_1963, %mul3A_1969 : vector<16xf32>
        %add3A_1996 = arith.addf %mul3A_1975, %mul3A_1981 : vector<16xf32>
        %add3A_1997 = arith.addf %mul3A_1987, %mul3A_1993 : vector<16xf32>
        %add3A_1998 = arith.addf %add3A_1994, %add3A_1995 : vector<16xf32>
        %add3A_1999 = arith.addf %add3A_1996, %add3A_1997 : vector<16xf32>
        %add3A_2000 = arith.addf %add3A_1998, %add3A_1999 : vector<16xf32>
        %eq3A_2001 = arith.constant 12 : i32
        %eq3A_2002 = vector.broadcast %eq3A_2001 : i32 to vector<16xi32>
        %eq3A_2003 = arith.cmpi eq, %iota3A, %eq3A_2002 : vector<16xi32>
        %reduce_sum3A_2004 = arith.constant true
        %reduce_sum3A_2005 = vector.broadcast %reduce_sum3A_2004 : i1 to vector<16xi1>
        %reduce_sum3A_2006 = tpu.scan <sum>, %add3A_2000 masked %reduce_sum3A_2005 : vector<16xf32>, vector<16xi1> -> vector<16xf32>
        %reduce_sum3A_2007 = vector.extract %reduce_sum3A_2006[15] : f32 from vector<16xf32>
        %broadcast_in_dim3A_2008 = vector.broadcast %reduce_sum3A_2007 : f32 to vector<16xf32>
        %select_n3A_2009 = arith.select %eq3A_2003, %broadcast_in_dim3A_2008, %select_n3A_1945 : vector<16xi1>, vector<16xf32>
        %get3A_2010 = arith.constant 29 : i32
        %get3A_2011 = arith.index_cast %rem3A_101 : i32 to index
        %get3A_2012 = arith.index_cast %get3A_2010 : i32 to index
        %get3A_2013 = arith.constant 0 : index
        %get3A_2014 = tpu.vector_load %arg10[%get3A_2011, %get3A_2012, %get3A_2013] {strides = array<i32>} : memref<4x80x128xf32, #tpu.memory_space<vmem>>, vector<16xf32>,
        %mul3A_2015 = arith.mulf %get3A_2014, %get3A_120 : vector<16xf32>
        %get3A_2016 = arith.constant 29 : i32
        %get3A_2017 = arith.index_cast %rem3A_101 : i32 to index
        %get3A_2018 = arith.index_cast %get3A_2016 : i32 to index
        %get3A_2019 = arith.constant 16 : index
        %get3A_2020 = tpu.vector_load %arg10[%get3A_2017, %get3A_2018, %get3A_2019] {strides = array<i32>} : memref<4x80x128xf32, #tpu.memory_space<vmem>>, vector<16xf32>,
        %mul3A_2021 = arith.mulf %get3A_2020, %get3A_123 : vector<16xf32>
        %get3A_2022 = arith.constant 29 : i32
        %get3A_2023 = arith.index_cast %rem3A_101 : i32 to index
        %get3A_2024 = arith.index_cast %get3A_2022 : i32 to index
        %get3A_2025 = arith.constant 32 : index
        %get3A_2026 = tpu.vector_load %arg10[%get3A_2023, %get3A_2024, %get3A_2025] {strides = array<i32>} : memref<4x80x128xf32, #tpu.memory_space<vmem>>, vector<16xf32>,
        %mul3A_2027 = arith.mulf %get3A_2026, %get3A_126 : vector<16xf32>
        %get3A_2028 = arith.constant 29 : i32
        %get3A_2029 = arith.index_cast %rem3A_101 : i32 to index
        %get3A_2030 = arith.index_cast %get3A_2028 : i32 to index
        %get3A_2031 = arith.constant 48 : index
        %get3A_2032 = tpu.vector_load %arg10[%get3A_2029, %get3A_2030, %get3A_2031] {strides = array<i32>} : memref<4x80x128xf32, #tpu.memory_space<vmem>>, vector<16xf32>,
        %mul3A_2033 = arith.mulf %get3A_2032, %get3A_129 : vector<16xf32>
        %get3A_2034 = arith.constant 29 : i32
        %get3A_2035 = arith.index_cast %rem3A_101 : i32 to index
        %get3A_2036 = arith.index_cast %get3A_2034 : i32 to index
        %get3A_2037 = arith.constant 64 : index
        %get3A_2038 = tpu.vector_load %arg10[%get3A_2035, %get3A_2036, %get3A_2037] {strides = array<i32>} : memref<4x80x128xf32, #tpu.memory_space<vmem>>, vector<16xf32>,
        %mul3A_2039 = arith.mulf %get3A_2038, %get3A_132 : vector<16xf32>
        %get3A_2040 = arith.constant 29 : i32
        %get3A_2041 = arith.index_cast %rem3A_101 : i32 to index
        %get3A_2042 = arith.index_cast %get3A_2040 : i32 to index
        %get3A_2043 = arith.constant 80 : index
        %get3A_2044 = tpu.vector_load %arg10[%get3A_2041, %get3A_2042, %get3A_2043] {strides = array<i32>} : memref<4x80x128xf32, #tpu.memory_space<vmem>>, vector<16xf32>,
        %mul3A_2045 = arith.mulf %get3A_2044, %get3A_135 : vector<16xf32>
        %get3A_2046 = arith.constant 29 : i32
        %get3A_2047 = arith.index_cast %rem3A_101 : i32 to index
        %get3A_2048 = arith.index_cast %get3A_2046 : i32 to index
        %get3A_2049 = arith.constant 96 : index
        %get3A_2050 = tpu.vector_load %arg10[%get3A_2047, %get3A_2048, %get3A_2049] {strides = array<i32>} : memref<4x80x128xf32, #tpu.memory_space<vmem>>, vector<16xf32>,
        %mul3A_2051 = arith.mulf %get3A_2050, %get3A_138 : vector<16xf32>
        %get3A_2052 = arith.constant 29 : i32
        %get3A_2053 = arith.index_cast %rem3A_101 : i32 to index
        %get3A_2054 = arith.index_cast %get3A_2052 : i32 to index
        %get3A_2055 = arith.constant 112 : index
        %get3A_2056 = tpu.vector_load %arg10[%get3A_2053, %get3A_2054, %get3A_2055] {strides = array<i32>} : memref<4x80x128xf32, #tpu.memory_space<vmem>>, vector<16xf32>,
        %mul3A_2057 = arith.mulf %get3A_2056, %get3A_141 : vector<16xf32>
        %add3A_2058 = arith.addf %mul3A_2015, %mul3A_2021 : vector<16xf32>
        %add3A_2059 = arith.addf %mul3A_2027, %mul3A_2033 : vector<16xf32>
        %add3A_2060 = arith.addf %mul3A_2039, %mul3A_2045 : vector<16xf32>
        %add3A_2061 = arith.addf %mul3A_2051, %mul3A_2057 : vector<16xf32>
        %add3A_2062 = arith.addf %add3A_2058, %add3A_2059 : vector<16xf32>
        %add3A_2063 = arith.addf %add3A_2060, %add3A_2061 : vector<16xf32>
        %add3A_2064 = arith.addf %add3A_2062, %add3A_2063 : vector<16xf32>
        %eq3A_2065 = arith.constant 13 : i32
        %eq3A_2066 = vector.broadcast %eq3A_2065 : i32 to vector<16xi32>
        %eq3A_2067 = arith.cmpi eq, %iota3A, %eq3A_2066 : vector<16xi32>
        %reduce_sum3A_2068 = arith.constant true
        %reduce_sum3A_2069 = vector.broadcast %reduce_sum3A_2068 : i1 to vector<16xi1>
        %reduce_sum3A_2070 = tpu.scan <sum>, %add3A_2064 masked %reduce_sum3A_2069 : vector<16xf32>, vector<16xi1> -> vector<16xf32>
        %reduce_sum3A_2071 = vector.extract %reduce_sum3A_2070[15] : f32 from vector<16xf32>
        %broadcast_in_dim3A_2072 = vector.broadcast %reduce_sum3A_2071 : f32 to vector<16xf32>
        %select_n3A_2073 = arith.select %eq3A_2067, %broadcast_in_dim3A_2072, %select_n3A_2009 : vector<16xi1>, vector<16xf32>
        %get3A_2074 = arith.constant 30 : i32
        %get3A_2075 = arith.index_cast %rem3A_101 : i32 to index
        %get3A_2076 = arith.index_cast %get3A_2074 : i32 to index
        %get3A_2077 = arith.constant 0 : index
        %get3A_2078 = tpu.vector_load %arg10[%get3A_2075, %get3A_2076, %get3A_2077] {strides = array<i32>} : memref<4x80x128xf32, #tpu.memory_space<vmem>>, vector<16xf32>,
        %mul3A_2079 = arith.mulf %get3A_2078, %get3A_120 : vector<16xf32>
        %get3A_2080 = arith.constant 30 : i32
        %get3A_2081 = arith.index_cast %rem3A_101 : i32 to index
        %get3A_2082 = arith.index_cast %get3A_2080 : i32 to index
        %get3A_2083 = arith.constant 16 : index
        %get3A_2084 = tpu.vector_load %arg10[%get3A_2081, %get3A_2082, %get3A_2083] {strides = array<i32>} : memref<4x80x128xf32, #tpu.memory_space<vmem>>, vector<16xf32>,
        %mul3A_2085 = arith.mulf %get3A_2084, %get3A_123 : vector<16xf32>
        %get3A_2086 = arith.constant 30 : i32
        %get3A_2087 = arith.index_cast %rem3A_101 : i32 to index
        %get3A_2088 = arith.index_cast %get3A_2086 : i32 to index
        %get3A_2089 = arith.constant 32 : index
        %get3A_2090 = tpu.vector_load %arg10[%get3A_2087, %get3A_2088, %get3A_2089] {strides = array<i32>} : memref<4x80x128xf32, #tpu.memory_space<vmem>>, vector<16xf32>,
        %mul3A_2091 = arith.mulf %get3A_2090, %get3A_126 : vector<16xf32>
        %get3A_2092 = arith.constant 30 : i32
        %get3A_2093 = arith.index_cast %rem3A_101 : i32 to index
        %get3A_2094 = arith.index_cast %get3A_2092 : i32 to index
        %get3A_2095 = arith.constant 48 : index
        %get3A_2096 = tpu.vector_load %arg10[%get3A_2093, %get3A_2094, %get3A_2095] {strides = array<i32>} : memref<4x80x128xf32, #tpu.memory_space<vmem>>, vector<16xf32>,
        %mul3A_2097 = arith.mulf %get3A_2096, %get3A_129 : vector<16xf32>
        %get3A_2098 = arith.constant 30 : i32
        %get3A_2099 = arith.index_cast %rem3A_101 : i32 to index
        %get3A_2100 = arith.index_cast %get3A_2098 : i32 to index
        %get3A_2101 = arith.constant 64 : index
        %get3A_2102 = tpu.vector_load %arg10[%get3A_2099, %get3A_2100, %get3A_2101] {strides = array<i32>} : memref<4x80x128xf32, #tpu.memory_space<vmem>>, vector<16xf32>,
        %mul3A_2103 = arith.mulf %get3A_2102, %get3A_132 : vector<16xf32>
        %get3A_2104 = arith.constant 30 : i32
        %get3A_2105 = arith.index_cast %rem3A_101 : i32 to index
        %get3A_2106 = arith.index_cast %get3A_2104 : i32 to index
        %get3A_2107 = arith.constant 80 : index
        %get3A_2108 = tpu.vector_load %arg10[%get3A_2105, %get3A_2106, %get3A_2107] {strides = array<i32>} : memref<4x80x128xf32, #tpu.memory_space<vmem>>, vector<16xf32>,
        %mul3A_2109 = arith.mulf %get3A_2108, %get3A_135 : vector<16xf32>
        %get3A_2110 = arith.constant 30 : i32
        %get3A_2111 = arith.index_cast %rem3A_101 : i32 to index
        %get3A_2112 = arith.index_cast %get3A_2110 : i32 to index
        %get3A_2113 = arith.constant 96 : index
        %get3A_2114 = tpu.vector_load %arg10[%get3A_2111, %get3A_2112, %get3A_2113] {strides = array<i32>} : memref<4x80x128xf32, #tpu.memory_space<vmem>>, vector<16xf32>,
        %mul3A_2115 = arith.mulf %get3A_2114, %get3A_138 : vector<16xf32>
        %get3A_2116 = arith.constant 30 : i32
        %get3A_2117 = arith.index_cast %rem3A_101 : i32 to index
        %get3A_2118 = arith.index_cast %get3A_2116 : i32 to index
        %get3A_2119 = arith.constant 112 : index
        %get3A_2120 = tpu.vector_load %arg10[%get3A_2117, %get3A_2118, %get3A_2119] {strides = array<i32>} : memref<4x80x128xf32, #tpu.memory_space<vmem>>, vector<16xf32>,
        %mul3A_2121 = arith.mulf %get3A_2120, %get3A_141 : vector<16xf32>
        %add3A_2122 = arith.addf %mul3A_2079, %mul3A_2085 : vector<16xf32>
        %add3A_2123 = arith.addf %mul3A_2091, %mul3A_2097 : vector<16xf32>
        %add3A_2124 = arith.addf %mul3A_2103, %mul3A_2109 : vector<16xf32>
        %add3A_2125 = arith.addf %mul3A_2115, %mul3A_2121 : vector<16xf32>
        %add3A_2126 = arith.addf %add3A_2122, %add3A_2123 : vector<16xf32>
        %add3A_2127 = arith.addf %add3A_2124, %add3A_2125 : vector<16xf32>
        %add3A_2128 = arith.addf %add3A_2126, %add3A_2127 : vector<16xf32>
        %eq3A_2129 = arith.constant 14 : i32
        %eq3A_2130 = vector.broadcast %eq3A_2129 : i32 to vector<16xi32>
        %eq3A_2131 = arith.cmpi eq, %iota3A, %eq3A_2130 : vector<16xi32>
        %reduce_sum3A_2132 = arith.constant true
        %reduce_sum3A_2133 = vector.broadcast %reduce_sum3A_2132 : i1 to vector<16xi1>
        %reduce_sum3A_2134 = tpu.scan <sum>, %add3A_2128 masked %reduce_sum3A_2133 : vector<16xf32>, vector<16xi1> -> vector<16xf32>
        %reduce_sum3A_2135 = vector.extract %reduce_sum3A_2134[15] : f32 from vector<16xf32>
        %broadcast_in_dim3A_2136 = vector.broadcast %reduce_sum3A_2135 : f32 to vector<16xf32>
        %select_n3A_2137 = arith.select %eq3A_2131, %broadcast_in_dim3A_2136, %select_n3A_2073 : vector<16xi1>, vector<16xf32>
        %get3A_2138 = arith.constant 31 : i32
        %get3A_2139 = arith.index_cast %rem3A_101 : i32 to index
        %get3A_2140 = arith.index_cast %get3A_2138 : i32 to index
        %get3A_2141 = arith.constant 0 : index
        %get3A_2142 = tpu.vector_load %arg10[%get3A_2139, %get3A_2140, %get3A_2141] {strides = array<i32>} : memref<4x80x128xf32, #tpu.memory_space<vmem>>, vector<16xf32>,
        %mul3A_2143 = arith.mulf %get3A_2142, %get3A_120 : vector<16xf32>
        %get3A_2144 = arith.constant 31 : i32
        %get3A_2145 = arith.index_cast %rem3A_101 : i32 to index
        %get3A_2146 = arith.index_cast %get3A_2144 : i32 to index
        %get3A_2147 = arith.constant 16 : index
        %get3A_2148 = tpu.vector_load %arg10[%get3A_2145, %get3A_2146, %get3A_2147] {strides = array<i32>} : memref<4x80x128xf32, #tpu.memory_space<vmem>>, vector<16xf32>,
        %mul3A_2149 = arith.mulf %get3A_2148, %get3A_123 : vector<16xf32>
        %get3A_2150 = arith.constant 31 : i32
        %get3A_2151 = arith.index_cast %rem3A_101 : i32 to index
        %get3A_2152 = arith.index_cast %get3A_2150 : i32 to index
        %get3A_2153 = arith.constant 32 : index
        %get3A_2154 = tpu.vector_load %arg10[%get3A_2151, %get3A_2152, %get3A_2153] {strides = array<i32>} : memref<4x80x128xf32, #tpu.memory_space<vmem>>, vector<16xf32>,
        %mul3A_2155 = arith.mulf %get3A_2154, %get3A_126 : vector<16xf32>
        %get3A_2156 = arith.constant 31 : i32
        %get3A_2157 = arith.index_cast %rem3A_101 : i32 to index
        %get3A_2158 = arith.index_cast %get3A_2156 : i32 to index
        %get3A_2159 = arith.constant 48 : index
        %get3A_2160 = tpu.vector_load %arg10[%get3A_2157, %get3A_2158, %get3A_2159] {strides = array<i32>} : memref<4x80x128xf32, #tpu.memory_space<vmem>>, vector<16xf32>,
        %mul3A_2161 = arith.mulf %get3A_2160, %get3A_129 : vector<16xf32>
        %get3A_2162 = arith.constant 31 : i32
        %get3A_2163 = arith.index_cast %rem3A_101 : i32 to index
        %get3A_2164 = arith.index_cast %get3A_2162 : i32 to index
        %get3A_2165 = arith.constant 64 : index
        %get3A_2166 = tpu.vector_load %arg10[%get3A_2163, %get3A_2164, %get3A_2165] {strides = array<i32>} : memref<4x80x128xf32, #tpu.memory_space<vmem>>, vector<16xf32>,
        %mul3A_2167 = arith.mulf %get3A_2166, %get3A_132 : vector<16xf32>
        %get3A_2168 = arith.constant 31 : i32
        %get3A_2169 = arith.index_cast %rem3A_101 : i32 to index
        %get3A_2170 = arith.index_cast %get3A_2168 : i32 to index
        %get3A_2171 = arith.constant 80 : index
        %get3A_2172 = tpu.vector_load %arg10[%get3A_2169, %get3A_2170, %get3A_2171] {strides = array<i32>} : memref<4x80x128xf32, #tpu.memory_space<vmem>>, vector<16xf32>,
        %mul3A_2173 = arith.mulf %get3A_2172, %get3A_135 : vector<16xf32>
        %get3A_2174 = arith.constant 31 : i32
        %get3A_2175 = arith.index_cast %rem3A_101 : i32 to index
        %get3A_2176 = arith.index_cast %get3A_2174 : i32 to index
        %get3A_2177 = arith.constant 96 : index
        %get3A_2178 = tpu.vector_load %arg10[%get3A_2175, %get3A_2176, %get3A_2177] {strides = array<i32>} : memref<4x80x128xf32, #tpu.memory_space<vmem>>, vector<16xf32>,
        %mul3A_2179 = arith.mulf %get3A_2178, %get3A_138 : vector<16xf32>
        %get3A_2180 = arith.constant 31 : i32
        %get3A_2181 = arith.index_cast %rem3A_101 : i32 to index
        %get3A_2182 = arith.index_cast %get3A_2180 : i32 to index
        %get3A_2183 = arith.constant 112 : index
        %get3A_2184 = tpu.vector_load %arg10[%get3A_2181, %get3A_2182, %get3A_2183] {strides = array<i32>} : memref<4x80x128xf32, #tpu.memory_space<vmem>>, vector<16xf32>,
        %mul3A_2185 = arith.mulf %get3A_2184, %get3A_141 : vector<16xf32>
        %add3A_2186 = arith.addf %mul3A_2143, %mul3A_2149 : vector<16xf32>
        %add3A_2187 = arith.addf %mul3A_2155, %mul3A_2161 : vector<16xf32>
        %add3A_2188 = arith.addf %mul3A_2167, %mul3A_2173 : vector<16xf32>
        %add3A_2189 = arith.addf %mul3A_2179, %mul3A_2185 : vector<16xf32>
        %add3A_2190 = arith.addf %add3A_2186, %add3A_2187 : vector<16xf32>
        %add3A_2191 = arith.addf %add3A_2188, %add3A_2189 : vector<16xf32>
        %add3A_2192 = arith.addf %add3A_2190, %add3A_2191 : vector<16xf32>
        %eq3A_2193 = arith.constant 15 : i32
        %eq3A_2194 = vector.broadcast %eq3A_2193 : i32 to vector<16xi32>
        %eq3A_2195 = arith.cmpi eq, %iota3A, %eq3A_2194 : vector<16xi32>
        %reduce_sum3A_2196 = arith.constant true
        %reduce_sum3A_2197 = vector.broadcast %reduce_sum3A_2196 : i1 to vector<16xi1>
        %reduce_sum3A_2198 = tpu.scan <sum>, %add3A_2192 masked %reduce_sum3A_2197 : vector<16xf32>, vector<16xi1> -> vector<16xf32>
        %reduce_sum3A_2199 = vector.extract %reduce_sum3A_2198[15] : f32 from vector<16xf32>
        %broadcast_in_dim3A_2200 = vector.broadcast %reduce_sum3A_2199 : f32 to vector<16xf32>
        %select_n3A_2201 = arith.select %eq3A_2195, %broadcast_in_dim3A_2200, %select_n3A_2137 : vector<16xi1>, vector<16xf32>
        %neg3A_2202 = arith.constant 0.000000e+00 : f32
        %neg3A_2203 = vector.broadcast %neg3A_2202 : f32 to vector<16xf32>
        %neg3A_2204 = arith.subf %neg3A_2203, %select_n3A_2201 : vector<16xf32>
        %exp3A_2205 = math.exp %neg3A_2204 : vector<16xf32>
        %add3A_2206 = arith.constant 1.000000e+00 : f32
        %add3A_2207 = vector.broadcast %add3A_2206 : f32 to vector<16xf32>
        %add3A_2208 = arith.addf %add3A_2207, %exp3A_2205 : vector<16xf32>
        %div3A_2209 = arith.constant 1.000000e+00 : f32
        %div3A_2210 = vector.broadcast %div3A_2209 : f32 to vector<16xf32>
        %div3A_2211 = arith.divf %div3A_2210, %add3A_2208 : vector<16xf32>
        %mul3A_2212 = arith.constant 70 : i32
        %mul3A_2213 = arith.muli %scan3A_99, %mul3A_2212 : i32
        %add3A_2214 = arith.constant 16 : i32
        %add3A_2215 = arith.addi %mul3A_2213, %add3A_2214 : i32
        %swap3A_2216 = arith.index_cast %add3A_2215 : i32 to index
        %swap3A_2217 = tpu.vector_load %arg11[%swap3A_2216] {strides = array<i32>} : memref<17936xf32, #tpu.memory_space<vmem>>, vector<16xf32>,
        tpu.vector_store %arg11[%swap3A_2216], %div3A_2211 {strides = array<i32>} : memref<17936xf32, #tpu.memory_space<vmem>>, vector<16xf32>,
        %broadcast_in_dim3A_2218 = arith.constant 0.000000e+00 : f32
        %broadcast_in_dim3A_2219 = vector.broadcast %broadcast_in_dim3A_2218 : f32 to vector<16xf32>
        %get3A_2220 = arith.constant 32 : i32
        %get3A_2221 = arith.index_cast %rem3A_101 : i32 to index
        %get3A_2222 = arith.index_cast %get3A_2220 : i32 to index
        %get3A_2223 = arith.constant 0 : index
        %get3A_2224 = tpu.vector_load %arg10[%get3A_2221, %get3A_2222, %get3A_2223] {strides = array<i32>} : memref<4x80x128xf32, #tpu.memory_space<vmem>>, vector<16xf32>,
        %mul3A_2225 = arith.mulf %get3A_2224, %get3A_120 : vector<16xf32>
        %get3A_2226 = arith.constant 32 : i32
        %get3A_2227 = arith.index_cast %rem3A_101 : i32 to index
        %get3A_2228 = arith.index_cast %get3A_2226 : i32 to index
        %get3A_2229 = arith.constant 16 : index
        %get3A_2230 = tpu.vector_load %arg10[%get3A_2227, %get3A_2228, %get3A_2229] {strides = array<i32>} : memref<4x80x128xf32, #tpu.memory_space<vmem>>, vector<16xf32>,
        %mul3A_2231 = arith.mulf %get3A_2230, %get3A_123 : vector<16xf32>
        %get3A_2232 = arith.constant 32 : i32
        %get3A_2233 = arith.index_cast %rem3A_101 : i32 to index
        %get3A_2234 = arith.index_cast %get3A_2232 : i32 to index
        %get3A_2235 = arith.constant 32 : index
        %get3A_2236 = tpu.vector_load %arg10[%get3A_2233, %get3A_2234, %get3A_2235] {strides = array<i32>} : memref<4x80x128xf32, #tpu.memory_space<vmem>>, vector<16xf32>,
        %mul3A_2237 = arith.mulf %get3A_2236, %get3A_126 : vector<16xf32>
        %get3A_2238 = arith.constant 32 : i32
        %get3A_2239 = arith.index_cast %rem3A_101 : i32 to index
        %get3A_2240 = arith.index_cast %get3A_2238 : i32 to index
        %get3A_2241 = arith.constant 48 : index
        %get3A_2242 = tpu.vector_load %arg10[%get3A_2239, %get3A_2240, %get3A_2241] {strides = array<i32>} : memref<4x80x128xf32, #tpu.memory_space<vmem>>, vector<16xf32>,
        %mul3A_2243 = arith.mulf %get3A_2242, %get3A_129 : vector<16xf32>
        %get3A_2244 = arith.constant 32 : i32
        %get3A_2245 = arith.index_cast %rem3A_101 : i32 to index
        %get3A_2246 = arith.index_cast %get3A_2244 : i32 to index
        %get3A_2247 = arith.constant 64 : index
        %get3A_2248 = tpu.vector_load %arg10[%get3A_2245, %get3A_2246, %get3A_2247] {strides = array<i32>} : memref<4x80x128xf32, #tpu.memory_space<vmem>>, vector<16xf32>,
        %mul3A_2249 = arith.mulf %get3A_2248, %get3A_132 : vector<16xf32>
        %get3A_2250 = arith.constant 32 : i32
        %get3A_2251 = arith.index_cast %rem3A_101 : i32 to index
        %get3A_2252 = arith.index_cast %get3A_2250 : i32 to index
        %get3A_2253 = arith.constant 80 : index
        %get3A_2254 = tpu.vector_load %arg10[%get3A_2251, %get3A_2252, %get3A_2253] {strides = array<i32>} : memref<4x80x128xf32, #tpu.memory_space<vmem>>, vector<16xf32>,
        %mul3A_2255 = arith.mulf %get3A_2254, %get3A_135 : vector<16xf32>
        %get3A_2256 = arith.constant 32 : i32
        %get3A_2257 = arith.index_cast %rem3A_101 : i32 to index
        %get3A_2258 = arith.index_cast %get3A_2256 : i32 to index
        %get3A_2259 = arith.constant 96 : index
        %get3A_2260 = tpu.vector_load %arg10[%get3A_2257, %get3A_2258, %get3A_2259] {strides = array<i32>} : memref<4x80x128xf32, #tpu.memory_space<vmem>>, vector<16xf32>,
        %mul3A_2261 = arith.mulf %get3A_2260, %get3A_138 : vector<16xf32>
        %get3A_2262 = arith.constant 32 : i32
        %get3A_2263 = arith.index_cast %rem3A_101 : i32 to index
        %get3A_2264 = arith.index_cast %get3A_2262 : i32 to index
        %get3A_2265 = arith.constant 112 : index
        %get3A_2266 = tpu.vector_load %arg10[%get3A_2263, %get3A_2264, %get3A_2265] {strides = array<i32>} : memref<4x80x128xf32, #tpu.memory_space<vmem>>, vector<16xf32>,
        %mul3A_2267 = arith.mulf %get3A_2266, %get3A_141 : vector<16xf32>
        %add3A_2268 = arith.addf %mul3A_2225, %mul3A_2231 : vector<16xf32>
        %add3A_2269 = arith.addf %mul3A_2237, %mul3A_2243 : vector<16xf32>
        %add3A_2270 = arith.addf %mul3A_2249, %mul3A_2255 : vector<16xf32>
        %add3A_2271 = arith.addf %mul3A_2261, %mul3A_2267 : vector<16xf32>
        %add3A_2272 = arith.addf %add3A_2268, %add3A_2269 : vector<16xf32>
        %add3A_2273 = arith.addf %add3A_2270, %add3A_2271 : vector<16xf32>
        %add3A_2274 = arith.addf %add3A_2272, %add3A_2273 : vector<16xf32>
        %eq3A_2275 = arith.constant 0 : i32
        %eq3A_2276 = vector.broadcast %eq3A_2275 : i32 to vector<16xi32>
        %eq3A_2277 = arith.cmpi eq, %iota3A, %eq3A_2276 : vector<16xi32>
        %reduce_sum3A_2278 = arith.constant true
        %reduce_sum3A_2279 = vector.broadcast %reduce_sum3A_2278 : i1 to vector<16xi1>
        %reduce_sum3A_2280 = tpu.scan <sum>, %add3A_2274 masked %reduce_sum3A_2279 : vector<16xf32>, vector<16xi1> -> vector<16xf32>
        %reduce_sum3A_2281 = vector.extract %reduce_sum3A_2280[15] : f32 from vector<16xf32>
        %broadcast_in_dim3A_2282 = vector.broadcast %reduce_sum3A_2281 : f32 to vector<16xf32>
        %select_n3A_2283 = arith.select %eq3A_2277, %broadcast_in_dim3A_2282, %broadcast_in_dim3A_2219 : vector<16xi1>, vector<16xf32>
        %get3A_2284 = arith.constant 33 : i32
        %get3A_2285 = arith.index_cast %rem3A_101 : i32 to index
        %get3A_2286 = arith.index_cast %get3A_2284 : i32 to index
        %get3A_2287 = arith.constant 0 : index
        %get3A_2288 = tpu.vector_load %arg10[%get3A_2285, %get3A_2286, %get3A_2287] {strides = array<i32>} : memref<4x80x128xf32, #tpu.memory_space<vmem>>, vector<16xf32>,
        %mul3A_2289 = arith.mulf %get3A_2288, %get3A_120 : vector<16xf32>
        %get3A_2290 = arith.constant 33 : i32
        %get3A_2291 = arith.index_cast %rem3A_101 : i32 to index
        %get3A_2292 = arith.index_cast %get3A_2290 : i32 to index
        %get3A_2293 = arith.constant 16 : index
        %get3A_2294 = tpu.vector_load %arg10[%get3A_2291, %get3A_2292, %get3A_2293] {strides = array<i32>} : memref<4x80x128xf32, #tpu.memory_space<vmem>>, vector<16xf32>,
        %mul3A_2295 = arith.mulf %get3A_2294, %get3A_123 : vector<16xf32>
        %get3A_2296 = arith.constant 33 : i32
        %get3A_2297 = arith.index_cast %rem3A_101 : i32 to index
        %get3A_2298 = arith.index_cast %get3A_2296 : i32 to index
        %get3A_2299 = arith.constant 32 : index
        %get3A_2300 = tpu.vector_load %arg10[%get3A_2297, %get3A_2298, %get3A_2299] {strides = array<i32>} : memref<4x80x128xf32, #tpu.memory_space<vmem>>, vector<16xf32>,
        %mul3A_2301 = arith.mulf %get3A_2300, %get3A_126 : vector<16xf32>
        %get3A_2302 = arith.constant 33 : i32
        %get3A_2303 = arith.index_cast %rem3A_101 : i32 to index
        %get3A_2304 = arith.index_cast %get3A_2302 : i32 to index
        %get3A_2305 = arith.constant 48 : index
        %get3A_2306 = tpu.vector_load %arg10[%get3A_2303, %get3A_2304, %get3A_2305] {strides = array<i32>} : memref<4x80x128xf32, #tpu.memory_space<vmem>>, vector<16xf32>,
        %mul3A_2307 = arith.mulf %get3A_2306, %get3A_129 : vector<16xf32>
        %get3A_2308 = arith.constant 33 : i32
        %get3A_2309 = arith.index_cast %rem3A_101 : i32 to index
        %get3A_2310 = arith.index_cast %get3A_2308 : i32 to index
        %get3A_2311 = arith.constant 64 : index
        %get3A_2312 = tpu.vector_load %arg10[%get3A_2309, %get3A_2310, %get3A_2311] {strides = array<i32>} : memref<4x80x128xf32, #tpu.memory_space<vmem>>, vector<16xf32>,
        %mul3A_2313 = arith.mulf %get3A_2312, %get3A_132 : vector<16xf32>
        %get3A_2314 = arith.constant 33 : i32
        %get3A_2315 = arith.index_cast %rem3A_101 : i32 to index
        %get3A_2316 = arith.index_cast %get3A_2314 : i32 to index
        %get3A_2317 = arith.constant 80 : index
        %get3A_2318 = tpu.vector_load %arg10[%get3A_2315, %get3A_2316, %get3A_2317] {strides = array<i32>} : memref<4x80x128xf32, #tpu.memory_space<vmem>>, vector<16xf32>,
        %mul3A_2319 = arith.mulf %get3A_2318, %get3A_135 : vector<16xf32>
        %get3A_2320 = arith.constant 33 : i32
        %get3A_2321 = arith.index_cast %rem3A_101 : i32 to index
        %get3A_2322 = arith.index_cast %get3A_2320 : i32 to index
        %get3A_2323 = arith.constant 96 : index
        %get3A_2324 = tpu.vector_load %arg10[%get3A_2321, %get3A_2322, %get3A_2323] {strides = array<i32>} : memref<4x80x128xf32, #tpu.memory_space<vmem>>, vector<16xf32>,
        %mul3A_2325 = arith.mulf %get3A_2324, %get3A_138 : vector<16xf32>
        %get3A_2326 = arith.constant 33 : i32
        %get3A_2327 = arith.index_cast %rem3A_101 : i32 to index
        %get3A_2328 = arith.index_cast %get3A_2326 : i32 to index
        %get3A_2329 = arith.constant 112 : index
        %get3A_2330 = tpu.vector_load %arg10[%get3A_2327, %get3A_2328, %get3A_2329] {strides = array<i32>} : memref<4x80x128xf32, #tpu.memory_space<vmem>>, vector<16xf32>,
        %mul3A_2331 = arith.mulf %get3A_2330, %get3A_141 : vector<16xf32>
        %add3A_2332 = arith.addf %mul3A_2289, %mul3A_2295 : vector<16xf32>
        %add3A_2333 = arith.addf %mul3A_2301, %mul3A_2307 : vector<16xf32>
        %add3A_2334 = arith.addf %mul3A_2313, %mul3A_2319 : vector<16xf32>
        %add3A_2335 = arith.addf %mul3A_2325, %mul3A_2331 : vector<16xf32>
        %add3A_2336 = arith.addf %add3A_2332, %add3A_2333 : vector<16xf32>
        %add3A_2337 = arith.addf %add3A_2334, %add3A_2335 : vector<16xf32>
        %add3A_2338 = arith.addf %add3A_2336, %add3A_2337 : vector<16xf32>
        %eq3A_2339 = arith.constant 1 : i32
        %eq3A_2340 = vector.broadcast %eq3A_2339 : i32 to vector<16xi32>
        %eq3A_2341 = arith.cmpi eq, %iota3A, %eq3A_2340 : vector<16xi32>
        %reduce_sum3A_2342 = arith.constant true
        %reduce_sum3A_2343 = vector.broadcast %reduce_sum3A_2342 : i1 to vector<16xi1>
        %reduce_sum3A_2344 = tpu.scan <sum>, %add3A_2338 masked %reduce_sum3A_2343 : vector<16xf32>, vector<16xi1> -> vector<16xf32>
        %reduce_sum3A_2345 = vector.extract %reduce_sum3A_2344[15] : f32 from vector<16xf32>
        %broadcast_in_dim3A_2346 = vector.broadcast %reduce_sum3A_2345 : f32 to vector<16xf32>
        %select_n3A_2347 = arith.select %eq3A_2341, %broadcast_in_dim3A_2346, %select_n3A_2283 : vector<16xi1>, vector<16xf32>
        %get3A_2348 = arith.constant 34 : i32
        %get3A_2349 = arith.index_cast %rem3A_101 : i32 to index
        %get3A_2350 = arith.index_cast %get3A_2348 : i32 to index
        %get3A_2351 = arith.constant 0 : index
        %get3A_2352 = tpu.vector_load %arg10[%get3A_2349, %get3A_2350, %get3A_2351] {strides = array<i32>} : memref<4x80x128xf32, #tpu.memory_space<vmem>>, vector<16xf32>,
        %mul3A_2353 = arith.mulf %get3A_2352, %get3A_120 : vector<16xf32>
        %get3A_2354 = arith.constant 34 : i32
        %get3A_2355 = arith.index_cast %rem3A_101 : i32 to index
        %get3A_2356 = arith.index_cast %get3A_2354 : i32 to index
        %get3A_2357 = arith.constant 16 : index
        %get3A_2358 = tpu.vector_load %arg10[%get3A_2355, %get3A_2356, %get3A_2357] {strides = array<i32>} : memref<4x80x128xf32, #tpu.memory_space<vmem>>, vector<16xf32>,
        %mul3A_2359 = arith.mulf %get3A_2358, %get3A_123 : vector<16xf32>
        %get3A_2360 = arith.constant 34 : i32
        %get3A_2361 = arith.index_cast %rem3A_101 : i32 to index
        %get3A_2362 = arith.index_cast %get3A_2360 : i32 to index
        %get3A_2363 = arith.constant 32 : index
        %get3A_2364 = tpu.vector_load %arg10[%get3A_2361, %get3A_2362, %get3A_2363] {strides = array<i32>} : memref<4x80x128xf32, #tpu.memory_space<vmem>>, vector<16xf32>,
        %mul3A_2365 = arith.mulf %get3A_2364, %get3A_126 : vector<16xf32>
        %get3A_2366 = arith.constant 34 : i32
        %get3A_2367 = arith.index_cast %rem3A_101 : i32 to index
        %get3A_2368 = arith.index_cast %get3A_2366 : i32 to index
        %get3A_2369 = arith.constant 48 : index
        %get3A_2370 = tpu.vector_load %arg10[%get3A_2367, %get3A_2368, %get3A_2369] {strides = array<i32>} : memref<4x80x128xf32, #tpu.memory_space<vmem>>, vector<16xf32>,
        %mul3A_2371 = arith.mulf %get3A_2370, %get3A_129 : vector<16xf32>
        %get3A_2372 = arith.constant 34 : i32
        %get3A_2373 = arith.index_cast %rem3A_101 : i32 to index
        %get3A_2374 = arith.index_cast %get3A_2372 : i32 to index
        %get3A_2375 = arith.constant 64 : index
        %get3A_2376 = tpu.vector_load %arg10[%get3A_2373, %get3A_2374, %get3A_2375] {strides = array<i32>} : memref<4x80x128xf32, #tpu.memory_space<vmem>>, vector<16xf32>,
        %mul3A_2377 = arith.mulf %get3A_2376, %get3A_132 : vector<16xf32>
        %get3A_2378 = arith.constant 34 : i32
        %get3A_2379 = arith.index_cast %rem3A_101 : i32 to index
        %get3A_2380 = arith.index_cast %get3A_2378 : i32 to index
        %get3A_2381 = arith.constant 80 : index
        %get3A_2382 = tpu.vector_load %arg10[%get3A_2379, %get3A_2380, %get3A_2381] {strides = array<i32>} : memref<4x80x128xf32, #tpu.memory_space<vmem>>, vector<16xf32>,
        %mul3A_2383 = arith.mulf %get3A_2382, %get3A_135 : vector<16xf32>
        %get3A_2384 = arith.constant 34 : i32
        %get3A_2385 = arith.index_cast %rem3A_101 : i32 to index
        %get3A_2386 = arith.index_cast %get3A_2384 : i32 to index
        %get3A_2387 = arith.constant 96 : index
        %get3A_2388 = tpu.vector_load %arg10[%get3A_2385, %get3A_2386, %get3A_2387] {strides = array<i32>} : memref<4x80x128xf32, #tpu.memory_space<vmem>>, vector<16xf32>,
        %mul3A_2389 = arith.mulf %get3A_2388, %get3A_138 : vector<16xf32>
        %get3A_2390 = arith.constant 34 : i32
        %get3A_2391 = arith.index_cast %rem3A_101 : i32 to index
        %get3A_2392 = arith.index_cast %get3A_2390 : i32 to index
        %get3A_2393 = arith.constant 112 : index
        %get3A_2394 = tpu.vector_load %arg10[%get3A_2391, %get3A_2392, %get3A_2393] {strides = array<i32>} : memref<4x80x128xf32, #tpu.memory_space<vmem>>, vector<16xf32>,
        %mul3A_2395 = arith.mulf %get3A_2394, %get3A_141 : vector<16xf32>
        %add3A_2396 = arith.addf %mul3A_2353, %mul3A_2359 : vector<16xf32>
        %add3A_2397 = arith.addf %mul3A_2365, %mul3A_2371 : vector<16xf32>
        %add3A_2398 = arith.addf %mul3A_2377, %mul3A_2383 : vector<16xf32>
        %add3A_2399 = arith.addf %mul3A_2389, %mul3A_2395 : vector<16xf32>
        %add3A_2400 = arith.addf %add3A_2396, %add3A_2397 : vector<16xf32>
        %add3A_2401 = arith.addf %add3A_2398, %add3A_2399 : vector<16xf32>
        %add3A_2402 = arith.addf %add3A_2400, %add3A_2401 : vector<16xf32>
        %eq3A_2403 = arith.constant 2 : i32
        %eq3A_2404 = vector.broadcast %eq3A_2403 : i32 to vector<16xi32>
        %eq3A_2405 = arith.cmpi eq, %iota3A, %eq3A_2404 : vector<16xi32>
        %reduce_sum3A_2406 = arith.constant true
        %reduce_sum3A_2407 = vector.broadcast %reduce_sum3A_2406 : i1 to vector<16xi1>
        %reduce_sum3A_2408 = tpu.scan <sum>, %add3A_2402 masked %reduce_sum3A_2407 : vector<16xf32>, vector<16xi1> -> vector<16xf32>
        %reduce_sum3A_2409 = vector.extract %reduce_sum3A_2408[15] : f32 from vector<16xf32>
        %broadcast_in_dim3A_2410 = vector.broadcast %reduce_sum3A_2409 : f32 to vector<16xf32>
        %select_n3A_2411 = arith.select %eq3A_2405, %broadcast_in_dim3A_2410, %select_n3A_2347 : vector<16xi1>, vector<16xf32>
        %get3A_2412 = arith.constant 35 : i32
        %get3A_2413 = arith.index_cast %rem3A_101 : i32 to index
        %get3A_2414 = arith.index_cast %get3A_2412 : i32 to index
        %get3A_2415 = arith.constant 0 : index
        %get3A_2416 = tpu.vector_load %arg10[%get3A_2413, %get3A_2414, %get3A_2415] {strides = array<i32>} : memref<4x80x128xf32, #tpu.memory_space<vmem>>, vector<16xf32>,
        %mul3A_2417 = arith.mulf %get3A_2416, %get3A_120 : vector<16xf32>
        %get3A_2418 = arith.constant 35 : i32
        %get3A_2419 = arith.index_cast %rem3A_101 : i32 to index
        %get3A_2420 = arith.index_cast %get3A_2418 : i32 to index
        %get3A_2421 = arith.constant 16 : index
        %get3A_2422 = tpu.vector_load %arg10[%get3A_2419, %get3A_2420, %get3A_2421] {strides = array<i32>} : memref<4x80x128xf32, #tpu.memory_space<vmem>>, vector<16xf32>,
        %mul3A_2423 = arith.mulf %get3A_2422, %get3A_123 : vector<16xf32>
        %get3A_2424 = arith.constant 35 : i32
        %get3A_2425 = arith.index_cast %rem3A_101 : i32 to index
        %get3A_2426 = arith.index_cast %get3A_2424 : i32 to index
        %get3A_2427 = arith.constant 32 : index
        %get3A_2428 = tpu.vector_load %arg10[%get3A_2425, %get3A_2426, %get3A_2427] {strides = array<i32>} : memref<4x80x128xf32, #tpu.memory_space<vmem>>, vector<16xf32>,
        %mul3A_2429 = arith.mulf %get3A_2428, %get3A_126 : vector<16xf32>
        %get3A_2430 = arith.constant 35 : i32
        %get3A_2431 = arith.index_cast %rem3A_101 : i32 to index
        %get3A_2432 = arith.index_cast %get3A_2430 : i32 to index
        %get3A_2433 = arith.constant 48 : index
        %get3A_2434 = tpu.vector_load %arg10[%get3A_2431, %get3A_2432, %get3A_2433] {strides = array<i32>} : memref<4x80x128xf32, #tpu.memory_space<vmem>>, vector<16xf32>,
        %mul3A_2435 = arith.mulf %get3A_2434, %get3A_129 : vector<16xf32>
        %get3A_2436 = arith.constant 35 : i32
        %get3A_2437 = arith.index_cast %rem3A_101 : i32 to index
        %get3A_2438 = arith.index_cast %get3A_2436 : i32 to index
        %get3A_2439 = arith.constant 64 : index
        %get3A_2440 = tpu.vector_load %arg10[%get3A_2437, %get3A_2438, %get3A_2439] {strides = array<i32>} : memref<4x80x128xf32, #tpu.memory_space<vmem>>, vector<16xf32>,
        %mul3A_2441 = arith.mulf %get3A_2440, %get3A_132 : vector<16xf32>
        %get3A_2442 = arith.constant 35 : i32
        %get3A_2443 = arith.index_cast %rem3A_101 : i32 to index
        %get3A_2444 = arith.index_cast %get3A_2442 : i32 to index
        %get3A_2445 = arith.constant 80 : index
        %get3A_2446 = tpu.vector_load %arg10[%get3A_2443, %get3A_2444, %get3A_2445] {strides = array<i32>} : memref<4x80x128xf32, #tpu.memory_space<vmem>>, vector<16xf32>,
        %mul3A_2447 = arith.mulf %get3A_2446, %get3A_135 : vector<16xf32>
        %get3A_2448 = arith.constant 35 : i32
        %get3A_2449 = arith.index_cast %rem3A_101 : i32 to index
        %get3A_2450 = arith.index_cast %get3A_2448 : i32 to index
        %get3A_2451 = arith.constant 96 : index
        %get3A_2452 = tpu.vector_load %arg10[%get3A_2449, %get3A_2450, %get3A_2451] {strides = array<i32>} : memref<4x80x128xf32, #tpu.memory_space<vmem>>, vector<16xf32>,
        %mul3A_2453 = arith.mulf %get3A_2452, %get3A_138 : vector<16xf32>
        %get3A_2454 = arith.constant 35 : i32
        %get3A_2455 = arith.index_cast %rem3A_101 : i32 to index
        %get3A_2456 = arith.index_cast %get3A_2454 : i32 to index
        %get3A_2457 = arith.constant 112 : index
        %get3A_2458 = tpu.vector_load %arg10[%get3A_2455, %get3A_2456, %get3A_2457] {strides = array<i32>} : memref<4x80x128xf32, #tpu.memory_space<vmem>>, vector<16xf32>,
        %mul3A_2459 = arith.mulf %get3A_2458, %get3A_141 : vector<16xf32>
        %add3A_2460 = arith.addf %mul3A_2417, %mul3A_2423 : vector<16xf32>
        %add3A_2461 = arith.addf %mul3A_2429, %mul3A_2435 : vector<16xf32>
        %add3A_2462 = arith.addf %mul3A_2441, %mul3A_2447 : vector<16xf32>
        %add3A_2463 = arith.addf %mul3A_2453, %mul3A_2459 : vector<16xf32>
        %add3A_2464 = arith.addf %add3A_2460, %add3A_2461 : vector<16xf32>
        %add3A_2465 = arith.addf %add3A_2462, %add3A_2463 : vector<16xf32>
        %add3A_2466 = arith.addf %add3A_2464, %add3A_2465 : vector<16xf32>
        %eq3A_2467 = arith.constant 3 : i32
        %eq3A_2468 = vector.broadcast %eq3A_2467 : i32 to vector<16xi32>
        %eq3A_2469 = arith.cmpi eq, %iota3A, %eq3A_2468 : vector<16xi32>
        %reduce_sum3A_2470 = arith.constant true
        %reduce_sum3A_2471 = vector.broadcast %reduce_sum3A_2470 : i1 to vector<16xi1>
        %reduce_sum3A_2472 = tpu.scan <sum>, %add3A_2466 masked %reduce_sum3A_2471 : vector<16xf32>, vector<16xi1> -> vector<16xf32>
        %reduce_sum3A_2473 = vector.extract %reduce_sum3A_2472[15] : f32 from vector<16xf32>
        %broadcast_in_dim3A_2474 = vector.broadcast %reduce_sum3A_2473 : f32 to vector<16xf32>
        %select_n3A_2475 = arith.select %eq3A_2469, %broadcast_in_dim3A_2474, %select_n3A_2411 : vector<16xi1>, vector<16xf32>
        %get3A_2476 = arith.constant 36 : i32
        %get3A_2477 = arith.index_cast %rem3A_101 : i32 to index
        %get3A_2478 = arith.index_cast %get3A_2476 : i32 to index
        %get3A_2479 = arith.constant 0 : index
        %get3A_2480 = tpu.vector_load %arg10[%get3A_2477, %get3A_2478, %get3A_2479] {strides = array<i32>} : memref<4x80x128xf32, #tpu.memory_space<vmem>>, vector<16xf32>,
        %mul3A_2481 = arith.mulf %get3A_2480, %get3A_120 : vector<16xf32>
        %get3A_2482 = arith.constant 36 : i32
        %get3A_2483 = arith.index_cast %rem3A_101 : i32 to index
        %get3A_2484 = arith.index_cast %get3A_2482 : i32 to index
        %get3A_2485 = arith.constant 16 : index
        %get3A_2486 = tpu.vector_load %arg10[%get3A_2483, %get3A_2484, %get3A_2485] {strides = array<i32>} : memref<4x80x128xf32, #tpu.memory_space<vmem>>, vector<16xf32>,
        %mul3A_2487 = arith.mulf %get3A_2486, %get3A_123 : vector<16xf32>
        %get3A_2488 = arith.constant 36 : i32
        %get3A_2489 = arith.index_cast %rem3A_101 : i32 to index
        %get3A_2490 = arith.index_cast %get3A_2488 : i32 to index
        %get3A_2491 = arith.constant 32 : index
        %get3A_2492 = tpu.vector_load %arg10[%get3A_2489, %get3A_2490, %get3A_2491] {strides = array<i32>} : memref<4x80x128xf32, #tpu.memory_space<vmem>>, vector<16xf32>,
        %mul3A_2493 = arith.mulf %get3A_2492, %get3A_126 : vector<16xf32>
        %get3A_2494 = arith.constant 36 : i32
        %get3A_2495 = arith.index_cast %rem3A_101 : i32 to index
        %get3A_2496 = arith.index_cast %get3A_2494 : i32 to index
        %get3A_2497 = arith.constant 48 : index
        %get3A_2498 = tpu.vector_load %arg10[%get3A_2495, %get3A_2496, %get3A_2497] {strides = array<i32>} : memref<4x80x128xf32, #tpu.memory_space<vmem>>, vector<16xf32>,
        %mul3A_2499 = arith.mulf %get3A_2498, %get3A_129 : vector<16xf32>
        %get3A_2500 = arith.constant 36 : i32
        %get3A_2501 = arith.index_cast %rem3A_101 : i32 to index
        %get3A_2502 = arith.index_cast %get3A_2500 : i32 to index
        %get3A_2503 = arith.constant 64 : index
        %get3A_2504 = tpu.vector_load %arg10[%get3A_2501, %get3A_2502, %get3A_2503] {strides = array<i32>} : memref<4x80x128xf32, #tpu.memory_space<vmem>>, vector<16xf32>,
        %mul3A_2505 = arith.mulf %get3A_2504, %get3A_132 : vector<16xf32>
        %get3A_2506 = arith.constant 36 : i32
        %get3A_2507 = arith.index_cast %rem3A_101 : i32 to index
        %get3A_2508 = arith.index_cast %get3A_2506 : i32 to index
        %get3A_2509 = arith.constant 80 : index
        %get3A_2510 = tpu.vector_load %arg10[%get3A_2507, %get3A_2508, %get3A_2509] {strides = array<i32>} : memref<4x80x128xf32, #tpu.memory_space<vmem>>, vector<16xf32>,
        %mul3A_2511 = arith.mulf %get3A_2510, %get3A_135 : vector<16xf32>
        %get3A_2512 = arith.constant 36 : i32
        %get3A_2513 = arith.index_cast %rem3A_101 : i32 to index
        %get3A_2514 = arith.index_cast %get3A_2512 : i32 to index
        %get3A_2515 = arith.constant 96 : index
        %get3A_2516 = tpu.vector_load %arg10[%get3A_2513, %get3A_2514, %get3A_2515] {strides = array<i32>} : memref<4x80x128xf32, #tpu.memory_space<vmem>>, vector<16xf32>,
        %mul3A_2517 = arith.mulf %get3A_2516, %get3A_138 : vector<16xf32>
        %get3A_2518 = arith.constant 36 : i32
        %get3A_2519 = arith.index_cast %rem3A_101 : i32 to index
        %get3A_2520 = arith.index_cast %get3A_2518 : i32 to index
        %get3A_2521 = arith.constant 112 : index
        %get3A_2522 = tpu.vector_load %arg10[%get3A_2519, %get3A_2520, %get3A_2521] {strides = array<i32>} : memref<4x80x128xf32, #tpu.memory_space<vmem>>, vector<16xf32>,
        %mul3A_2523 = arith.mulf %get3A_2522, %get3A_141 : vector<16xf32>
        %add3A_2524 = arith.addf %mul3A_2481, %mul3A_2487 : vector<16xf32>
        %add3A_2525 = arith.addf %mul3A_2493, %mul3A_2499 : vector<16xf32>
        %add3A_2526 = arith.addf %mul3A_2505, %mul3A_2511 : vector<16xf32>
        %add3A_2527 = arith.addf %mul3A_2517, %mul3A_2523 : vector<16xf32>
        %add3A_2528 = arith.addf %add3A_2524, %add3A_2525 : vector<16xf32>
        %add3A_2529 = arith.addf %add3A_2526, %add3A_2527 : vector<16xf32>
        %add3A_2530 = arith.addf %add3A_2528, %add3A_2529 : vector<16xf32>
        %eq3A_2531 = arith.constant 4 : i32
        %eq3A_2532 = vector.broadcast %eq3A_2531 : i32 to vector<16xi32>
        %eq3A_2533 = arith.cmpi eq, %iota3A, %eq3A_2532 : vector<16xi32>
        %reduce_sum3A_2534 = arith.constant true
        %reduce_sum3A_2535 = vector.broadcast %reduce_sum3A_2534 : i1 to vector<16xi1>
        %reduce_sum3A_2536 = tpu.scan <sum>, %add3A_2530 masked %reduce_sum3A_2535 : vector<16xf32>, vector<16xi1> -> vector<16xf32>
        %reduce_sum3A_2537 = vector.extract %reduce_sum3A_2536[15] : f32 from vector<16xf32>
        %broadcast_in_dim3A_2538 = vector.broadcast %reduce_sum3A_2537 : f32 to vector<16xf32>
        %select_n3A_2539 = arith.select %eq3A_2533, %broadcast_in_dim3A_2538, %select_n3A_2475 : vector<16xi1>, vector<16xf32>
        %get3A_2540 = arith.constant 37 : i32
        %get3A_2541 = arith.index_cast %rem3A_101 : i32 to index
        %get3A_2542 = arith.index_cast %get3A_2540 : i32 to index
        %get3A_2543 = arith.constant 0 : index
        %get3A_2544 = tpu.vector_load %arg10[%get3A_2541, %get3A_2542, %get3A_2543] {strides = array<i32>} : memref<4x80x128xf32, #tpu.memory_space<vmem>>, vector<16xf32>,
        %mul3A_2545 = arith.mulf %get3A_2544, %get3A_120 : vector<16xf32>
        %get3A_2546 = arith.constant 37 : i32
        %get3A_2547 = arith.index_cast %rem3A_101 : i32 to index
        %get3A_2548 = arith.index_cast %get3A_2546 : i32 to index
        %get3A_2549 = arith.constant 16 : index
        %get3A_2550 = tpu.vector_load %arg10[%get3A_2547, %get3A_2548, %get3A_2549] {strides = array<i32>} : memref<4x80x128xf32, #tpu.memory_space<vmem>>, vector<16xf32>,
        %mul3A_2551 = arith.mulf %get3A_2550, %get3A_123 : vector<16xf32>
        %get3A_2552 = arith.constant 37 : i32
        %get3A_2553 = arith.index_cast %rem3A_101 : i32 to index
        %get3A_2554 = arith.index_cast %get3A_2552 : i32 to index
        %get3A_2555 = arith.constant 32 : index
        %get3A_2556 = tpu.vector_load %arg10[%get3A_2553, %get3A_2554, %get3A_2555] {strides = array<i32>} : memref<4x80x128xf32, #tpu.memory_space<vmem>>, vector<16xf32>,
        %mul3A_2557 = arith.mulf %get3A_2556, %get3A_126 : vector<16xf32>
        %get3A_2558 = arith.constant 37 : i32
        %get3A_2559 = arith.index_cast %rem3A_101 : i32 to index
        %get3A_2560 = arith.index_cast %get3A_2558 : i32 to index
        %get3A_2561 = arith.constant 48 : index
        %get3A_2562 = tpu.vector_load %arg10[%get3A_2559, %get3A_2560, %get3A_2561] {strides = array<i32>} : memref<4x80x128xf32, #tpu.memory_space<vmem>>, vector<16xf32>,
        %mul3A_2563 = arith.mulf %get3A_2562, %get3A_129 : vector<16xf32>
        %get3A_2564 = arith.constant 37 : i32
        %get3A_2565 = arith.index_cast %rem3A_101 : i32 to index
        %get3A_2566 = arith.index_cast %get3A_2564 : i32 to index
        %get3A_2567 = arith.constant 64 : index
        %get3A_2568 = tpu.vector_load %arg10[%get3A_2565, %get3A_2566, %get3A_2567] {strides = array<i32>} : memref<4x80x128xf32, #tpu.memory_space<vmem>>, vector<16xf32>,
        %mul3A_2569 = arith.mulf %get3A_2568, %get3A_132 : vector<16xf32>
        %get3A_2570 = arith.constant 37 : i32
        %get3A_2571 = arith.index_cast %rem3A_101 : i32 to index
        %get3A_2572 = arith.index_cast %get3A_2570 : i32 to index
        %get3A_2573 = arith.constant 80 : index
        %get3A_2574 = tpu.vector_load %arg10[%get3A_2571, %get3A_2572, %get3A_2573] {strides = array<i32>} : memref<4x80x128xf32, #tpu.memory_space<vmem>>, vector<16xf32>,
        %mul3A_2575 = arith.mulf %get3A_2574, %get3A_135 : vector<16xf32>
        %get3A_2576 = arith.constant 37 : i32
        %get3A_2577 = arith.index_cast %rem3A_101 : i32 to index
        %get3A_2578 = arith.index_cast %get3A_2576 : i32 to index
        %get3A_2579 = arith.constant 96 : index
        %get3A_2580 = tpu.vector_load %arg10[%get3A_2577, %get3A_2578, %get3A_2579] {strides = array<i32>} : memref<4x80x128xf32, #tpu.memory_space<vmem>>, vector<16xf32>,
        %mul3A_2581 = arith.mulf %get3A_2580, %get3A_138 : vector<16xf32>
        %get3A_2582 = arith.constant 37 : i32
        %get3A_2583 = arith.index_cast %rem3A_101 : i32 to index
        %get3A_2584 = arith.index_cast %get3A_2582 : i32 to index
        %get3A_2585 = arith.constant 112 : index
        %get3A_2586 = tpu.vector_load %arg10[%get3A_2583, %get3A_2584, %get3A_2585] {strides = array<i32>} : memref<4x80x128xf32, #tpu.memory_space<vmem>>, vector<16xf32>,
        %mul3A_2587 = arith.mulf %get3A_2586, %get3A_141 : vector<16xf32>
        %add3A_2588 = arith.addf %mul3A_2545, %mul3A_2551 : vector<16xf32>
        %add3A_2589 = arith.addf %mul3A_2557, %mul3A_2563 : vector<16xf32>
        %add3A_2590 = arith.addf %mul3A_2569, %mul3A_2575 : vector<16xf32>
        %add3A_2591 = arith.addf %mul3A_2581, %mul3A_2587 : vector<16xf32>
        %add3A_2592 = arith.addf %add3A_2588, %add3A_2589 : vector<16xf32>
        %add3A_2593 = arith.addf %add3A_2590, %add3A_2591 : vector<16xf32>
        %add3A_2594 = arith.addf %add3A_2592, %add3A_2593 : vector<16xf32>
        %eq3A_2595 = arith.constant 5 : i32
        %eq3A_2596 = vector.broadcast %eq3A_2595 : i32 to vector<16xi32>
        %eq3A_2597 = arith.cmpi eq, %iota3A, %eq3A_2596 : vector<16xi32>
        %reduce_sum3A_2598 = arith.constant true
        %reduce_sum3A_2599 = vector.broadcast %reduce_sum3A_2598 : i1 to vector<16xi1>
        %reduce_sum3A_2600 = tpu.scan <sum>, %add3A_2594 masked %reduce_sum3A_2599 : vector<16xf32>, vector<16xi1> -> vector<16xf32>
        %reduce_sum3A_2601 = vector.extract %reduce_sum3A_2600[15] : f32 from vector<16xf32>
        %broadcast_in_dim3A_2602 = vector.broadcast %reduce_sum3A_2601 : f32 to vector<16xf32>
        %select_n3A_2603 = arith.select %eq3A_2597, %broadcast_in_dim3A_2602, %select_n3A_2539 : vector<16xi1>, vector<16xf32>
        %get3A_2604 = arith.constant 38 : i32
        %get3A_2605 = arith.index_cast %rem3A_101 : i32 to index
        %get3A_2606 = arith.index_cast %get3A_2604 : i32 to index
        %get3A_2607 = arith.constant 0 : index
        %get3A_2608 = tpu.vector_load %arg10[%get3A_2605, %get3A_2606, %get3A_2607] {strides = array<i32>} : memref<4x80x128xf32, #tpu.memory_space<vmem>>, vector<16xf32>,
        %mul3A_2609 = arith.mulf %get3A_2608, %get3A_120 : vector<16xf32>
        %get3A_2610 = arith.constant 38 : i32
        %get3A_2611 = arith.index_cast %rem3A_101 : i32 to index
        %get3A_2612 = arith.index_cast %get3A_2610 : i32 to index
        %get3A_2613 = arith.constant 16 : index
        %get3A_2614 = tpu.vector_load %arg10[%get3A_2611, %get3A_2612, %get3A_2613] {strides = array<i32>} : memref<4x80x128xf32, #tpu.memory_space<vmem>>, vector<16xf32>,
        %mul3A_2615 = arith.mulf %get3A_2614, %get3A_123 : vector<16xf32>
        %get3A_2616 = arith.constant 38 : i32
        %get3A_2617 = arith.index_cast %rem3A_101 : i32 to index
        %get3A_2618 = arith.index_cast %get3A_2616 : i32 to index
        %get3A_2619 = arith.constant 32 : index
        %get3A_2620 = tpu.vector_load %arg10[%get3A_2617, %get3A_2618, %get3A_2619] {strides = array<i32>} : memref<4x80x128xf32, #tpu.memory_space<vmem>>, vector<16xf32>,
        %mul3A_2621 = arith.mulf %get3A_2620, %get3A_126 : vector<16xf32>
        %get3A_2622 = arith.constant 38 : i32
        %get3A_2623 = arith.index_cast %rem3A_101 : i32 to index
        %get3A_2624 = arith.index_cast %get3A_2622 : i32 to index
        %get3A_2625 = arith.constant 48 : index
        %get3A_2626 = tpu.vector_load %arg10[%get3A_2623, %get3A_2624, %get3A_2625] {strides = array<i32>} : memref<4x80x128xf32, #tpu.memory_space<vmem>>, vector<16xf32>,
        %mul3A_2627 = arith.mulf %get3A_2626, %get3A_129 : vector<16xf32>
        %get3A_2628 = arith.constant 38 : i32
        %get3A_2629 = arith.index_cast %rem3A_101 : i32 to index
        %get3A_2630 = arith.index_cast %get3A_2628 : i32 to index
        %get3A_2631 = arith.constant 64 : index
        %get3A_2632 = tpu.vector_load %arg10[%get3A_2629, %get3A_2630, %get3A_2631] {strides = array<i32>} : memref<4x80x128xf32, #tpu.memory_space<vmem>>, vector<16xf32>,
        %mul3A_2633 = arith.mulf %get3A_2632, %get3A_132 : vector<16xf32>
        %get3A_2634 = arith.constant 38 : i32
        %get3A_2635 = arith.index_cast %rem3A_101 : i32 to index
        %get3A_2636 = arith.index_cast %get3A_2634 : i32 to index
        %get3A_2637 = arith.constant 80 : index
        %get3A_2638 = tpu.vector_load %arg10[%get3A_2635, %get3A_2636, %get3A_2637] {strides = array<i32>} : memref<4x80x128xf32, #tpu.memory_space<vmem>>, vector<16xf32>,
        %mul3A_2639 = arith.mulf %get3A_2638, %get3A_135 : vector<16xf32>
        %get3A_2640 = arith.constant 38 : i32
        %get3A_2641 = arith.index_cast %rem3A_101 : i32 to index
        %get3A_2642 = arith.index_cast %get3A_2640 : i32 to index
        %get3A_2643 = arith.constant 96 : index
        %get3A_2644 = tpu.vector_load %arg10[%get3A_2641, %get3A_2642, %get3A_2643] {strides = array<i32>} : memref<4x80x128xf32, #tpu.memory_space<vmem>>, vector<16xf32>,
        %mul3A_2645 = arith.mulf %get3A_2644, %get3A_138 : vector<16xf32>
        %get3A_2646 = arith.constant 38 : i32
        %get3A_2647 = arith.index_cast %rem3A_101 : i32 to index
        %get3A_2648 = arith.index_cast %get3A_2646 : i32 to index
        %get3A_2649 = arith.constant 112 : index
        %get3A_2650 = tpu.vector_load %arg10[%get3A_2647, %get3A_2648, %get3A_2649] {strides = array<i32>} : memref<4x80x128xf32, #tpu.memory_space<vmem>>, vector<16xf32>,
        %mul3A_2651 = arith.mulf %get3A_2650, %get3A_141 : vector<16xf32>
        %add3A_2652 = arith.addf %mul3A_2609, %mul3A_2615 : vector<16xf32>
        %add3A_2653 = arith.addf %mul3A_2621, %mul3A_2627 : vector<16xf32>
        %add3A_2654 = arith.addf %mul3A_2633, %mul3A_2639 : vector<16xf32>
        %add3A_2655 = arith.addf %mul3A_2645, %mul3A_2651 : vector<16xf32>
        %add3A_2656 = arith.addf %add3A_2652, %add3A_2653 : vector<16xf32>
        %add3A_2657 = arith.addf %add3A_2654, %add3A_2655 : vector<16xf32>
        %add3A_2658 = arith.addf %add3A_2656, %add3A_2657 : vector<16xf32>
        %eq3A_2659 = arith.constant 6 : i32
        %eq3A_2660 = vector.broadcast %eq3A_2659 : i32 to vector<16xi32>
        %eq3A_2661 = arith.cmpi eq, %iota3A, %eq3A_2660 : vector<16xi32>
        %reduce_sum3A_2662 = arith.constant true
        %reduce_sum3A_2663 = vector.broadcast %reduce_sum3A_2662 : i1 to vector<16xi1>
        %reduce_sum3A_2664 = tpu.scan <sum>, %add3A_2658 masked %reduce_sum3A_2663 : vector<16xf32>, vector<16xi1> -> vector<16xf32>
        %reduce_sum3A_2665 = vector.extract %reduce_sum3A_2664[15] : f32 from vector<16xf32>
        %broadcast_in_dim3A_2666 = vector.broadcast %reduce_sum3A_2665 : f32 to vector<16xf32>
        %select_n3A_2667 = arith.select %eq3A_2661, %broadcast_in_dim3A_2666, %select_n3A_2603 : vector<16xi1>, vector<16xf32>
        %get3A_2668 = arith.constant 39 : i32
        %get3A_2669 = arith.index_cast %rem3A_101 : i32 to index
        %get3A_2670 = arith.index_cast %get3A_2668 : i32 to index
        %get3A_2671 = arith.constant 0 : index
        %get3A_2672 = tpu.vector_load %arg10[%get3A_2669, %get3A_2670, %get3A_2671] {strides = array<i32>} : memref<4x80x128xf32, #tpu.memory_space<vmem>>, vector<16xf32>,
        %mul3A_2673 = arith.mulf %get3A_2672, %get3A_120 : vector<16xf32>
        %get3A_2674 = arith.constant 39 : i32
        %get3A_2675 = arith.index_cast %rem3A_101 : i32 to index
        %get3A_2676 = arith.index_cast %get3A_2674 : i32 to index
        %get3A_2677 = arith.constant 16 : index
        %get3A_2678 = tpu.vector_load %arg10[%get3A_2675, %get3A_2676, %get3A_2677] {strides = array<i32>} : memref<4x80x128xf32, #tpu.memory_space<vmem>>, vector<16xf32>,
        %mul3A_2679 = arith.mulf %get3A_2678, %get3A_123 : vector<16xf32>
        %get3A_2680 = arith.constant 39 : i32
        %get3A_2681 = arith.index_cast %rem3A_101 : i32 to index
        %get3A_2682 = arith.index_cast %get3A_2680 : i32 to index
        %get3A_2683 = arith.constant 32 : index
        %get3A_2684 = tpu.vector_load %arg10[%get3A_2681, %get3A_2682, %get3A_2683] {strides = array<i32>} : memref<4x80x128xf32, #tpu.memory_space<vmem>>, vector<16xf32>,
        %mul3A_2685 = arith.mulf %get3A_2684, %get3A_126 : vector<16xf32>
        %get3A_2686 = arith.constant 39 : i32
        %get3A_2687 = arith.index_cast %rem3A_101 : i32 to index
        %get3A_2688 = arith.index_cast %get3A_2686 : i32 to index
        %get3A_2689 = arith.constant 48 : index
        %get3A_2690 = tpu.vector_load %arg10[%get3A_2687, %get3A_2688, %get3A_2689] {strides = array<i32>} : memref<4x80x128xf32, #tpu.memory_space<vmem>>, vector<16xf32>,
        %mul3A_2691 = arith.mulf %get3A_2690, %get3A_129 : vector<16xf32>
        %get3A_2692 = arith.constant 39 : i32
        %get3A_2693 = arith.index_cast %rem3A_101 : i32 to index
        %get3A_2694 = arith.index_cast %get3A_2692 : i32 to index
        %get3A_2695 = arith.constant 64 : index
        %get3A_2696 = tpu.vector_load %arg10[%get3A_2693, %get3A_2694, %get3A_2695] {strides = array<i32>} : memref<4x80x128xf32, #tpu.memory_space<vmem>>, vector<16xf32>,
        %mul3A_2697 = arith.mulf %get3A_2696, %get3A_132 : vector<16xf32>
        %get3A_2698 = arith.constant 39 : i32
        %get3A_2699 = arith.index_cast %rem3A_101 : i32 to index
        %get3A_2700 = arith.index_cast %get3A_2698 : i32 to index
        %get3A_2701 = arith.constant 80 : index
        %get3A_2702 = tpu.vector_load %arg10[%get3A_2699, %get3A_2700, %get3A_2701] {strides = array<i32>} : memref<4x80x128xf32, #tpu.memory_space<vmem>>, vector<16xf32>,
        %mul3A_2703 = arith.mulf %get3A_2702, %get3A_135 : vector<16xf32>
        %get3A_2704 = arith.constant 39 : i32
        %get3A_2705 = arith.index_cast %rem3A_101 : i32 to index
        %get3A_2706 = arith.index_cast %get3A_2704 : i32 to index
        %get3A_2707 = arith.constant 96 : index
        %get3A_2708 = tpu.vector_load %arg10[%get3A_2705, %get3A_2706, %get3A_2707] {strides = array<i32>} : memref<4x80x128xf32, #tpu.memory_space<vmem>>, vector<16xf32>,
        %mul3A_2709 = arith.mulf %get3A_2708, %get3A_138 : vector<16xf32>
        %get3A_2710 = arith.constant 39 : i32
        %get3A_2711 = arith.index_cast %rem3A_101 : i32 to index
        %get3A_2712 = arith.index_cast %get3A_2710 : i32 to index
        %get3A_2713 = arith.constant 112 : index
        %get3A_2714 = tpu.vector_load %arg10[%get3A_2711, %get3A_2712, %get3A_2713] {strides = array<i32>} : memref<4x80x128xf32, #tpu.memory_space<vmem>>, vector<16xf32>,
        %mul3A_2715 = arith.mulf %get3A_2714, %get3A_141 : vector<16xf32>
        %add3A_2716 = arith.addf %mul3A_2673, %mul3A_2679 : vector<16xf32>
        %add3A_2717 = arith.addf %mul3A_2685, %mul3A_2691 : vector<16xf32>
        %add3A_2718 = arith.addf %mul3A_2697, %mul3A_2703 : vector<16xf32>
        %add3A_2719 = arith.addf %mul3A_2709, %mul3A_2715 : vector<16xf32>
        %add3A_2720 = arith.addf %add3A_2716, %add3A_2717 : vector<16xf32>
        %add3A_2721 = arith.addf %add3A_2718, %add3A_2719 : vector<16xf32>
        %add3A_2722 = arith.addf %add3A_2720, %add3A_2721 : vector<16xf32>
        %eq3A_2723 = arith.constant 7 : i32
        %eq3A_2724 = vector.broadcast %eq3A_2723 : i32 to vector<16xi32>
        %eq3A_2725 = arith.cmpi eq, %iota3A, %eq3A_2724 : vector<16xi32>
        %reduce_sum3A_2726 = arith.constant true
        %reduce_sum3A_2727 = vector.broadcast %reduce_sum3A_2726 : i1 to vector<16xi1>
        %reduce_sum3A_2728 = tpu.scan <sum>, %add3A_2722 masked %reduce_sum3A_2727 : vector<16xf32>, vector<16xi1> -> vector<16xf32>
        %reduce_sum3A_2729 = vector.extract %reduce_sum3A_2728[15] : f32 from vector<16xf32>
        %broadcast_in_dim3A_2730 = vector.broadcast %reduce_sum3A_2729 : f32 to vector<16xf32>
        %select_n3A_2731 = arith.select %eq3A_2725, %broadcast_in_dim3A_2730, %select_n3A_2667 : vector<16xi1>, vector<16xf32>
        %get3A_2732 = arith.constant 40 : i32
        %get3A_2733 = arith.index_cast %rem3A_101 : i32 to index
        %get3A_2734 = arith.index_cast %get3A_2732 : i32 to index
        %get3A_2735 = arith.constant 0 : index
        %get3A_2736 = tpu.vector_load %arg10[%get3A_2733, %get3A_2734, %get3A_2735] {strides = array<i32>} : memref<4x80x128xf32, #tpu.memory_space<vmem>>, vector<16xf32>,
        %mul3A_2737 = arith.mulf %get3A_2736, %get3A_120 : vector<16xf32>
        %get3A_2738 = arith.constant 40 : i32
        %get3A_2739 = arith.index_cast %rem3A_101 : i32 to index
        %get3A_2740 = arith.index_cast %get3A_2738 : i32 to index
        %get3A_2741 = arith.constant 16 : index
        %get3A_2742 = tpu.vector_load %arg10[%get3A_2739, %get3A_2740, %get3A_2741] {strides = array<i32>} : memref<4x80x128xf32, #tpu.memory_space<vmem>>, vector<16xf32>,
        %mul3A_2743 = arith.mulf %get3A_2742, %get3A_123 : vector<16xf32>
        %get3A_2744 = arith.constant 40 : i32
        %get3A_2745 = arith.index_cast %rem3A_101 : i32 to index
        %get3A_2746 = arith.index_cast %get3A_2744 : i32 to index
        %get3A_2747 = arith.constant 32 : index
        %get3A_2748 = tpu.vector_load %arg10[%get3A_2745, %get3A_2746, %get3A_2747] {strides = array<i32>} : memref<4x80x128xf32, #tpu.memory_space<vmem>>, vector<16xf32>,
        %mul3A_2749 = arith.mulf %get3A_2748, %get3A_126 : vector<16xf32>
        %get3A_2750 = arith.constant 40 : i32
        %get3A_2751 = arith.index_cast %rem3A_101 : i32 to index
        %get3A_2752 = arith.index_cast %get3A_2750 : i32 to index
        %get3A_2753 = arith.constant 48 : index
        %get3A_2754 = tpu.vector_load %arg10[%get3A_2751, %get3A_2752, %get3A_2753] {strides = array<i32>} : memref<4x80x128xf32, #tpu.memory_space<vmem>>, vector<16xf32>,
        %mul3A_2755 = arith.mulf %get3A_2754, %get3A_129 : vector<16xf32>
        %get3A_2756 = arith.constant 40 : i32
        %get3A_2757 = arith.index_cast %rem3A_101 : i32 to index
        %get3A_2758 = arith.index_cast %get3A_2756 : i32 to index
        %get3A_2759 = arith.constant 64 : index
        %get3A_2760 = tpu.vector_load %arg10[%get3A_2757, %get3A_2758, %get3A_2759] {strides = array<i32>} : memref<4x80x128xf32, #tpu.memory_space<vmem>>, vector<16xf32>,
        %mul3A_2761 = arith.mulf %get3A_2760, %get3A_132 : vector<16xf32>
        %get3A_2762 = arith.constant 40 : i32
        %get3A_2763 = arith.index_cast %rem3A_101 : i32 to index
        %get3A_2764 = arith.index_cast %get3A_2762 : i32 to index
        %get3A_2765 = arith.constant 80 : index
        %get3A_2766 = tpu.vector_load %arg10[%get3A_2763, %get3A_2764, %get3A_2765] {strides = array<i32>} : memref<4x80x128xf32, #tpu.memory_space<vmem>>, vector<16xf32>,
        %mul3A_2767 = arith.mulf %get3A_2766, %get3A_135 : vector<16xf32>
        %get3A_2768 = arith.constant 40 : i32
        %get3A_2769 = arith.index_cast %rem3A_101 : i32 to index
        %get3A_2770 = arith.index_cast %get3A_2768 : i32 to index
        %get3A_2771 = arith.constant 96 : index
        %get3A_2772 = tpu.vector_load %arg10[%get3A_2769, %get3A_2770, %get3A_2771] {strides = array<i32>} : memref<4x80x128xf32, #tpu.memory_space<vmem>>, vector<16xf32>,
        %mul3A_2773 = arith.mulf %get3A_2772, %get3A_138 : vector<16xf32>
        %get3A_2774 = arith.constant 40 : i32
        %get3A_2775 = arith.index_cast %rem3A_101 : i32 to index
        %get3A_2776 = arith.index_cast %get3A_2774 : i32 to index
        %get3A_2777 = arith.constant 112 : index
        %get3A_2778 = tpu.vector_load %arg10[%get3A_2775, %get3A_2776, %get3A_2777] {strides = array<i32>} : memref<4x80x128xf32, #tpu.memory_space<vmem>>, vector<16xf32>,
        %mul3A_2779 = arith.mulf %get3A_2778, %get3A_141 : vector<16xf32>
        %add3A_2780 = arith.addf %mul3A_2737, %mul3A_2743 : vector<16xf32>
        %add3A_2781 = arith.addf %mul3A_2749, %mul3A_2755 : vector<16xf32>
        %add3A_2782 = arith.addf %mul3A_2761, %mul3A_2767 : vector<16xf32>
        %add3A_2783 = arith.addf %mul3A_2773, %mul3A_2779 : vector<16xf32>
        %add3A_2784 = arith.addf %add3A_2780, %add3A_2781 : vector<16xf32>
        %add3A_2785 = arith.addf %add3A_2782, %add3A_2783 : vector<16xf32>
        %add3A_2786 = arith.addf %add3A_2784, %add3A_2785 : vector<16xf32>
        %eq3A_2787 = arith.constant 8 : i32
        %eq3A_2788 = vector.broadcast %eq3A_2787 : i32 to vector<16xi32>
        %eq3A_2789 = arith.cmpi eq, %iota3A, %eq3A_2788 : vector<16xi32>
        %reduce_sum3A_2790 = arith.constant true
        %reduce_sum3A_2791 = vector.broadcast %reduce_sum3A_2790 : i1 to vector<16xi1>
        %reduce_sum3A_2792 = tpu.scan <sum>, %add3A_2786 masked %reduce_sum3A_2791 : vector<16xf32>, vector<16xi1> -> vector<16xf32>
        %reduce_sum3A_2793 = vector.extract %reduce_sum3A_2792[15] : f32 from vector<16xf32>
        %broadcast_in_dim3A_2794 = vector.broadcast %reduce_sum3A_2793 : f32 to vector<16xf32>
        %select_n3A_2795 = arith.select %eq3A_2789, %broadcast_in_dim3A_2794, %select_n3A_2731 : vector<16xi1>, vector<16xf32>
        %get3A_2796 = arith.constant 41 : i32
        %get3A_2797 = arith.index_cast %rem3A_101 : i32 to index
        %get3A_2798 = arith.index_cast %get3A_2796 : i32 to index
        %get3A_2799 = arith.constant 0 : index
        %get3A_2800 = tpu.vector_load %arg10[%get3A_2797, %get3A_2798, %get3A_2799] {strides = array<i32>} : memref<4x80x128xf32, #tpu.memory_space<vmem>>, vector<16xf32>,
        %mul3A_2801 = arith.mulf %get3A_2800, %get3A_120 : vector<16xf32>
        %get3A_2802 = arith.constant 41 : i32
        %get3A_2803 = arith.index_cast %rem3A_101 : i32 to index
        %get3A_2804 = arith.index_cast %get3A_2802 : i32 to index
        %get3A_2805 = arith.constant 16 : index
        %get3A_2806 = tpu.vector_load %arg10[%get3A_2803, %get3A_2804, %get3A_2805] {strides = array<i32>} : memref<4x80x128xf32, #tpu.memory_space<vmem>>, vector<16xf32>,
        %mul3A_2807 = arith.mulf %get3A_2806, %get3A_123 : vector<16xf32>
        %get3A_2808 = arith.constant 41 : i32
        %get3A_2809 = arith.index_cast %rem3A_101 : i32 to index
        %get3A_2810 = arith.index_cast %get3A_2808 : i32 to index
        %get3A_2811 = arith.constant 32 : index
        %get3A_2812 = tpu.vector_load %arg10[%get3A_2809, %get3A_2810, %get3A_2811] {strides = array<i32>} : memref<4x80x128xf32, #tpu.memory_space<vmem>>, vector<16xf32>,
        %mul3A_2813 = arith.mulf %get3A_2812, %get3A_126 : vector<16xf32>
        %get3A_2814 = arith.constant 41 : i32
        %get3A_2815 = arith.index_cast %rem3A_101 : i32 to index
        %get3A_2816 = arith.index_cast %get3A_2814 : i32 to index
        %get3A_2817 = arith.constant 48 : index
        %get3A_2818 = tpu.vector_load %arg10[%get3A_2815, %get3A_2816, %get3A_2817] {strides = array<i32>} : memref<4x80x128xf32, #tpu.memory_space<vmem>>, vector<16xf32>,
        %mul3A_2819 = arith.mulf %get3A_2818, %get3A_129 : vector<16xf32>
        %get3A_2820 = arith.constant 41 : i32
        %get3A_2821 = arith.index_cast %rem3A_101 : i32 to index
        %get3A_2822 = arith.index_cast %get3A_2820 : i32 to index
        %get3A_2823 = arith.constant 64 : index
        %get3A_2824 = tpu.vector_load %arg10[%get3A_2821, %get3A_2822, %get3A_2823] {strides = array<i32>} : memref<4x80x128xf32, #tpu.memory_space<vmem>>, vector<16xf32>,
        %mul3A_2825 = arith.mulf %get3A_2824, %get3A_132 : vector<16xf32>
        %get3A_2826 = arith.constant 41 : i32
        %get3A_2827 = arith.index_cast %rem3A_101 : i32 to index
        %get3A_2828 = arith.index_cast %get3A_2826 : i32 to index
        %get3A_2829 = arith.constant 80 : index
        %get3A_2830 = tpu.vector_load %arg10[%get3A_2827, %get3A_2828, %get3A_2829] {strides = array<i32>} : memref<4x80x128xf32, #tpu.memory_space<vmem>>, vector<16xf32>,
        %mul3A_2831 = arith.mulf %get3A_2830, %get3A_135 : vector<16xf32>
        %get3A_2832 = arith.constant 41 : i32
        %get3A_2833 = arith.index_cast %rem3A_101 : i32 to index
        %get3A_2834 = arith.index_cast %get3A_2832 : i32 to index
        %get3A_2835 = arith.constant 96 : index
        %get3A_2836 = tpu.vector_load %arg10[%get3A_2833, %get3A_2834, %get3A_2835] {strides = array<i32>} : memref<4x80x128xf32, #tpu.memory_space<vmem>>, vector<16xf32>,
        %mul3A_2837 = arith.mulf %get3A_2836, %get3A_138 : vector<16xf32>
        %get3A_2838 = arith.constant 41 : i32
        %get3A_2839 = arith.index_cast %rem3A_101 : i32 to index
        %get3A_2840 = arith.index_cast %get3A_2838 : i32 to index
        %get3A_2841 = arith.constant 112 : index
        %get3A_2842 = tpu.vector_load %arg10[%get3A_2839, %get3A_2840, %get3A_2841] {strides = array<i32>} : memref<4x80x128xf32, #tpu.memory_space<vmem>>, vector<16xf32>,
        %mul3A_2843 = arith.mulf %get3A_2842, %get3A_141 : vector<16xf32>
        %add3A_2844 = arith.addf %mul3A_2801, %mul3A_2807 : vector<16xf32>
        %add3A_2845 = arith.addf %mul3A_2813, %mul3A_2819 : vector<16xf32>
        %add3A_2846 = arith.addf %mul3A_2825, %mul3A_2831 : vector<16xf32>
        %add3A_2847 = arith.addf %mul3A_2837, %mul3A_2843 : vector<16xf32>
        %add3A_2848 = arith.addf %add3A_2844, %add3A_2845 : vector<16xf32>
        %add3A_2849 = arith.addf %add3A_2846, %add3A_2847 : vector<16xf32>
        %add3A_2850 = arith.addf %add3A_2848, %add3A_2849 : vector<16xf32>
        %eq3A_2851 = arith.constant 9 : i32
        %eq3A_2852 = vector.broadcast %eq3A_2851 : i32 to vector<16xi32>
        %eq3A_2853 = arith.cmpi eq, %iota3A, %eq3A_2852 : vector<16xi32>
        %reduce_sum3A_2854 = arith.constant true
        %reduce_sum3A_2855 = vector.broadcast %reduce_sum3A_2854 : i1 to vector<16xi1>
        %reduce_sum3A_2856 = tpu.scan <sum>, %add3A_2850 masked %reduce_sum3A_2855 : vector<16xf32>, vector<16xi1> -> vector<16xf32>
        %reduce_sum3A_2857 = vector.extract %reduce_sum3A_2856[15] : f32 from vector<16xf32>
        %broadcast_in_dim3A_2858 = vector.broadcast %reduce_sum3A_2857 : f32 to vector<16xf32>
        %select_n3A_2859 = arith.select %eq3A_2853, %broadcast_in_dim3A_2858, %select_n3A_2795 : vector<16xi1>, vector<16xf32>
        %get3A_2860 = arith.constant 42 : i32
        %get3A_2861 = arith.index_cast %rem3A_101 : i32 to index
        %get3A_2862 = arith.index_cast %get3A_2860 : i32 to index
        %get3A_2863 = arith.constant 0 : index
        %get3A_2864 = tpu.vector_load %arg10[%get3A_2861, %get3A_2862, %get3A_2863] {strides = array<i32>} : memref<4x80x128xf32, #tpu.memory_space<vmem>>, vector<16xf32>,
        %mul3A_2865 = arith.mulf %get3A_2864, %get3A_120 : vector<16xf32>
        %get3A_2866 = arith.constant 42 : i32
        %get3A_2867 = arith.index_cast %rem3A_101 : i32 to index
        %get3A_2868 = arith.index_cast %get3A_2866 : i32 to index
        %get3A_2869 = arith.constant 16 : index
        %get3A_2870 = tpu.vector_load %arg10[%get3A_2867, %get3A_2868, %get3A_2869] {strides = array<i32>} : memref<4x80x128xf32, #tpu.memory_space<vmem>>, vector<16xf32>,
        %mul3A_2871 = arith.mulf %get3A_2870, %get3A_123 : vector<16xf32>
        %get3A_2872 = arith.constant 42 : i32
        %get3A_2873 = arith.index_cast %rem3A_101 : i32 to index
        %get3A_2874 = arith.index_cast %get3A_2872 : i32 to index
        %get3A_2875 = arith.constant 32 : index
        %get3A_2876 = tpu.vector_load %arg10[%get3A_2873, %get3A_2874, %get3A_2875] {strides = array<i32>} : memref<4x80x128xf32, #tpu.memory_space<vmem>>, vector<16xf32>,
        %mul3A_2877 = arith.mulf %get3A_2876, %get3A_126 : vector<16xf32>
        %get3A_2878 = arith.constant 42 : i32
        %get3A_2879 = arith.index_cast %rem3A_101 : i32 to index
        %get3A_2880 = arith.index_cast %get3A_2878 : i32 to index
        %get3A_2881 = arith.constant 48 : index
        %get3A_2882 = tpu.vector_load %arg10[%get3A_2879, %get3A_2880, %get3A_2881] {strides = array<i32>} : memref<4x80x128xf32, #tpu.memory_space<vmem>>, vector<16xf32>,
        %mul3A_2883 = arith.mulf %get3A_2882, %get3A_129 : vector<16xf32>
        %get3A_2884 = arith.constant 42 : i32
        %get3A_2885 = arith.index_cast %rem3A_101 : i32 to index
        %get3A_2886 = arith.index_cast %get3A_2884 : i32 to index
        %get3A_2887 = arith.constant 64 : index
        %get3A_2888 = tpu.vector_load %arg10[%get3A_2885, %get3A_2886, %get3A_2887] {strides = array<i32>} : memref<4x80x128xf32, #tpu.memory_space<vmem>>, vector<16xf32>,
        %mul3A_2889 = arith.mulf %get3A_2888, %get3A_132 : vector<16xf32>
        %get3A_2890 = arith.constant 42 : i32
        %get3A_2891 = arith.index_cast %rem3A_101 : i32 to index
        %get3A_2892 = arith.index_cast %get3A_2890 : i32 to index
        %get3A_2893 = arith.constant 80 : index
        %get3A_2894 = tpu.vector_load %arg10[%get3A_2891, %get3A_2892, %get3A_2893] {strides = array<i32>} : memref<4x80x128xf32, #tpu.memory_space<vmem>>, vector<16xf32>,
        %mul3A_2895 = arith.mulf %get3A_2894, %get3A_135 : vector<16xf32>
        %get3A_2896 = arith.constant 42 : i32
        %get3A_2897 = arith.index_cast %rem3A_101 : i32 to index
        %get3A_2898 = arith.index_cast %get3A_2896 : i32 to index
        %get3A_2899 = arith.constant 96 : index
        %get3A_2900 = tpu.vector_load %arg10[%get3A_2897, %get3A_2898, %get3A_2899] {strides = array<i32>} : memref<4x80x128xf32, #tpu.memory_space<vmem>>, vector<16xf32>,
        %mul3A_2901 = arith.mulf %get3A_2900, %get3A_138 : vector<16xf32>
        %get3A_2902 = arith.constant 42 : i32
        %get3A_2903 = arith.index_cast %rem3A_101 : i32 to index
        %get3A_2904 = arith.index_cast %get3A_2902 : i32 to index
        %get3A_2905 = arith.constant 112 : index
        %get3A_2906 = tpu.vector_load %arg10[%get3A_2903, %get3A_2904, %get3A_2905] {strides = array<i32>} : memref<4x80x128xf32, #tpu.memory_space<vmem>>, vector<16xf32>,
        %mul3A_2907 = arith.mulf %get3A_2906, %get3A_141 : vector<16xf32>
        %add3A_2908 = arith.addf %mul3A_2865, %mul3A_2871 : vector<16xf32>
        %add3A_2909 = arith.addf %mul3A_2877, %mul3A_2883 : vector<16xf32>
        %add3A_2910 = arith.addf %mul3A_2889, %mul3A_2895 : vector<16xf32>
        %add3A_2911 = arith.addf %mul3A_2901, %mul3A_2907 : vector<16xf32>
        %add3A_2912 = arith.addf %add3A_2908, %add3A_2909 : vector<16xf32>
        %add3A_2913 = arith.addf %add3A_2910, %add3A_2911 : vector<16xf32>
        %add3A_2914 = arith.addf %add3A_2912, %add3A_2913 : vector<16xf32>
        %eq3A_2915 = arith.constant 10 : i32
        %eq3A_2916 = vector.broadcast %eq3A_2915 : i32 to vector<16xi32>
        %eq3A_2917 = arith.cmpi eq, %iota3A, %eq3A_2916 : vector<16xi32>
        %reduce_sum3A_2918 = arith.constant true
        %reduce_sum3A_2919 = vector.broadcast %reduce_sum3A_2918 : i1 to vector<16xi1>
        %reduce_sum3A_2920 = tpu.scan <sum>, %add3A_2914 masked %reduce_sum3A_2919 : vector<16xf32>, vector<16xi1> -> vector<16xf32>
        %reduce_sum3A_2921 = vector.extract %reduce_sum3A_2920[15] : f32 from vector<16xf32>
        %broadcast_in_dim3A_2922 = vector.broadcast %reduce_sum3A_2921 : f32 to vector<16xf32>
        %select_n3A_2923 = arith.select %eq3A_2917, %broadcast_in_dim3A_2922, %select_n3A_2859 : vector<16xi1>, vector<16xf32>
        %get3A_2924 = arith.constant 43 : i32
        %get3A_2925 = arith.index_cast %rem3A_101 : i32 to index
        %get3A_2926 = arith.index_cast %get3A_2924 : i32 to index
        %get3A_2927 = arith.constant 0 : index
        %get3A_2928 = tpu.vector_load %arg10[%get3A_2925, %get3A_2926, %get3A_2927] {strides = array<i32>} : memref<4x80x128xf32, #tpu.memory_space<vmem>>, vector<16xf32>,
        %mul3A_2929 = arith.mulf %get3A_2928, %get3A_120 : vector<16xf32>
        %get3A_2930 = arith.constant 43 : i32
        %get3A_2931 = arith.index_cast %rem3A_101 : i32 to index
        %get3A_2932 = arith.index_cast %get3A_2930 : i32 to index
        %get3A_2933 = arith.constant 16 : index
        %get3A_2934 = tpu.vector_load %arg10[%get3A_2931, %get3A_2932, %get3A_2933] {strides = array<i32>} : memref<4x80x128xf32, #tpu.memory_space<vmem>>, vector<16xf32>,
        %mul3A_2935 = arith.mulf %get3A_2934, %get3A_123 : vector<16xf32>
        %get3A_2936 = arith.constant 43 : i32
        %get3A_2937 = arith.index_cast %rem3A_101 : i32 to index
        %get3A_2938 = arith.index_cast %get3A_2936 : i32 to index
        %get3A_2939 = arith.constant 32 : index
        %get3A_2940 = tpu.vector_load %arg10[%get3A_2937, %get3A_2938, %get3A_2939] {strides = array<i32>} : memref<4x80x128xf32, #tpu.memory_space<vmem>>, vector<16xf32>,
        %mul3A_2941 = arith.mulf %get3A_2940, %get3A_126 : vector<16xf32>
        %get3A_2942 = arith.constant 43 : i32
        %get3A_2943 = arith.index_cast %rem3A_101 : i32 to index
        %get3A_2944 = arith.index_cast %get3A_2942 : i32 to index
        %get3A_2945 = arith.constant 48 : index
        %get3A_2946 = tpu.vector_load %arg10[%get3A_2943, %get3A_2944, %get3A_2945] {strides = array<i32>} : memref<4x80x128xf32, #tpu.memory_space<vmem>>, vector<16xf32>,
        %mul3A_2947 = arith.mulf %get3A_2946, %get3A_129 : vector<16xf32>
        %get3A_2948 = arith.constant 43 : i32
        %get3A_2949 = arith.index_cast %rem3A_101 : i32 to index
        %get3A_2950 = arith.index_cast %get3A_2948 : i32 to index
        %get3A_2951 = arith.constant 64 : index
        %get3A_2952 = tpu.vector_load %arg10[%get3A_2949, %get3A_2950, %get3A_2951] {strides = array<i32>} : memref<4x80x128xf32, #tpu.memory_space<vmem>>, vector<16xf32>,
        %mul3A_2953 = arith.mulf %get3A_2952, %get3A_132 : vector<16xf32>
        %get3A_2954 = arith.constant 43 : i32
        %get3A_2955 = arith.index_cast %rem3A_101 : i32 to index
        %get3A_2956 = arith.index_cast %get3A_2954 : i32 to index
        %get3A_2957 = arith.constant 80 : index
        %get3A_2958 = tpu.vector_load %arg10[%get3A_2955, %get3A_2956, %get3A_2957] {strides = array<i32>} : memref<4x80x128xf32, #tpu.memory_space<vmem>>, vector<16xf32>,
        %mul3A_2959 = arith.mulf %get3A_2958, %get3A_135 : vector<16xf32>
        %get3A_2960 = arith.constant 43 : i32
        %get3A_2961 = arith.index_cast %rem3A_101 : i32 to index
        %get3A_2962 = arith.index_cast %get3A_2960 : i32 to index
        %get3A_2963 = arith.constant 96 : index
        %get3A_2964 = tpu.vector_load %arg10[%get3A_2961, %get3A_2962, %get3A_2963] {strides = array<i32>} : memref<4x80x128xf32, #tpu.memory_space<vmem>>, vector<16xf32>,
        %mul3A_2965 = arith.mulf %get3A_2964, %get3A_138 : vector<16xf32>
        %get3A_2966 = arith.constant 43 : i32
        %get3A_2967 = arith.index_cast %rem3A_101 : i32 to index
        %get3A_2968 = arith.index_cast %get3A_2966 : i32 to index
        %get3A_2969 = arith.constant 112 : index
        %get3A_2970 = tpu.vector_load %arg10[%get3A_2967, %get3A_2968, %get3A_2969] {strides = array<i32>} : memref<4x80x128xf32, #tpu.memory_space<vmem>>, vector<16xf32>,
        %mul3A_2971 = arith.mulf %get3A_2970, %get3A_141 : vector<16xf32>
        %add3A_2972 = arith.addf %mul3A_2929, %mul3A_2935 : vector<16xf32>
        %add3A_2973 = arith.addf %mul3A_2941, %mul3A_2947 : vector<16xf32>
        %add3A_2974 = arith.addf %mul3A_2953, %mul3A_2959 : vector<16xf32>
        %add3A_2975 = arith.addf %mul3A_2965, %mul3A_2971 : vector<16xf32>
        %add3A_2976 = arith.addf %add3A_2972, %add3A_2973 : vector<16xf32>
        %add3A_2977 = arith.addf %add3A_2974, %add3A_2975 : vector<16xf32>
        %add3A_2978 = arith.addf %add3A_2976, %add3A_2977 : vector<16xf32>
        %eq3A_2979 = arith.constant 11 : i32
        %eq3A_2980 = vector.broadcast %eq3A_2979 : i32 to vector<16xi32>
        %eq3A_2981 = arith.cmpi eq, %iota3A, %eq3A_2980 : vector<16xi32>
        %reduce_sum3A_2982 = arith.constant true
        %reduce_sum3A_2983 = vector.broadcast %reduce_sum3A_2982 : i1 to vector<16xi1>
        %reduce_sum3A_2984 = tpu.scan <sum>, %add3A_2978 masked %reduce_sum3A_2983 : vector<16xf32>, vector<16xi1> -> vector<16xf32>
        %reduce_sum3A_2985 = vector.extract %reduce_sum3A_2984[15] : f32 from vector<16xf32>
        %broadcast_in_dim3A_2986 = vector.broadcast %reduce_sum3A_2985 : f32 to vector<16xf32>
        %select_n3A_2987 = arith.select %eq3A_2981, %broadcast_in_dim3A_2986, %select_n3A_2923 : vector<16xi1>, vector<16xf32>
        %get3A_2988 = arith.constant 44 : i32
        %get3A_2989 = arith.index_cast %rem3A_101 : i32 to index
        %get3A_2990 = arith.index_cast %get3A_2988 : i32 to index
        %get3A_2991 = arith.constant 0 : index
        %get3A_2992 = tpu.vector_load %arg10[%get3A_2989, %get3A_2990, %get3A_2991] {strides = array<i32>} : memref<4x80x128xf32, #tpu.memory_space<vmem>>, vector<16xf32>,
        %mul3A_2993 = arith.mulf %get3A_2992, %get3A_120 : vector<16xf32>
        %get3A_2994 = arith.constant 44 : i32
        %get3A_2995 = arith.index_cast %rem3A_101 : i32 to index
        %get3A_2996 = arith.index_cast %get3A_2994 : i32 to index
        %get3A_2997 = arith.constant 16 : index
        %get3A_2998 = tpu.vector_load %arg10[%get3A_2995, %get3A_2996, %get3A_2997] {strides = array<i32>} : memref<4x80x128xf32, #tpu.memory_space<vmem>>, vector<16xf32>,
        %mul3A_2999 = arith.mulf %get3A_2998, %get3A_123 : vector<16xf32>
        %get3A_3000 = arith.constant 44 : i32
        %get3A_3001 = arith.index_cast %rem3A_101 : i32 to index
        %get3A_3002 = arith.index_cast %get3A_3000 : i32 to index
        %get3A_3003 = arith.constant 32 : index
        %get3A_3004 = tpu.vector_load %arg10[%get3A_3001, %get3A_3002, %get3A_3003] {strides = array<i32>} : memref<4x80x128xf32, #tpu.memory_space<vmem>>, vector<16xf32>,
        %mul3A_3005 = arith.mulf %get3A_3004, %get3A_126 : vector<16xf32>
        %get3A_3006 = arith.constant 44 : i32
        %get3A_3007 = arith.index_cast %rem3A_101 : i32 to index
        %get3A_3008 = arith.index_cast %get3A_3006 : i32 to index
        %get3A_3009 = arith.constant 48 : index
        %get3A_3010 = tpu.vector_load %arg10[%get3A_3007, %get3A_3008, %get3A_3009] {strides = array<i32>} : memref<4x80x128xf32, #tpu.memory_space<vmem>>, vector<16xf32>,
        %mul3A_3011 = arith.mulf %get3A_3010, %get3A_129 : vector<16xf32>
        %get3A_3012 = arith.constant 44 : i32
        %get3A_3013 = arith.index_cast %rem3A_101 : i32 to index
        %get3A_3014 = arith.index_cast %get3A_3012 : i32 to index
        %get3A_3015 = arith.constant 64 : index
        %get3A_3016 = tpu.vector_load %arg10[%get3A_3013, %get3A_3014, %get3A_3015] {strides = array<i32>} : memref<4x80x128xf32, #tpu.memory_space<vmem>>, vector<16xf32>,
        %mul3A_3017 = arith.mulf %get3A_3016, %get3A_132 : vector<16xf32>
        %get3A_3018 = arith.constant 44 : i32
        %get3A_3019 = arith.index_cast %rem3A_101 : i32 to index
        %get3A_3020 = arith.index_cast %get3A_3018 : i32 to index
        %get3A_3021 = arith.constant 80 : index
        %get3A_3022 = tpu.vector_load %arg10[%get3A_3019, %get3A_3020, %get3A_3021] {strides = array<i32>} : memref<4x80x128xf32, #tpu.memory_space<vmem>>, vector<16xf32>,
        %mul3A_3023 = arith.mulf %get3A_3022, %get3A_135 : vector<16xf32>
        %get3A_3024 = arith.constant 44 : i32
        %get3A_3025 = arith.index_cast %rem3A_101 : i32 to index
        %get3A_3026 = arith.index_cast %get3A_3024 : i32 to index
        %get3A_3027 = arith.constant 96 : index
        %get3A_3028 = tpu.vector_load %arg10[%get3A_3025, %get3A_3026, %get3A_3027] {strides = array<i32>} : memref<4x80x128xf32, #tpu.memory_space<vmem>>, vector<16xf32>,
        %mul3A_3029 = arith.mulf %get3A_3028, %get3A_138 : vector<16xf32>
        %get3A_3030 = arith.constant 44 : i32
        %get3A_3031 = arith.index_cast %rem3A_101 : i32 to index
        %get3A_3032 = arith.index_cast %get3A_3030 : i32 to index
        %get3A_3033 = arith.constant 112 : index
        %get3A_3034 = tpu.vector_load %arg10[%get3A_3031, %get3A_3032, %get3A_3033] {strides = array<i32>} : memref<4x80x128xf32, #tpu.memory_space<vmem>>, vector<16xf32>,
        %mul3A_3035 = arith.mulf %get3A_3034, %get3A_141 : vector<16xf32>
        %add3A_3036 = arith.addf %mul3A_2993, %mul3A_2999 : vector<16xf32>
        %add3A_3037 = arith.addf %mul3A_3005, %mul3A_3011 : vector<16xf32>
        %add3A_3038 = arith.addf %mul3A_3017, %mul3A_3023 : vector<16xf32>
        %add3A_3039 = arith.addf %mul3A_3029, %mul3A_3035 : vector<16xf32>
        %add3A_3040 = arith.addf %add3A_3036, %add3A_3037 : vector<16xf32>
        %add3A_3041 = arith.addf %add3A_3038, %add3A_3039 : vector<16xf32>
        %add3A_3042 = arith.addf %add3A_3040, %add3A_3041 : vector<16xf32>
        %eq3A_3043 = arith.constant 12 : i32
        %eq3A_3044 = vector.broadcast %eq3A_3043 : i32 to vector<16xi32>
        %eq3A_3045 = arith.cmpi eq, %iota3A, %eq3A_3044 : vector<16xi32>
        %reduce_sum3A_3046 = arith.constant true
        %reduce_sum3A_3047 = vector.broadcast %reduce_sum3A_3046 : i1 to vector<16xi1>
        %reduce_sum3A_3048 = tpu.scan <sum>, %add3A_3042 masked %reduce_sum3A_3047 : vector<16xf32>, vector<16xi1> -> vector<16xf32>
        %reduce_sum3A_3049 = vector.extract %reduce_sum3A_3048[15] : f32 from vector<16xf32>
        %broadcast_in_dim3A_3050 = vector.broadcast %reduce_sum3A_3049 : f32 to vector<16xf32>
        %select_n3A_3051 = arith.select %eq3A_3045, %broadcast_in_dim3A_3050, %select_n3A_2987 : vector<16xi1>, vector<16xf32>
        %get3A_3052 = arith.constant 45 : i32
        %get3A_3053 = arith.index_cast %rem3A_101 : i32 to index
        %get3A_3054 = arith.index_cast %get3A_3052 : i32 to index
        %get3A_3055 = arith.constant 0 : index
        %get3A_3056 = tpu.vector_load %arg10[%get3A_3053, %get3A_3054, %get3A_3055] {strides = array<i32>} : memref<4x80x128xf32, #tpu.memory_space<vmem>>, vector<16xf32>,
        %mul3A_3057 = arith.mulf %get3A_3056, %get3A_120 : vector<16xf32>
        %get3A_3058 = arith.constant 45 : i32
        %get3A_3059 = arith.index_cast %rem3A_101 : i32 to index
        %get3A_3060 = arith.index_cast %get3A_3058 : i32 to index
        %get3A_3061 = arith.constant 16 : index
        %get3A_3062 = tpu.vector_load %arg10[%get3A_3059, %get3A_3060, %get3A_3061] {strides = array<i32>} : memref<4x80x128xf32, #tpu.memory_space<vmem>>, vector<16xf32>,
        %mul3A_3063 = arith.mulf %get3A_3062, %get3A_123 : vector<16xf32>
        %get3A_3064 = arith.constant 45 : i32
        %get3A_3065 = arith.index_cast %rem3A_101 : i32 to index
        %get3A_3066 = arith.index_cast %get3A_3064 : i32 to index
        %get3A_3067 = arith.constant 32 : index
        %get3A_3068 = tpu.vector_load %arg10[%get3A_3065, %get3A_3066, %get3A_3067] {strides = array<i32>} : memref<4x80x128xf32, #tpu.memory_space<vmem>>, vector<16xf32>,
        %mul3A_3069 = arith.mulf %get3A_3068, %get3A_126 : vector<16xf32>
        %get3A_3070 = arith.constant 45 : i32
        %get3A_3071 = arith.index_cast %rem3A_101 : i32 to index
        %get3A_3072 = arith.index_cast %get3A_3070 : i32 to index
        %get3A_3073 = arith.constant 48 : index
        %get3A_3074 = tpu.vector_load %arg10[%get3A_3071, %get3A_3072, %get3A_3073] {strides = array<i32>} : memref<4x80x128xf32, #tpu.memory_space<vmem>>, vector<16xf32>,
        %mul3A_3075 = arith.mulf %get3A_3074, %get3A_129 : vector<16xf32>
        %get3A_3076 = arith.constant 45 : i32
        %get3A_3077 = arith.index_cast %rem3A_101 : i32 to index
        %get3A_3078 = arith.index_cast %get3A_3076 : i32 to index
        %get3A_3079 = arith.constant 64 : index
        %get3A_3080 = tpu.vector_load %arg10[%get3A_3077, %get3A_3078, %get3A_3079] {strides = array<i32>} : memref<4x80x128xf32, #tpu.memory_space<vmem>>, vector<16xf32>,
        %mul3A_3081 = arith.mulf %get3A_3080, %get3A_132 : vector<16xf32>
        %get3A_3082 = arith.constant 45 : i32
        %get3A_3083 = arith.index_cast %rem3A_101 : i32 to index
        %get3A_3084 = arith.index_cast %get3A_3082 : i32 to index
        %get3A_3085 = arith.constant 80 : index
        %get3A_3086 = tpu.vector_load %arg10[%get3A_3083, %get3A_3084, %get3A_3085] {strides = array<i32>} : memref<4x80x128xf32, #tpu.memory_space<vmem>>, vector<16xf32>,
        %mul3A_3087 = arith.mulf %get3A_3086, %get3A_135 : vector<16xf32>
        %get3A_3088 = arith.constant 45 : i32
        %get3A_3089 = arith.index_cast %rem3A_101 : i32 to index
        %get3A_3090 = arith.index_cast %get3A_3088 : i32 to index
        %get3A_3091 = arith.constant 96 : index
        %get3A_3092 = tpu.vector_load %arg10[%get3A_3089, %get3A_3090, %get3A_3091] {strides = array<i32>} : memref<4x80x128xf32, #tpu.memory_space<vmem>>, vector<16xf32>,
        %mul3A_3093 = arith.mulf %get3A_3092, %get3A_138 : vector<16xf32>
        %get3A_3094 = arith.constant 45 : i32
        %get3A_3095 = arith.index_cast %rem3A_101 : i32 to index
        %get3A_3096 = arith.index_cast %get3A_3094 : i32 to index
        %get3A_3097 = arith.constant 112 : index
        %get3A_3098 = tpu.vector_load %arg10[%get3A_3095, %get3A_3096, %get3A_3097] {strides = array<i32>} : memref<4x80x128xf32, #tpu.memory_space<vmem>>, vector<16xf32>,
        %mul3A_3099 = arith.mulf %get3A_3098, %get3A_141 : vector<16xf32>
        %add3A_3100 = arith.addf %mul3A_3057, %mul3A_3063 : vector<16xf32>
        %add3A_3101 = arith.addf %mul3A_3069, %mul3A_3075 : vector<16xf32>
        %add3A_3102 = arith.addf %mul3A_3081, %mul3A_3087 : vector<16xf32>
        %add3A_3103 = arith.addf %mul3A_3093, %mul3A_3099 : vector<16xf32>
        %add3A_3104 = arith.addf %add3A_3100, %add3A_3101 : vector<16xf32>
        %add3A_3105 = arith.addf %add3A_3102, %add3A_3103 : vector<16xf32>
        %add3A_3106 = arith.addf %add3A_3104, %add3A_3105 : vector<16xf32>
        %eq3A_3107 = arith.constant 13 : i32
        %eq3A_3108 = vector.broadcast %eq3A_3107 : i32 to vector<16xi32>
        %eq3A_3109 = arith.cmpi eq, %iota3A, %eq3A_3108 : vector<16xi32>
        %reduce_sum3A_3110 = arith.constant true
        %reduce_sum3A_3111 = vector.broadcast %reduce_sum3A_3110 : i1 to vector<16xi1>
        %reduce_sum3A_3112 = tpu.scan <sum>, %add3A_3106 masked %reduce_sum3A_3111 : vector<16xf32>, vector<16xi1> -> vector<16xf32>
        %reduce_sum3A_3113 = vector.extract %reduce_sum3A_3112[15] : f32 from vector<16xf32>
        %broadcast_in_dim3A_3114 = vector.broadcast %reduce_sum3A_3113 : f32 to vector<16xf32>
        %select_n3A_3115 = arith.select %eq3A_3109, %broadcast_in_dim3A_3114, %select_n3A_3051 : vector<16xi1>, vector<16xf32>
        %get3A_3116 = arith.constant 46 : i32
        %get3A_3117 = arith.index_cast %rem3A_101 : i32 to index
        %get3A_3118 = arith.index_cast %get3A_3116 : i32 to index
        %get3A_3119 = arith.constant 0 : index
        %get3A_3120 = tpu.vector_load %arg10[%get3A_3117, %get3A_3118, %get3A_3119] {strides = array<i32>} : memref<4x80x128xf32, #tpu.memory_space<vmem>>, vector<16xf32>,
        %mul3A_3121 = arith.mulf %get3A_3120, %get3A_120 : vector<16xf32>
        %get3A_3122 = arith.constant 46 : i32
        %get3A_3123 = arith.index_cast %rem3A_101 : i32 to index
        %get3A_3124 = arith.index_cast %get3A_3122 : i32 to index
        %get3A_3125 = arith.constant 16 : index
        %get3A_3126 = tpu.vector_load %arg10[%get3A_3123, %get3A_3124, %get3A_3125] {strides = array<i32>} : memref<4x80x128xf32, #tpu.memory_space<vmem>>, vector<16xf32>,
        %mul3A_3127 = arith.mulf %get3A_3126, %get3A_123 : vector<16xf32>
        %get3A_3128 = arith.constant 46 : i32
        %get3A_3129 = arith.index_cast %rem3A_101 : i32 to index
        %get3A_3130 = arith.index_cast %get3A_3128 : i32 to index
        %get3A_3131 = arith.constant 32 : index
        %get3A_3132 = tpu.vector_load %arg10[%get3A_3129, %get3A_3130, %get3A_3131] {strides = array<i32>} : memref<4x80x128xf32, #tpu.memory_space<vmem>>, vector<16xf32>,
        %mul3A_3133 = arith.mulf %get3A_3132, %get3A_126 : vector<16xf32>
        %get3A_3134 = arith.constant 46 : i32
        %get3A_3135 = arith.index_cast %rem3A_101 : i32 to index
        %get3A_3136 = arith.index_cast %get3A_3134 : i32 to index
        %get3A_3137 = arith.constant 48 : index
        %get3A_3138 = tpu.vector_load %arg10[%get3A_3135, %get3A_3136, %get3A_3137] {strides = array<i32>} : memref<4x80x128xf32, #tpu.memory_space<vmem>>, vector<16xf32>,
        %mul3A_3139 = arith.mulf %get3A_3138, %get3A_129 : vector<16xf32>
        %get3A_3140 = arith.constant 46 : i32
        %get3A_3141 = arith.index_cast %rem3A_101 : i32 to index
        %get3A_3142 = arith.index_cast %get3A_3140 : i32 to index
        %get3A_3143 = arith.constant 64 : index
        %get3A_3144 = tpu.vector_load %arg10[%get3A_3141, %get3A_3142, %get3A_3143] {strides = array<i32>} : memref<4x80x128xf32, #tpu.memory_space<vmem>>, vector<16xf32>,
        %mul3A_3145 = arith.mulf %get3A_3144, %get3A_132 : vector<16xf32>
        %get3A_3146 = arith.constant 46 : i32
        %get3A_3147 = arith.index_cast %rem3A_101 : i32 to index
        %get3A_3148 = arith.index_cast %get3A_3146 : i32 to index
        %get3A_3149 = arith.constant 80 : index
        %get3A_3150 = tpu.vector_load %arg10[%get3A_3147, %get3A_3148, %get3A_3149] {strides = array<i32>} : memref<4x80x128xf32, #tpu.memory_space<vmem>>, vector<16xf32>,
        %mul3A_3151 = arith.mulf %get3A_3150, %get3A_135 : vector<16xf32>
        %get3A_3152 = arith.constant 46 : i32
        %get3A_3153 = arith.index_cast %rem3A_101 : i32 to index
        %get3A_3154 = arith.index_cast %get3A_3152 : i32 to index
        %get3A_3155 = arith.constant 96 : index
        %get3A_3156 = tpu.vector_load %arg10[%get3A_3153, %get3A_3154, %get3A_3155] {strides = array<i32>} : memref<4x80x128xf32, #tpu.memory_space<vmem>>, vector<16xf32>,
        %mul3A_3157 = arith.mulf %get3A_3156, %get3A_138 : vector<16xf32>
        %get3A_3158 = arith.constant 46 : i32
        %get3A_3159 = arith.index_cast %rem3A_101 : i32 to index
        %get3A_3160 = arith.index_cast %get3A_3158 : i32 to index
        %get3A_3161 = arith.constant 112 : index
        %get3A_3162 = tpu.vector_load %arg10[%get3A_3159, %get3A_3160, %get3A_3161] {strides = array<i32>} : memref<4x80x128xf32, #tpu.memory_space<vmem>>, vector<16xf32>,
        %mul3A_3163 = arith.mulf %get3A_3162, %get3A_141 : vector<16xf32>
        %add3A_3164 = arith.addf %mul3A_3121, %mul3A_3127 : vector<16xf32>
        %add3A_3165 = arith.addf %mul3A_3133, %mul3A_3139 : vector<16xf32>
        %add3A_3166 = arith.addf %mul3A_3145, %mul3A_3151 : vector<16xf32>
        %add3A_3167 = arith.addf %mul3A_3157, %mul3A_3163 : vector<16xf32>
        %add3A_3168 = arith.addf %add3A_3164, %add3A_3165 : vector<16xf32>
        %add3A_3169 = arith.addf %add3A_3166, %add3A_3167 : vector<16xf32>
        %add3A_3170 = arith.addf %add3A_3168, %add3A_3169 : vector<16xf32>
        %eq3A_3171 = arith.constant 14 : i32
        %eq3A_3172 = vector.broadcast %eq3A_3171 : i32 to vector<16xi32>
        %eq3A_3173 = arith.cmpi eq, %iota3A, %eq3A_3172 : vector<16xi32>
        %reduce_sum3A_3174 = arith.constant true
        %reduce_sum3A_3175 = vector.broadcast %reduce_sum3A_3174 : i1 to vector<16xi1>
        %reduce_sum3A_3176 = tpu.scan <sum>, %add3A_3170 masked %reduce_sum3A_3175 : vector<16xf32>, vector<16xi1> -> vector<16xf32>
        %reduce_sum3A_3177 = vector.extract %reduce_sum3A_3176[15] : f32 from vector<16xf32>
        %broadcast_in_dim3A_3178 = vector.broadcast %reduce_sum3A_3177 : f32 to vector<16xf32>
        %select_n3A_3179 = arith.select %eq3A_3173, %broadcast_in_dim3A_3178, %select_n3A_3115 : vector<16xi1>, vector<16xf32>
        %get3A_3180 = arith.constant 47 : i32
        %get3A_3181 = arith.index_cast %rem3A_101 : i32 to index
        %get3A_3182 = arith.index_cast %get3A_3180 : i32 to index
        %get3A_3183 = arith.constant 0 : index
        %get3A_3184 = tpu.vector_load %arg10[%get3A_3181, %get3A_3182, %get3A_3183] {strides = array<i32>} : memref<4x80x128xf32, #tpu.memory_space<vmem>>, vector<16xf32>,
        %mul3A_3185 = arith.mulf %get3A_3184, %get3A_120 : vector<16xf32>
        %get3A_3186 = arith.constant 47 : i32
        %get3A_3187 = arith.index_cast %rem3A_101 : i32 to index
        %get3A_3188 = arith.index_cast %get3A_3186 : i32 to index
        %get3A_3189 = arith.constant 16 : index
        %get3A_3190 = tpu.vector_load %arg10[%get3A_3187, %get3A_3188, %get3A_3189] {strides = array<i32>} : memref<4x80x128xf32, #tpu.memory_space<vmem>>, vector<16xf32>,
        %mul3A_3191 = arith.mulf %get3A_3190, %get3A_123 : vector<16xf32>
        %get3A_3192 = arith.constant 47 : i32
        %get3A_3193 = arith.index_cast %rem3A_101 : i32 to index
        %get3A_3194 = arith.index_cast %get3A_3192 : i32 to index
        %get3A_3195 = arith.constant 32 : index
        %get3A_3196 = tpu.vector_load %arg10[%get3A_3193, %get3A_3194, %get3A_3195] {strides = array<i32>} : memref<4x80x128xf32, #tpu.memory_space<vmem>>, vector<16xf32>,
        %mul3A_3197 = arith.mulf %get3A_3196, %get3A_126 : vector<16xf32>
        %get3A_3198 = arith.constant 47 : i32
        %get3A_3199 = arith.index_cast %rem3A_101 : i32 to index
        %get3A_3200 = arith.index_cast %get3A_3198 : i32 to index
        %get3A_3201 = arith.constant 48 : index
        %get3A_3202 = tpu.vector_load %arg10[%get3A_3199, %get3A_3200, %get3A_3201] {strides = array<i32>} : memref<4x80x128xf32, #tpu.memory_space<vmem>>, vector<16xf32>,
        %mul3A_3203 = arith.mulf %get3A_3202, %get3A_129 : vector<16xf32>
        %get3A_3204 = arith.constant 47 : i32
        %get3A_3205 = arith.index_cast %rem3A_101 : i32 to index
        %get3A_3206 = arith.index_cast %get3A_3204 : i32 to index
        %get3A_3207 = arith.constant 64 : index
        %get3A_3208 = tpu.vector_load %arg10[%get3A_3205, %get3A_3206, %get3A_3207] {strides = array<i32>} : memref<4x80x128xf32, #tpu.memory_space<vmem>>, vector<16xf32>,
        %mul3A_3209 = arith.mulf %get3A_3208, %get3A_132 : vector<16xf32>
        %get3A_3210 = arith.constant 47 : i32
        %get3A_3211 = arith.index_cast %rem3A_101 : i32 to index
        %get3A_3212 = arith.index_cast %get3A_3210 : i32 to index
        %get3A_3213 = arith.constant 80 : index
        %get3A_3214 = tpu.vector_load %arg10[%get3A_3211, %get3A_3212, %get3A_3213] {strides = array<i32>} : memref<4x80x128xf32, #tpu.memory_space<vmem>>, vector<16xf32>,
        %mul3A_3215 = arith.mulf %get3A_3214, %get3A_135 : vector<16xf32>
        %get3A_3216 = arith.constant 47 : i32
        %get3A_3217 = arith.index_cast %rem3A_101 : i32 to index
        %get3A_3218 = arith.index_cast %get3A_3216 : i32 to index
        %get3A_3219 = arith.constant 96 : index
        %get3A_3220 = tpu.vector_load %arg10[%get3A_3217, %get3A_3218, %get3A_3219] {strides = array<i32>} : memref<4x80x128xf32, #tpu.memory_space<vmem>>, vector<16xf32>,
        %mul3A_3221 = arith.mulf %get3A_3220, %get3A_138 : vector<16xf32>
        %get3A_3222 = arith.constant 47 : i32
        %get3A_3223 = arith.index_cast %rem3A_101 : i32 to index
        %get3A_3224 = arith.index_cast %get3A_3222 : i32 to index
        %get3A_3225 = arith.constant 112 : index
        %get3A_3226 = tpu.vector_load %arg10[%get3A_3223, %get3A_3224, %get3A_3225] {strides = array<i32>} : memref<4x80x128xf32, #tpu.memory_space<vmem>>, vector<16xf32>,
        %mul3A_3227 = arith.mulf %get3A_3226, %get3A_141 : vector<16xf32>
        %add3A_3228 = arith.addf %mul3A_3185, %mul3A_3191 : vector<16xf32>
        %add3A_3229 = arith.addf %mul3A_3197, %mul3A_3203 : vector<16xf32>
        %add3A_3230 = arith.addf %mul3A_3209, %mul3A_3215 : vector<16xf32>
        %add3A_3231 = arith.addf %mul3A_3221, %mul3A_3227 : vector<16xf32>
        %add3A_3232 = arith.addf %add3A_3228, %add3A_3229 : vector<16xf32>
        %add3A_3233 = arith.addf %add3A_3230, %add3A_3231 : vector<16xf32>
        %add3A_3234 = arith.addf %add3A_3232, %add3A_3233 : vector<16xf32>
        %eq3A_3235 = arith.constant 15 : i32
        %eq3A_3236 = vector.broadcast %eq3A_3235 : i32 to vector<16xi32>
        %eq3A_3237 = arith.cmpi eq, %iota3A, %eq3A_3236 : vector<16xi32>
        %reduce_sum3A_3238 = arith.constant true
        %reduce_sum3A_3239 = vector.broadcast %reduce_sum3A_3238 : i1 to vector<16xi1>
        %reduce_sum3A_3240 = tpu.scan <sum>, %add3A_3234 masked %reduce_sum3A_3239 : vector<16xf32>, vector<16xi1> -> vector<16xf32>
        %reduce_sum3A_3241 = vector.extract %reduce_sum3A_3240[15] : f32 from vector<16xf32>
        %broadcast_in_dim3A_3242 = vector.broadcast %reduce_sum3A_3241 : f32 to vector<16xf32>
        %select_n3A_3243 = arith.select %eq3A_3237, %broadcast_in_dim3A_3242, %select_n3A_3179 : vector<16xi1>, vector<16xf32>
        %neg3A_3244 = arith.constant 0.000000e+00 : f32
        %neg3A_3245 = vector.broadcast %neg3A_3244 : f32 to vector<16xf32>
        %neg3A_3246 = arith.subf %neg3A_3245, %select_n3A_3243 : vector<16xf32>
        %exp3A_3247 = math.exp %neg3A_3246 : vector<16xf32>
        %add3A_3248 = arith.constant 1.000000e+00 : f32
        %add3A_3249 = vector.broadcast %add3A_3248 : f32 to vector<16xf32>
        %add3A_3250 = arith.addf %add3A_3249, %exp3A_3247 : vector<16xf32>
        %div3A_3251 = arith.constant 1.000000e+00 : f32
        %div3A_3252 = vector.broadcast %div3A_3251 : f32 to vector<16xf32>
        %div3A_3253 = arith.divf %div3A_3252, %add3A_3250 : vector<16xf32>
        %mul3A_3254 = arith.constant 70 : i32
        %mul3A_3255 = arith.muli %scan3A_99, %mul3A_3254 : i32
        %add3A_3256 = arith.constant 32 : i32
        %add3A_3257 = arith.addi %mul3A_3255, %add3A_3256 : i32
        %swap3A_3258 = arith.index_cast %add3A_3257 : i32 to index
        %swap3A_3259 = tpu.vector_load %arg11[%swap3A_3258] {strides = array<i32>} : memref<17936xf32, #tpu.memory_space<vmem>>, vector<16xf32>,
        tpu.vector_store %arg11[%swap3A_3258], %div3A_3253 {strides = array<i32>} : memref<17936xf32, #tpu.memory_space<vmem>>, vector<16xf32>,
        %broadcast_in_dim3A_3260 = arith.constant 0.000000e+00 : f32
        %broadcast_in_dim3A_3261 = vector.broadcast %broadcast_in_dim3A_3260 : f32 to vector<16xf32>
        %get3A_3262 = arith.constant 48 : i32
        %get3A_3263 = arith.index_cast %rem3A_101 : i32 to index
        %get3A_3264 = arith.index_cast %get3A_3262 : i32 to index
        %get3A_3265 = arith.constant 0 : index
        %get3A_3266 = tpu.vector_load %arg10[%get3A_3263, %get3A_3264, %get3A_3265] {strides = array<i32>} : memref<4x80x128xf32, #tpu.memory_space<vmem>>, vector<16xf32>,
        %mul3A_3267 = arith.mulf %get3A_3266, %get3A_120 : vector<16xf32>
        %get3A_3268 = arith.constant 48 : i32
        %get3A_3269 = arith.index_cast %rem3A_101 : i32 to index
        %get3A_3270 = arith.index_cast %get3A_3268 : i32 to index
        %get3A_3271 = arith.constant 16 : index
        %get3A_3272 = tpu.vector_load %arg10[%get3A_3269, %get3A_3270, %get3A_3271] {strides = array<i32>} : memref<4x80x128xf32, #tpu.memory_space<vmem>>, vector<16xf32>,
        %mul3A_3273 = arith.mulf %get3A_3272, %get3A_123 : vector<16xf32>
        %get3A_3274 = arith.constant 48 : i32
        %get3A_3275 = arith.index_cast %rem3A_101 : i32 to index
        %get3A_3276 = arith.index_cast %get3A_3274 : i32 to index
        %get3A_3277 = arith.constant 32 : index
        %get3A_3278 = tpu.vector_load %arg10[%get3A_3275, %get3A_3276, %get3A_3277] {strides = array<i32>} : memref<4x80x128xf32, #tpu.memory_space<vmem>>, vector<16xf32>,
        %mul3A_3279 = arith.mulf %get3A_3278, %get3A_126 : vector<16xf32>
        %get3A_3280 = arith.constant 48 : i32
        %get3A_3281 = arith.index_cast %rem3A_101 : i32 to index
        %get3A_3282 = arith.index_cast %get3A_3280 : i32 to index
        %get3A_3283 = arith.constant 48 : index
        %get3A_3284 = tpu.vector_load %arg10[%get3A_3281, %get3A_3282, %get3A_3283] {strides = array<i32>} : memref<4x80x128xf32, #tpu.memory_space<vmem>>, vector<16xf32>,
        %mul3A_3285 = arith.mulf %get3A_3284, %get3A_129 : vector<16xf32>
        %get3A_3286 = arith.constant 48 : i32
        %get3A_3287 = arith.index_cast %rem3A_101 : i32 to index
        %get3A_3288 = arith.index_cast %get3A_3286 : i32 to index
        %get3A_3289 = arith.constant 64 : index
        %get3A_3290 = tpu.vector_load %arg10[%get3A_3287, %get3A_3288, %get3A_3289] {strides = array<i32>} : memref<4x80x128xf32, #tpu.memory_space<vmem>>, vector<16xf32>,
        %mul3A_3291 = arith.mulf %get3A_3290, %get3A_132 : vector<16xf32>
        %get3A_3292 = arith.constant 48 : i32
        %get3A_3293 = arith.index_cast %rem3A_101 : i32 to index
        %get3A_3294 = arith.index_cast %get3A_3292 : i32 to index
        %get3A_3295 = arith.constant 80 : index
        %get3A_3296 = tpu.vector_load %arg10[%get3A_3293, %get3A_3294, %get3A_3295] {strides = array<i32>} : memref<4x80x128xf32, #tpu.memory_space<vmem>>, vector<16xf32>,
        %mul3A_3297 = arith.mulf %get3A_3296, %get3A_135 : vector<16xf32>
        %get3A_3298 = arith.constant 48 : i32
        %get3A_3299 = arith.index_cast %rem3A_101 : i32 to index
        %get3A_3300 = arith.index_cast %get3A_3298 : i32 to index
        %get3A_3301 = arith.constant 96 : index
        %get3A_3302 = tpu.vector_load %arg10[%get3A_3299, %get3A_3300, %get3A_3301] {strides = array<i32>} : memref<4x80x128xf32, #tpu.memory_space<vmem>>, vector<16xf32>,
        %mul3A_3303 = arith.mulf %get3A_3302, %get3A_138 : vector<16xf32>
        %get3A_3304 = arith.constant 48 : i32
        %get3A_3305 = arith.index_cast %rem3A_101 : i32 to index
        %get3A_3306 = arith.index_cast %get3A_3304 : i32 to index
        %get3A_3307 = arith.constant 112 : index
        %get3A_3308 = tpu.vector_load %arg10[%get3A_3305, %get3A_3306, %get3A_3307] {strides = array<i32>} : memref<4x80x128xf32, #tpu.memory_space<vmem>>, vector<16xf32>,
        %mul3A_3309 = arith.mulf %get3A_3308, %get3A_141 : vector<16xf32>
        %add3A_3310 = arith.addf %mul3A_3267, %mul3A_3273 : vector<16xf32>
        %add3A_3311 = arith.addf %mul3A_3279, %mul3A_3285 : vector<16xf32>
        %add3A_3312 = arith.addf %mul3A_3291, %mul3A_3297 : vector<16xf32>
        %add3A_3313 = arith.addf %mul3A_3303, %mul3A_3309 : vector<16xf32>
        %add3A_3314 = arith.addf %add3A_3310, %add3A_3311 : vector<16xf32>
        %add3A_3315 = arith.addf %add3A_3312, %add3A_3313 : vector<16xf32>
        %add3A_3316 = arith.addf %add3A_3314, %add3A_3315 : vector<16xf32>
        %eq3A_3317 = arith.constant 0 : i32
        %eq3A_3318 = vector.broadcast %eq3A_3317 : i32 to vector<16xi32>
        %eq3A_3319 = arith.cmpi eq, %iota3A, %eq3A_3318 : vector<16xi32>
        %reduce_sum3A_3320 = arith.constant true
        %reduce_sum3A_3321 = vector.broadcast %reduce_sum3A_3320 : i1 to vector<16xi1>
        %reduce_sum3A_3322 = tpu.scan <sum>, %add3A_3316 masked %reduce_sum3A_3321 : vector<16xf32>, vector<16xi1> -> vector<16xf32>
        %reduce_sum3A_3323 = vector.extract %reduce_sum3A_3322[15] : f32 from vector<16xf32>
        %broadcast_in_dim3A_3324 = vector.broadcast %reduce_sum3A_3323 : f32 to vector<16xf32>
        %select_n3A_3325 = arith.select %eq3A_3319, %broadcast_in_dim3A_3324, %broadcast_in_dim3A_3261 : vector<16xi1>, vector<16xf32>
        %get3A_3326 = arith.constant 49 : i32
        %get3A_3327 = arith.index_cast %rem3A_101 : i32 to index
        %get3A_3328 = arith.index_cast %get3A_3326 : i32 to index
        %get3A_3329 = arith.constant 0 : index
        %get3A_3330 = tpu.vector_load %arg10[%get3A_3327, %get3A_3328, %get3A_3329] {strides = array<i32>} : memref<4x80x128xf32, #tpu.memory_space<vmem>>, vector<16xf32>,
        %mul3A_3331 = arith.mulf %get3A_3330, %get3A_120 : vector<16xf32>
        %get3A_3332 = arith.constant 49 : i32
        %get3A_3333 = arith.index_cast %rem3A_101 : i32 to index
        %get3A_3334 = arith.index_cast %get3A_3332 : i32 to index
        %get3A_3335 = arith.constant 16 : index
        %get3A_3336 = tpu.vector_load %arg10[%get3A_3333, %get3A_3334, %get3A_3335] {strides = array<i32>} : memref<4x80x128xf32, #tpu.memory_space<vmem>>, vector<16xf32>,
        %mul3A_3337 = arith.mulf %get3A_3336, %get3A_123 : vector<16xf32>
        %get3A_3338 = arith.constant 49 : i32
        %get3A_3339 = arith.index_cast %rem3A_101 : i32 to index
        %get3A_3340 = arith.index_cast %get3A_3338 : i32 to index
        %get3A_3341 = arith.constant 32 : index
        %get3A_3342 = tpu.vector_load %arg10[%get3A_3339, %get3A_3340, %get3A_3341] {strides = array<i32>} : memref<4x80x128xf32, #tpu.memory_space<vmem>>, vector<16xf32>,
        %mul3A_3343 = arith.mulf %get3A_3342, %get3A_126 : vector<16xf32>
        %get3A_3344 = arith.constant 49 : i32
        %get3A_3345 = arith.index_cast %rem3A_101 : i32 to index
        %get3A_3346 = arith.index_cast %get3A_3344 : i32 to index
        %get3A_3347 = arith.constant 48 : index
        %get3A_3348 = tpu.vector_load %arg10[%get3A_3345, %get3A_3346, %get3A_3347] {strides = array<i32>} : memref<4x80x128xf32, #tpu.memory_space<vmem>>, vector<16xf32>,
        %mul3A_3349 = arith.mulf %get3A_3348, %get3A_129 : vector<16xf32>
        %get3A_3350 = arith.constant 49 : i32
        %get3A_3351 = arith.index_cast %rem3A_101 : i32 to index
        %get3A_3352 = arith.index_cast %get3A_3350 : i32 to index
        %get3A_3353 = arith.constant 64 : index
        %get3A_3354 = tpu.vector_load %arg10[%get3A_3351, %get3A_3352, %get3A_3353] {strides = array<i32>} : memref<4x80x128xf32, #tpu.memory_space<vmem>>, vector<16xf32>,
        %mul3A_3355 = arith.mulf %get3A_3354, %get3A_132 : vector<16xf32>
        %get3A_3356 = arith.constant 49 : i32
        %get3A_3357 = arith.index_cast %rem3A_101 : i32 to index
        %get3A_3358 = arith.index_cast %get3A_3356 : i32 to index
        %get3A_3359 = arith.constant 80 : index
        %get3A_3360 = tpu.vector_load %arg10[%get3A_3357, %get3A_3358, %get3A_3359] {strides = array<i32>} : memref<4x80x128xf32, #tpu.memory_space<vmem>>, vector<16xf32>,
        %mul3A_3361 = arith.mulf %get3A_3360, %get3A_135 : vector<16xf32>
        %get3A_3362 = arith.constant 49 : i32
        %get3A_3363 = arith.index_cast %rem3A_101 : i32 to index
        %get3A_3364 = arith.index_cast %get3A_3362 : i32 to index
        %get3A_3365 = arith.constant 96 : index
        %get3A_3366 = tpu.vector_load %arg10[%get3A_3363, %get3A_3364, %get3A_3365] {strides = array<i32>} : memref<4x80x128xf32, #tpu.memory_space<vmem>>, vector<16xf32>,
        %mul3A_3367 = arith.mulf %get3A_3366, %get3A_138 : vector<16xf32>
        %get3A_3368 = arith.constant 49 : i32
        %get3A_3369 = arith.index_cast %rem3A_101 : i32 to index
        %get3A_3370 = arith.index_cast %get3A_3368 : i32 to index
        %get3A_3371 = arith.constant 112 : index
        %get3A_3372 = tpu.vector_load %arg10[%get3A_3369, %get3A_3370, %get3A_3371] {strides = array<i32>} : memref<4x80x128xf32, #tpu.memory_space<vmem>>, vector<16xf32>,
        %mul3A_3373 = arith.mulf %get3A_3372, %get3A_141 : vector<16xf32>
        %add3A_3374 = arith.addf %mul3A_3331, %mul3A_3337 : vector<16xf32>
        %add3A_3375 = arith.addf %mul3A_3343, %mul3A_3349 : vector<16xf32>
        %add3A_3376 = arith.addf %mul3A_3355, %mul3A_3361 : vector<16xf32>
        %add3A_3377 = arith.addf %mul3A_3367, %mul3A_3373 : vector<16xf32>
        %add3A_3378 = arith.addf %add3A_3374, %add3A_3375 : vector<16xf32>
        %add3A_3379 = arith.addf %add3A_3376, %add3A_3377 : vector<16xf32>
        %add3A_3380 = arith.addf %add3A_3378, %add3A_3379 : vector<16xf32>
        %eq3A_3381 = arith.constant 1 : i32
        %eq3A_3382 = vector.broadcast %eq3A_3381 : i32 to vector<16xi32>
        %eq3A_3383 = arith.cmpi eq, %iota3A, %eq3A_3382 : vector<16xi32>
        %reduce_sum3A_3384 = arith.constant true
        %reduce_sum3A_3385 = vector.broadcast %reduce_sum3A_3384 : i1 to vector<16xi1>
        %reduce_sum3A_3386 = tpu.scan <sum>, %add3A_3380 masked %reduce_sum3A_3385 : vector<16xf32>, vector<16xi1> -> vector<16xf32>
        %reduce_sum3A_3387 = vector.extract %reduce_sum3A_3386[15] : f32 from vector<16xf32>
        %broadcast_in_dim3A_3388 = vector.broadcast %reduce_sum3A_3387 : f32 to vector<16xf32>
        %select_n3A_3389 = arith.select %eq3A_3383, %broadcast_in_dim3A_3388, %select_n3A_3325 : vector<16xi1>, vector<16xf32>
        %get3A_3390 = arith.constant 50 : i32
        %get3A_3391 = arith.index_cast %rem3A_101 : i32 to index
        %get3A_3392 = arith.index_cast %get3A_3390 : i32 to index
        %get3A_3393 = arith.constant 0 : index
        %get3A_3394 = tpu.vector_load %arg10[%get3A_3391, %get3A_3392, %get3A_3393] {strides = array<i32>} : memref<4x80x128xf32, #tpu.memory_space<vmem>>, vector<16xf32>,
        %mul3A_3395 = arith.mulf %get3A_3394, %get3A_120 : vector<16xf32>
        %get3A_3396 = arith.constant 50 : i32
        %get3A_3397 = arith.index_cast %rem3A_101 : i32 to index
        %get3A_3398 = arith.index_cast %get3A_3396 : i32 to index
        %get3A_3399 = arith.constant 16 : index
        %get3A_3400 = tpu.vector_load %arg10[%get3A_3397, %get3A_3398, %get3A_3399] {strides = array<i32>} : memref<4x80x128xf32, #tpu.memory_space<vmem>>, vector<16xf32>,
        %mul3A_3401 = arith.mulf %get3A_3400, %get3A_123 : vector<16xf32>
        %get3A_3402 = arith.constant 50 : i32
        %get3A_3403 = arith.index_cast %rem3A_101 : i32 to index
        %get3A_3404 = arith.index_cast %get3A_3402 : i32 to index
        %get3A_3405 = arith.constant 32 : index
        %get3A_3406 = tpu.vector_load %arg10[%get3A_3403, %get3A_3404, %get3A_3405] {strides = array<i32>} : memref<4x80x128xf32, #tpu.memory_space<vmem>>, vector<16xf32>,
        %mul3A_3407 = arith.mulf %get3A_3406, %get3A_126 : vector<16xf32>
        %get3A_3408 = arith.constant 50 : i32
        %get3A_3409 = arith.index_cast %rem3A_101 : i32 to index
        %get3A_3410 = arith.index_cast %get3A_3408 : i32 to index
        %get3A_3411 = arith.constant 48 : index
        %get3A_3412 = tpu.vector_load %arg10[%get3A_3409, %get3A_3410, %get3A_3411] {strides = array<i32>} : memref<4x80x128xf32, #tpu.memory_space<vmem>>, vector<16xf32>,
        %mul3A_3413 = arith.mulf %get3A_3412, %get3A_129 : vector<16xf32>
        %get3A_3414 = arith.constant 50 : i32
        %get3A_3415 = arith.index_cast %rem3A_101 : i32 to index
        %get3A_3416 = arith.index_cast %get3A_3414 : i32 to index
        %get3A_3417 = arith.constant 64 : index
        %get3A_3418 = tpu.vector_load %arg10[%get3A_3415, %get3A_3416, %get3A_3417] {strides = array<i32>} : memref<4x80x128xf32, #tpu.memory_space<vmem>>, vector<16xf32>,
        %mul3A_3419 = arith.mulf %get3A_3418, %get3A_132 : vector<16xf32>
        %get3A_3420 = arith.constant 50 : i32
        %get3A_3421 = arith.index_cast %rem3A_101 : i32 to index
        %get3A_3422 = arith.index_cast %get3A_3420 : i32 to index
        %get3A_3423 = arith.constant 80 : index
        %get3A_3424 = tpu.vector_load %arg10[%get3A_3421, %get3A_3422, %get3A_3423] {strides = array<i32>} : memref<4x80x128xf32, #tpu.memory_space<vmem>>, vector<16xf32>,
        %mul3A_3425 = arith.mulf %get3A_3424, %get3A_135 : vector<16xf32>
        %get3A_3426 = arith.constant 50 : i32
        %get3A_3427 = arith.index_cast %rem3A_101 : i32 to index
        %get3A_3428 = arith.index_cast %get3A_3426 : i32 to index
        %get3A_3429 = arith.constant 96 : index
        %get3A_3430 = tpu.vector_load %arg10[%get3A_3427, %get3A_3428, %get3A_3429] {strides = array<i32>} : memref<4x80x128xf32, #tpu.memory_space<vmem>>, vector<16xf32>,
        %mul3A_3431 = arith.mulf %get3A_3430, %get3A_138 : vector<16xf32>
        %get3A_3432 = arith.constant 50 : i32
        %get3A_3433 = arith.index_cast %rem3A_101 : i32 to index
        %get3A_3434 = arith.index_cast %get3A_3432 : i32 to index
        %get3A_3435 = arith.constant 112 : index
        %get3A_3436 = tpu.vector_load %arg10[%get3A_3433, %get3A_3434, %get3A_3435] {strides = array<i32>} : memref<4x80x128xf32, #tpu.memory_space<vmem>>, vector<16xf32>,
        %mul3A_3437 = arith.mulf %get3A_3436, %get3A_141 : vector<16xf32>
        %add3A_3438 = arith.addf %mul3A_3395, %mul3A_3401 : vector<16xf32>
        %add3A_3439 = arith.addf %mul3A_3407, %mul3A_3413 : vector<16xf32>
        %add3A_3440 = arith.addf %mul3A_3419, %mul3A_3425 : vector<16xf32>
        %add3A_3441 = arith.addf %mul3A_3431, %mul3A_3437 : vector<16xf32>
        %add3A_3442 = arith.addf %add3A_3438, %add3A_3439 : vector<16xf32>
        %add3A_3443 = arith.addf %add3A_3440, %add3A_3441 : vector<16xf32>
        %add3A_3444 = arith.addf %add3A_3442, %add3A_3443 : vector<16xf32>
        %eq3A_3445 = arith.constant 2 : i32
        %eq3A_3446 = vector.broadcast %eq3A_3445 : i32 to vector<16xi32>
        %eq3A_3447 = arith.cmpi eq, %iota3A, %eq3A_3446 : vector<16xi32>
        %reduce_sum3A_3448 = arith.constant true
        %reduce_sum3A_3449 = vector.broadcast %reduce_sum3A_3448 : i1 to vector<16xi1>
        %reduce_sum3A_3450 = tpu.scan <sum>, %add3A_3444 masked %reduce_sum3A_3449 : vector<16xf32>, vector<16xi1> -> vector<16xf32>
        %reduce_sum3A_3451 = vector.extract %reduce_sum3A_3450[15] : f32 from vector<16xf32>
        %broadcast_in_dim3A_3452 = vector.broadcast %reduce_sum3A_3451 : f32 to vector<16xf32>
        %select_n3A_3453 = arith.select %eq3A_3447, %broadcast_in_dim3A_3452, %select_n3A_3389 : vector<16xi1>, vector<16xf32>
        %get3A_3454 = arith.constant 51 : i32
        %get3A_3455 = arith.index_cast %rem3A_101 : i32 to index
        %get3A_3456 = arith.index_cast %get3A_3454 : i32 to index
        %get3A_3457 = arith.constant 0 : index
        %get3A_3458 = tpu.vector_load %arg10[%get3A_3455, %get3A_3456, %get3A_3457] {strides = array<i32>} : memref<4x80x128xf32, #tpu.memory_space<vmem>>, vector<16xf32>,
        %mul3A_3459 = arith.mulf %get3A_3458, %get3A_120 : vector<16xf32>
        %get3A_3460 = arith.constant 51 : i32
        %get3A_3461 = arith.index_cast %rem3A_101 : i32 to index
        %get3A_3462 = arith.index_cast %get3A_3460 : i32 to index
        %get3A_3463 = arith.constant 16 : index
        %get3A_3464 = tpu.vector_load %arg10[%get3A_3461, %get3A_3462, %get3A_3463] {strides = array<i32>} : memref<4x80x128xf32, #tpu.memory_space<vmem>>, vector<16xf32>,
        %mul3A_3465 = arith.mulf %get3A_3464, %get3A_123 : vector<16xf32>
        %get3A_3466 = arith.constant 51 : i32
        %get3A_3467 = arith.index_cast %rem3A_101 : i32 to index
        %get3A_3468 = arith.index_cast %get3A_3466 : i32 to index
        %get3A_3469 = arith.constant 32 : index
        %get3A_3470 = tpu.vector_load %arg10[%get3A_3467, %get3A_3468, %get3A_3469] {strides = array<i32>} : memref<4x80x128xf32, #tpu.memory_space<vmem>>, vector<16xf32>,
        %mul3A_3471 = arith.mulf %get3A_3470, %get3A_126 : vector<16xf32>
        %get3A_3472 = arith.constant 51 : i32
        %get3A_3473 = arith.index_cast %rem3A_101 : i32 to index
        %get3A_3474 = arith.index_cast %get3A_3472 : i32 to index
        %get3A_3475 = arith.constant 48 : index
        %get3A_3476 = tpu.vector_load %arg10[%get3A_3473, %get3A_3474, %get3A_3475] {strides = array<i32>} : memref<4x80x128xf32, #tpu.memory_space<vmem>>, vector<16xf32>,
        %mul3A_3477 = arith.mulf %get3A_3476, %get3A_129 : vector<16xf32>
        %get3A_3478 = arith.constant 51 : i32
        %get3A_3479 = arith.index_cast %rem3A_101 : i32 to index
        %get3A_3480 = arith.index_cast %get3A_3478 : i32 to index
        %get3A_3481 = arith.constant 64 : index
        %get3A_3482 = tpu.vector_load %arg10[%get3A_3479, %get3A_3480, %get3A_3481] {strides = array<i32>} : memref<4x80x128xf32, #tpu.memory_space<vmem>>, vector<16xf32>,
        %mul3A_3483 = arith.mulf %get3A_3482, %get3A_132 : vector<16xf32>
        %get3A_3484 = arith.constant 51 : i32
        %get3A_3485 = arith.index_cast %rem3A_101 : i32 to index
        %get3A_3486 = arith.index_cast %get3A_3484 : i32 to index
        %get3A_3487 = arith.constant 80 : index
        %get3A_3488 = tpu.vector_load %arg10[%get3A_3485, %get3A_3486, %get3A_3487] {strides = array<i32>} : memref<4x80x128xf32, #tpu.memory_space<vmem>>, vector<16xf32>,
        %mul3A_3489 = arith.mulf %get3A_3488, %get3A_135 : vector<16xf32>
        %get3A_3490 = arith.constant 51 : i32
        %get3A_3491 = arith.index_cast %rem3A_101 : i32 to index
        %get3A_3492 = arith.index_cast %get3A_3490 : i32 to index
        %get3A_3493 = arith.constant 96 : index
        %get3A_3494 = tpu.vector_load %arg10[%get3A_3491, %get3A_3492, %get3A_3493] {strides = array<i32>} : memref<4x80x128xf32, #tpu.memory_space<vmem>>, vector<16xf32>,
        %mul3A_3495 = arith.mulf %get3A_3494, %get3A_138 : vector<16xf32>
        %get3A_3496 = arith.constant 51 : i32
        %get3A_3497 = arith.index_cast %rem3A_101 : i32 to index
        %get3A_3498 = arith.index_cast %get3A_3496 : i32 to index
        %get3A_3499 = arith.constant 112 : index
        %get3A_3500 = tpu.vector_load %arg10[%get3A_3497, %get3A_3498, %get3A_3499] {strides = array<i32>} : memref<4x80x128xf32, #tpu.memory_space<vmem>>, vector<16xf32>,
        %mul3A_3501 = arith.mulf %get3A_3500, %get3A_141 : vector<16xf32>
        %add3A_3502 = arith.addf %mul3A_3459, %mul3A_3465 : vector<16xf32>
        %add3A_3503 = arith.addf %mul3A_3471, %mul3A_3477 : vector<16xf32>
        %add3A_3504 = arith.addf %mul3A_3483, %mul3A_3489 : vector<16xf32>
        %add3A_3505 = arith.addf %mul3A_3495, %mul3A_3501 : vector<16xf32>
        %add3A_3506 = arith.addf %add3A_3502, %add3A_3503 : vector<16xf32>
        %add3A_3507 = arith.addf %add3A_3504, %add3A_3505 : vector<16xf32>
        %add3A_3508 = arith.addf %add3A_3506, %add3A_3507 : vector<16xf32>
        %eq3A_3509 = arith.constant 3 : i32
        %eq3A_3510 = vector.broadcast %eq3A_3509 : i32 to vector<16xi32>
        %eq3A_3511 = arith.cmpi eq, %iota3A, %eq3A_3510 : vector<16xi32>
        %reduce_sum3A_3512 = arith.constant true
        %reduce_sum3A_3513 = vector.broadcast %reduce_sum3A_3512 : i1 to vector<16xi1>
        %reduce_sum3A_3514 = tpu.scan <sum>, %add3A_3508 masked %reduce_sum3A_3513 : vector<16xf32>, vector<16xi1> -> vector<16xf32>
        %reduce_sum3A_3515 = vector.extract %reduce_sum3A_3514[15] : f32 from vector<16xf32>
        %broadcast_in_dim3A_3516 = vector.broadcast %reduce_sum3A_3515 : f32 to vector<16xf32>
        %select_n3A_3517 = arith.select %eq3A_3511, %broadcast_in_dim3A_3516, %select_n3A_3453 : vector<16xi1>, vector<16xf32>
        %get3A_3518 = arith.constant 52 : i32
        %get3A_3519 = arith.index_cast %rem3A_101 : i32 to index
        %get3A_3520 = arith.index_cast %get3A_3518 : i32 to index
        %get3A_3521 = arith.constant 0 : index
        %get3A_3522 = tpu.vector_load %arg10[%get3A_3519, %get3A_3520, %get3A_3521] {strides = array<i32>} : memref<4x80x128xf32, #tpu.memory_space<vmem>>, vector<16xf32>,
        %mul3A_3523 = arith.mulf %get3A_3522, %get3A_120 : vector<16xf32>
        %get3A_3524 = arith.constant 52 : i32
        %get3A_3525 = arith.index_cast %rem3A_101 : i32 to index
        %get3A_3526 = arith.index_cast %get3A_3524 : i32 to index
        %get3A_3527 = arith.constant 16 : index
        %get3A_3528 = tpu.vector_load %arg10[%get3A_3525, %get3A_3526, %get3A_3527] {strides = array<i32>} : memref<4x80x128xf32, #tpu.memory_space<vmem>>, vector<16xf32>,
        %mul3A_3529 = arith.mulf %get3A_3528, %get3A_123 : vector<16xf32>
        %get3A_3530 = arith.constant 52 : i32
        %get3A_3531 = arith.index_cast %rem3A_101 : i32 to index
        %get3A_3532 = arith.index_cast %get3A_3530 : i32 to index
        %get3A_3533 = arith.constant 32 : index
        %get3A_3534 = tpu.vector_load %arg10[%get3A_3531, %get3A_3532, %get3A_3533] {strides = array<i32>} : memref<4x80x128xf32, #tpu.memory_space<vmem>>, vector<16xf32>,
        %mul3A_3535 = arith.mulf %get3A_3534, %get3A_126 : vector<16xf32>
        %get3A_3536 = arith.constant 52 : i32
        %get3A_3537 = arith.index_cast %rem3A_101 : i32 to index
        %get3A_3538 = arith.index_cast %get3A_3536 : i32 to index
        %get3A_3539 = arith.constant 48 : index
        %get3A_3540 = tpu.vector_load %arg10[%get3A_3537, %get3A_3538, %get3A_3539] {strides = array<i32>} : memref<4x80x128xf32, #tpu.memory_space<vmem>>, vector<16xf32>,
        %mul3A_3541 = arith.mulf %get3A_3540, %get3A_129 : vector<16xf32>
        %get3A_3542 = arith.constant 52 : i32
        %get3A_3543 = arith.index_cast %rem3A_101 : i32 to index
        %get3A_3544 = arith.index_cast %get3A_3542 : i32 to index
        %get3A_3545 = arith.constant 64 : index
        %get3A_3546 = tpu.vector_load %arg10[%get3A_3543, %get3A_3544, %get3A_3545] {strides = array<i32>} : memref<4x80x128xf32, #tpu.memory_space<vmem>>, vector<16xf32>,
        %mul3A_3547 = arith.mulf %get3A_3546, %get3A_132 : vector<16xf32>
        %get3A_3548 = arith.constant 52 : i32
        %get3A_3549 = arith.index_cast %rem3A_101 : i32 to index
        %get3A_3550 = arith.index_cast %get3A_3548 : i32 to index
        %get3A_3551 = arith.constant 80 : index
        %get3A_3552 = tpu.vector_load %arg10[%get3A_3549, %get3A_3550, %get3A_3551] {strides = array<i32>} : memref<4x80x128xf32, #tpu.memory_space<vmem>>, vector<16xf32>,
        %mul3A_3553 = arith.mulf %get3A_3552, %get3A_135 : vector<16xf32>
        %get3A_3554 = arith.constant 52 : i32
        %get3A_3555 = arith.index_cast %rem3A_101 : i32 to index
        %get3A_3556 = arith.index_cast %get3A_3554 : i32 to index
        %get3A_3557 = arith.constant 96 : index
        %get3A_3558 = tpu.vector_load %arg10[%get3A_3555, %get3A_3556, %get3A_3557] {strides = array<i32>} : memref<4x80x128xf32, #tpu.memory_space<vmem>>, vector<16xf32>,
        %mul3A_3559 = arith.mulf %get3A_3558, %get3A_138 : vector<16xf32>
        %get3A_3560 = arith.constant 52 : i32
        %get3A_3561 = arith.index_cast %rem3A_101 : i32 to index
        %get3A_3562 = arith.index_cast %get3A_3560 : i32 to index
        %get3A_3563 = arith.constant 112 : index
        %get3A_3564 = tpu.vector_load %arg10[%get3A_3561, %get3A_3562, %get3A_3563] {strides = array<i32>} : memref<4x80x128xf32, #tpu.memory_space<vmem>>, vector<16xf32>,
        %mul3A_3565 = arith.mulf %get3A_3564, %get3A_141 : vector<16xf32>
        %add3A_3566 = arith.addf %mul3A_3523, %mul3A_3529 : vector<16xf32>
        %add3A_3567 = arith.addf %mul3A_3535, %mul3A_3541 : vector<16xf32>
        %add3A_3568 = arith.addf %mul3A_3547, %mul3A_3553 : vector<16xf32>
        %add3A_3569 = arith.addf %mul3A_3559, %mul3A_3565 : vector<16xf32>
        %add3A_3570 = arith.addf %add3A_3566, %add3A_3567 : vector<16xf32>
        %add3A_3571 = arith.addf %add3A_3568, %add3A_3569 : vector<16xf32>
        %add3A_3572 = arith.addf %add3A_3570, %add3A_3571 : vector<16xf32>
        %eq3A_3573 = arith.constant 4 : i32
        %eq3A_3574 = vector.broadcast %eq3A_3573 : i32 to vector<16xi32>
        %eq3A_3575 = arith.cmpi eq, %iota3A, %eq3A_3574 : vector<16xi32>
        %reduce_sum3A_3576 = arith.constant true
        %reduce_sum3A_3577 = vector.broadcast %reduce_sum3A_3576 : i1 to vector<16xi1>
        %reduce_sum3A_3578 = tpu.scan <sum>, %add3A_3572 masked %reduce_sum3A_3577 : vector<16xf32>, vector<16xi1> -> vector<16xf32>
        %reduce_sum3A_3579 = vector.extract %reduce_sum3A_3578[15] : f32 from vector<16xf32>
        %broadcast_in_dim3A_3580 = vector.broadcast %reduce_sum3A_3579 : f32 to vector<16xf32>
        %select_n3A_3581 = arith.select %eq3A_3575, %broadcast_in_dim3A_3580, %select_n3A_3517 : vector<16xi1>, vector<16xf32>
        %get3A_3582 = arith.constant 53 : i32
        %get3A_3583 = arith.index_cast %rem3A_101 : i32 to index
        %get3A_3584 = arith.index_cast %get3A_3582 : i32 to index
        %get3A_3585 = arith.constant 0 : index
        %get3A_3586 = tpu.vector_load %arg10[%get3A_3583, %get3A_3584, %get3A_3585] {strides = array<i32>} : memref<4x80x128xf32, #tpu.memory_space<vmem>>, vector<16xf32>,
        %mul3A_3587 = arith.mulf %get3A_3586, %get3A_120 : vector<16xf32>
        %get3A_3588 = arith.constant 53 : i32
        %get3A_3589 = arith.index_cast %rem3A_101 : i32 to index
        %get3A_3590 = arith.index_cast %get3A_3588 : i32 to index
        %get3A_3591 = arith.constant 16 : index
        %get3A_3592 = tpu.vector_load %arg10[%get3A_3589, %get3A_3590, %get3A_3591] {strides = array<i32>} : memref<4x80x128xf32, #tpu.memory_space<vmem>>, vector<16xf32>,
        %mul3A_3593 = arith.mulf %get3A_3592, %get3A_123 : vector<16xf32>
        %get3A_3594 = arith.constant 53 : i32
        %get3A_3595 = arith.index_cast %rem3A_101 : i32 to index
        %get3A_3596 = arith.index_cast %get3A_3594 : i32 to index
        %get3A_3597 = arith.constant 32 : index
        %get3A_3598 = tpu.vector_load %arg10[%get3A_3595, %get3A_3596, %get3A_3597] {strides = array<i32>} : memref<4x80x128xf32, #tpu.memory_space<vmem>>, vector<16xf32>,
        %mul3A_3599 = arith.mulf %get3A_3598, %get3A_126 : vector<16xf32>
        %get3A_3600 = arith.constant 53 : i32
        %get3A_3601 = arith.index_cast %rem3A_101 : i32 to index
        %get3A_3602 = arith.index_cast %get3A_3600 : i32 to index
        %get3A_3603 = arith.constant 48 : index
        %get3A_3604 = tpu.vector_load %arg10[%get3A_3601, %get3A_3602, %get3A_3603] {strides = array<i32>} : memref<4x80x128xf32, #tpu.memory_space<vmem>>, vector<16xf32>,
        %mul3A_3605 = arith.mulf %get3A_3604, %get3A_129 : vector<16xf32>
        %get3A_3606 = arith.constant 53 : i32
        %get3A_3607 = arith.index_cast %rem3A_101 : i32 to index
        %get3A_3608 = arith.index_cast %get3A_3606 : i32 to index
        %get3A_3609 = arith.constant 64 : index
        %get3A_3610 = tpu.vector_load %arg10[%get3A_3607, %get3A_3608, %get3A_3609] {strides = array<i32>} : memref<4x80x128xf32, #tpu.memory_space<vmem>>, vector<16xf32>,
        %mul3A_3611 = arith.mulf %get3A_3610, %get3A_132 : vector<16xf32>
        %get3A_3612 = arith.constant 53 : i32
        %get3A_3613 = arith.index_cast %rem3A_101 : i32 to index
        %get3A_3614 = arith.index_cast %get3A_3612 : i32 to index
        %get3A_3615 = arith.constant 80 : index
        %get3A_3616 = tpu.vector_load %arg10[%get3A_3613, %get3A_3614, %get3A_3615] {strides = array<i32>} : memref<4x80x128xf32, #tpu.memory_space<vmem>>, vector<16xf32>,
        %mul3A_3617 = arith.mulf %get3A_3616, %get3A_135 : vector<16xf32>
        %get3A_3618 = arith.constant 53 : i32
        %get3A_3619 = arith.index_cast %rem3A_101 : i32 to index
        %get3A_3620 = arith.index_cast %get3A_3618 : i32 to index
        %get3A_3621 = arith.constant 96 : index
        %get3A_3622 = tpu.vector_load %arg10[%get3A_3619, %get3A_3620, %get3A_3621] {strides = array<i32>} : memref<4x80x128xf32, #tpu.memory_space<vmem>>, vector<16xf32>,
        %mul3A_3623 = arith.mulf %get3A_3622, %get3A_138 : vector<16xf32>
        %get3A_3624 = arith.constant 53 : i32
        %get3A_3625 = arith.index_cast %rem3A_101 : i32 to index
        %get3A_3626 = arith.index_cast %get3A_3624 : i32 to index
        %get3A_3627 = arith.constant 112 : index
        %get3A_3628 = tpu.vector_load %arg10[%get3A_3625, %get3A_3626, %get3A_3627] {strides = array<i32>} : memref<4x80x128xf32, #tpu.memory_space<vmem>>, vector<16xf32>,
        %mul3A_3629 = arith.mulf %get3A_3628, %get3A_141 : vector<16xf32>
        %add3A_3630 = arith.addf %mul3A_3587, %mul3A_3593 : vector<16xf32>
        %add3A_3631 = arith.addf %mul3A_3599, %mul3A_3605 : vector<16xf32>
        %add3A_3632 = arith.addf %mul3A_3611, %mul3A_3617 : vector<16xf32>
        %add3A_3633 = arith.addf %mul3A_3623, %mul3A_3629 : vector<16xf32>
        %add3A_3634 = arith.addf %add3A_3630, %add3A_3631 : vector<16xf32>
        %add3A_3635 = arith.addf %add3A_3632, %add3A_3633 : vector<16xf32>
        %add3A_3636 = arith.addf %add3A_3634, %add3A_3635 : vector<16xf32>
        %eq3A_3637 = arith.constant 5 : i32
        %eq3A_3638 = vector.broadcast %eq3A_3637 : i32 to vector<16xi32>
        %eq3A_3639 = arith.cmpi eq, %iota3A, %eq3A_3638 : vector<16xi32>
        %reduce_sum3A_3640 = arith.constant true
        %reduce_sum3A_3641 = vector.broadcast %reduce_sum3A_3640 : i1 to vector<16xi1>
        %reduce_sum3A_3642 = tpu.scan <sum>, %add3A_3636 masked %reduce_sum3A_3641 : vector<16xf32>, vector<16xi1> -> vector<16xf32>
        %reduce_sum3A_3643 = vector.extract %reduce_sum3A_3642[15] : f32 from vector<16xf32>
        %broadcast_in_dim3A_3644 = vector.broadcast %reduce_sum3A_3643 : f32 to vector<16xf32>
        %select_n3A_3645 = arith.select %eq3A_3639, %broadcast_in_dim3A_3644, %select_n3A_3581 : vector<16xi1>, vector<16xf32>
        %get3A_3646 = arith.constant 54 : i32
        %get3A_3647 = arith.index_cast %rem3A_101 : i32 to index
        %get3A_3648 = arith.index_cast %get3A_3646 : i32 to index
        %get3A_3649 = arith.constant 0 : index
        %get3A_3650 = tpu.vector_load %arg10[%get3A_3647, %get3A_3648, %get3A_3649] {strides = array<i32>} : memref<4x80x128xf32, #tpu.memory_space<vmem>>, vector<16xf32>,
        %mul3A_3651 = arith.mulf %get3A_3650, %get3A_120 : vector<16xf32>
        %get3A_3652 = arith.constant 54 : i32
        %get3A_3653 = arith.index_cast %rem3A_101 : i32 to index
        %get3A_3654 = arith.index_cast %get3A_3652 : i32 to index
        %get3A_3655 = arith.constant 16 : index
        %get3A_3656 = tpu.vector_load %arg10[%get3A_3653, %get3A_3654, %get3A_3655] {strides = array<i32>} : memref<4x80x128xf32, #tpu.memory_space<vmem>>, vector<16xf32>,
        %mul3A_3657 = arith.mulf %get3A_3656, %get3A_123 : vector<16xf32>
        %get3A_3658 = arith.constant 54 : i32
        %get3A_3659 = arith.index_cast %rem3A_101 : i32 to index
        %get3A_3660 = arith.index_cast %get3A_3658 : i32 to index
        %get3A_3661 = arith.constant 32 : index
        %get3A_3662 = tpu.vector_load %arg10[%get3A_3659, %get3A_3660, %get3A_3661] {strides = array<i32>} : memref<4x80x128xf32, #tpu.memory_space<vmem>>, vector<16xf32>,
        %mul3A_3663 = arith.mulf %get3A_3662, %get3A_126 : vector<16xf32>
        %get3A_3664 = arith.constant 54 : i32
        %get3A_3665 = arith.index_cast %rem3A_101 : i32 to index
        %get3A_3666 = arith.index_cast %get3A_3664 : i32 to index
        %get3A_3667 = arith.constant 48 : index
        %get3A_3668 = tpu.vector_load %arg10[%get3A_3665, %get3A_3666, %get3A_3667] {strides = array<i32>} : memref<4x80x128xf32, #tpu.memory_space<vmem>>, vector<16xf32>,
        %mul3A_3669 = arith.mulf %get3A_3668, %get3A_129 : vector<16xf32>
        %get3A_3670 = arith.constant 54 : i32
        %get3A_3671 = arith.index_cast %rem3A_101 : i32 to index
        %get3A_3672 = arith.index_cast %get3A_3670 : i32 to index
        %get3A_3673 = arith.constant 64 : index
        %get3A_3674 = tpu.vector_load %arg10[%get3A_3671, %get3A_3672, %get3A_3673] {strides = array<i32>} : memref<4x80x128xf32, #tpu.memory_space<vmem>>, vector<16xf32>,
        %mul3A_3675 = arith.mulf %get3A_3674, %get3A_132 : vector<16xf32>
        %get3A_3676 = arith.constant 54 : i32
        %get3A_3677 = arith.index_cast %rem3A_101 : i32 to index
        %get3A_3678 = arith.index_cast %get3A_3676 : i32 to index
        %get3A_3679 = arith.constant 80 : index
        %get3A_3680 = tpu.vector_load %arg10[%get3A_3677, %get3A_3678, %get3A_3679] {strides = array<i32>} : memref<4x80x128xf32, #tpu.memory_space<vmem>>, vector<16xf32>,
        %mul3A_3681 = arith.mulf %get3A_3680, %get3A_135 : vector<16xf32>
        %get3A_3682 = arith.constant 54 : i32
        %get3A_3683 = arith.index_cast %rem3A_101 : i32 to index
        %get3A_3684 = arith.index_cast %get3A_3682 : i32 to index
        %get3A_3685 = arith.constant 96 : index
        %get3A_3686 = tpu.vector_load %arg10[%get3A_3683, %get3A_3684, %get3A_3685] {strides = array<i32>} : memref<4x80x128xf32, #tpu.memory_space<vmem>>, vector<16xf32>,
        %mul3A_3687 = arith.mulf %get3A_3686, %get3A_138 : vector<16xf32>
        %get3A_3688 = arith.constant 54 : i32
        %get3A_3689 = arith.index_cast %rem3A_101 : i32 to index
        %get3A_3690 = arith.index_cast %get3A_3688 : i32 to index
        %get3A_3691 = arith.constant 112 : index
        %get3A_3692 = tpu.vector_load %arg10[%get3A_3689, %get3A_3690, %get3A_3691] {strides = array<i32>} : memref<4x80x128xf32, #tpu.memory_space<vmem>>, vector<16xf32>,
        %mul3A_3693 = arith.mulf %get3A_3692, %get3A_141 : vector<16xf32>
        %add3A_3694 = arith.addf %mul3A_3651, %mul3A_3657 : vector<16xf32>
        %add3A_3695 = arith.addf %mul3A_3663, %mul3A_3669 : vector<16xf32>
        %add3A_3696 = arith.addf %mul3A_3675, %mul3A_3681 : vector<16xf32>
        %add3A_3697 = arith.addf %mul3A_3687, %mul3A_3693 : vector<16xf32>
        %add3A_3698 = arith.addf %add3A_3694, %add3A_3695 : vector<16xf32>
        %add3A_3699 = arith.addf %add3A_3696, %add3A_3697 : vector<16xf32>
        %add3A_3700 = arith.addf %add3A_3698, %add3A_3699 : vector<16xf32>
        %eq3A_3701 = arith.constant 6 : i32
        %eq3A_3702 = vector.broadcast %eq3A_3701 : i32 to vector<16xi32>
        %eq3A_3703 = arith.cmpi eq, %iota3A, %eq3A_3702 : vector<16xi32>
        %reduce_sum3A_3704 = arith.constant true
        %reduce_sum3A_3705 = vector.broadcast %reduce_sum3A_3704 : i1 to vector<16xi1>
        %reduce_sum3A_3706 = tpu.scan <sum>, %add3A_3700 masked %reduce_sum3A_3705 : vector<16xf32>, vector<16xi1> -> vector<16xf32>
        %reduce_sum3A_3707 = vector.extract %reduce_sum3A_3706[15] : f32 from vector<16xf32>
        %broadcast_in_dim3A_3708 = vector.broadcast %reduce_sum3A_3707 : f32 to vector<16xf32>
        %select_n3A_3709 = arith.select %eq3A_3703, %broadcast_in_dim3A_3708, %select_n3A_3645 : vector<16xi1>, vector<16xf32>
        %get3A_3710 = arith.constant 55 : i32
        %get3A_3711 = arith.index_cast %rem3A_101 : i32 to index
        %get3A_3712 = arith.index_cast %get3A_3710 : i32 to index
        %get3A_3713 = arith.constant 0 : index
        %get3A_3714 = tpu.vector_load %arg10[%get3A_3711, %get3A_3712, %get3A_3713] {strides = array<i32>} : memref<4x80x128xf32, #tpu.memory_space<vmem>>, vector<16xf32>,
        %mul3A_3715 = arith.mulf %get3A_3714, %get3A_120 : vector<16xf32>
        %get3A_3716 = arith.constant 55 : i32
        %get3A_3717 = arith.index_cast %rem3A_101 : i32 to index
        %get3A_3718 = arith.index_cast %get3A_3716 : i32 to index
        %get3A_3719 = arith.constant 16 : index
        %get3A_3720 = tpu.vector_load %arg10[%get3A_3717, %get3A_3718, %get3A_3719] {strides = array<i32>} : memref<4x80x128xf32, #tpu.memory_space<vmem>>, vector<16xf32>,
        %mul3A_3721 = arith.mulf %get3A_3720, %get3A_123 : vector<16xf32>
        %get3A_3722 = arith.constant 55 : i32
        %get3A_3723 = arith.index_cast %rem3A_101 : i32 to index
        %get3A_3724 = arith.index_cast %get3A_3722 : i32 to index
        %get3A_3725 = arith.constant 32 : index
        %get3A_3726 = tpu.vector_load %arg10[%get3A_3723, %get3A_3724, %get3A_3725] {strides = array<i32>} : memref<4x80x128xf32, #tpu.memory_space<vmem>>, vector<16xf32>,
        %mul3A_3727 = arith.mulf %get3A_3726, %get3A_126 : vector<16xf32>
        %get3A_3728 = arith.constant 55 : i32
        %get3A_3729 = arith.index_cast %rem3A_101 : i32 to index
        %get3A_3730 = arith.index_cast %get3A_3728 : i32 to index
        %get3A_3731 = arith.constant 48 : index
        %get3A_3732 = tpu.vector_load %arg10[%get3A_3729, %get3A_3730, %get3A_3731] {strides = array<i32>} : memref<4x80x128xf32, #tpu.memory_space<vmem>>, vector<16xf32>,
        %mul3A_3733 = arith.mulf %get3A_3732, %get3A_129 : vector<16xf32>
        %get3A_3734 = arith.constant 55 : i32
        %get3A_3735 = arith.index_cast %rem3A_101 : i32 to index
        %get3A_3736 = arith.index_cast %get3A_3734 : i32 to index
        %get3A_3737 = arith.constant 64 : index
        %get3A_3738 = tpu.vector_load %arg10[%get3A_3735, %get3A_3736, %get3A_3737] {strides = array<i32>} : memref<4x80x128xf32, #tpu.memory_space<vmem>>, vector<16xf32>,
        %mul3A_3739 = arith.mulf %get3A_3738, %get3A_132 : vector<16xf32>
        %get3A_3740 = arith.constant 55 : i32
        %get3A_3741 = arith.index_cast %rem3A_101 : i32 to index
        %get3A_3742 = arith.index_cast %get3A_3740 : i32 to index
        %get3A_3743 = arith.constant 80 : index
        %get3A_3744 = tpu.vector_load %arg10[%get3A_3741, %get3A_3742, %get3A_3743] {strides = array<i32>} : memref<4x80x128xf32, #tpu.memory_space<vmem>>, vector<16xf32>,
        %mul3A_3745 = arith.mulf %get3A_3744, %get3A_135 : vector<16xf32>
        %get3A_3746 = arith.constant 55 : i32
        %get3A_3747 = arith.index_cast %rem3A_101 : i32 to index
        %get3A_3748 = arith.index_cast %get3A_3746 : i32 to index
        %get3A_3749 = arith.constant 96 : index
        %get3A_3750 = tpu.vector_load %arg10[%get3A_3747, %get3A_3748, %get3A_3749] {strides = array<i32>} : memref<4x80x128xf32, #tpu.memory_space<vmem>>, vector<16xf32>,
        %mul3A_3751 = arith.mulf %get3A_3750, %get3A_138 : vector<16xf32>
        %get3A_3752 = arith.constant 55 : i32
        %get3A_3753 = arith.index_cast %rem3A_101 : i32 to index
        %get3A_3754 = arith.index_cast %get3A_3752 : i32 to index
        %get3A_3755 = arith.constant 112 : index
        %get3A_3756 = tpu.vector_load %arg10[%get3A_3753, %get3A_3754, %get3A_3755] {strides = array<i32>} : memref<4x80x128xf32, #tpu.memory_space<vmem>>, vector<16xf32>,
        %mul3A_3757 = arith.mulf %get3A_3756, %get3A_141 : vector<16xf32>
        %add3A_3758 = arith.addf %mul3A_3715, %mul3A_3721 : vector<16xf32>
        %add3A_3759 = arith.addf %mul3A_3727, %mul3A_3733 : vector<16xf32>
        %add3A_3760 = arith.addf %mul3A_3739, %mul3A_3745 : vector<16xf32>
        %add3A_3761 = arith.addf %mul3A_3751, %mul3A_3757 : vector<16xf32>
        %add3A_3762 = arith.addf %add3A_3758, %add3A_3759 : vector<16xf32>
        %add3A_3763 = arith.addf %add3A_3760, %add3A_3761 : vector<16xf32>
        %add3A_3764 = arith.addf %add3A_3762, %add3A_3763 : vector<16xf32>
        %eq3A_3765 = arith.constant 7 : i32
        %eq3A_3766 = vector.broadcast %eq3A_3765 : i32 to vector<16xi32>
        %eq3A_3767 = arith.cmpi eq, %iota3A, %eq3A_3766 : vector<16xi32>
        %reduce_sum3A_3768 = arith.constant true
        %reduce_sum3A_3769 = vector.broadcast %reduce_sum3A_3768 : i1 to vector<16xi1>
        %reduce_sum3A_3770 = tpu.scan <sum>, %add3A_3764 masked %reduce_sum3A_3769 : vector<16xf32>, vector<16xi1> -> vector<16xf32>
        %reduce_sum3A_3771 = vector.extract %reduce_sum3A_3770[15] : f32 from vector<16xf32>
        %broadcast_in_dim3A_3772 = vector.broadcast %reduce_sum3A_3771 : f32 to vector<16xf32>
        %select_n3A_3773 = arith.select %eq3A_3767, %broadcast_in_dim3A_3772, %select_n3A_3709 : vector<16xi1>, vector<16xf32>
        %get3A_3774 = arith.constant 56 : i32
        %get3A_3775 = arith.index_cast %rem3A_101 : i32 to index
        %get3A_3776 = arith.index_cast %get3A_3774 : i32 to index
        %get3A_3777 = arith.constant 0 : index
        %get3A_3778 = tpu.vector_load %arg10[%get3A_3775, %get3A_3776, %get3A_3777] {strides = array<i32>} : memref<4x80x128xf32, #tpu.memory_space<vmem>>, vector<16xf32>,
        %mul3A_3779 = arith.mulf %get3A_3778, %get3A_120 : vector<16xf32>
        %get3A_3780 = arith.constant 56 : i32
        %get3A_3781 = arith.index_cast %rem3A_101 : i32 to index
        %get3A_3782 = arith.index_cast %get3A_3780 : i32 to index
        %get3A_3783 = arith.constant 16 : index
        %get3A_3784 = tpu.vector_load %arg10[%get3A_3781, %get3A_3782, %get3A_3783] {strides = array<i32>} : memref<4x80x128xf32, #tpu.memory_space<vmem>>, vector<16xf32>,
        %mul3A_3785 = arith.mulf %get3A_3784, %get3A_123 : vector<16xf32>
        %get3A_3786 = arith.constant 56 : i32
        %get3A_3787 = arith.index_cast %rem3A_101 : i32 to index
        %get3A_3788 = arith.index_cast %get3A_3786 : i32 to index
        %get3A_3789 = arith.constant 32 : index
        %get3A_3790 = tpu.vector_load %arg10[%get3A_3787, %get3A_3788, %get3A_3789] {strides = array<i32>} : memref<4x80x128xf32, #tpu.memory_space<vmem>>, vector<16xf32>,
        %mul3A_3791 = arith.mulf %get3A_3790, %get3A_126 : vector<16xf32>
        %get3A_3792 = arith.constant 56 : i32
        %get3A_3793 = arith.index_cast %rem3A_101 : i32 to index
        %get3A_3794 = arith.index_cast %get3A_3792 : i32 to index
        %get3A_3795 = arith.constant 48 : index
        %get3A_3796 = tpu.vector_load %arg10[%get3A_3793, %get3A_3794, %get3A_3795] {strides = array<i32>} : memref<4x80x128xf32, #tpu.memory_space<vmem>>, vector<16xf32>,
        %mul3A_3797 = arith.mulf %get3A_3796, %get3A_129 : vector<16xf32>
        %get3A_3798 = arith.constant 56 : i32
        %get3A_3799 = arith.index_cast %rem3A_101 : i32 to index
        %get3A_3800 = arith.index_cast %get3A_3798 : i32 to index
        %get3A_3801 = arith.constant 64 : index
        %get3A_3802 = tpu.vector_load %arg10[%get3A_3799, %get3A_3800, %get3A_3801] {strides = array<i32>} : memref<4x80x128xf32, #tpu.memory_space<vmem>>, vector<16xf32>,
        %mul3A_3803 = arith.mulf %get3A_3802, %get3A_132 : vector<16xf32>
        %get3A_3804 = arith.constant 56 : i32
        %get3A_3805 = arith.index_cast %rem3A_101 : i32 to index
        %get3A_3806 = arith.index_cast %get3A_3804 : i32 to index
        %get3A_3807 = arith.constant 80 : index
        %get3A_3808 = tpu.vector_load %arg10[%get3A_3805, %get3A_3806, %get3A_3807] {strides = array<i32>} : memref<4x80x128xf32, #tpu.memory_space<vmem>>, vector<16xf32>,
        %mul3A_3809 = arith.mulf %get3A_3808, %get3A_135 : vector<16xf32>
        %get3A_3810 = arith.constant 56 : i32
        %get3A_3811 = arith.index_cast %rem3A_101 : i32 to index
        %get3A_3812 = arith.index_cast %get3A_3810 : i32 to index
        %get3A_3813 = arith.constant 96 : index
        %get3A_3814 = tpu.vector_load %arg10[%get3A_3811, %get3A_3812, %get3A_3813] {strides = array<i32>} : memref<4x80x128xf32, #tpu.memory_space<vmem>>, vector<16xf32>,
        %mul3A_3815 = arith.mulf %get3A_3814, %get3A_138 : vector<16xf32>
        %get3A_3816 = arith.constant 56 : i32
        %get3A_3817 = arith.index_cast %rem3A_101 : i32 to index
        %get3A_3818 = arith.index_cast %get3A_3816 : i32 to index
        %get3A_3819 = arith.constant 112 : index
        %get3A_3820 = tpu.vector_load %arg10[%get3A_3817, %get3A_3818, %get3A_3819] {strides = array<i32>} : memref<4x80x128xf32, #tpu.memory_space<vmem>>, vector<16xf32>,
        %mul3A_3821 = arith.mulf %get3A_3820, %get3A_141 : vector<16xf32>
        %add3A_3822 = arith.addf %mul3A_3779, %mul3A_3785 : vector<16xf32>
        %add3A_3823 = arith.addf %mul3A_3791, %mul3A_3797 : vector<16xf32>
        %add3A_3824 = arith.addf %mul3A_3803, %mul3A_3809 : vector<16xf32>
        %add3A_3825 = arith.addf %mul3A_3815, %mul3A_3821 : vector<16xf32>
        %add3A_3826 = arith.addf %add3A_3822, %add3A_3823 : vector<16xf32>
        %add3A_3827 = arith.addf %add3A_3824, %add3A_3825 : vector<16xf32>
        %add3A_3828 = arith.addf %add3A_3826, %add3A_3827 : vector<16xf32>
        %eq3A_3829 = arith.constant 8 : i32
        %eq3A_3830 = vector.broadcast %eq3A_3829 : i32 to vector<16xi32>
        %eq3A_3831 = arith.cmpi eq, %iota3A, %eq3A_3830 : vector<16xi32>
        %reduce_sum3A_3832 = arith.constant true
        %reduce_sum3A_3833 = vector.broadcast %reduce_sum3A_3832 : i1 to vector<16xi1>
        %reduce_sum3A_3834 = tpu.scan <sum>, %add3A_3828 masked %reduce_sum3A_3833 : vector<16xf32>, vector<16xi1> -> vector<16xf32>
        %reduce_sum3A_3835 = vector.extract %reduce_sum3A_3834[15] : f32 from vector<16xf32>
        %broadcast_in_dim3A_3836 = vector.broadcast %reduce_sum3A_3835 : f32 to vector<16xf32>
        %select_n3A_3837 = arith.select %eq3A_3831, %broadcast_in_dim3A_3836, %select_n3A_3773 : vector<16xi1>, vector<16xf32>
        %get3A_3838 = arith.constant 57 : i32
        %get3A_3839 = arith.index_cast %rem3A_101 : i32 to index
        %get3A_3840 = arith.index_cast %get3A_3838 : i32 to index
        %get3A_3841 = arith.constant 0 : index
        %get3A_3842 = tpu.vector_load %arg10[%get3A_3839, %get3A_3840, %get3A_3841] {strides = array<i32>} : memref<4x80x128xf32, #tpu.memory_space<vmem>>, vector<16xf32>,
        %mul3A_3843 = arith.mulf %get3A_3842, %get3A_120 : vector<16xf32>
        %get3A_3844 = arith.constant 57 : i32
        %get3A_3845 = arith.index_cast %rem3A_101 : i32 to index
        %get3A_3846 = arith.index_cast %get3A_3844 : i32 to index
        %get3A_3847 = arith.constant 16 : index
        %get3A_3848 = tpu.vector_load %arg10[%get3A_3845, %get3A_3846, %get3A_3847] {strides = array<i32>} : memref<4x80x128xf32, #tpu.memory_space<vmem>>, vector<16xf32>,
        %mul3A_3849 = arith.mulf %get3A_3848, %get3A_123 : vector<16xf32>
        %get3A_3850 = arith.constant 57 : i32
        %get3A_3851 = arith.index_cast %rem3A_101 : i32 to index
        %get3A_3852 = arith.index_cast %get3A_3850 : i32 to index
        %get3A_3853 = arith.constant 32 : index
        %get3A_3854 = tpu.vector_load %arg10[%get3A_3851, %get3A_3852, %get3A_3853] {strides = array<i32>} : memref<4x80x128xf32, #tpu.memory_space<vmem>>, vector<16xf32>,
        %mul3A_3855 = arith.mulf %get3A_3854, %get3A_126 : vector<16xf32>
        %get3A_3856 = arith.constant 57 : i32
        %get3A_3857 = arith.index_cast %rem3A_101 : i32 to index
        %get3A_3858 = arith.index_cast %get3A_3856 : i32 to index
        %get3A_3859 = arith.constant 48 : index
        %get3A_3860 = tpu.vector_load %arg10[%get3A_3857, %get3A_3858, %get3A_3859] {strides = array<i32>} : memref<4x80x128xf32, #tpu.memory_space<vmem>>, vector<16xf32>,
        %mul3A_3861 = arith.mulf %get3A_3860, %get3A_129 : vector<16xf32>
        %get3A_3862 = arith.constant 57 : i32
        %get3A_3863 = arith.index_cast %rem3A_101 : i32 to index
        %get3A_3864 = arith.index_cast %get3A_3862 : i32 to index
        %get3A_3865 = arith.constant 64 : index
        %get3A_3866 = tpu.vector_load %arg10[%get3A_3863, %get3A_3864, %get3A_3865] {strides = array<i32>} : memref<4x80x128xf32, #tpu.memory_space<vmem>>, vector<16xf32>,
        %mul3A_3867 = arith.mulf %get3A_3866, %get3A_132 : vector<16xf32>
        %get3A_3868 = arith.constant 57 : i32
        %get3A_3869 = arith.index_cast %rem3A_101 : i32 to index
        %get3A_3870 = arith.index_cast %get3A_3868 : i32 to index
        %get3A_3871 = arith.constant 80 : index
        %get3A_3872 = tpu.vector_load %arg10[%get3A_3869, %get3A_3870, %get3A_3871] {strides = array<i32>} : memref<4x80x128xf32, #tpu.memory_space<vmem>>, vector<16xf32>,
        %mul3A_3873 = arith.mulf %get3A_3872, %get3A_135 : vector<16xf32>
        %get3A_3874 = arith.constant 57 : i32
        %get3A_3875 = arith.index_cast %rem3A_101 : i32 to index
        %get3A_3876 = arith.index_cast %get3A_3874 : i32 to index
        %get3A_3877 = arith.constant 96 : index
        %get3A_3878 = tpu.vector_load %arg10[%get3A_3875, %get3A_3876, %get3A_3877] {strides = array<i32>} : memref<4x80x128xf32, #tpu.memory_space<vmem>>, vector<16xf32>,
        %mul3A_3879 = arith.mulf %get3A_3878, %get3A_138 : vector<16xf32>
        %get3A_3880 = arith.constant 57 : i32
        %get3A_3881 = arith.index_cast %rem3A_101 : i32 to index
        %get3A_3882 = arith.index_cast %get3A_3880 : i32 to index
        %get3A_3883 = arith.constant 112 : index
        %get3A_3884 = tpu.vector_load %arg10[%get3A_3881, %get3A_3882, %get3A_3883] {strides = array<i32>} : memref<4x80x128xf32, #tpu.memory_space<vmem>>, vector<16xf32>,
        %mul3A_3885 = arith.mulf %get3A_3884, %get3A_141 : vector<16xf32>
        %add3A_3886 = arith.addf %mul3A_3843, %mul3A_3849 : vector<16xf32>
        %add3A_3887 = arith.addf %mul3A_3855, %mul3A_3861 : vector<16xf32>
        %add3A_3888 = arith.addf %mul3A_3867, %mul3A_3873 : vector<16xf32>
        %add3A_3889 = arith.addf %mul3A_3879, %mul3A_3885 : vector<16xf32>
        %add3A_3890 = arith.addf %add3A_3886, %add3A_3887 : vector<16xf32>
        %add3A_3891 = arith.addf %add3A_3888, %add3A_3889 : vector<16xf32>
        %add3A_3892 = arith.addf %add3A_3890, %add3A_3891 : vector<16xf32>
        %eq3A_3893 = arith.constant 9 : i32
        %eq3A_3894 = vector.broadcast %eq3A_3893 : i32 to vector<16xi32>
        %eq3A_3895 = arith.cmpi eq, %iota3A, %eq3A_3894 : vector<16xi32>
        %reduce_sum3A_3896 = arith.constant true
        %reduce_sum3A_3897 = vector.broadcast %reduce_sum3A_3896 : i1 to vector<16xi1>
        %reduce_sum3A_3898 = tpu.scan <sum>, %add3A_3892 masked %reduce_sum3A_3897 : vector<16xf32>, vector<16xi1> -> vector<16xf32>
        %reduce_sum3A_3899 = vector.extract %reduce_sum3A_3898[15] : f32 from vector<16xf32>
        %broadcast_in_dim3A_3900 = vector.broadcast %reduce_sum3A_3899 : f32 to vector<16xf32>
        %select_n3A_3901 = arith.select %eq3A_3895, %broadcast_in_dim3A_3900, %select_n3A_3837 : vector<16xi1>, vector<16xf32>
        %get3A_3902 = arith.constant 58 : i32
        %get3A_3903 = arith.index_cast %rem3A_101 : i32 to index
        %get3A_3904 = arith.index_cast %get3A_3902 : i32 to index
        %get3A_3905 = arith.constant 0 : index
        %get3A_3906 = tpu.vector_load %arg10[%get3A_3903, %get3A_3904, %get3A_3905] {strides = array<i32>} : memref<4x80x128xf32, #tpu.memory_space<vmem>>, vector<16xf32>,
        %mul3A_3907 = arith.mulf %get3A_3906, %get3A_120 : vector<16xf32>
        %get3A_3908 = arith.constant 58 : i32
        %get3A_3909 = arith.index_cast %rem3A_101 : i32 to index
        %get3A_3910 = arith.index_cast %get3A_3908 : i32 to index
        %get3A_3911 = arith.constant 16 : index
        %get3A_3912 = tpu.vector_load %arg10[%get3A_3909, %get3A_3910, %get3A_3911] {strides = array<i32>} : memref<4x80x128xf32, #tpu.memory_space<vmem>>, vector<16xf32>,
        %mul3A_3913 = arith.mulf %get3A_3912, %get3A_123 : vector<16xf32>
        %get3A_3914 = arith.constant 58 : i32
        %get3A_3915 = arith.index_cast %rem3A_101 : i32 to index
        %get3A_3916 = arith.index_cast %get3A_3914 : i32 to index
        %get3A_3917 = arith.constant 32 : index
        %get3A_3918 = tpu.vector_load %arg10[%get3A_3915, %get3A_3916, %get3A_3917] {strides = array<i32>} : memref<4x80x128xf32, #tpu.memory_space<vmem>>, vector<16xf32>,
        %mul3A_3919 = arith.mulf %get3A_3918, %get3A_126 : vector<16xf32>
        %get3A_3920 = arith.constant 58 : i32
        %get3A_3921 = arith.index_cast %rem3A_101 : i32 to index
        %get3A_3922 = arith.index_cast %get3A_3920 : i32 to index
        %get3A_3923 = arith.constant 48 : index
        %get3A_3924 = tpu.vector_load %arg10[%get3A_3921, %get3A_3922, %get3A_3923] {strides = array<i32>} : memref<4x80x128xf32, #tpu.memory_space<vmem>>, vector<16xf32>,
        %mul3A_3925 = arith.mulf %get3A_3924, %get3A_129 : vector<16xf32>
        %get3A_3926 = arith.constant 58 : i32
        %get3A_3927 = arith.index_cast %rem3A_101 : i32 to index
        %get3A_3928 = arith.index_cast %get3A_3926 : i32 to index
        %get3A_3929 = arith.constant 64 : index
        %get3A_3930 = tpu.vector_load %arg10[%get3A_3927, %get3A_3928, %get3A_3929] {strides = array<i32>} : memref<4x80x128xf32, #tpu.memory_space<vmem>>, vector<16xf32>,
        %mul3A_3931 = arith.mulf %get3A_3930, %get3A_132 : vector<16xf32>
        %get3A_3932 = arith.constant 58 : i32
        %get3A_3933 = arith.index_cast %rem3A_101 : i32 to index
        %get3A_3934 = arith.index_cast %get3A_3932 : i32 to index
        %get3A_3935 = arith.constant 80 : index
        %get3A_3936 = tpu.vector_load %arg10[%get3A_3933, %get3A_3934, %get3A_3935] {strides = array<i32>} : memref<4x80x128xf32, #tpu.memory_space<vmem>>, vector<16xf32>,
        %mul3A_3937 = arith.mulf %get3A_3936, %get3A_135 : vector<16xf32>
        %get3A_3938 = arith.constant 58 : i32
        %get3A_3939 = arith.index_cast %rem3A_101 : i32 to index
        %get3A_3940 = arith.index_cast %get3A_3938 : i32 to index
        %get3A_3941 = arith.constant 96 : index
        %get3A_3942 = tpu.vector_load %arg10[%get3A_3939, %get3A_3940, %get3A_3941] {strides = array<i32>} : memref<4x80x128xf32, #tpu.memory_space<vmem>>, vector<16xf32>,
        %mul3A_3943 = arith.mulf %get3A_3942, %get3A_138 : vector<16xf32>
        %get3A_3944 = arith.constant 58 : i32
        %get3A_3945 = arith.index_cast %rem3A_101 : i32 to index
        %get3A_3946 = arith.index_cast %get3A_3944 : i32 to index
        %get3A_3947 = arith.constant 112 : index
        %get3A_3948 = tpu.vector_load %arg10[%get3A_3945, %get3A_3946, %get3A_3947] {strides = array<i32>} : memref<4x80x128xf32, #tpu.memory_space<vmem>>, vector<16xf32>,
        %mul3A_3949 = arith.mulf %get3A_3948, %get3A_141 : vector<16xf32>
        %add3A_3950 = arith.addf %mul3A_3907, %mul3A_3913 : vector<16xf32>
        %add3A_3951 = arith.addf %mul3A_3919, %mul3A_3925 : vector<16xf32>
        %add3A_3952 = arith.addf %mul3A_3931, %mul3A_3937 : vector<16xf32>
        %add3A_3953 = arith.addf %mul3A_3943, %mul3A_3949 : vector<16xf32>
        %add3A_3954 = arith.addf %add3A_3950, %add3A_3951 : vector<16xf32>
        %add3A_3955 = arith.addf %add3A_3952, %add3A_3953 : vector<16xf32>
        %add3A_3956 = arith.addf %add3A_3954, %add3A_3955 : vector<16xf32>
        %eq3A_3957 = arith.constant 10 : i32
        %eq3A_3958 = vector.broadcast %eq3A_3957 : i32 to vector<16xi32>
        %eq3A_3959 = arith.cmpi eq, %iota3A, %eq3A_3958 : vector<16xi32>
        %reduce_sum3A_3960 = arith.constant true
        %reduce_sum3A_3961 = vector.broadcast %reduce_sum3A_3960 : i1 to vector<16xi1>
        %reduce_sum3A_3962 = tpu.scan <sum>, %add3A_3956 masked %reduce_sum3A_3961 : vector<16xf32>, vector<16xi1> -> vector<16xf32>
        %reduce_sum3A_3963 = vector.extract %reduce_sum3A_3962[15] : f32 from vector<16xf32>
        %broadcast_in_dim3A_3964 = vector.broadcast %reduce_sum3A_3963 : f32 to vector<16xf32>
        %select_n3A_3965 = arith.select %eq3A_3959, %broadcast_in_dim3A_3964, %select_n3A_3901 : vector<16xi1>, vector<16xf32>
        %get3A_3966 = arith.constant 59 : i32
        %get3A_3967 = arith.index_cast %rem3A_101 : i32 to index
        %get3A_3968 = arith.index_cast %get3A_3966 : i32 to index
        %get3A_3969 = arith.constant 0 : index
        %get3A_3970 = tpu.vector_load %arg10[%get3A_3967, %get3A_3968, %get3A_3969] {strides = array<i32>} : memref<4x80x128xf32, #tpu.memory_space<vmem>>, vector<16xf32>,
        %mul3A_3971 = arith.mulf %get3A_3970, %get3A_120 : vector<16xf32>
        %get3A_3972 = arith.constant 59 : i32
        %get3A_3973 = arith.index_cast %rem3A_101 : i32 to index
        %get3A_3974 = arith.index_cast %get3A_3972 : i32 to index
        %get3A_3975 = arith.constant 16 : index
        %get3A_3976 = tpu.vector_load %arg10[%get3A_3973, %get3A_3974, %get3A_3975] {strides = array<i32>} : memref<4x80x128xf32, #tpu.memory_space<vmem>>, vector<16xf32>,
        %mul3A_3977 = arith.mulf %get3A_3976, %get3A_123 : vector<16xf32>
        %get3A_3978 = arith.constant 59 : i32
        %get3A_3979 = arith.index_cast %rem3A_101 : i32 to index
        %get3A_3980 = arith.index_cast %get3A_3978 : i32 to index
        %get3A_3981 = arith.constant 32 : index
        %get3A_3982 = tpu.vector_load %arg10[%get3A_3979, %get3A_3980, %get3A_3981] {strides = array<i32>} : memref<4x80x128xf32, #tpu.memory_space<vmem>>, vector<16xf32>,
        %mul3A_3983 = arith.mulf %get3A_3982, %get3A_126 : vector<16xf32>
        %get3A_3984 = arith.constant 59 : i32
        %get3A_3985 = arith.index_cast %rem3A_101 : i32 to index
        %get3A_3986 = arith.index_cast %get3A_3984 : i32 to index
        %get3A_3987 = arith.constant 48 : index
        %get3A_3988 = tpu.vector_load %arg10[%get3A_3985, %get3A_3986, %get3A_3987] {strides = array<i32>} : memref<4x80x128xf32, #tpu.memory_space<vmem>>, vector<16xf32>,
        %mul3A_3989 = arith.mulf %get3A_3988, %get3A_129 : vector<16xf32>
        %get3A_3990 = arith.constant 59 : i32
        %get3A_3991 = arith.index_cast %rem3A_101 : i32 to index
        %get3A_3992 = arith.index_cast %get3A_3990 : i32 to index
        %get3A_3993 = arith.constant 64 : index
        %get3A_3994 = tpu.vector_load %arg10[%get3A_3991, %get3A_3992, %get3A_3993] {strides = array<i32>} : memref<4x80x128xf32, #tpu.memory_space<vmem>>, vector<16xf32>,
        %mul3A_3995 = arith.mulf %get3A_3994, %get3A_132 : vector<16xf32>
        %get3A_3996 = arith.constant 59 : i32
        %get3A_3997 = arith.index_cast %rem3A_101 : i32 to index
        %get3A_3998 = arith.index_cast %get3A_3996 : i32 to index
        %get3A_3999 = arith.constant 80 : index
        %get3A_4000 = tpu.vector_load %arg10[%get3A_3997, %get3A_3998, %get3A_3999] {strides = array<i32>} : memref<4x80x128xf32, #tpu.memory_space<vmem>>, vector<16xf32>,
        %mul3A_4001 = arith.mulf %get3A_4000, %get3A_135 : vector<16xf32>
        %get3A_4002 = arith.constant 59 : i32
        %get3A_4003 = arith.index_cast %rem3A_101 : i32 to index
        %get3A_4004 = arith.index_cast %get3A_4002 : i32 to index
        %get3A_4005 = arith.constant 96 : index
        %get3A_4006 = tpu.vector_load %arg10[%get3A_4003, %get3A_4004, %get3A_4005] {strides = array<i32>} : memref<4x80x128xf32, #tpu.memory_space<vmem>>, vector<16xf32>,
        %mul3A_4007 = arith.mulf %get3A_4006, %get3A_138 : vector<16xf32>
        %get3A_4008 = arith.constant 59 : i32
        %get3A_4009 = arith.index_cast %rem3A_101 : i32 to index
        %get3A_4010 = arith.index_cast %get3A_4008 : i32 to index
        %get3A_4011 = arith.constant 112 : index
        %get3A_4012 = tpu.vector_load %arg10[%get3A_4009, %get3A_4010, %get3A_4011] {strides = array<i32>} : memref<4x80x128xf32, #tpu.memory_space<vmem>>, vector<16xf32>,
        %mul3A_4013 = arith.mulf %get3A_4012, %get3A_141 : vector<16xf32>
        %add3A_4014 = arith.addf %mul3A_3971, %mul3A_3977 : vector<16xf32>
        %add3A_4015 = arith.addf %mul3A_3983, %mul3A_3989 : vector<16xf32>
        %add3A_4016 = arith.addf %mul3A_3995, %mul3A_4001 : vector<16xf32>
        %add3A_4017 = arith.addf %mul3A_4007, %mul3A_4013 : vector<16xf32>
        %add3A_4018 = arith.addf %add3A_4014, %add3A_4015 : vector<16xf32>
        %add3A_4019 = arith.addf %add3A_4016, %add3A_4017 : vector<16xf32>
        %add3A_4020 = arith.addf %add3A_4018, %add3A_4019 : vector<16xf32>
        %eq3A_4021 = arith.constant 11 : i32
        %eq3A_4022 = vector.broadcast %eq3A_4021 : i32 to vector<16xi32>
        %eq3A_4023 = arith.cmpi eq, %iota3A, %eq3A_4022 : vector<16xi32>
        %reduce_sum3A_4024 = arith.constant true
        %reduce_sum3A_4025 = vector.broadcast %reduce_sum3A_4024 : i1 to vector<16xi1>
        %reduce_sum3A_4026 = tpu.scan <sum>, %add3A_4020 masked %reduce_sum3A_4025 : vector<16xf32>, vector<16xi1> -> vector<16xf32>
        %reduce_sum3A_4027 = vector.extract %reduce_sum3A_4026[15] : f32 from vector<16xf32>
        %broadcast_in_dim3A_4028 = vector.broadcast %reduce_sum3A_4027 : f32 to vector<16xf32>
        %select_n3A_4029 = arith.select %eq3A_4023, %broadcast_in_dim3A_4028, %select_n3A_3965 : vector<16xi1>, vector<16xf32>
        %get3A_4030 = arith.constant 60 : i32
        %get3A_4031 = arith.index_cast %rem3A_101 : i32 to index
        %get3A_4032 = arith.index_cast %get3A_4030 : i32 to index
        %get3A_4033 = arith.constant 0 : index
        %get3A_4034 = tpu.vector_load %arg10[%get3A_4031, %get3A_4032, %get3A_4033] {strides = array<i32>} : memref<4x80x128xf32, #tpu.memory_space<vmem>>, vector<16xf32>,
        %mul3A_4035 = arith.mulf %get3A_4034, %get3A_120 : vector<16xf32>
        %get3A_4036 = arith.constant 60 : i32
        %get3A_4037 = arith.index_cast %rem3A_101 : i32 to index
        %get3A_4038 = arith.index_cast %get3A_4036 : i32 to index
        %get3A_4039 = arith.constant 16 : index
        %get3A_4040 = tpu.vector_load %arg10[%get3A_4037, %get3A_4038, %get3A_4039] {strides = array<i32>} : memref<4x80x128xf32, #tpu.memory_space<vmem>>, vector<16xf32>,
        %mul3A_4041 = arith.mulf %get3A_4040, %get3A_123 : vector<16xf32>
        %get3A_4042 = arith.constant 60 : i32
        %get3A_4043 = arith.index_cast %rem3A_101 : i32 to index
        %get3A_4044 = arith.index_cast %get3A_4042 : i32 to index
        %get3A_4045 = arith.constant 32 : index
        %get3A_4046 = tpu.vector_load %arg10[%get3A_4043, %get3A_4044, %get3A_4045] {strides = array<i32>} : memref<4x80x128xf32, #tpu.memory_space<vmem>>, vector<16xf32>,
        %mul3A_4047 = arith.mulf %get3A_4046, %get3A_126 : vector<16xf32>
        %get3A_4048 = arith.constant 60 : i32
        %get3A_4049 = arith.index_cast %rem3A_101 : i32 to index
        %get3A_4050 = arith.index_cast %get3A_4048 : i32 to index
        %get3A_4051 = arith.constant 48 : index
        %get3A_4052 = tpu.vector_load %arg10[%get3A_4049, %get3A_4050, %get3A_4051] {strides = array<i32>} : memref<4x80x128xf32, #tpu.memory_space<vmem>>, vector<16xf32>,
        %mul3A_4053 = arith.mulf %get3A_4052, %get3A_129 : vector<16xf32>
        %get3A_4054 = arith.constant 60 : i32
        %get3A_4055 = arith.index_cast %rem3A_101 : i32 to index
        %get3A_4056 = arith.index_cast %get3A_4054 : i32 to index
        %get3A_4057 = arith.constant 64 : index
        %get3A_4058 = tpu.vector_load %arg10[%get3A_4055, %get3A_4056, %get3A_4057] {strides = array<i32>} : memref<4x80x128xf32, #tpu.memory_space<vmem>>, vector<16xf32>,
        %mul3A_4059 = arith.mulf %get3A_4058, %get3A_132 : vector<16xf32>
        %get3A_4060 = arith.constant 60 : i32
        %get3A_4061 = arith.index_cast %rem3A_101 : i32 to index
        %get3A_4062 = arith.index_cast %get3A_4060 : i32 to index
        %get3A_4063 = arith.constant 80 : index
        %get3A_4064 = tpu.vector_load %arg10[%get3A_4061, %get3A_4062, %get3A_4063] {strides = array<i32>} : memref<4x80x128xf32, #tpu.memory_space<vmem>>, vector<16xf32>,
        %mul3A_4065 = arith.mulf %get3A_4064, %get3A_135 : vector<16xf32>
        %get3A_4066 = arith.constant 60 : i32
        %get3A_4067 = arith.index_cast %rem3A_101 : i32 to index
        %get3A_4068 = arith.index_cast %get3A_4066 : i32 to index
        %get3A_4069 = arith.constant 96 : index
        %get3A_4070 = tpu.vector_load %arg10[%get3A_4067, %get3A_4068, %get3A_4069] {strides = array<i32>} : memref<4x80x128xf32, #tpu.memory_space<vmem>>, vector<16xf32>,
        %mul3A_4071 = arith.mulf %get3A_4070, %get3A_138 : vector<16xf32>
        %get3A_4072 = arith.constant 60 : i32
        %get3A_4073 = arith.index_cast %rem3A_101 : i32 to index
        %get3A_4074 = arith.index_cast %get3A_4072 : i32 to index
        %get3A_4075 = arith.constant 112 : index
        %get3A_4076 = tpu.vector_load %arg10[%get3A_4073, %get3A_4074, %get3A_4075] {strides = array<i32>} : memref<4x80x128xf32, #tpu.memory_space<vmem>>, vector<16xf32>,
        %mul3A_4077 = arith.mulf %get3A_4076, %get3A_141 : vector<16xf32>
        %add3A_4078 = arith.addf %mul3A_4035, %mul3A_4041 : vector<16xf32>
        %add3A_4079 = arith.addf %mul3A_4047, %mul3A_4053 : vector<16xf32>
        %add3A_4080 = arith.addf %mul3A_4059, %mul3A_4065 : vector<16xf32>
        %add3A_4081 = arith.addf %mul3A_4071, %mul3A_4077 : vector<16xf32>
        %add3A_4082 = arith.addf %add3A_4078, %add3A_4079 : vector<16xf32>
        %add3A_4083 = arith.addf %add3A_4080, %add3A_4081 : vector<16xf32>
        %add3A_4084 = arith.addf %add3A_4082, %add3A_4083 : vector<16xf32>
        %eq3A_4085 = arith.constant 12 : i32
        %eq3A_4086 = vector.broadcast %eq3A_4085 : i32 to vector<16xi32>
        %eq3A_4087 = arith.cmpi eq, %iota3A, %eq3A_4086 : vector<16xi32>
        %reduce_sum3A_4088 = arith.constant true
        %reduce_sum3A_4089 = vector.broadcast %reduce_sum3A_4088 : i1 to vector<16xi1>
        %reduce_sum3A_4090 = tpu.scan <sum>, %add3A_4084 masked %reduce_sum3A_4089 : vector<16xf32>, vector<16xi1> -> vector<16xf32>
        %reduce_sum3A_4091 = vector.extract %reduce_sum3A_4090[15] : f32 from vector<16xf32>
        %broadcast_in_dim3A_4092 = vector.broadcast %reduce_sum3A_4091 : f32 to vector<16xf32>
        %select_n3A_4093 = arith.select %eq3A_4087, %broadcast_in_dim3A_4092, %select_n3A_4029 : vector<16xi1>, vector<16xf32>
        %get3A_4094 = arith.constant 61 : i32
        %get3A_4095 = arith.index_cast %rem3A_101 : i32 to index
        %get3A_4096 = arith.index_cast %get3A_4094 : i32 to index
        %get3A_4097 = arith.constant 0 : index
        %get3A_4098 = tpu.vector_load %arg10[%get3A_4095, %get3A_4096, %get3A_4097] {strides = array<i32>} : memref<4x80x128xf32, #tpu.memory_space<vmem>>, vector<16xf32>,
        %mul3A_4099 = arith.mulf %get3A_4098, %get3A_120 : vector<16xf32>
        %get3A_4100 = arith.constant 61 : i32
        %get3A_4101 = arith.index_cast %rem3A_101 : i32 to index
        %get3A_4102 = arith.index_cast %get3A_4100 : i32 to index
        %get3A_4103 = arith.constant 16 : index
        %get3A_4104 = tpu.vector_load %arg10[%get3A_4101, %get3A_4102, %get3A_4103] {strides = array<i32>} : memref<4x80x128xf32, #tpu.memory_space<vmem>>, vector<16xf32>,
        %mul3A_4105 = arith.mulf %get3A_4104, %get3A_123 : vector<16xf32>
        %get3A_4106 = arith.constant 61 : i32
        %get3A_4107 = arith.index_cast %rem3A_101 : i32 to index
        %get3A_4108 = arith.index_cast %get3A_4106 : i32 to index
        %get3A_4109 = arith.constant 32 : index
        %get3A_4110 = tpu.vector_load %arg10[%get3A_4107, %get3A_4108, %get3A_4109] {strides = array<i32>} : memref<4x80x128xf32, #tpu.memory_space<vmem>>, vector<16xf32>,
        %mul3A_4111 = arith.mulf %get3A_4110, %get3A_126 : vector<16xf32>
        %get3A_4112 = arith.constant 61 : i32
        %get3A_4113 = arith.index_cast %rem3A_101 : i32 to index
        %get3A_4114 = arith.index_cast %get3A_4112 : i32 to index
        %get3A_4115 = arith.constant 48 : index
        %get3A_4116 = tpu.vector_load %arg10[%get3A_4113, %get3A_4114, %get3A_4115] {strides = array<i32>} : memref<4x80x128xf32, #tpu.memory_space<vmem>>, vector<16xf32>,
        %mul3A_4117 = arith.mulf %get3A_4116, %get3A_129 : vector<16xf32>
        %get3A_4118 = arith.constant 61 : i32
        %get3A_4119 = arith.index_cast %rem3A_101 : i32 to index
        %get3A_4120 = arith.index_cast %get3A_4118 : i32 to index
        %get3A_4121 = arith.constant 64 : index
        %get3A_4122 = tpu.vector_load %arg10[%get3A_4119, %get3A_4120, %get3A_4121] {strides = array<i32>} : memref<4x80x128xf32, #tpu.memory_space<vmem>>, vector<16xf32>,
        %mul3A_4123 = arith.mulf %get3A_4122, %get3A_132 : vector<16xf32>
        %get3A_4124 = arith.constant 61 : i32
        %get3A_4125 = arith.index_cast %rem3A_101 : i32 to index
        %get3A_4126 = arith.index_cast %get3A_4124 : i32 to index
        %get3A_4127 = arith.constant 80 : index
        %get3A_4128 = tpu.vector_load %arg10[%get3A_4125, %get3A_4126, %get3A_4127] {strides = array<i32>} : memref<4x80x128xf32, #tpu.memory_space<vmem>>, vector<16xf32>,
        %mul3A_4129 = arith.mulf %get3A_4128, %get3A_135 : vector<16xf32>
        %get3A_4130 = arith.constant 61 : i32
        %get3A_4131 = arith.index_cast %rem3A_101 : i32 to index
        %get3A_4132 = arith.index_cast %get3A_4130 : i32 to index
        %get3A_4133 = arith.constant 96 : index
        %get3A_4134 = tpu.vector_load %arg10[%get3A_4131, %get3A_4132, %get3A_4133] {strides = array<i32>} : memref<4x80x128xf32, #tpu.memory_space<vmem>>, vector<16xf32>,
        %mul3A_4135 = arith.mulf %get3A_4134, %get3A_138 : vector<16xf32>
        %get3A_4136 = arith.constant 61 : i32
        %get3A_4137 = arith.index_cast %rem3A_101 : i32 to index
        %get3A_4138 = arith.index_cast %get3A_4136 : i32 to index
        %get3A_4139 = arith.constant 112 : index
        %get3A_4140 = tpu.vector_load %arg10[%get3A_4137, %get3A_4138, %get3A_4139] {strides = array<i32>} : memref<4x80x128xf32, #tpu.memory_space<vmem>>, vector<16xf32>,
        %mul3A_4141 = arith.mulf %get3A_4140, %get3A_141 : vector<16xf32>
        %add3A_4142 = arith.addf %mul3A_4099, %mul3A_4105 : vector<16xf32>
        %add3A_4143 = arith.addf %mul3A_4111, %mul3A_4117 : vector<16xf32>
        %add3A_4144 = arith.addf %mul3A_4123, %mul3A_4129 : vector<16xf32>
        %add3A_4145 = arith.addf %mul3A_4135, %mul3A_4141 : vector<16xf32>
        %add3A_4146 = arith.addf %add3A_4142, %add3A_4143 : vector<16xf32>
        %add3A_4147 = arith.addf %add3A_4144, %add3A_4145 : vector<16xf32>
        %add3A_4148 = arith.addf %add3A_4146, %add3A_4147 : vector<16xf32>
        %eq3A_4149 = arith.constant 13 : i32
        %eq3A_4150 = vector.broadcast %eq3A_4149 : i32 to vector<16xi32>
        %eq3A_4151 = arith.cmpi eq, %iota3A, %eq3A_4150 : vector<16xi32>
        %reduce_sum3A_4152 = arith.constant true
        %reduce_sum3A_4153 = vector.broadcast %reduce_sum3A_4152 : i1 to vector<16xi1>
        %reduce_sum3A_4154 = tpu.scan <sum>, %add3A_4148 masked %reduce_sum3A_4153 : vector<16xf32>, vector<16xi1> -> vector<16xf32>
        %reduce_sum3A_4155 = vector.extract %reduce_sum3A_4154[15] : f32 from vector<16xf32>
        %broadcast_in_dim3A_4156 = vector.broadcast %reduce_sum3A_4155 : f32 to vector<16xf32>
        %select_n3A_4157 = arith.select %eq3A_4151, %broadcast_in_dim3A_4156, %select_n3A_4093 : vector<16xi1>, vector<16xf32>
        %get3A_4158 = arith.constant 62 : i32
        %get3A_4159 = arith.index_cast %rem3A_101 : i32 to index
        %get3A_4160 = arith.index_cast %get3A_4158 : i32 to index
        %get3A_4161 = arith.constant 0 : index
        %get3A_4162 = tpu.vector_load %arg10[%get3A_4159, %get3A_4160, %get3A_4161] {strides = array<i32>} : memref<4x80x128xf32, #tpu.memory_space<vmem>>, vector<16xf32>,
        %mul3A_4163 = arith.mulf %get3A_4162, %get3A_120 : vector<16xf32>
        %get3A_4164 = arith.constant 62 : i32
        %get3A_4165 = arith.index_cast %rem3A_101 : i32 to index
        %get3A_4166 = arith.index_cast %get3A_4164 : i32 to index
        %get3A_4167 = arith.constant 16 : index
        %get3A_4168 = tpu.vector_load %arg10[%get3A_4165, %get3A_4166, %get3A_4167] {strides = array<i32>} : memref<4x80x128xf32, #tpu.memory_space<vmem>>, vector<16xf32>,
        %mul3A_4169 = arith.mulf %get3A_4168, %get3A_123 : vector<16xf32>
        %get3A_4170 = arith.constant 62 : i32
        %get3A_4171 = arith.index_cast %rem3A_101 : i32 to index
        %get3A_4172 = arith.index_cast %get3A_4170 : i32 to index
        %get3A_4173 = arith.constant 32 : index
        %get3A_4174 = tpu.vector_load %arg10[%get3A_4171, %get3A_4172, %get3A_4173] {strides = array<i32>} : memref<4x80x128xf32, #tpu.memory_space<vmem>>, vector<16xf32>,
        %mul3A_4175 = arith.mulf %get3A_4174, %get3A_126 : vector<16xf32>
        %get3A_4176 = arith.constant 62 : i32
        %get3A_4177 = arith.index_cast %rem3A_101 : i32 to index
        %get3A_4178 = arith.index_cast %get3A_4176 : i32 to index
        %get3A_4179 = arith.constant 48 : index
        %get3A_4180 = tpu.vector_load %arg10[%get3A_4177, %get3A_4178, %get3A_4179] {strides = array<i32>} : memref<4x80x128xf32, #tpu.memory_space<vmem>>, vector<16xf32>,
        %mul3A_4181 = arith.mulf %get3A_4180, %get3A_129 : vector<16xf32>
        %get3A_4182 = arith.constant 62 : i32
        %get3A_4183 = arith.index_cast %rem3A_101 : i32 to index
        %get3A_4184 = arith.index_cast %get3A_4182 : i32 to index
        %get3A_4185 = arith.constant 64 : index
        %get3A_4186 = tpu.vector_load %arg10[%get3A_4183, %get3A_4184, %get3A_4185] {strides = array<i32>} : memref<4x80x128xf32, #tpu.memory_space<vmem>>, vector<16xf32>,
        %mul3A_4187 = arith.mulf %get3A_4186, %get3A_132 : vector<16xf32>
        %get3A_4188 = arith.constant 62 : i32
        %get3A_4189 = arith.index_cast %rem3A_101 : i32 to index
        %get3A_4190 = arith.index_cast %get3A_4188 : i32 to index
        %get3A_4191 = arith.constant 80 : index
        %get3A_4192 = tpu.vector_load %arg10[%get3A_4189, %get3A_4190, %get3A_4191] {strides = array<i32>} : memref<4x80x128xf32, #tpu.memory_space<vmem>>, vector<16xf32>,
        %mul3A_4193 = arith.mulf %get3A_4192, %get3A_135 : vector<16xf32>
        %get3A_4194 = arith.constant 62 : i32
        %get3A_4195 = arith.index_cast %rem3A_101 : i32 to index
        %get3A_4196 = arith.index_cast %get3A_4194 : i32 to index
        %get3A_4197 = arith.constant 96 : index
        %get3A_4198 = tpu.vector_load %arg10[%get3A_4195, %get3A_4196, %get3A_4197] {strides = array<i32>} : memref<4x80x128xf32, #tpu.memory_space<vmem>>, vector<16xf32>,
        %mul3A_4199 = arith.mulf %get3A_4198, %get3A_138 : vector<16xf32>
        %get3A_4200 = arith.constant 62 : i32
        %get3A_4201 = arith.index_cast %rem3A_101 : i32 to index
        %get3A_4202 = arith.index_cast %get3A_4200 : i32 to index
        %get3A_4203 = arith.constant 112 : index
        %get3A_4204 = tpu.vector_load %arg10[%get3A_4201, %get3A_4202, %get3A_4203] {strides = array<i32>} : memref<4x80x128xf32, #tpu.memory_space<vmem>>, vector<16xf32>,
        %mul3A_4205 = arith.mulf %get3A_4204, %get3A_141 : vector<16xf32>
        %add3A_4206 = arith.addf %mul3A_4163, %mul3A_4169 : vector<16xf32>
        %add3A_4207 = arith.addf %mul3A_4175, %mul3A_4181 : vector<16xf32>
        %add3A_4208 = arith.addf %mul3A_4187, %mul3A_4193 : vector<16xf32>
        %add3A_4209 = arith.addf %mul3A_4199, %mul3A_4205 : vector<16xf32>
        %add3A_4210 = arith.addf %add3A_4206, %add3A_4207 : vector<16xf32>
        %add3A_4211 = arith.addf %add3A_4208, %add3A_4209 : vector<16xf32>
        %add3A_4212 = arith.addf %add3A_4210, %add3A_4211 : vector<16xf32>
        %eq3A_4213 = arith.constant 14 : i32
        %eq3A_4214 = vector.broadcast %eq3A_4213 : i32 to vector<16xi32>
        %eq3A_4215 = arith.cmpi eq, %iota3A, %eq3A_4214 : vector<16xi32>
        %reduce_sum3A_4216 = arith.constant true
        %reduce_sum3A_4217 = vector.broadcast %reduce_sum3A_4216 : i1 to vector<16xi1>
        %reduce_sum3A_4218 = tpu.scan <sum>, %add3A_4212 masked %reduce_sum3A_4217 : vector<16xf32>, vector<16xi1> -> vector<16xf32>
        %reduce_sum3A_4219 = vector.extract %reduce_sum3A_4218[15] : f32 from vector<16xf32>
        %broadcast_in_dim3A_4220 = vector.broadcast %reduce_sum3A_4219 : f32 to vector<16xf32>
        %select_n3A_4221 = arith.select %eq3A_4215, %broadcast_in_dim3A_4220, %select_n3A_4157 : vector<16xi1>, vector<16xf32>
        %get3A_4222 = arith.constant 63 : i32
        %get3A_4223 = arith.index_cast %rem3A_101 : i32 to index
        %get3A_4224 = arith.index_cast %get3A_4222 : i32 to index
        %get3A_4225 = arith.constant 0 : index
        %get3A_4226 = tpu.vector_load %arg10[%get3A_4223, %get3A_4224, %get3A_4225] {strides = array<i32>} : memref<4x80x128xf32, #tpu.memory_space<vmem>>, vector<16xf32>,
        %mul3A_4227 = arith.mulf %get3A_4226, %get3A_120 : vector<16xf32>
        %get3A_4228 = arith.constant 63 : i32
        %get3A_4229 = arith.index_cast %rem3A_101 : i32 to index
        %get3A_4230 = arith.index_cast %get3A_4228 : i32 to index
        %get3A_4231 = arith.constant 16 : index
        %get3A_4232 = tpu.vector_load %arg10[%get3A_4229, %get3A_4230, %get3A_4231] {strides = array<i32>} : memref<4x80x128xf32, #tpu.memory_space<vmem>>, vector<16xf32>,
        %mul3A_4233 = arith.mulf %get3A_4232, %get3A_123 : vector<16xf32>
        %get3A_4234 = arith.constant 63 : i32
        %get3A_4235 = arith.index_cast %rem3A_101 : i32 to index
        %get3A_4236 = arith.index_cast %get3A_4234 : i32 to index
        %get3A_4237 = arith.constant 32 : index
        %get3A_4238 = tpu.vector_load %arg10[%get3A_4235, %get3A_4236, %get3A_4237] {strides = array<i32>} : memref<4x80x128xf32, #tpu.memory_space<vmem>>, vector<16xf32>,
        %mul3A_4239 = arith.mulf %get3A_4238, %get3A_126 : vector<16xf32>
        %get3A_4240 = arith.constant 63 : i32
        %get3A_4241 = arith.index_cast %rem3A_101 : i32 to index
        %get3A_4242 = arith.index_cast %get3A_4240 : i32 to index
        %get3A_4243 = arith.constant 48 : index
        %get3A_4244 = tpu.vector_load %arg10[%get3A_4241, %get3A_4242, %get3A_4243] {strides = array<i32>} : memref<4x80x128xf32, #tpu.memory_space<vmem>>, vector<16xf32>,
        %mul3A_4245 = arith.mulf %get3A_4244, %get3A_129 : vector<16xf32>
        %get3A_4246 = arith.constant 63 : i32
        %get3A_4247 = arith.index_cast %rem3A_101 : i32 to index
        %get3A_4248 = arith.index_cast %get3A_4246 : i32 to index
        %get3A_4249 = arith.constant 64 : index
        %get3A_4250 = tpu.vector_load %arg10[%get3A_4247, %get3A_4248, %get3A_4249] {strides = array<i32>} : memref<4x80x128xf32, #tpu.memory_space<vmem>>, vector<16xf32>,
        %mul3A_4251 = arith.mulf %get3A_4250, %get3A_132 : vector<16xf32>
        %get3A_4252 = arith.constant 63 : i32
        %get3A_4253 = arith.index_cast %rem3A_101 : i32 to index
        %get3A_4254 = arith.index_cast %get3A_4252 : i32 to index
        %get3A_4255 = arith.constant 80 : index
        %get3A_4256 = tpu.vector_load %arg10[%get3A_4253, %get3A_4254, %get3A_4255] {strides = array<i32>} : memref<4x80x128xf32, #tpu.memory_space<vmem>>, vector<16xf32>,
        %mul3A_4257 = arith.mulf %get3A_4256, %get3A_135 : vector<16xf32>
        %get3A_4258 = arith.constant 63 : i32
        %get3A_4259 = arith.index_cast %rem3A_101 : i32 to index
        %get3A_4260 = arith.index_cast %get3A_4258 : i32 to index
        %get3A_4261 = arith.constant 96 : index
        %get3A_4262 = tpu.vector_load %arg10[%get3A_4259, %get3A_4260, %get3A_4261] {strides = array<i32>} : memref<4x80x128xf32, #tpu.memory_space<vmem>>, vector<16xf32>,
        %mul3A_4263 = arith.mulf %get3A_4262, %get3A_138 : vector<16xf32>
        %get3A_4264 = arith.constant 63 : i32
        %get3A_4265 = arith.index_cast %rem3A_101 : i32 to index
        %get3A_4266 = arith.index_cast %get3A_4264 : i32 to index
        %get3A_4267 = arith.constant 112 : index
        %get3A_4268 = tpu.vector_load %arg10[%get3A_4265, %get3A_4266, %get3A_4267] {strides = array<i32>} : memref<4x80x128xf32, #tpu.memory_space<vmem>>, vector<16xf32>,
        %mul3A_4269 = arith.mulf %get3A_4268, %get3A_141 : vector<16xf32>
        %add3A_4270 = arith.addf %mul3A_4227, %mul3A_4233 : vector<16xf32>
        %add3A_4271 = arith.addf %mul3A_4239, %mul3A_4245 : vector<16xf32>
        %add3A_4272 = arith.addf %mul3A_4251, %mul3A_4257 : vector<16xf32>
        %add3A_4273 = arith.addf %mul3A_4263, %mul3A_4269 : vector<16xf32>
        %add3A_4274 = arith.addf %add3A_4270, %add3A_4271 : vector<16xf32>
        %add3A_4275 = arith.addf %add3A_4272, %add3A_4273 : vector<16xf32>
        %add3A_4276 = arith.addf %add3A_4274, %add3A_4275 : vector<16xf32>
        %eq3A_4277 = arith.constant 15 : i32
        %eq3A_4278 = vector.broadcast %eq3A_4277 : i32 to vector<16xi32>
        %eq3A_4279 = arith.cmpi eq, %iota3A, %eq3A_4278 : vector<16xi32>
        %reduce_sum3A_4280 = arith.constant true
        %reduce_sum3A_4281 = vector.broadcast %reduce_sum3A_4280 : i1 to vector<16xi1>
        %reduce_sum3A_4282 = tpu.scan <sum>, %add3A_4276 masked %reduce_sum3A_4281 : vector<16xf32>, vector<16xi1> -> vector<16xf32>
        %reduce_sum3A_4283 = vector.extract %reduce_sum3A_4282[15] : f32 from vector<16xf32>
        %broadcast_in_dim3A_4284 = vector.broadcast %reduce_sum3A_4283 : f32 to vector<16xf32>
        %select_n3A_4285 = arith.select %eq3A_4279, %broadcast_in_dim3A_4284, %select_n3A_4221 : vector<16xi1>, vector<16xf32>
        %neg3A_4286 = arith.constant 0.000000e+00 : f32
        %neg3A_4287 = vector.broadcast %neg3A_4286 : f32 to vector<16xf32>
        %neg3A_4288 = arith.subf %neg3A_4287, %select_n3A_4285 : vector<16xf32>
        %exp3A_4289 = math.exp %neg3A_4288 : vector<16xf32>
        %add3A_4290 = arith.constant 1.000000e+00 : f32
        %add3A_4291 = vector.broadcast %add3A_4290 : f32 to vector<16xf32>
        %add3A_4292 = arith.addf %add3A_4291, %exp3A_4289 : vector<16xf32>
        %div3A_4293 = arith.constant 1.000000e+00 : f32
        %div3A_4294 = vector.broadcast %div3A_4293 : f32 to vector<16xf32>
        %div3A_4295 = arith.divf %div3A_4294, %add3A_4292 : vector<16xf32>
        %mul3A_4296 = arith.constant 70 : i32
        %mul3A_4297 = arith.muli %scan3A_99, %mul3A_4296 : i32
        %add3A_4298 = arith.constant 48 : i32
        %add3A_4299 = arith.addi %mul3A_4297, %add3A_4298 : i32
        %swap3A_4300 = arith.index_cast %add3A_4299 : i32 to index
        %swap3A_4301 = tpu.vector_load %arg11[%swap3A_4300] {strides = array<i32>} : memref<17936xf32, #tpu.memory_space<vmem>>, vector<16xf32>,
        tpu.vector_store %arg11[%swap3A_4300], %div3A_4295 {strides = array<i32>} : memref<17936xf32, #tpu.memory_space<vmem>>, vector<16xf32>,
        %broadcast_in_dim3A_4302 = arith.constant 0.000000e+00 : f32
        %broadcast_in_dim3A_4303 = vector.broadcast %broadcast_in_dim3A_4302 : f32 to vector<16xf32>
        %get3A_4304 = arith.constant 64 : i32
        %get3A_4305 = arith.index_cast %rem3A_101 : i32 to index
        %get3A_4306 = arith.index_cast %get3A_4304 : i32 to index
        %get3A_4307 = arith.constant 0 : index
        %get3A_4308 = tpu.vector_load %arg10[%get3A_4305, %get3A_4306, %get3A_4307] {strides = array<i32>} : memref<4x80x128xf32, #tpu.memory_space<vmem>>, vector<16xf32>,
        %mul3A_4309 = arith.mulf %get3A_4308, %get3A_120 : vector<16xf32>
        %get3A_4310 = arith.constant 64 : i32
        %get3A_4311 = arith.index_cast %rem3A_101 : i32 to index
        %get3A_4312 = arith.index_cast %get3A_4310 : i32 to index
        %get3A_4313 = arith.constant 16 : index
        %get3A_4314 = tpu.vector_load %arg10[%get3A_4311, %get3A_4312, %get3A_4313] {strides = array<i32>} : memref<4x80x128xf32, #tpu.memory_space<vmem>>, vector<16xf32>,
        %mul3A_4315 = arith.mulf %get3A_4314, %get3A_123 : vector<16xf32>
        %get3A_4316 = arith.constant 64 : i32
        %get3A_4317 = arith.index_cast %rem3A_101 : i32 to index
        %get3A_4318 = arith.index_cast %get3A_4316 : i32 to index
        %get3A_4319 = arith.constant 32 : index
        %get3A_4320 = tpu.vector_load %arg10[%get3A_4317, %get3A_4318, %get3A_4319] {strides = array<i32>} : memref<4x80x128xf32, #tpu.memory_space<vmem>>, vector<16xf32>,
        %mul3A_4321 = arith.mulf %get3A_4320, %get3A_126 : vector<16xf32>
        %get3A_4322 = arith.constant 64 : i32
        %get3A_4323 = arith.index_cast %rem3A_101 : i32 to index
        %get3A_4324 = arith.index_cast %get3A_4322 : i32 to index
        %get3A_4325 = arith.constant 48 : index
        %get3A_4326 = tpu.vector_load %arg10[%get3A_4323, %get3A_4324, %get3A_4325] {strides = array<i32>} : memref<4x80x128xf32, #tpu.memory_space<vmem>>, vector<16xf32>,
        %mul3A_4327 = arith.mulf %get3A_4326, %get3A_129 : vector<16xf32>
        %get3A_4328 = arith.constant 64 : i32
        %get3A_4329 = arith.index_cast %rem3A_101 : i32 to index
        %get3A_4330 = arith.index_cast %get3A_4328 : i32 to index
        %get3A_4331 = arith.constant 64 : index
        %get3A_4332 = tpu.vector_load %arg10[%get3A_4329, %get3A_4330, %get3A_4331] {strides = array<i32>} : memref<4x80x128xf32, #tpu.memory_space<vmem>>, vector<16xf32>,
        %mul3A_4333 = arith.mulf %get3A_4332, %get3A_132 : vector<16xf32>
        %get3A_4334 = arith.constant 64 : i32
        %get3A_4335 = arith.index_cast %rem3A_101 : i32 to index
        %get3A_4336 = arith.index_cast %get3A_4334 : i32 to index
        %get3A_4337 = arith.constant 80 : index
        %get3A_4338 = tpu.vector_load %arg10[%get3A_4335, %get3A_4336, %get3A_4337] {strides = array<i32>} : memref<4x80x128xf32, #tpu.memory_space<vmem>>, vector<16xf32>,
        %mul3A_4339 = arith.mulf %get3A_4338, %get3A_135 : vector<16xf32>
        %get3A_4340 = arith.constant 64 : i32
        %get3A_4341 = arith.index_cast %rem3A_101 : i32 to index
        %get3A_4342 = arith.index_cast %get3A_4340 : i32 to index
        %get3A_4343 = arith.constant 96 : index
        %get3A_4344 = tpu.vector_load %arg10[%get3A_4341, %get3A_4342, %get3A_4343] {strides = array<i32>} : memref<4x80x128xf32, #tpu.memory_space<vmem>>, vector<16xf32>,
        %mul3A_4345 = arith.mulf %get3A_4344, %get3A_138 : vector<16xf32>
        %get3A_4346 = arith.constant 64 : i32
        %get3A_4347 = arith.index_cast %rem3A_101 : i32 to index
        %get3A_4348 = arith.index_cast %get3A_4346 : i32 to index
        %get3A_4349 = arith.constant 112 : index
        %get3A_4350 = tpu.vector_load %arg10[%get3A_4347, %get3A_4348, %get3A_4349] {strides = array<i32>} : memref<4x80x128xf32, #tpu.memory_space<vmem>>, vector<16xf32>,
        %mul3A_4351 = arith.mulf %get3A_4350, %get3A_141 : vector<16xf32>
        %add3A_4352 = arith.addf %mul3A_4309, %mul3A_4315 : vector<16xf32>
        %add3A_4353 = arith.addf %mul3A_4321, %mul3A_4327 : vector<16xf32>
        %add3A_4354 = arith.addf %mul3A_4333, %mul3A_4339 : vector<16xf32>
        %add3A_4355 = arith.addf %mul3A_4345, %mul3A_4351 : vector<16xf32>
        %add3A_4356 = arith.addf %add3A_4352, %add3A_4353 : vector<16xf32>
        %add3A_4357 = arith.addf %add3A_4354, %add3A_4355 : vector<16xf32>
        %add3A_4358 = arith.addf %add3A_4356, %add3A_4357 : vector<16xf32>
        %eq3A_4359 = arith.constant 0 : i32
        %eq3A_4360 = vector.broadcast %eq3A_4359 : i32 to vector<16xi32>
        %eq3A_4361 = arith.cmpi eq, %iota3A, %eq3A_4360 : vector<16xi32>
        %reduce_sum3A_4362 = arith.constant true
        %reduce_sum3A_4363 = vector.broadcast %reduce_sum3A_4362 : i1 to vector<16xi1>
        %reduce_sum3A_4364 = tpu.scan <sum>, %add3A_4358 masked %reduce_sum3A_4363 : vector<16xf32>, vector<16xi1> -> vector<16xf32>
        %reduce_sum3A_4365 = vector.extract %reduce_sum3A_4364[15] : f32 from vector<16xf32>
        %broadcast_in_dim3A_4366 = vector.broadcast %reduce_sum3A_4365 : f32 to vector<16xf32>
        %select_n3A_4367 = arith.select %eq3A_4361, %broadcast_in_dim3A_4366, %broadcast_in_dim3A_4303 : vector<16xi1>, vector<16xf32>
        %get3A_4368 = arith.constant 65 : i32
        %get3A_4369 = arith.index_cast %rem3A_101 : i32 to index
        %get3A_4370 = arith.index_cast %get3A_4368 : i32 to index
        %get3A_4371 = arith.constant 0 : index
        %get3A_4372 = tpu.vector_load %arg10[%get3A_4369, %get3A_4370, %get3A_4371] {strides = array<i32>} : memref<4x80x128xf32, #tpu.memory_space<vmem>>, vector<16xf32>,
        %mul3A_4373 = arith.mulf %get3A_4372, %get3A_120 : vector<16xf32>
        %get3A_4374 = arith.constant 65 : i32
        %get3A_4375 = arith.index_cast %rem3A_101 : i32 to index
        %get3A_4376 = arith.index_cast %get3A_4374 : i32 to index
        %get3A_4377 = arith.constant 16 : index
        %get3A_4378 = tpu.vector_load %arg10[%get3A_4375, %get3A_4376, %get3A_4377] {strides = array<i32>} : memref<4x80x128xf32, #tpu.memory_space<vmem>>, vector<16xf32>,
        %mul3A_4379 = arith.mulf %get3A_4378, %get3A_123 : vector<16xf32>
        %get3A_4380 = arith.constant 65 : i32
        %get3A_4381 = arith.index_cast %rem3A_101 : i32 to index
        %get3A_4382 = arith.index_cast %get3A_4380 : i32 to index
        %get3A_4383 = arith.constant 32 : index
        %get3A_4384 = tpu.vector_load %arg10[%get3A_4381, %get3A_4382, %get3A_4383] {strides = array<i32>} : memref<4x80x128xf32, #tpu.memory_space<vmem>>, vector<16xf32>,
        %mul3A_4385 = arith.mulf %get3A_4384, %get3A_126 : vector<16xf32>
        %get3A_4386 = arith.constant 65 : i32
        %get3A_4387 = arith.index_cast %rem3A_101 : i32 to index
        %get3A_4388 = arith.index_cast %get3A_4386 : i32 to index
        %get3A_4389 = arith.constant 48 : index
        %get3A_4390 = tpu.vector_load %arg10[%get3A_4387, %get3A_4388, %get3A_4389] {strides = array<i32>} : memref<4x80x128xf32, #tpu.memory_space<vmem>>, vector<16xf32>,
        %mul3A_4391 = arith.mulf %get3A_4390, %get3A_129 : vector<16xf32>
        %get3A_4392 = arith.constant 65 : i32
        %get3A_4393 = arith.index_cast %rem3A_101 : i32 to index
        %get3A_4394 = arith.index_cast %get3A_4392 : i32 to index
        %get3A_4395 = arith.constant 64 : index
        %get3A_4396 = tpu.vector_load %arg10[%get3A_4393, %get3A_4394, %get3A_4395] {strides = array<i32>} : memref<4x80x128xf32, #tpu.memory_space<vmem>>, vector<16xf32>,
        %mul3A_4397 = arith.mulf %get3A_4396, %get3A_132 : vector<16xf32>
        %get3A_4398 = arith.constant 65 : i32
        %get3A_4399 = arith.index_cast %rem3A_101 : i32 to index
        %get3A_4400 = arith.index_cast %get3A_4398 : i32 to index
        %get3A_4401 = arith.constant 80 : index
        %get3A_4402 = tpu.vector_load %arg10[%get3A_4399, %get3A_4400, %get3A_4401] {strides = array<i32>} : memref<4x80x128xf32, #tpu.memory_space<vmem>>, vector<16xf32>,
        %mul3A_4403 = arith.mulf %get3A_4402, %get3A_135 : vector<16xf32>
        %get3A_4404 = arith.constant 65 : i32
        %get3A_4405 = arith.index_cast %rem3A_101 : i32 to index
        %get3A_4406 = arith.index_cast %get3A_4404 : i32 to index
        %get3A_4407 = arith.constant 96 : index
        %get3A_4408 = tpu.vector_load %arg10[%get3A_4405, %get3A_4406, %get3A_4407] {strides = array<i32>} : memref<4x80x128xf32, #tpu.memory_space<vmem>>, vector<16xf32>,
        %mul3A_4409 = arith.mulf %get3A_4408, %get3A_138 : vector<16xf32>
        %get3A_4410 = arith.constant 65 : i32
        %get3A_4411 = arith.index_cast %rem3A_101 : i32 to index
        %get3A_4412 = arith.index_cast %get3A_4410 : i32 to index
        %get3A_4413 = arith.constant 112 : index
        %get3A_4414 = tpu.vector_load %arg10[%get3A_4411, %get3A_4412, %get3A_4413] {strides = array<i32>} : memref<4x80x128xf32, #tpu.memory_space<vmem>>, vector<16xf32>,
        %mul3A_4415 = arith.mulf %get3A_4414, %get3A_141 : vector<16xf32>
        %add3A_4416 = arith.addf %mul3A_4373, %mul3A_4379 : vector<16xf32>
        %add3A_4417 = arith.addf %mul3A_4385, %mul3A_4391 : vector<16xf32>
        %add3A_4418 = arith.addf %mul3A_4397, %mul3A_4403 : vector<16xf32>
        %add3A_4419 = arith.addf %mul3A_4409, %mul3A_4415 : vector<16xf32>
        %add3A_4420 = arith.addf %add3A_4416, %add3A_4417 : vector<16xf32>
        %add3A_4421 = arith.addf %add3A_4418, %add3A_4419 : vector<16xf32>
        %add3A_4422 = arith.addf %add3A_4420, %add3A_4421 : vector<16xf32>
        %eq3A_4423 = arith.constant 1 : i32
        %eq3A_4424 = vector.broadcast %eq3A_4423 : i32 to vector<16xi32>
        %eq3A_4425 = arith.cmpi eq, %iota3A, %eq3A_4424 : vector<16xi32>
        %reduce_sum3A_4426 = arith.constant true
        %reduce_sum3A_4427 = vector.broadcast %reduce_sum3A_4426 : i1 to vector<16xi1>
        %reduce_sum3A_4428 = tpu.scan <sum>, %add3A_4422 masked %reduce_sum3A_4427 : vector<16xf32>, vector<16xi1> -> vector<16xf32>
        %reduce_sum3A_4429 = vector.extract %reduce_sum3A_4428[15] : f32 from vector<16xf32>
        %broadcast_in_dim3A_4430 = vector.broadcast %reduce_sum3A_4429 : f32 to vector<16xf32>
        %select_n3A_4431 = arith.select %eq3A_4425, %broadcast_in_dim3A_4430, %select_n3A_4367 : vector<16xi1>, vector<16xf32>
        %get3A_4432 = arith.constant 66 : i32
        %get3A_4433 = arith.index_cast %rem3A_101 : i32 to index
        %get3A_4434 = arith.index_cast %get3A_4432 : i32 to index
        %get3A_4435 = arith.constant 0 : index
        %get3A_4436 = tpu.vector_load %arg10[%get3A_4433, %get3A_4434, %get3A_4435] {strides = array<i32>} : memref<4x80x128xf32, #tpu.memory_space<vmem>>, vector<16xf32>,
        %mul3A_4437 = arith.mulf %get3A_4436, %get3A_120 : vector<16xf32>
        %get3A_4438 = arith.constant 66 : i32
        %get3A_4439 = arith.index_cast %rem3A_101 : i32 to index
        %get3A_4440 = arith.index_cast %get3A_4438 : i32 to index
        %get3A_4441 = arith.constant 16 : index
        %get3A_4442 = tpu.vector_load %arg10[%get3A_4439, %get3A_4440, %get3A_4441] {strides = array<i32>} : memref<4x80x128xf32, #tpu.memory_space<vmem>>, vector<16xf32>,
        %mul3A_4443 = arith.mulf %get3A_4442, %get3A_123 : vector<16xf32>
        %get3A_4444 = arith.constant 66 : i32
        %get3A_4445 = arith.index_cast %rem3A_101 : i32 to index
        %get3A_4446 = arith.index_cast %get3A_4444 : i32 to index
        %get3A_4447 = arith.constant 32 : index
        %get3A_4448 = tpu.vector_load %arg10[%get3A_4445, %get3A_4446, %get3A_4447] {strides = array<i32>} : memref<4x80x128xf32, #tpu.memory_space<vmem>>, vector<16xf32>,
        %mul3A_4449 = arith.mulf %get3A_4448, %get3A_126 : vector<16xf32>
        %get3A_4450 = arith.constant 66 : i32
        %get3A_4451 = arith.index_cast %rem3A_101 : i32 to index
        %get3A_4452 = arith.index_cast %get3A_4450 : i32 to index
        %get3A_4453 = arith.constant 48 : index
        %get3A_4454 = tpu.vector_load %arg10[%get3A_4451, %get3A_4452, %get3A_4453] {strides = array<i32>} : memref<4x80x128xf32, #tpu.memory_space<vmem>>, vector<16xf32>,
        %mul3A_4455 = arith.mulf %get3A_4454, %get3A_129 : vector<16xf32>
        %get3A_4456 = arith.constant 66 : i32
        %get3A_4457 = arith.index_cast %rem3A_101 : i32 to index
        %get3A_4458 = arith.index_cast %get3A_4456 : i32 to index
        %get3A_4459 = arith.constant 64 : index
        %get3A_4460 = tpu.vector_load %arg10[%get3A_4457, %get3A_4458, %get3A_4459] {strides = array<i32>} : memref<4x80x128xf32, #tpu.memory_space<vmem>>, vector<16xf32>,
        %mul3A_4461 = arith.mulf %get3A_4460, %get3A_132 : vector<16xf32>
        %get3A_4462 = arith.constant 66 : i32
        %get3A_4463 = arith.index_cast %rem3A_101 : i32 to index
        %get3A_4464 = arith.index_cast %get3A_4462 : i32 to index
        %get3A_4465 = arith.constant 80 : index
        %get3A_4466 = tpu.vector_load %arg10[%get3A_4463, %get3A_4464, %get3A_4465] {strides = array<i32>} : memref<4x80x128xf32, #tpu.memory_space<vmem>>, vector<16xf32>,
        %mul3A_4467 = arith.mulf %get3A_4466, %get3A_135 : vector<16xf32>
        %get3A_4468 = arith.constant 66 : i32
        %get3A_4469 = arith.index_cast %rem3A_101 : i32 to index
        %get3A_4470 = arith.index_cast %get3A_4468 : i32 to index
        %get3A_4471 = arith.constant 96 : index
        %get3A_4472 = tpu.vector_load %arg10[%get3A_4469, %get3A_4470, %get3A_4471] {strides = array<i32>} : memref<4x80x128xf32, #tpu.memory_space<vmem>>, vector<16xf32>,
        %mul3A_4473 = arith.mulf %get3A_4472, %get3A_138 : vector<16xf32>
        %get3A_4474 = arith.constant 66 : i32
        %get3A_4475 = arith.index_cast %rem3A_101 : i32 to index
        %get3A_4476 = arith.index_cast %get3A_4474 : i32 to index
        %get3A_4477 = arith.constant 112 : index
        %get3A_4478 = tpu.vector_load %arg10[%get3A_4475, %get3A_4476, %get3A_4477] {strides = array<i32>} : memref<4x80x128xf32, #tpu.memory_space<vmem>>, vector<16xf32>,
        %mul3A_4479 = arith.mulf %get3A_4478, %get3A_141 : vector<16xf32>
        %add3A_4480 = arith.addf %mul3A_4437, %mul3A_4443 : vector<16xf32>
        %add3A_4481 = arith.addf %mul3A_4449, %mul3A_4455 : vector<16xf32>
        %add3A_4482 = arith.addf %mul3A_4461, %mul3A_4467 : vector<16xf32>
        %add3A_4483 = arith.addf %mul3A_4473, %mul3A_4479 : vector<16xf32>
        %add3A_4484 = arith.addf %add3A_4480, %add3A_4481 : vector<16xf32>
        %add3A_4485 = arith.addf %add3A_4482, %add3A_4483 : vector<16xf32>
        %add3A_4486 = arith.addf %add3A_4484, %add3A_4485 : vector<16xf32>
        %eq3A_4487 = arith.constant 2 : i32
        %eq3A_4488 = vector.broadcast %eq3A_4487 : i32 to vector<16xi32>
        %eq3A_4489 = arith.cmpi eq, %iota3A, %eq3A_4488 : vector<16xi32>
        %reduce_sum3A_4490 = arith.constant true
        %reduce_sum3A_4491 = vector.broadcast %reduce_sum3A_4490 : i1 to vector<16xi1>
        %reduce_sum3A_4492 = tpu.scan <sum>, %add3A_4486 masked %reduce_sum3A_4491 : vector<16xf32>, vector<16xi1> -> vector<16xf32>
        %reduce_sum3A_4493 = vector.extract %reduce_sum3A_4492[15] : f32 from vector<16xf32>
        %broadcast_in_dim3A_4494 = vector.broadcast %reduce_sum3A_4493 : f32 to vector<16xf32>
        %select_n3A_4495 = arith.select %eq3A_4489, %broadcast_in_dim3A_4494, %select_n3A_4431 : vector<16xi1>, vector<16xf32>
        %get3A_4496 = arith.constant 67 : i32
        %get3A_4497 = arith.index_cast %rem3A_101 : i32 to index
        %get3A_4498 = arith.index_cast %get3A_4496 : i32 to index
        %get3A_4499 = arith.constant 0 : index
        %get3A_4500 = tpu.vector_load %arg10[%get3A_4497, %get3A_4498, %get3A_4499] {strides = array<i32>} : memref<4x80x128xf32, #tpu.memory_space<vmem>>, vector<16xf32>,
        %mul3A_4501 = arith.mulf %get3A_4500, %get3A_120 : vector<16xf32>
        %get3A_4502 = arith.constant 67 : i32
        %get3A_4503 = arith.index_cast %rem3A_101 : i32 to index
        %get3A_4504 = arith.index_cast %get3A_4502 : i32 to index
        %get3A_4505 = arith.constant 16 : index
        %get3A_4506 = tpu.vector_load %arg10[%get3A_4503, %get3A_4504, %get3A_4505] {strides = array<i32>} : memref<4x80x128xf32, #tpu.memory_space<vmem>>, vector<16xf32>,
        %mul3A_4507 = arith.mulf %get3A_4506, %get3A_123 : vector<16xf32>
        %get3A_4508 = arith.constant 67 : i32
        %get3A_4509 = arith.index_cast %rem3A_101 : i32 to index
        %get3A_4510 = arith.index_cast %get3A_4508 : i32 to index
        %get3A_4511 = arith.constant 32 : index
        %get3A_4512 = tpu.vector_load %arg10[%get3A_4509, %get3A_4510, %get3A_4511] {strides = array<i32>} : memref<4x80x128xf32, #tpu.memory_space<vmem>>, vector<16xf32>,
        %mul3A_4513 = arith.mulf %get3A_4512, %get3A_126 : vector<16xf32>
        %get3A_4514 = arith.constant 67 : i32
        %get3A_4515 = arith.index_cast %rem3A_101 : i32 to index
        %get3A_4516 = arith.index_cast %get3A_4514 : i32 to index
        %get3A_4517 = arith.constant 48 : index
        %get3A_4518 = tpu.vector_load %arg10[%get3A_4515, %get3A_4516, %get3A_4517] {strides = array<i32>} : memref<4x80x128xf32, #tpu.memory_space<vmem>>, vector<16xf32>,
        %mul3A_4519 = arith.mulf %get3A_4518, %get3A_129 : vector<16xf32>
        %get3A_4520 = arith.constant 67 : i32
        %get3A_4521 = arith.index_cast %rem3A_101 : i32 to index
        %get3A_4522 = arith.index_cast %get3A_4520 : i32 to index
        %get3A_4523 = arith.constant 64 : index
        %get3A_4524 = tpu.vector_load %arg10[%get3A_4521, %get3A_4522, %get3A_4523] {strides = array<i32>} : memref<4x80x128xf32, #tpu.memory_space<vmem>>, vector<16xf32>,
        %mul3A_4525 = arith.mulf %get3A_4524, %get3A_132 : vector<16xf32>
        %get3A_4526 = arith.constant 67 : i32
        %get3A_4527 = arith.index_cast %rem3A_101 : i32 to index
        %get3A_4528 = arith.index_cast %get3A_4526 : i32 to index
        %get3A_4529 = arith.constant 80 : index
        %get3A_4530 = tpu.vector_load %arg10[%get3A_4527, %get3A_4528, %get3A_4529] {strides = array<i32>} : memref<4x80x128xf32, #tpu.memory_space<vmem>>, vector<16xf32>,
        %mul3A_4531 = arith.mulf %get3A_4530, %get3A_135 : vector<16xf32>
        %get3A_4532 = arith.constant 67 : i32
        %get3A_4533 = arith.index_cast %rem3A_101 : i32 to index
        %get3A_4534 = arith.index_cast %get3A_4532 : i32 to index
        %get3A_4535 = arith.constant 96 : index
        %get3A_4536 = tpu.vector_load %arg10[%get3A_4533, %get3A_4534, %get3A_4535] {strides = array<i32>} : memref<4x80x128xf32, #tpu.memory_space<vmem>>, vector<16xf32>,
        %mul3A_4537 = arith.mulf %get3A_4536, %get3A_138 : vector<16xf32>
        %get3A_4538 = arith.constant 67 : i32
        %get3A_4539 = arith.index_cast %rem3A_101 : i32 to index
        %get3A_4540 = arith.index_cast %get3A_4538 : i32 to index
        %get3A_4541 = arith.constant 112 : index
        %get3A_4542 = tpu.vector_load %arg10[%get3A_4539, %get3A_4540, %get3A_4541] {strides = array<i32>} : memref<4x80x128xf32, #tpu.memory_space<vmem>>, vector<16xf32>,
        %mul3A_4543 = arith.mulf %get3A_4542, %get3A_141 : vector<16xf32>
        %add3A_4544 = arith.addf %mul3A_4501, %mul3A_4507 : vector<16xf32>
        %add3A_4545 = arith.addf %mul3A_4513, %mul3A_4519 : vector<16xf32>
        %add3A_4546 = arith.addf %mul3A_4525, %mul3A_4531 : vector<16xf32>
        %add3A_4547 = arith.addf %mul3A_4537, %mul3A_4543 : vector<16xf32>
        %add3A_4548 = arith.addf %add3A_4544, %add3A_4545 : vector<16xf32>
        %add3A_4549 = arith.addf %add3A_4546, %add3A_4547 : vector<16xf32>
        %add3A_4550 = arith.addf %add3A_4548, %add3A_4549 : vector<16xf32>
        %eq3A_4551 = arith.constant 3 : i32
        %eq3A_4552 = vector.broadcast %eq3A_4551 : i32 to vector<16xi32>
        %eq3A_4553 = arith.cmpi eq, %iota3A, %eq3A_4552 : vector<16xi32>
        %reduce_sum3A_4554 = arith.constant true
        %reduce_sum3A_4555 = vector.broadcast %reduce_sum3A_4554 : i1 to vector<16xi1>
        %reduce_sum3A_4556 = tpu.scan <sum>, %add3A_4550 masked %reduce_sum3A_4555 : vector<16xf32>, vector<16xi1> -> vector<16xf32>
        %reduce_sum3A_4557 = vector.extract %reduce_sum3A_4556[15] : f32 from vector<16xf32>
        %broadcast_in_dim3A_4558 = vector.broadcast %reduce_sum3A_4557 : f32 to vector<16xf32>
        %select_n3A_4559 = arith.select %eq3A_4553, %broadcast_in_dim3A_4558, %select_n3A_4495 : vector<16xi1>, vector<16xf32>
        %get3A_4560 = arith.constant 68 : i32
        %get3A_4561 = arith.index_cast %rem3A_101 : i32 to index
        %get3A_4562 = arith.index_cast %get3A_4560 : i32 to index
        %get3A_4563 = arith.constant 0 : index
        %get3A_4564 = tpu.vector_load %arg10[%get3A_4561, %get3A_4562, %get3A_4563] {strides = array<i32>} : memref<4x80x128xf32, #tpu.memory_space<vmem>>, vector<16xf32>,
        %mul3A_4565 = arith.mulf %get3A_4564, %get3A_120 : vector<16xf32>
        %get3A_4566 = arith.constant 68 : i32
        %get3A_4567 = arith.index_cast %rem3A_101 : i32 to index
        %get3A_4568 = arith.index_cast %get3A_4566 : i32 to index
        %get3A_4569 = arith.constant 16 : index
        %get3A_4570 = tpu.vector_load %arg10[%get3A_4567, %get3A_4568, %get3A_4569] {strides = array<i32>} : memref<4x80x128xf32, #tpu.memory_space<vmem>>, vector<16xf32>,
        %mul3A_4571 = arith.mulf %get3A_4570, %get3A_123 : vector<16xf32>
        %get3A_4572 = arith.constant 68 : i32
        %get3A_4573 = arith.index_cast %rem3A_101 : i32 to index
        %get3A_4574 = arith.index_cast %get3A_4572 : i32 to index
        %get3A_4575 = arith.constant 32 : index
        %get3A_4576 = tpu.vector_load %arg10[%get3A_4573, %get3A_4574, %get3A_4575] {strides = array<i32>} : memref<4x80x128xf32, #tpu.memory_space<vmem>>, vector<16xf32>,
        %mul3A_4577 = arith.mulf %get3A_4576, %get3A_126 : vector<16xf32>
        %get3A_4578 = arith.constant 68 : i32
        %get3A_4579 = arith.index_cast %rem3A_101 : i32 to index
        %get3A_4580 = arith.index_cast %get3A_4578 : i32 to index
        %get3A_4581 = arith.constant 48 : index
        %get3A_4582 = tpu.vector_load %arg10[%get3A_4579, %get3A_4580, %get3A_4581] {strides = array<i32>} : memref<4x80x128xf32, #tpu.memory_space<vmem>>, vector<16xf32>,
        %mul3A_4583 = arith.mulf %get3A_4582, %get3A_129 : vector<16xf32>
        %get3A_4584 = arith.constant 68 : i32
        %get3A_4585 = arith.index_cast %rem3A_101 : i32 to index
        %get3A_4586 = arith.index_cast %get3A_4584 : i32 to index
        %get3A_4587 = arith.constant 64 : index
        %get3A_4588 = tpu.vector_load %arg10[%get3A_4585, %get3A_4586, %get3A_4587] {strides = array<i32>} : memref<4x80x128xf32, #tpu.memory_space<vmem>>, vector<16xf32>,
        %mul3A_4589 = arith.mulf %get3A_4588, %get3A_132 : vector<16xf32>
        %get3A_4590 = arith.constant 68 : i32
        %get3A_4591 = arith.index_cast %rem3A_101 : i32 to index
        %get3A_4592 = arith.index_cast %get3A_4590 : i32 to index
        %get3A_4593 = arith.constant 80 : index
        %get3A_4594 = tpu.vector_load %arg10[%get3A_4591, %get3A_4592, %get3A_4593] {strides = array<i32>} : memref<4x80x128xf32, #tpu.memory_space<vmem>>, vector<16xf32>,
        %mul3A_4595 = arith.mulf %get3A_4594, %get3A_135 : vector<16xf32>
        %get3A_4596 = arith.constant 68 : i32
        %get3A_4597 = arith.index_cast %rem3A_101 : i32 to index
        %get3A_4598 = arith.index_cast %get3A_4596 : i32 to index
        %get3A_4599 = arith.constant 96 : index
        %get3A_4600 = tpu.vector_load %arg10[%get3A_4597, %get3A_4598, %get3A_4599] {strides = array<i32>} : memref<4x80x128xf32, #tpu.memory_space<vmem>>, vector<16xf32>,
        %mul3A_4601 = arith.mulf %get3A_4600, %get3A_138 : vector<16xf32>
        %get3A_4602 = arith.constant 68 : i32
        %get3A_4603 = arith.index_cast %rem3A_101 : i32 to index
        %get3A_4604 = arith.index_cast %get3A_4602 : i32 to index
        %get3A_4605 = arith.constant 112 : index
        %get3A_4606 = tpu.vector_load %arg10[%get3A_4603, %get3A_4604, %get3A_4605] {strides = array<i32>} : memref<4x80x128xf32, #tpu.memory_space<vmem>>, vector<16xf32>,
        %mul3A_4607 = arith.mulf %get3A_4606, %get3A_141 : vector<16xf32>
        %add3A_4608 = arith.addf %mul3A_4565, %mul3A_4571 : vector<16xf32>
        %add3A_4609 = arith.addf %mul3A_4577, %mul3A_4583 : vector<16xf32>
        %add3A_4610 = arith.addf %mul3A_4589, %mul3A_4595 : vector<16xf32>
        %add3A_4611 = arith.addf %mul3A_4601, %mul3A_4607 : vector<16xf32>
        %add3A_4612 = arith.addf %add3A_4608, %add3A_4609 : vector<16xf32>
        %add3A_4613 = arith.addf %add3A_4610, %add3A_4611 : vector<16xf32>
        %add3A_4614 = arith.addf %add3A_4612, %add3A_4613 : vector<16xf32>
        %eq3A_4615 = arith.constant 4 : i32
        %eq3A_4616 = vector.broadcast %eq3A_4615 : i32 to vector<16xi32>
        %eq3A_4617 = arith.cmpi eq, %iota3A, %eq3A_4616 : vector<16xi32>
        %reduce_sum3A_4618 = arith.constant true
        %reduce_sum3A_4619 = vector.broadcast %reduce_sum3A_4618 : i1 to vector<16xi1>
        %reduce_sum3A_4620 = tpu.scan <sum>, %add3A_4614 masked %reduce_sum3A_4619 : vector<16xf32>, vector<16xi1> -> vector<16xf32>
        %reduce_sum3A_4621 = vector.extract %reduce_sum3A_4620[15] : f32 from vector<16xf32>
        %broadcast_in_dim3A_4622 = vector.broadcast %reduce_sum3A_4621 : f32 to vector<16xf32>
        %select_n3A_4623 = arith.select %eq3A_4617, %broadcast_in_dim3A_4622, %select_n3A_4559 : vector<16xi1>, vector<16xf32>
        %get3A_4624 = arith.constant 69 : i32
        %get3A_4625 = arith.index_cast %rem3A_101 : i32 to index
        %get3A_4626 = arith.index_cast %get3A_4624 : i32 to index
        %get3A_4627 = arith.constant 0 : index
        %get3A_4628 = tpu.vector_load %arg10[%get3A_4625, %get3A_4626, %get3A_4627] {strides = array<i32>} : memref<4x80x128xf32, #tpu.memory_space<vmem>>, vector<16xf32>,
        %mul3A_4629 = arith.mulf %get3A_4628, %get3A_120 : vector<16xf32>
        %get3A_4630 = arith.constant 69 : i32
        %get3A_4631 = arith.index_cast %rem3A_101 : i32 to index
        %get3A_4632 = arith.index_cast %get3A_4630 : i32 to index
        %get3A_4633 = arith.constant 16 : index
        %get3A_4634 = tpu.vector_load %arg10[%get3A_4631, %get3A_4632, %get3A_4633] {strides = array<i32>} : memref<4x80x128xf32, #tpu.memory_space<vmem>>, vector<16xf32>,
        %mul3A_4635 = arith.mulf %get3A_4634, %get3A_123 : vector<16xf32>
        %get3A_4636 = arith.constant 69 : i32
        %get3A_4637 = arith.index_cast %rem3A_101 : i32 to index
        %get3A_4638 = arith.index_cast %get3A_4636 : i32 to index
        %get3A_4639 = arith.constant 32 : index
        %get3A_4640 = tpu.vector_load %arg10[%get3A_4637, %get3A_4638, %get3A_4639] {strides = array<i32>} : memref<4x80x128xf32, #tpu.memory_space<vmem>>, vector<16xf32>,
        %mul3A_4641 = arith.mulf %get3A_4640, %get3A_126 : vector<16xf32>
        %get3A_4642 = arith.constant 69 : i32
        %get3A_4643 = arith.index_cast %rem3A_101 : i32 to index
        %get3A_4644 = arith.index_cast %get3A_4642 : i32 to index
        %get3A_4645 = arith.constant 48 : index
        %get3A_4646 = tpu.vector_load %arg10[%get3A_4643, %get3A_4644, %get3A_4645] {strides = array<i32>} : memref<4x80x128xf32, #tpu.memory_space<vmem>>, vector<16xf32>,
        %mul3A_4647 = arith.mulf %get3A_4646, %get3A_129 : vector<16xf32>
        %get3A_4648 = arith.constant 69 : i32
        %get3A_4649 = arith.index_cast %rem3A_101 : i32 to index
        %get3A_4650 = arith.index_cast %get3A_4648 : i32 to index
        %get3A_4651 = arith.constant 64 : index
        %get3A_4652 = tpu.vector_load %arg10[%get3A_4649, %get3A_4650, %get3A_4651] {strides = array<i32>} : memref<4x80x128xf32, #tpu.memory_space<vmem>>, vector<16xf32>,
        %mul3A_4653 = arith.mulf %get3A_4652, %get3A_132 : vector<16xf32>
        %get3A_4654 = arith.constant 69 : i32
        %get3A_4655 = arith.index_cast %rem3A_101 : i32 to index
        %get3A_4656 = arith.index_cast %get3A_4654 : i32 to index
        %get3A_4657 = arith.constant 80 : index
        %get3A_4658 = tpu.vector_load %arg10[%get3A_4655, %get3A_4656, %get3A_4657] {strides = array<i32>} : memref<4x80x128xf32, #tpu.memory_space<vmem>>, vector<16xf32>,
        %mul3A_4659 = arith.mulf %get3A_4658, %get3A_135 : vector<16xf32>
        %get3A_4660 = arith.constant 69 : i32
        %get3A_4661 = arith.index_cast %rem3A_101 : i32 to index
        %get3A_4662 = arith.index_cast %get3A_4660 : i32 to index
        %get3A_4663 = arith.constant 96 : index
        %get3A_4664 = tpu.vector_load %arg10[%get3A_4661, %get3A_4662, %get3A_4663] {strides = array<i32>} : memref<4x80x128xf32, #tpu.memory_space<vmem>>, vector<16xf32>,
        %mul3A_4665 = arith.mulf %get3A_4664, %get3A_138 : vector<16xf32>
        %get3A_4666 = arith.constant 69 : i32
        %get3A_4667 = arith.index_cast %rem3A_101 : i32 to index
        %get3A_4668 = arith.index_cast %get3A_4666 : i32 to index
        %get3A_4669 = arith.constant 112 : index
        %get3A_4670 = tpu.vector_load %arg10[%get3A_4667, %get3A_4668, %get3A_4669] {strides = array<i32>} : memref<4x80x128xf32, #tpu.memory_space<vmem>>, vector<16xf32>,
        %mul3A_4671 = arith.mulf %get3A_4670, %get3A_141 : vector<16xf32>
        %add3A_4672 = arith.addf %mul3A_4629, %mul3A_4635 : vector<16xf32>
        %add3A_4673 = arith.addf %mul3A_4641, %mul3A_4647 : vector<16xf32>
        %add3A_4674 = arith.addf %mul3A_4653, %mul3A_4659 : vector<16xf32>
        %add3A_4675 = arith.addf %mul3A_4665, %mul3A_4671 : vector<16xf32>
        %add3A_4676 = arith.addf %add3A_4672, %add3A_4673 : vector<16xf32>
        %add3A_4677 = arith.addf %add3A_4674, %add3A_4675 : vector<16xf32>
        %add3A_4678 = arith.addf %add3A_4676, %add3A_4677 : vector<16xf32>
        %eq3A_4679 = arith.constant 5 : i32
        %eq3A_4680 = vector.broadcast %eq3A_4679 : i32 to vector<16xi32>
        %eq3A_4681 = arith.cmpi eq, %iota3A, %eq3A_4680 : vector<16xi32>
        %reduce_sum3A_4682 = arith.constant true
        %reduce_sum3A_4683 = vector.broadcast %reduce_sum3A_4682 : i1 to vector<16xi1>
        %reduce_sum3A_4684 = tpu.scan <sum>, %add3A_4678 masked %reduce_sum3A_4683 : vector<16xf32>, vector<16xi1> -> vector<16xf32>
        %reduce_sum3A_4685 = vector.extract %reduce_sum3A_4684[15] : f32 from vector<16xf32>
        %broadcast_in_dim3A_4686 = vector.broadcast %reduce_sum3A_4685 : f32 to vector<16xf32>
        %select_n3A_4687 = arith.select %eq3A_4681, %broadcast_in_dim3A_4686, %select_n3A_4623 : vector<16xi1>, vector<16xf32>
        %get3A_4688 = arith.constant 70 : i32
        %get3A_4689 = arith.index_cast %rem3A_101 : i32 to index
        %get3A_4690 = arith.index_cast %get3A_4688 : i32 to index
        %get3A_4691 = arith.constant 0 : index
        %get3A_4692 = tpu.vector_load %arg10[%get3A_4689, %get3A_4690, %get3A_4691] {strides = array<i32>} : memref<4x80x128xf32, #tpu.memory_space<vmem>>, vector<16xf32>,
        %mul3A_4693 = arith.mulf %get3A_4692, %get3A_120 : vector<16xf32>
        %get3A_4694 = arith.constant 70 : i32
        %get3A_4695 = arith.index_cast %rem3A_101 : i32 to index
        %get3A_4696 = arith.index_cast %get3A_4694 : i32 to index
        %get3A_4697 = arith.constant 16 : index
        %get3A_4698 = tpu.vector_load %arg10[%get3A_4695, %get3A_4696, %get3A_4697] {strides = array<i32>} : memref<4x80x128xf32, #tpu.memory_space<vmem>>, vector<16xf32>,
        %mul3A_4699 = arith.mulf %get3A_4698, %get3A_123 : vector<16xf32>
        %get3A_4700 = arith.constant 70 : i32
        %get3A_4701 = arith.index_cast %rem3A_101 : i32 to index
        %get3A_4702 = arith.index_cast %get3A_4700 : i32 to index
        %get3A_4703 = arith.constant 32 : index
        %get3A_4704 = tpu.vector_load %arg10[%get3A_4701, %get3A_4702, %get3A_4703] {strides = array<i32>} : memref<4x80x128xf32, #tpu.memory_space<vmem>>, vector<16xf32>,
        %mul3A_4705 = arith.mulf %get3A_4704, %get3A_126 : vector<16xf32>
        %get3A_4706 = arith.constant 70 : i32
        %get3A_4707 = arith.index_cast %rem3A_101 : i32 to index
        %get3A_4708 = arith.index_cast %get3A_4706 : i32 to index
        %get3A_4709 = arith.constant 48 : index
        %get3A_4710 = tpu.vector_load %arg10[%get3A_4707, %get3A_4708, %get3A_4709] {strides = array<i32>} : memref<4x80x128xf32, #tpu.memory_space<vmem>>, vector<16xf32>,
        %mul3A_4711 = arith.mulf %get3A_4710, %get3A_129 : vector<16xf32>
        %get3A_4712 = arith.constant 70 : i32
        %get3A_4713 = arith.index_cast %rem3A_101 : i32 to index
        %get3A_4714 = arith.index_cast %get3A_4712 : i32 to index
        %get3A_4715 = arith.constant 64 : index
        %get3A_4716 = tpu.vector_load %arg10[%get3A_4713, %get3A_4714, %get3A_4715] {strides = array<i32>} : memref<4x80x128xf32, #tpu.memory_space<vmem>>, vector<16xf32>,
        %mul3A_4717 = arith.mulf %get3A_4716, %get3A_132 : vector<16xf32>
        %get3A_4718 = arith.constant 70 : i32
        %get3A_4719 = arith.index_cast %rem3A_101 : i32 to index
        %get3A_4720 = arith.index_cast %get3A_4718 : i32 to index
        %get3A_4721 = arith.constant 80 : index
        %get3A_4722 = tpu.vector_load %arg10[%get3A_4719, %get3A_4720, %get3A_4721] {strides = array<i32>} : memref<4x80x128xf32, #tpu.memory_space<vmem>>, vector<16xf32>,
        %mul3A_4723 = arith.mulf %get3A_4722, %get3A_135 : vector<16xf32>
        %get3A_4724 = arith.constant 70 : i32
        %get3A_4725 = arith.index_cast %rem3A_101 : i32 to index
        %get3A_4726 = arith.index_cast %get3A_4724 : i32 to index
        %get3A_4727 = arith.constant 96 : index
        %get3A_4728 = tpu.vector_load %arg10[%get3A_4725, %get3A_4726, %get3A_4727] {strides = array<i32>} : memref<4x80x128xf32, #tpu.memory_space<vmem>>, vector<16xf32>,
        %mul3A_4729 = arith.mulf %get3A_4728, %get3A_138 : vector<16xf32>
        %get3A_4730 = arith.constant 70 : i32
        %get3A_4731 = arith.index_cast %rem3A_101 : i32 to index
        %get3A_4732 = arith.index_cast %get3A_4730 : i32 to index
        %get3A_4733 = arith.constant 112 : index
        %get3A_4734 = tpu.vector_load %arg10[%get3A_4731, %get3A_4732, %get3A_4733] {strides = array<i32>} : memref<4x80x128xf32, #tpu.memory_space<vmem>>, vector<16xf32>,
        %mul3A_4735 = arith.mulf %get3A_4734, %get3A_141 : vector<16xf32>
        %add3A_4736 = arith.addf %mul3A_4693, %mul3A_4699 : vector<16xf32>
        %add3A_4737 = arith.addf %mul3A_4705, %mul3A_4711 : vector<16xf32>
        %add3A_4738 = arith.addf %mul3A_4717, %mul3A_4723 : vector<16xf32>
        %add3A_4739 = arith.addf %mul3A_4729, %mul3A_4735 : vector<16xf32>
        %add3A_4740 = arith.addf %add3A_4736, %add3A_4737 : vector<16xf32>
        %add3A_4741 = arith.addf %add3A_4738, %add3A_4739 : vector<16xf32>
        %add3A_4742 = arith.addf %add3A_4740, %add3A_4741 : vector<16xf32>
        %eq3A_4743 = arith.constant 6 : i32
        %eq3A_4744 = vector.broadcast %eq3A_4743 : i32 to vector<16xi32>
        %eq3A_4745 = arith.cmpi eq, %iota3A, %eq3A_4744 : vector<16xi32>
        %reduce_sum3A_4746 = arith.constant true
        %reduce_sum3A_4747 = vector.broadcast %reduce_sum3A_4746 : i1 to vector<16xi1>
        %reduce_sum3A_4748 = tpu.scan <sum>, %add3A_4742 masked %reduce_sum3A_4747 : vector<16xf32>, vector<16xi1> -> vector<16xf32>
        %reduce_sum3A_4749 = vector.extract %reduce_sum3A_4748[15] : f32 from vector<16xf32>
        %broadcast_in_dim3A_4750 = vector.broadcast %reduce_sum3A_4749 : f32 to vector<16xf32>
        %select_n3A_4751 = arith.select %eq3A_4745, %broadcast_in_dim3A_4750, %select_n3A_4687 : vector<16xi1>, vector<16xf32>
        %get3A_4752 = arith.constant 71 : i32
        %get3A_4753 = arith.index_cast %rem3A_101 : i32 to index
        %get3A_4754 = arith.index_cast %get3A_4752 : i32 to index
        %get3A_4755 = arith.constant 0 : index
        %get3A_4756 = tpu.vector_load %arg10[%get3A_4753, %get3A_4754, %get3A_4755] {strides = array<i32>} : memref<4x80x128xf32, #tpu.memory_space<vmem>>, vector<16xf32>,
        %mul3A_4757 = arith.mulf %get3A_4756, %get3A_120 : vector<16xf32>
        %get3A_4758 = arith.constant 71 : i32
        %get3A_4759 = arith.index_cast %rem3A_101 : i32 to index
        %get3A_4760 = arith.index_cast %get3A_4758 : i32 to index
        %get3A_4761 = arith.constant 16 : index
        %get3A_4762 = tpu.vector_load %arg10[%get3A_4759, %get3A_4760, %get3A_4761] {strides = array<i32>} : memref<4x80x128xf32, #tpu.memory_space<vmem>>, vector<16xf32>,
        %mul3A_4763 = arith.mulf %get3A_4762, %get3A_123 : vector<16xf32>
        %get3A_4764 = arith.constant 71 : i32
        %get3A_4765 = arith.index_cast %rem3A_101 : i32 to index
        %get3A_4766 = arith.index_cast %get3A_4764 : i32 to index
        %get3A_4767 = arith.constant 32 : index
        %get3A_4768 = tpu.vector_load %arg10[%get3A_4765, %get3A_4766, %get3A_4767] {strides = array<i32>} : memref<4x80x128xf32, #tpu.memory_space<vmem>>, vector<16xf32>,
        %mul3A_4769 = arith.mulf %get3A_4768, %get3A_126 : vector<16xf32>
        %get3A_4770 = arith.constant 71 : i32
        %get3A_4771 = arith.index_cast %rem3A_101 : i32 to index
        %get3A_4772 = arith.index_cast %get3A_4770 : i32 to index
        %get3A_4773 = arith.constant 48 : index
        %get3A_4774 = tpu.vector_load %arg10[%get3A_4771, %get3A_4772, %get3A_4773] {strides = array<i32>} : memref<4x80x128xf32, #tpu.memory_space<vmem>>, vector<16xf32>,
        %mul3A_4775 = arith.mulf %get3A_4774, %get3A_129 : vector<16xf32>
        %get3A_4776 = arith.constant 71 : i32
        %get3A_4777 = arith.index_cast %rem3A_101 : i32 to index
        %get3A_4778 = arith.index_cast %get3A_4776 : i32 to index
        %get3A_4779 = arith.constant 64 : index
        %get3A_4780 = tpu.vector_load %arg10[%get3A_4777, %get3A_4778, %get3A_4779] {strides = array<i32>} : memref<4x80x128xf32, #tpu.memory_space<vmem>>, vector<16xf32>,
        %mul3A_4781 = arith.mulf %get3A_4780, %get3A_132 : vector<16xf32>
        %get3A_4782 = arith.constant 71 : i32
        %get3A_4783 = arith.index_cast %rem3A_101 : i32 to index
        %get3A_4784 = arith.index_cast %get3A_4782 : i32 to index
        %get3A_4785 = arith.constant 80 : index
        %get3A_4786 = tpu.vector_load %arg10[%get3A_4783, %get3A_4784, %get3A_4785] {strides = array<i32>} : memref<4x80x128xf32, #tpu.memory_space<vmem>>, vector<16xf32>,
        %mul3A_4787 = arith.mulf %get3A_4786, %get3A_135 : vector<16xf32>
        %get3A_4788 = arith.constant 71 : i32
        %get3A_4789 = arith.index_cast %rem3A_101 : i32 to index
        %get3A_4790 = arith.index_cast %get3A_4788 : i32 to index
        %get3A_4791 = arith.constant 96 : index
        %get3A_4792 = tpu.vector_load %arg10[%get3A_4789, %get3A_4790, %get3A_4791] {strides = array<i32>} : memref<4x80x128xf32, #tpu.memory_space<vmem>>, vector<16xf32>,
        %mul3A_4793 = arith.mulf %get3A_4792, %get3A_138 : vector<16xf32>
        %get3A_4794 = arith.constant 71 : i32
        %get3A_4795 = arith.index_cast %rem3A_101 : i32 to index
        %get3A_4796 = arith.index_cast %get3A_4794 : i32 to index
        %get3A_4797 = arith.constant 112 : index
        %get3A_4798 = tpu.vector_load %arg10[%get3A_4795, %get3A_4796, %get3A_4797] {strides = array<i32>} : memref<4x80x128xf32, #tpu.memory_space<vmem>>, vector<16xf32>,
        %mul3A_4799 = arith.mulf %get3A_4798, %get3A_141 : vector<16xf32>
        %add3A_4800 = arith.addf %mul3A_4757, %mul3A_4763 : vector<16xf32>
        %add3A_4801 = arith.addf %mul3A_4769, %mul3A_4775 : vector<16xf32>
        %add3A_4802 = arith.addf %mul3A_4781, %mul3A_4787 : vector<16xf32>
        %add3A_4803 = arith.addf %mul3A_4793, %mul3A_4799 : vector<16xf32>
        %add3A_4804 = arith.addf %add3A_4800, %add3A_4801 : vector<16xf32>
        %add3A_4805 = arith.addf %add3A_4802, %add3A_4803 : vector<16xf32>
        %add3A_4806 = arith.addf %add3A_4804, %add3A_4805 : vector<16xf32>
        %eq3A_4807 = arith.constant 7 : i32
        %eq3A_4808 = vector.broadcast %eq3A_4807 : i32 to vector<16xi32>
        %eq3A_4809 = arith.cmpi eq, %iota3A, %eq3A_4808 : vector<16xi32>
        %reduce_sum3A_4810 = arith.constant true
        %reduce_sum3A_4811 = vector.broadcast %reduce_sum3A_4810 : i1 to vector<16xi1>
        %reduce_sum3A_4812 = tpu.scan <sum>, %add3A_4806 masked %reduce_sum3A_4811 : vector<16xf32>, vector<16xi1> -> vector<16xf32>
        %reduce_sum3A_4813 = vector.extract %reduce_sum3A_4812[15] : f32 from vector<16xf32>
        %broadcast_in_dim3A_4814 = vector.broadcast %reduce_sum3A_4813 : f32 to vector<16xf32>
        %select_n3A_4815 = arith.select %eq3A_4809, %broadcast_in_dim3A_4814, %select_n3A_4751 : vector<16xi1>, vector<16xf32>
        %get3A_4816 = arith.constant 72 : i32
        %get3A_4817 = arith.index_cast %rem3A_101 : i32 to index
        %get3A_4818 = arith.index_cast %get3A_4816 : i32 to index
        %get3A_4819 = arith.constant 0 : index
        %get3A_4820 = tpu.vector_load %arg10[%get3A_4817, %get3A_4818, %get3A_4819] {strides = array<i32>} : memref<4x80x128xf32, #tpu.memory_space<vmem>>, vector<16xf32>,
        %mul3A_4821 = arith.mulf %get3A_4820, %get3A_120 : vector<16xf32>
        %get3A_4822 = arith.constant 72 : i32
        %get3A_4823 = arith.index_cast %rem3A_101 : i32 to index
        %get3A_4824 = arith.index_cast %get3A_4822 : i32 to index
        %get3A_4825 = arith.constant 16 : index
        %get3A_4826 = tpu.vector_load %arg10[%get3A_4823, %get3A_4824, %get3A_4825] {strides = array<i32>} : memref<4x80x128xf32, #tpu.memory_space<vmem>>, vector<16xf32>,
        %mul3A_4827 = arith.mulf %get3A_4826, %get3A_123 : vector<16xf32>
        %get3A_4828 = arith.constant 72 : i32
        %get3A_4829 = arith.index_cast %rem3A_101 : i32 to index
        %get3A_4830 = arith.index_cast %get3A_4828 : i32 to index
        %get3A_4831 = arith.constant 32 : index
        %get3A_4832 = tpu.vector_load %arg10[%get3A_4829, %get3A_4830, %get3A_4831] {strides = array<i32>} : memref<4x80x128xf32, #tpu.memory_space<vmem>>, vector<16xf32>,
        %mul3A_4833 = arith.mulf %get3A_4832, %get3A_126 : vector<16xf32>
        %get3A_4834 = arith.constant 72 : i32
        %get3A_4835 = arith.index_cast %rem3A_101 : i32 to index
        %get3A_4836 = arith.index_cast %get3A_4834 : i32 to index
        %get3A_4837 = arith.constant 48 : index
        %get3A_4838 = tpu.vector_load %arg10[%get3A_4835, %get3A_4836, %get3A_4837] {strides = array<i32>} : memref<4x80x128xf32, #tpu.memory_space<vmem>>, vector<16xf32>,
        %mul3A_4839 = arith.mulf %get3A_4838, %get3A_129 : vector<16xf32>
        %get3A_4840 = arith.constant 72 : i32
        %get3A_4841 = arith.index_cast %rem3A_101 : i32 to index
        %get3A_4842 = arith.index_cast %get3A_4840 : i32 to index
        %get3A_4843 = arith.constant 64 : index
        %get3A_4844 = tpu.vector_load %arg10[%get3A_4841, %get3A_4842, %get3A_4843] {strides = array<i32>} : memref<4x80x128xf32, #tpu.memory_space<vmem>>, vector<16xf32>,
        %mul3A_4845 = arith.mulf %get3A_4844, %get3A_132 : vector<16xf32>
        %get3A_4846 = arith.constant 72 : i32
        %get3A_4847 = arith.index_cast %rem3A_101 : i32 to index
        %get3A_4848 = arith.index_cast %get3A_4846 : i32 to index
        %get3A_4849 = arith.constant 80 : index
        %get3A_4850 = tpu.vector_load %arg10[%get3A_4847, %get3A_4848, %get3A_4849] {strides = array<i32>} : memref<4x80x128xf32, #tpu.memory_space<vmem>>, vector<16xf32>,
        %mul3A_4851 = arith.mulf %get3A_4850, %get3A_135 : vector<16xf32>
        %get3A_4852 = arith.constant 72 : i32
        %get3A_4853 = arith.index_cast %rem3A_101 : i32 to index
        %get3A_4854 = arith.index_cast %get3A_4852 : i32 to index
        %get3A_4855 = arith.constant 96 : index
        %get3A_4856 = tpu.vector_load %arg10[%get3A_4853, %get3A_4854, %get3A_4855] {strides = array<i32>} : memref<4x80x128xf32, #tpu.memory_space<vmem>>, vector<16xf32>,
        %mul3A_4857 = arith.mulf %get3A_4856, %get3A_138 : vector<16xf32>
        %get3A_4858 = arith.constant 72 : i32
        %get3A_4859 = arith.index_cast %rem3A_101 : i32 to index
        %get3A_4860 = arith.index_cast %get3A_4858 : i32 to index
        %get3A_4861 = arith.constant 112 : index
        %get3A_4862 = tpu.vector_load %arg10[%get3A_4859, %get3A_4860, %get3A_4861] {strides = array<i32>} : memref<4x80x128xf32, #tpu.memory_space<vmem>>, vector<16xf32>,
        %mul3A_4863 = arith.mulf %get3A_4862, %get3A_141 : vector<16xf32>
        %add3A_4864 = arith.addf %mul3A_4821, %mul3A_4827 : vector<16xf32>
        %add3A_4865 = arith.addf %mul3A_4833, %mul3A_4839 : vector<16xf32>
        %add3A_4866 = arith.addf %mul3A_4845, %mul3A_4851 : vector<16xf32>
        %add3A_4867 = arith.addf %mul3A_4857, %mul3A_4863 : vector<16xf32>
        %add3A_4868 = arith.addf %add3A_4864, %add3A_4865 : vector<16xf32>
        %add3A_4869 = arith.addf %add3A_4866, %add3A_4867 : vector<16xf32>
        %add3A_4870 = arith.addf %add3A_4868, %add3A_4869 : vector<16xf32>
        %eq3A_4871 = arith.constant 8 : i32
        %eq3A_4872 = vector.broadcast %eq3A_4871 : i32 to vector<16xi32>
        %eq3A_4873 = arith.cmpi eq, %iota3A, %eq3A_4872 : vector<16xi32>
        %reduce_sum3A_4874 = arith.constant true
        %reduce_sum3A_4875 = vector.broadcast %reduce_sum3A_4874 : i1 to vector<16xi1>
        %reduce_sum3A_4876 = tpu.scan <sum>, %add3A_4870 masked %reduce_sum3A_4875 : vector<16xf32>, vector<16xi1> -> vector<16xf32>
        %reduce_sum3A_4877 = vector.extract %reduce_sum3A_4876[15] : f32 from vector<16xf32>
        %broadcast_in_dim3A_4878 = vector.broadcast %reduce_sum3A_4877 : f32 to vector<16xf32>
        %select_n3A_4879 = arith.select %eq3A_4873, %broadcast_in_dim3A_4878, %select_n3A_4815 : vector<16xi1>, vector<16xf32>
        %get3A_4880 = arith.constant 73 : i32
        %get3A_4881 = arith.index_cast %rem3A_101 : i32 to index
        %get3A_4882 = arith.index_cast %get3A_4880 : i32 to index
        %get3A_4883 = arith.constant 0 : index
        %get3A_4884 = tpu.vector_load %arg10[%get3A_4881, %get3A_4882, %get3A_4883] {strides = array<i32>} : memref<4x80x128xf32, #tpu.memory_space<vmem>>, vector<16xf32>,
        %mul3A_4885 = arith.mulf %get3A_4884, %get3A_120 : vector<16xf32>
        %get3A_4886 = arith.constant 73 : i32
        %get3A_4887 = arith.index_cast %rem3A_101 : i32 to index
        %get3A_4888 = arith.index_cast %get3A_4886 : i32 to index
        %get3A_4889 = arith.constant 16 : index
        %get3A_4890 = tpu.vector_load %arg10[%get3A_4887, %get3A_4888, %get3A_4889] {strides = array<i32>} : memref<4x80x128xf32, #tpu.memory_space<vmem>>, vector<16xf32>,
        %mul3A_4891 = arith.mulf %get3A_4890, %get3A_123 : vector<16xf32>
        %get3A_4892 = arith.constant 73 : i32
        %get3A_4893 = arith.index_cast %rem3A_101 : i32 to index
        %get3A_4894 = arith.index_cast %get3A_4892 : i32 to index
        %get3A_4895 = arith.constant 32 : index
        %get3A_4896 = tpu.vector_load %arg10[%get3A_4893, %get3A_4894, %get3A_4895] {strides = array<i32>} : memref<4x80x128xf32, #tpu.memory_space<vmem>>, vector<16xf32>,
        %mul3A_4897 = arith.mulf %get3A_4896, %get3A_126 : vector<16xf32>
        %get3A_4898 = arith.constant 73 : i32
        %get3A_4899 = arith.index_cast %rem3A_101 : i32 to index
        %get3A_4900 = arith.index_cast %get3A_4898 : i32 to index
        %get3A_4901 = arith.constant 48 : index
        %get3A_4902 = tpu.vector_load %arg10[%get3A_4899, %get3A_4900, %get3A_4901] {strides = array<i32>} : memref<4x80x128xf32, #tpu.memory_space<vmem>>, vector<16xf32>,
        %mul3A_4903 = arith.mulf %get3A_4902, %get3A_129 : vector<16xf32>
        %get3A_4904 = arith.constant 73 : i32
        %get3A_4905 = arith.index_cast %rem3A_101 : i32 to index
        %get3A_4906 = arith.index_cast %get3A_4904 : i32 to index
        %get3A_4907 = arith.constant 64 : index
        %get3A_4908 = tpu.vector_load %arg10[%get3A_4905, %get3A_4906, %get3A_4907] {strides = array<i32>} : memref<4x80x128xf32, #tpu.memory_space<vmem>>, vector<16xf32>,
        %mul3A_4909 = arith.mulf %get3A_4908, %get3A_132 : vector<16xf32>
        %get3A_4910 = arith.constant 73 : i32
        %get3A_4911 = arith.index_cast %rem3A_101 : i32 to index
        %get3A_4912 = arith.index_cast %get3A_4910 : i32 to index
        %get3A_4913 = arith.constant 80 : index
        %get3A_4914 = tpu.vector_load %arg10[%get3A_4911, %get3A_4912, %get3A_4913] {strides = array<i32>} : memref<4x80x128xf32, #tpu.memory_space<vmem>>, vector<16xf32>,
        %mul3A_4915 = arith.mulf %get3A_4914, %get3A_135 : vector<16xf32>
        %get3A_4916 = arith.constant 73 : i32
        %get3A_4917 = arith.index_cast %rem3A_101 : i32 to index
        %get3A_4918 = arith.index_cast %get3A_4916 : i32 to index
        %get3A_4919 = arith.constant 96 : index
        %get3A_4920 = tpu.vector_load %arg10[%get3A_4917, %get3A_4918, %get3A_4919] {strides = array<i32>} : memref<4x80x128xf32, #tpu.memory_space<vmem>>, vector<16xf32>,
        %mul3A_4921 = arith.mulf %get3A_4920, %get3A_138 : vector<16xf32>
        %get3A_4922 = arith.constant 73 : i32
        %get3A_4923 = arith.index_cast %rem3A_101 : i32 to index
        %get3A_4924 = arith.index_cast %get3A_4922 : i32 to index
        %get3A_4925 = arith.constant 112 : index
        %get3A_4926 = tpu.vector_load %arg10[%get3A_4923, %get3A_4924, %get3A_4925] {strides = array<i32>} : memref<4x80x128xf32, #tpu.memory_space<vmem>>, vector<16xf32>,
        %mul3A_4927 = arith.mulf %get3A_4926, %get3A_141 : vector<16xf32>
        %add3A_4928 = arith.addf %mul3A_4885, %mul3A_4891 : vector<16xf32>
        %add3A_4929 = arith.addf %mul3A_4897, %mul3A_4903 : vector<16xf32>
        %add3A_4930 = arith.addf %mul3A_4909, %mul3A_4915 : vector<16xf32>
        %add3A_4931 = arith.addf %mul3A_4921, %mul3A_4927 : vector<16xf32>
        %add3A_4932 = arith.addf %add3A_4928, %add3A_4929 : vector<16xf32>
        %add3A_4933 = arith.addf %add3A_4930, %add3A_4931 : vector<16xf32>
        %add3A_4934 = arith.addf %add3A_4932, %add3A_4933 : vector<16xf32>
        %eq3A_4935 = arith.constant 9 : i32
        %eq3A_4936 = vector.broadcast %eq3A_4935 : i32 to vector<16xi32>
        %eq3A_4937 = arith.cmpi eq, %iota3A, %eq3A_4936 : vector<16xi32>
        %reduce_sum3A_4938 = arith.constant true
        %reduce_sum3A_4939 = vector.broadcast %reduce_sum3A_4938 : i1 to vector<16xi1>
        %reduce_sum3A_4940 = tpu.scan <sum>, %add3A_4934 masked %reduce_sum3A_4939 : vector<16xf32>, vector<16xi1> -> vector<16xf32>
        %reduce_sum3A_4941 = vector.extract %reduce_sum3A_4940[15] : f32 from vector<16xf32>
        %broadcast_in_dim3A_4942 = vector.broadcast %reduce_sum3A_4941 : f32 to vector<16xf32>
        %select_n3A_4943 = arith.select %eq3A_4937, %broadcast_in_dim3A_4942, %select_n3A_4879 : vector<16xi1>, vector<16xf32>
        %get3A_4944 = arith.constant 74 : i32
        %get3A_4945 = arith.index_cast %rem3A_101 : i32 to index
        %get3A_4946 = arith.index_cast %get3A_4944 : i32 to index
        %get3A_4947 = arith.constant 0 : index
        %get3A_4948 = tpu.vector_load %arg10[%get3A_4945, %get3A_4946, %get3A_4947] {strides = array<i32>} : memref<4x80x128xf32, #tpu.memory_space<vmem>>, vector<16xf32>,
        %mul3A_4949 = arith.mulf %get3A_4948, %get3A_120 : vector<16xf32>
        %get3A_4950 = arith.constant 74 : i32
        %get3A_4951 = arith.index_cast %rem3A_101 : i32 to index
        %get3A_4952 = arith.index_cast %get3A_4950 : i32 to index
        %get3A_4953 = arith.constant 16 : index
        %get3A_4954 = tpu.vector_load %arg10[%get3A_4951, %get3A_4952, %get3A_4953] {strides = array<i32>} : memref<4x80x128xf32, #tpu.memory_space<vmem>>, vector<16xf32>,
        %mul3A_4955 = arith.mulf %get3A_4954, %get3A_123 : vector<16xf32>
        %get3A_4956 = arith.constant 74 : i32
        %get3A_4957 = arith.index_cast %rem3A_101 : i32 to index
        %get3A_4958 = arith.index_cast %get3A_4956 : i32 to index
        %get3A_4959 = arith.constant 32 : index
        %get3A_4960 = tpu.vector_load %arg10[%get3A_4957, %get3A_4958, %get3A_4959] {strides = array<i32>} : memref<4x80x128xf32, #tpu.memory_space<vmem>>, vector<16xf32>,
        %mul3A_4961 = arith.mulf %get3A_4960, %get3A_126 : vector<16xf32>
        %get3A_4962 = arith.constant 74 : i32
        %get3A_4963 = arith.index_cast %rem3A_101 : i32 to index
        %get3A_4964 = arith.index_cast %get3A_4962 : i32 to index
        %get3A_4965 = arith.constant 48 : index
        %get3A_4966 = tpu.vector_load %arg10[%get3A_4963, %get3A_4964, %get3A_4965] {strides = array<i32>} : memref<4x80x128xf32, #tpu.memory_space<vmem>>, vector<16xf32>,
        %mul3A_4967 = arith.mulf %get3A_4966, %get3A_129 : vector<16xf32>
        %get3A_4968 = arith.constant 74 : i32
        %get3A_4969 = arith.index_cast %rem3A_101 : i32 to index
        %get3A_4970 = arith.index_cast %get3A_4968 : i32 to index
        %get3A_4971 = arith.constant 64 : index
        %get3A_4972 = tpu.vector_load %arg10[%get3A_4969, %get3A_4970, %get3A_4971] {strides = array<i32>} : memref<4x80x128xf32, #tpu.memory_space<vmem>>, vector<16xf32>,
        %mul3A_4973 = arith.mulf %get3A_4972, %get3A_132 : vector<16xf32>
        %get3A_4974 = arith.constant 74 : i32
        %get3A_4975 = arith.index_cast %rem3A_101 : i32 to index
        %get3A_4976 = arith.index_cast %get3A_4974 : i32 to index
        %get3A_4977 = arith.constant 80 : index
        %get3A_4978 = tpu.vector_load %arg10[%get3A_4975, %get3A_4976, %get3A_4977] {strides = array<i32>} : memref<4x80x128xf32, #tpu.memory_space<vmem>>, vector<16xf32>,
        %mul3A_4979 = arith.mulf %get3A_4978, %get3A_135 : vector<16xf32>
        %get3A_4980 = arith.constant 74 : i32
        %get3A_4981 = arith.index_cast %rem3A_101 : i32 to index
        %get3A_4982 = arith.index_cast %get3A_4980 : i32 to index
        %get3A_4983 = arith.constant 96 : index
        %get3A_4984 = tpu.vector_load %arg10[%get3A_4981, %get3A_4982, %get3A_4983] {strides = array<i32>} : memref<4x80x128xf32, #tpu.memory_space<vmem>>, vector<16xf32>,
        %mul3A_4985 = arith.mulf %get3A_4984, %get3A_138 : vector<16xf32>
        %get3A_4986 = arith.constant 74 : i32
        %get3A_4987 = arith.index_cast %rem3A_101 : i32 to index
        %get3A_4988 = arith.index_cast %get3A_4986 : i32 to index
        %get3A_4989 = arith.constant 112 : index
        %get3A_4990 = tpu.vector_load %arg10[%get3A_4987, %get3A_4988, %get3A_4989] {strides = array<i32>} : memref<4x80x128xf32, #tpu.memory_space<vmem>>, vector<16xf32>,
        %mul3A_4991 = arith.mulf %get3A_4990, %get3A_141 : vector<16xf32>
        %add3A_4992 = arith.addf %mul3A_4949, %mul3A_4955 : vector<16xf32>
        %add3A_4993 = arith.addf %mul3A_4961, %mul3A_4967 : vector<16xf32>
        %add3A_4994 = arith.addf %mul3A_4973, %mul3A_4979 : vector<16xf32>
        %add3A_4995 = arith.addf %mul3A_4985, %mul3A_4991 : vector<16xf32>
        %add3A_4996 = arith.addf %add3A_4992, %add3A_4993 : vector<16xf32>
        %add3A_4997 = arith.addf %add3A_4994, %add3A_4995 : vector<16xf32>
        %add3A_4998 = arith.addf %add3A_4996, %add3A_4997 : vector<16xf32>
        %eq3A_4999 = arith.constant 10 : i32
        %eq3A_5000 = vector.broadcast %eq3A_4999 : i32 to vector<16xi32>
        %eq3A_5001 = arith.cmpi eq, %iota3A, %eq3A_5000 : vector<16xi32>
        %reduce_sum3A_5002 = arith.constant true
        %reduce_sum3A_5003 = vector.broadcast %reduce_sum3A_5002 : i1 to vector<16xi1>
        %reduce_sum3A_5004 = tpu.scan <sum>, %add3A_4998 masked %reduce_sum3A_5003 : vector<16xf32>, vector<16xi1> -> vector<16xf32>
        %reduce_sum3A_5005 = vector.extract %reduce_sum3A_5004[15] : f32 from vector<16xf32>
        %broadcast_in_dim3A_5006 = vector.broadcast %reduce_sum3A_5005 : f32 to vector<16xf32>
        %select_n3A_5007 = arith.select %eq3A_5001, %broadcast_in_dim3A_5006, %select_n3A_4943 : vector<16xi1>, vector<16xf32>
        %get3A_5008 = arith.constant 75 : i32
        %get3A_5009 = arith.index_cast %rem3A_101 : i32 to index
        %get3A_5010 = arith.index_cast %get3A_5008 : i32 to index
        %get3A_5011 = arith.constant 0 : index
        %get3A_5012 = tpu.vector_load %arg10[%get3A_5009, %get3A_5010, %get3A_5011] {strides = array<i32>} : memref<4x80x128xf32, #tpu.memory_space<vmem>>, vector<16xf32>,
        %mul3A_5013 = arith.mulf %get3A_5012, %get3A_120 : vector<16xf32>
        %get3A_5014 = arith.constant 75 : i32
        %get3A_5015 = arith.index_cast %rem3A_101 : i32 to index
        %get3A_5016 = arith.index_cast %get3A_5014 : i32 to index
        %get3A_5017 = arith.constant 16 : index
        %get3A_5018 = tpu.vector_load %arg10[%get3A_5015, %get3A_5016, %get3A_5017] {strides = array<i32>} : memref<4x80x128xf32, #tpu.memory_space<vmem>>, vector<16xf32>,
        %mul3A_5019 = arith.mulf %get3A_5018, %get3A_123 : vector<16xf32>
        %get3A_5020 = arith.constant 75 : i32
        %get3A_5021 = arith.index_cast %rem3A_101 : i32 to index
        %get3A_5022 = arith.index_cast %get3A_5020 : i32 to index
        %get3A_5023 = arith.constant 32 : index
        %get3A_5024 = tpu.vector_load %arg10[%get3A_5021, %get3A_5022, %get3A_5023] {strides = array<i32>} : memref<4x80x128xf32, #tpu.memory_space<vmem>>, vector<16xf32>,
        %mul3A_5025 = arith.mulf %get3A_5024, %get3A_126 : vector<16xf32>
        %get3A_5026 = arith.constant 75 : i32
        %get3A_5027 = arith.index_cast %rem3A_101 : i32 to index
        %get3A_5028 = arith.index_cast %get3A_5026 : i32 to index
        %get3A_5029 = arith.constant 48 : index
        %get3A_5030 = tpu.vector_load %arg10[%get3A_5027, %get3A_5028, %get3A_5029] {strides = array<i32>} : memref<4x80x128xf32, #tpu.memory_space<vmem>>, vector<16xf32>,
        %mul3A_5031 = arith.mulf %get3A_5030, %get3A_129 : vector<16xf32>
        %get3A_5032 = arith.constant 75 : i32
        %get3A_5033 = arith.index_cast %rem3A_101 : i32 to index
        %get3A_5034 = arith.index_cast %get3A_5032 : i32 to index
        %get3A_5035 = arith.constant 64 : index
        %get3A_5036 = tpu.vector_load %arg10[%get3A_5033, %get3A_5034, %get3A_5035] {strides = array<i32>} : memref<4x80x128xf32, #tpu.memory_space<vmem>>, vector<16xf32>,
        %mul3A_5037 = arith.mulf %get3A_5036, %get3A_132 : vector<16xf32>
        %get3A_5038 = arith.constant 75 : i32
        %get3A_5039 = arith.index_cast %rem3A_101 : i32 to index
        %get3A_5040 = arith.index_cast %get3A_5038 : i32 to index
        %get3A_5041 = arith.constant 80 : index
        %get3A_5042 = tpu.vector_load %arg10[%get3A_5039, %get3A_5040, %get3A_5041] {strides = array<i32>} : memref<4x80x128xf32, #tpu.memory_space<vmem>>, vector<16xf32>,
        %mul3A_5043 = arith.mulf %get3A_5042, %get3A_135 : vector<16xf32>
        %get3A_5044 = arith.constant 75 : i32
        %get3A_5045 = arith.index_cast %rem3A_101 : i32 to index
        %get3A_5046 = arith.index_cast %get3A_5044 : i32 to index
        %get3A_5047 = arith.constant 96 : index
        %get3A_5048 = tpu.vector_load %arg10[%get3A_5045, %get3A_5046, %get3A_5047] {strides = array<i32>} : memref<4x80x128xf32, #tpu.memory_space<vmem>>, vector<16xf32>,
        %mul3A_5049 = arith.mulf %get3A_5048, %get3A_138 : vector<16xf32>
        %get3A_5050 = arith.constant 75 : i32
        %get3A_5051 = arith.index_cast %rem3A_101 : i32 to index
        %get3A_5052 = arith.index_cast %get3A_5050 : i32 to index
        %get3A_5053 = arith.constant 112 : index
        %get3A_5054 = tpu.vector_load %arg10[%get3A_5051, %get3A_5052, %get3A_5053] {strides = array<i32>} : memref<4x80x128xf32, #tpu.memory_space<vmem>>, vector<16xf32>,
        %mul3A_5055 = arith.mulf %get3A_5054, %get3A_141 : vector<16xf32>
        %add3A_5056 = arith.addf %mul3A_5013, %mul3A_5019 : vector<16xf32>
        %add3A_5057 = arith.addf %mul3A_5025, %mul3A_5031 : vector<16xf32>
        %add3A_5058 = arith.addf %mul3A_5037, %mul3A_5043 : vector<16xf32>
        %add3A_5059 = arith.addf %mul3A_5049, %mul3A_5055 : vector<16xf32>
        %add3A_5060 = arith.addf %add3A_5056, %add3A_5057 : vector<16xf32>
        %add3A_5061 = arith.addf %add3A_5058, %add3A_5059 : vector<16xf32>
        %add3A_5062 = arith.addf %add3A_5060, %add3A_5061 : vector<16xf32>
        %eq3A_5063 = arith.constant 11 : i32
        %eq3A_5064 = vector.broadcast %eq3A_5063 : i32 to vector<16xi32>
        %eq3A_5065 = arith.cmpi eq, %iota3A, %eq3A_5064 : vector<16xi32>
        %reduce_sum3A_5066 = arith.constant true
        %reduce_sum3A_5067 = vector.broadcast %reduce_sum3A_5066 : i1 to vector<16xi1>
        %reduce_sum3A_5068 = tpu.scan <sum>, %add3A_5062 masked %reduce_sum3A_5067 : vector<16xf32>, vector<16xi1> -> vector<16xf32>
        %reduce_sum3A_5069 = vector.extract %reduce_sum3A_5068[15] : f32 from vector<16xf32>
        %broadcast_in_dim3A_5070 = vector.broadcast %reduce_sum3A_5069 : f32 to vector<16xf32>
        %select_n3A_5071 = arith.select %eq3A_5065, %broadcast_in_dim3A_5070, %select_n3A_5007 : vector<16xi1>, vector<16xf32>
        %get3A_5072 = arith.constant 76 : i32
        %get3A_5073 = arith.index_cast %rem3A_101 : i32 to index
        %get3A_5074 = arith.index_cast %get3A_5072 : i32 to index
        %get3A_5075 = arith.constant 0 : index
        %get3A_5076 = tpu.vector_load %arg10[%get3A_5073, %get3A_5074, %get3A_5075] {strides = array<i32>} : memref<4x80x128xf32, #tpu.memory_space<vmem>>, vector<16xf32>,
        %mul3A_5077 = arith.mulf %get3A_5076, %get3A_120 : vector<16xf32>
        %get3A_5078 = arith.constant 76 : i32
        %get3A_5079 = arith.index_cast %rem3A_101 : i32 to index
        %get3A_5080 = arith.index_cast %get3A_5078 : i32 to index
        %get3A_5081 = arith.constant 16 : index
        %get3A_5082 = tpu.vector_load %arg10[%get3A_5079, %get3A_5080, %get3A_5081] {strides = array<i32>} : memref<4x80x128xf32, #tpu.memory_space<vmem>>, vector<16xf32>,
        %mul3A_5083 = arith.mulf %get3A_5082, %get3A_123 : vector<16xf32>
        %get3A_5084 = arith.constant 76 : i32
        %get3A_5085 = arith.index_cast %rem3A_101 : i32 to index
        %get3A_5086 = arith.index_cast %get3A_5084 : i32 to index
        %get3A_5087 = arith.constant 32 : index
        %get3A_5088 = tpu.vector_load %arg10[%get3A_5085, %get3A_5086, %get3A_5087] {strides = array<i32>} : memref<4x80x128xf32, #tpu.memory_space<vmem>>, vector<16xf32>,
        %mul3A_5089 = arith.mulf %get3A_5088, %get3A_126 : vector<16xf32>
        %get3A_5090 = arith.constant 76 : i32
        %get3A_5091 = arith.index_cast %rem3A_101 : i32 to index
        %get3A_5092 = arith.index_cast %get3A_5090 : i32 to index
        %get3A_5093 = arith.constant 48 : index
        %get3A_5094 = tpu.vector_load %arg10[%get3A_5091, %get3A_5092, %get3A_5093] {strides = array<i32>} : memref<4x80x128xf32, #tpu.memory_space<vmem>>, vector<16xf32>,
        %mul3A_5095 = arith.mulf %get3A_5094, %get3A_129 : vector<16xf32>
        %get3A_5096 = arith.constant 76 : i32
        %get3A_5097 = arith.index_cast %rem3A_101 : i32 to index
        %get3A_5098 = arith.index_cast %get3A_5096 : i32 to index
        %get3A_5099 = arith.constant 64 : index
        %get3A_5100 = tpu.vector_load %arg10[%get3A_5097, %get3A_5098, %get3A_5099] {strides = array<i32>} : memref<4x80x128xf32, #tpu.memory_space<vmem>>, vector<16xf32>,
        %mul3A_5101 = arith.mulf %get3A_5100, %get3A_132 : vector<16xf32>
        %get3A_5102 = arith.constant 76 : i32
        %get3A_5103 = arith.index_cast %rem3A_101 : i32 to index
        %get3A_5104 = arith.index_cast %get3A_5102 : i32 to index
        %get3A_5105 = arith.constant 80 : index
        %get3A_5106 = tpu.vector_load %arg10[%get3A_5103, %get3A_5104, %get3A_5105] {strides = array<i32>} : memref<4x80x128xf32, #tpu.memory_space<vmem>>, vector<16xf32>,
        %mul3A_5107 = arith.mulf %get3A_5106, %get3A_135 : vector<16xf32>
        %get3A_5108 = arith.constant 76 : i32
        %get3A_5109 = arith.index_cast %rem3A_101 : i32 to index
        %get3A_5110 = arith.index_cast %get3A_5108 : i32 to index
        %get3A_5111 = arith.constant 96 : index
        %get3A_5112 = tpu.vector_load %arg10[%get3A_5109, %get3A_5110, %get3A_5111] {strides = array<i32>} : memref<4x80x128xf32, #tpu.memory_space<vmem>>, vector<16xf32>,
        %mul3A_5113 = arith.mulf %get3A_5112, %get3A_138 : vector<16xf32>
        %get3A_5114 = arith.constant 76 : i32
        %get3A_5115 = arith.index_cast %rem3A_101 : i32 to index
        %get3A_5116 = arith.index_cast %get3A_5114 : i32 to index
        %get3A_5117 = arith.constant 112 : index
        %get3A_5118 = tpu.vector_load %arg10[%get3A_5115, %get3A_5116, %get3A_5117] {strides = array<i32>} : memref<4x80x128xf32, #tpu.memory_space<vmem>>, vector<16xf32>,
        %mul3A_5119 = arith.mulf %get3A_5118, %get3A_141 : vector<16xf32>
        %add3A_5120 = arith.addf %mul3A_5077, %mul3A_5083 : vector<16xf32>
        %add3A_5121 = arith.addf %mul3A_5089, %mul3A_5095 : vector<16xf32>
        %add3A_5122 = arith.addf %mul3A_5101, %mul3A_5107 : vector<16xf32>
        %add3A_5123 = arith.addf %mul3A_5113, %mul3A_5119 : vector<16xf32>
        %add3A_5124 = arith.addf %add3A_5120, %add3A_5121 : vector<16xf32>
        %add3A_5125 = arith.addf %add3A_5122, %add3A_5123 : vector<16xf32>
        %add3A_5126 = arith.addf %add3A_5124, %add3A_5125 : vector<16xf32>
        %eq3A_5127 = arith.constant 12 : i32
        %eq3A_5128 = vector.broadcast %eq3A_5127 : i32 to vector<16xi32>
        %eq3A_5129 = arith.cmpi eq, %iota3A, %eq3A_5128 : vector<16xi32>
        %reduce_sum3A_5130 = arith.constant true
        %reduce_sum3A_5131 = vector.broadcast %reduce_sum3A_5130 : i1 to vector<16xi1>
        %reduce_sum3A_5132 = tpu.scan <sum>, %add3A_5126 masked %reduce_sum3A_5131 : vector<16xf32>, vector<16xi1> -> vector<16xf32>
        %reduce_sum3A_5133 = vector.extract %reduce_sum3A_5132[15] : f32 from vector<16xf32>
        %broadcast_in_dim3A_5134 = vector.broadcast %reduce_sum3A_5133 : f32 to vector<16xf32>
        %select_n3A_5135 = arith.select %eq3A_5129, %broadcast_in_dim3A_5134, %select_n3A_5071 : vector<16xi1>, vector<16xf32>
        %get3A_5136 = arith.constant 77 : i32
        %get3A_5137 = arith.index_cast %rem3A_101 : i32 to index
        %get3A_5138 = arith.index_cast %get3A_5136 : i32 to index
        %get3A_5139 = arith.constant 0 : index
        %get3A_5140 = tpu.vector_load %arg10[%get3A_5137, %get3A_5138, %get3A_5139] {strides = array<i32>} : memref<4x80x128xf32, #tpu.memory_space<vmem>>, vector<16xf32>,
        %mul3A_5141 = arith.mulf %get3A_5140, %get3A_120 : vector<16xf32>
        %get3A_5142 = arith.constant 77 : i32
        %get3A_5143 = arith.index_cast %rem3A_101 : i32 to index
        %get3A_5144 = arith.index_cast %get3A_5142 : i32 to index
        %get3A_5145 = arith.constant 16 : index
        %get3A_5146 = tpu.vector_load %arg10[%get3A_5143, %get3A_5144, %get3A_5145] {strides = array<i32>} : memref<4x80x128xf32, #tpu.memory_space<vmem>>, vector<16xf32>,
        %mul3A_5147 = arith.mulf %get3A_5146, %get3A_123 : vector<16xf32>
        %get3A_5148 = arith.constant 77 : i32
        %get3A_5149 = arith.index_cast %rem3A_101 : i32 to index
        %get3A_5150 = arith.index_cast %get3A_5148 : i32 to index
        %get3A_5151 = arith.constant 32 : index
        %get3A_5152 = tpu.vector_load %arg10[%get3A_5149, %get3A_5150, %get3A_5151] {strides = array<i32>} : memref<4x80x128xf32, #tpu.memory_space<vmem>>, vector<16xf32>,
        %mul3A_5153 = arith.mulf %get3A_5152, %get3A_126 : vector<16xf32>
        %get3A_5154 = arith.constant 77 : i32
        %get3A_5155 = arith.index_cast %rem3A_101 : i32 to index
        %get3A_5156 = arith.index_cast %get3A_5154 : i32 to index
        %get3A_5157 = arith.constant 48 : index
        %get3A_5158 = tpu.vector_load %arg10[%get3A_5155, %get3A_5156, %get3A_5157] {strides = array<i32>} : memref<4x80x128xf32, #tpu.memory_space<vmem>>, vector<16xf32>,
        %mul3A_5159 = arith.mulf %get3A_5158, %get3A_129 : vector<16xf32>
        %get3A_5160 = arith.constant 77 : i32
        %get3A_5161 = arith.index_cast %rem3A_101 : i32 to index
        %get3A_5162 = arith.index_cast %get3A_5160 : i32 to index
        %get3A_5163 = arith.constant 64 : index
        %get3A_5164 = tpu.vector_load %arg10[%get3A_5161, %get3A_5162, %get3A_5163] {strides = array<i32>} : memref<4x80x128xf32, #tpu.memory_space<vmem>>, vector<16xf32>,
        %mul3A_5165 = arith.mulf %get3A_5164, %get3A_132 : vector<16xf32>
        %get3A_5166 = arith.constant 77 : i32
        %get3A_5167 = arith.index_cast %rem3A_101 : i32 to index
        %get3A_5168 = arith.index_cast %get3A_5166 : i32 to index
        %get3A_5169 = arith.constant 80 : index
        %get3A_5170 = tpu.vector_load %arg10[%get3A_5167, %get3A_5168, %get3A_5169] {strides = array<i32>} : memref<4x80x128xf32, #tpu.memory_space<vmem>>, vector<16xf32>,
        %mul3A_5171 = arith.mulf %get3A_5170, %get3A_135 : vector<16xf32>
        %get3A_5172 = arith.constant 77 : i32
        %get3A_5173 = arith.index_cast %rem3A_101 : i32 to index
        %get3A_5174 = arith.index_cast %get3A_5172 : i32 to index
        %get3A_5175 = arith.constant 96 : index
        %get3A_5176 = tpu.vector_load %arg10[%get3A_5173, %get3A_5174, %get3A_5175] {strides = array<i32>} : memref<4x80x128xf32, #tpu.memory_space<vmem>>, vector<16xf32>,
        %mul3A_5177 = arith.mulf %get3A_5176, %get3A_138 : vector<16xf32>
        %get3A_5178 = arith.constant 77 : i32
        %get3A_5179 = arith.index_cast %rem3A_101 : i32 to index
        %get3A_5180 = arith.index_cast %get3A_5178 : i32 to index
        %get3A_5181 = arith.constant 112 : index
        %get3A_5182 = tpu.vector_load %arg10[%get3A_5179, %get3A_5180, %get3A_5181] {strides = array<i32>} : memref<4x80x128xf32, #tpu.memory_space<vmem>>, vector<16xf32>,
        %mul3A_5183 = arith.mulf %get3A_5182, %get3A_141 : vector<16xf32>
        %add3A_5184 = arith.addf %mul3A_5141, %mul3A_5147 : vector<16xf32>
        %add3A_5185 = arith.addf %mul3A_5153, %mul3A_5159 : vector<16xf32>
        %add3A_5186 = arith.addf %mul3A_5165, %mul3A_5171 : vector<16xf32>
        %add3A_5187 = arith.addf %mul3A_5177, %mul3A_5183 : vector<16xf32>
        %add3A_5188 = arith.addf %add3A_5184, %add3A_5185 : vector<16xf32>
        %add3A_5189 = arith.addf %add3A_5186, %add3A_5187 : vector<16xf32>
        %add3A_5190 = arith.addf %add3A_5188, %add3A_5189 : vector<16xf32>
        %eq3A_5191 = arith.constant 13 : i32
        %eq3A_5192 = vector.broadcast %eq3A_5191 : i32 to vector<16xi32>
        %eq3A_5193 = arith.cmpi eq, %iota3A, %eq3A_5192 : vector<16xi32>
        %reduce_sum3A_5194 = arith.constant true
        %reduce_sum3A_5195 = vector.broadcast %reduce_sum3A_5194 : i1 to vector<16xi1>
        %reduce_sum3A_5196 = tpu.scan <sum>, %add3A_5190 masked %reduce_sum3A_5195 : vector<16xf32>, vector<16xi1> -> vector<16xf32>
        %reduce_sum3A_5197 = vector.extract %reduce_sum3A_5196[15] : f32 from vector<16xf32>
        %broadcast_in_dim3A_5198 = vector.broadcast %reduce_sum3A_5197 : f32 to vector<16xf32>
        %select_n3A_5199 = arith.select %eq3A_5193, %broadcast_in_dim3A_5198, %select_n3A_5135 : vector<16xi1>, vector<16xf32>
        %get3A_5200 = arith.constant 78 : i32
        %get3A_5201 = arith.index_cast %rem3A_101 : i32 to index
        %get3A_5202 = arith.index_cast %get3A_5200 : i32 to index
        %get3A_5203 = arith.constant 0 : index
        %get3A_5204 = tpu.vector_load %arg10[%get3A_5201, %get3A_5202, %get3A_5203] {strides = array<i32>} : memref<4x80x128xf32, #tpu.memory_space<vmem>>, vector<16xf32>,
        %mul3A_5205 = arith.mulf %get3A_5204, %get3A_120 : vector<16xf32>
        %get3A_5206 = arith.constant 78 : i32
        %get3A_5207 = arith.index_cast %rem3A_101 : i32 to index
        %get3A_5208 = arith.index_cast %get3A_5206 : i32 to index
        %get3A_5209 = arith.constant 16 : index
        %get3A_5210 = tpu.vector_load %arg10[%get3A_5207, %get3A_5208, %get3A_5209] {strides = array<i32>} : memref<4x80x128xf32, #tpu.memory_space<vmem>>, vector<16xf32>,
        %mul3A_5211 = arith.mulf %get3A_5210, %get3A_123 : vector<16xf32>
        %get3A_5212 = arith.constant 78 : i32
        %get3A_5213 = arith.index_cast %rem3A_101 : i32 to index
        %get3A_5214 = arith.index_cast %get3A_5212 : i32 to index
        %get3A_5215 = arith.constant 32 : index
        %get3A_5216 = tpu.vector_load %arg10[%get3A_5213, %get3A_5214, %get3A_5215] {strides = array<i32>} : memref<4x80x128xf32, #tpu.memory_space<vmem>>, vector<16xf32>,
        %mul3A_5217 = arith.mulf %get3A_5216, %get3A_126 : vector<16xf32>
        %get3A_5218 = arith.constant 78 : i32
        %get3A_5219 = arith.index_cast %rem3A_101 : i32 to index
        %get3A_5220 = arith.index_cast %get3A_5218 : i32 to index
        %get3A_5221 = arith.constant 48 : index
        %get3A_5222 = tpu.vector_load %arg10[%get3A_5219, %get3A_5220, %get3A_5221] {strides = array<i32>} : memref<4x80x128xf32, #tpu.memory_space<vmem>>, vector<16xf32>,
        %mul3A_5223 = arith.mulf %get3A_5222, %get3A_129 : vector<16xf32>
        %get3A_5224 = arith.constant 78 : i32
        %get3A_5225 = arith.index_cast %rem3A_101 : i32 to index
        %get3A_5226 = arith.index_cast %get3A_5224 : i32 to index
        %get3A_5227 = arith.constant 64 : index
        %get3A_5228 = tpu.vector_load %arg10[%get3A_5225, %get3A_5226, %get3A_5227] {strides = array<i32>} : memref<4x80x128xf32, #tpu.memory_space<vmem>>, vector<16xf32>,
        %mul3A_5229 = arith.mulf %get3A_5228, %get3A_132 : vector<16xf32>
        %get3A_5230 = arith.constant 78 : i32
        %get3A_5231 = arith.index_cast %rem3A_101 : i32 to index
        %get3A_5232 = arith.index_cast %get3A_5230 : i32 to index
        %get3A_5233 = arith.constant 80 : index
        %get3A_5234 = tpu.vector_load %arg10[%get3A_5231, %get3A_5232, %get3A_5233] {strides = array<i32>} : memref<4x80x128xf32, #tpu.memory_space<vmem>>, vector<16xf32>,
        %mul3A_5235 = arith.mulf %get3A_5234, %get3A_135 : vector<16xf32>
        %get3A_5236 = arith.constant 78 : i32
        %get3A_5237 = arith.index_cast %rem3A_101 : i32 to index
        %get3A_5238 = arith.index_cast %get3A_5236 : i32 to index
        %get3A_5239 = arith.constant 96 : index
        %get3A_5240 = tpu.vector_load %arg10[%get3A_5237, %get3A_5238, %get3A_5239] {strides = array<i32>} : memref<4x80x128xf32, #tpu.memory_space<vmem>>, vector<16xf32>,
        %mul3A_5241 = arith.mulf %get3A_5240, %get3A_138 : vector<16xf32>
        %get3A_5242 = arith.constant 78 : i32
        %get3A_5243 = arith.index_cast %rem3A_101 : i32 to index
        %get3A_5244 = arith.index_cast %get3A_5242 : i32 to index
        %get3A_5245 = arith.constant 112 : index
        %get3A_5246 = tpu.vector_load %arg10[%get3A_5243, %get3A_5244, %get3A_5245] {strides = array<i32>} : memref<4x80x128xf32, #tpu.memory_space<vmem>>, vector<16xf32>,
        %mul3A_5247 = arith.mulf %get3A_5246, %get3A_141 : vector<16xf32>
        %add3A_5248 = arith.addf %mul3A_5205, %mul3A_5211 : vector<16xf32>
        %add3A_5249 = arith.addf %mul3A_5217, %mul3A_5223 : vector<16xf32>
        %add3A_5250 = arith.addf %mul3A_5229, %mul3A_5235 : vector<16xf32>
        %add3A_5251 = arith.addf %mul3A_5241, %mul3A_5247 : vector<16xf32>
        %add3A_5252 = arith.addf %add3A_5248, %add3A_5249 : vector<16xf32>
        %add3A_5253 = arith.addf %add3A_5250, %add3A_5251 : vector<16xf32>
        %add3A_5254 = arith.addf %add3A_5252, %add3A_5253 : vector<16xf32>
        %eq3A_5255 = arith.constant 14 : i32
        %eq3A_5256 = vector.broadcast %eq3A_5255 : i32 to vector<16xi32>
        %eq3A_5257 = arith.cmpi eq, %iota3A, %eq3A_5256 : vector<16xi32>
        %reduce_sum3A_5258 = arith.constant true
        %reduce_sum3A_5259 = vector.broadcast %reduce_sum3A_5258 : i1 to vector<16xi1>
        %reduce_sum3A_5260 = tpu.scan <sum>, %add3A_5254 masked %reduce_sum3A_5259 : vector<16xf32>, vector<16xi1> -> vector<16xf32>
        %reduce_sum3A_5261 = vector.extract %reduce_sum3A_5260[15] : f32 from vector<16xf32>
        %broadcast_in_dim3A_5262 = vector.broadcast %reduce_sum3A_5261 : f32 to vector<16xf32>
        %select_n3A_5263 = arith.select %eq3A_5257, %broadcast_in_dim3A_5262, %select_n3A_5199 : vector<16xi1>, vector<16xf32>
        %get3A_5264 = arith.constant 79 : i32
        %get3A_5265 = arith.index_cast %rem3A_101 : i32 to index
        %get3A_5266 = arith.index_cast %get3A_5264 : i32 to index
        %get3A_5267 = arith.constant 0 : index
        %get3A_5268 = tpu.vector_load %arg10[%get3A_5265, %get3A_5266, %get3A_5267] {strides = array<i32>} : memref<4x80x128xf32, #tpu.memory_space<vmem>>, vector<16xf32>,
        %mul3A_5269 = arith.mulf %get3A_5268, %get3A_120 : vector<16xf32>
        %get3A_5270 = arith.constant 79 : i32
        %get3A_5271 = arith.index_cast %rem3A_101 : i32 to index
        %get3A_5272 = arith.index_cast %get3A_5270 : i32 to index
        %get3A_5273 = arith.constant 16 : index
        %get3A_5274 = tpu.vector_load %arg10[%get3A_5271, %get3A_5272, %get3A_5273] {strides = array<i32>} : memref<4x80x128xf32, #tpu.memory_space<vmem>>, vector<16xf32>,
        %mul3A_5275 = arith.mulf %get3A_5274, %get3A_123 : vector<16xf32>
        %get3A_5276 = arith.constant 79 : i32
        %get3A_5277 = arith.index_cast %rem3A_101 : i32 to index
        %get3A_5278 = arith.index_cast %get3A_5276 : i32 to index
        %get3A_5279 = arith.constant 32 : index
        %get3A_5280 = tpu.vector_load %arg10[%get3A_5277, %get3A_5278, %get3A_5279] {strides = array<i32>} : memref<4x80x128xf32, #tpu.memory_space<vmem>>, vector<16xf32>,
        %mul3A_5281 = arith.mulf %get3A_5280, %get3A_126 : vector<16xf32>
        %get3A_5282 = arith.constant 79 : i32
        %get3A_5283 = arith.index_cast %rem3A_101 : i32 to index
        %get3A_5284 = arith.index_cast %get3A_5282 : i32 to index
        %get3A_5285 = arith.constant 48 : index
        %get3A_5286 = tpu.vector_load %arg10[%get3A_5283, %get3A_5284, %get3A_5285] {strides = array<i32>} : memref<4x80x128xf32, #tpu.memory_space<vmem>>, vector<16xf32>,
        %mul3A_5287 = arith.mulf %get3A_5286, %get3A_129 : vector<16xf32>
        %get3A_5288 = arith.constant 79 : i32
        %get3A_5289 = arith.index_cast %rem3A_101 : i32 to index
        %get3A_5290 = arith.index_cast %get3A_5288 : i32 to index
        %get3A_5291 = arith.constant 64 : index
        %get3A_5292 = tpu.vector_load %arg10[%get3A_5289, %get3A_5290, %get3A_5291] {strides = array<i32>} : memref<4x80x128xf32, #tpu.memory_space<vmem>>, vector<16xf32>,
        %mul3A_5293 = arith.mulf %get3A_5292, %get3A_132 : vector<16xf32>
        %get3A_5294 = arith.constant 79 : i32
        %get3A_5295 = arith.index_cast %rem3A_101 : i32 to index
        %get3A_5296 = arith.index_cast %get3A_5294 : i32 to index
        %get3A_5297 = arith.constant 80 : index
        %get3A_5298 = tpu.vector_load %arg10[%get3A_5295, %get3A_5296, %get3A_5297] {strides = array<i32>} : memref<4x80x128xf32, #tpu.memory_space<vmem>>, vector<16xf32>,
        %mul3A_5299 = arith.mulf %get3A_5298, %get3A_135 : vector<16xf32>
        %get3A_5300 = arith.constant 79 : i32
        %get3A_5301 = arith.index_cast %rem3A_101 : i32 to index
        %get3A_5302 = arith.index_cast %get3A_5300 : i32 to index
        %get3A_5303 = arith.constant 96 : index
        %get3A_5304 = tpu.vector_load %arg10[%get3A_5301, %get3A_5302, %get3A_5303] {strides = array<i32>} : memref<4x80x128xf32, #tpu.memory_space<vmem>>, vector<16xf32>,
        %mul3A_5305 = arith.mulf %get3A_5304, %get3A_138 : vector<16xf32>
        %get3A_5306 = arith.constant 79 : i32
        %get3A_5307 = arith.index_cast %rem3A_101 : i32 to index
        %get3A_5308 = arith.index_cast %get3A_5306 : i32 to index
        %get3A_5309 = arith.constant 112 : index
        %get3A_5310 = tpu.vector_load %arg10[%get3A_5307, %get3A_5308, %get3A_5309] {strides = array<i32>} : memref<4x80x128xf32, #tpu.memory_space<vmem>>, vector<16xf32>,
        %mul3A_5311 = arith.mulf %get3A_5310, %get3A_141 : vector<16xf32>
        %add3A_5312 = arith.addf %mul3A_5269, %mul3A_5275 : vector<16xf32>
        %add3A_5313 = arith.addf %mul3A_5281, %mul3A_5287 : vector<16xf32>
        %add3A_5314 = arith.addf %mul3A_5293, %mul3A_5299 : vector<16xf32>
        %add3A_5315 = arith.addf %mul3A_5305, %mul3A_5311 : vector<16xf32>
        %add3A_5316 = arith.addf %add3A_5312, %add3A_5313 : vector<16xf32>
        %add3A_5317 = arith.addf %add3A_5314, %add3A_5315 : vector<16xf32>
        %add3A_5318 = arith.addf %add3A_5316, %add3A_5317 : vector<16xf32>
        %eq3A_5319 = arith.constant 15 : i32
        %eq3A_5320 = vector.broadcast %eq3A_5319 : i32 to vector<16xi32>
        %eq3A_5321 = arith.cmpi eq, %iota3A, %eq3A_5320 : vector<16xi32>
        %reduce_sum3A_5322 = arith.constant true
        %reduce_sum3A_5323 = vector.broadcast %reduce_sum3A_5322 : i1 to vector<16xi1>
        %reduce_sum3A_5324 = tpu.scan <sum>, %add3A_5318 masked %reduce_sum3A_5323 : vector<16xf32>, vector<16xi1> -> vector<16xf32>
        %reduce_sum3A_5325 = vector.extract %reduce_sum3A_5324[15] : f32 from vector<16xf32>
        %broadcast_in_dim3A_5326 = vector.broadcast %reduce_sum3A_5325 : f32 to vector<16xf32>
        %select_n3A_5327 = arith.select %eq3A_5321, %broadcast_in_dim3A_5326, %select_n3A_5263 : vector<16xi1>, vector<16xf32>
        %neg3A_5328 = arith.constant 0.000000e+00 : f32
        %neg3A_5329 = vector.broadcast %neg3A_5328 : f32 to vector<16xf32>
        %neg3A_5330 = arith.subf %neg3A_5329, %select_n3A_5327 : vector<16xf32>
        %exp3A_5331 = math.exp %neg3A_5330 : vector<16xf32>
        %add3A_5332 = arith.constant 1.000000e+00 : f32
        %add3A_5333 = vector.broadcast %add3A_5332 : f32 to vector<16xf32>
        %add3A_5334 = arith.addf %add3A_5333, %exp3A_5331 : vector<16xf32>
        %div3A_5335 = arith.constant 1.000000e+00 : f32
        %div3A_5336 = vector.broadcast %div3A_5335 : f32 to vector<16xf32>
        %div3A_5337 = arith.divf %div3A_5336, %add3A_5334 : vector<16xf32>
        %mul3A_5338 = arith.constant 70 : i32
        %mul3A_5339 = arith.muli %scan3A_99, %mul3A_5338 : i32
        %add3A_5340 = arith.constant 64 : i32
        %add3A_5341 = arith.addi %mul3A_5339, %add3A_5340 : i32
        %swap3A_5342 = arith.index_cast %add3A_5341 : i32 to index
        %swap3A_5343 = tpu.vector_load %arg11[%swap3A_5342] {strides = array<i32>} : memref<17936xf32, #tpu.memory_space<vmem>>, vector<16xf32>,
        tpu.vector_store %arg11[%swap3A_5342], %div3A_5337 {strides = array<i32>} : memref<17936xf32, #tpu.memory_space<vmem>>, vector<16xf32>,
        %scan3A_5344 = arith.constant 0 : i32
        scf.yield %scan3A_5344 : i32
      }
      %scan3A_95 = arith.constant 256 : i32
      %mul3A_96 = arith.constant 70 : i32
      %mul3A_97 = arith.muli %add3A_13, %mul3A_96 : i32
      "tpu.region"() ({
        %run_scoped3A = tpu.sem_alloc : memref<!tpu.dma_semaphore, #tpu.memory_space<semaphore_mem>>
        %dma_start3A_99 = arith.constant 0 : i32
        %dma_start3A_100 = tpu.memref_slice %arg11[%dma_start3A_99] : memref<17936xf32, #tpu.memory_space<vmem>> -> memref<17920xf32, #tpu.memory_space<vmem>>
        %dma_start3A_101 = tpu.memref_slice %arg6[%mul3A_97] : memref<1146880xf32, #tpu.memory_space<hbm>> -> memref<17920xf32, #tpu.memory_space<hbm>>
        %dma_start3A_102 = tpu.memref_slice %arg6[%mul3A_97] : memref<1146880xf32, #tpu.memory_space<hbm>> -> memref<17920xf32, #tpu.memory_space<hbm>>
        %dma_start3A_103 = arith.constant 0 : i32
        %dma_start3A_104 = tpu.memref_slice %arg11[%dma_start3A_103] : memref<17936xf32, #tpu.memory_space<vmem>> -> memref<17920xf32, #tpu.memory_space<vmem>>
        tpu.enqueue_dma source(%dma_start3A_104 : memref<17920xf32, #tpu.memory_space<vmem>>) target(%dma_start3A_102 : memref<17920xf32, #tpu.memory_space<hbm>>) target_semaphore(%run_scoped3A : memref<!tpu.dma_semaphore, #tpu.memory_space<semaphore_mem>>)
        %dma_wait3A_105 = arith.constant 0 : i32
        %dma_wait3A_106 = tpu.memref_slice %arg11[%dma_wait3A_105] : memref<17936xf32, #tpu.memory_space<vmem>> -> memref<17920xf32, #tpu.memory_space<vmem>>
        %dma_wait3A_107 = tpu.memref_slice %arg6[%mul3A_97] : memref<1146880xf32, #tpu.memory_space<hbm>> -> memref<17920xf32, #tpu.memory_space<hbm>>
        %dma_wait3A_108 = tpu.memref_slice %arg6[%mul3A_97] : memref<1146880xf32, #tpu.memory_space<hbm>> -> memref<17920xf32, #tpu.memory_space<hbm>>
        %dma_wait3A_109 = arith.constant 0 : i32
        %dma_wait3A_110 = tpu.memref_slice %arg11[%dma_wait3A_109] : memref<17936xf32, #tpu.memory_space<vmem>> -> memref<17920xf32, #tpu.memory_space<vmem>>
        tpu.wait_dma2 semaphore(%run_scoped3A : memref<!tpu.dma_semaphore, #tpu.memory_space<semaphore_mem>>) src(%dma_wait3A_110 : memref<17920xf32, #tpu.memory_space<vmem>>) dst(%dma_wait3A_108 : memref<17920xf32, #tpu.memory_space<hbm>>)
        tpu.yield
      }) : () -> ()
      %scan3A_98 = arith.constant 0 : i32
      scf.yield %scan3A_98 : i32
    }
    %scan3A_8 = arith.constant 2 : i32
    return
  }
}

</mosaic_0001>

<sc_bundles>
// kernel: kernel.3.cloned.1.call-start
scs
__scs_entry_jumppad:
0x0: {  	(pc) =	sbr.rel $0x88, $3  }
0x1: {  	(tag) =	ssettag $0x0;
	lr =	simm.s32 $0x1  }
0x2: {  	[smem:$0x3F9C] =	sst lr;
	_ =	strace $0xD0000000  }
0x3: {  	_ = 	snop  }
0x4: {  	_ = 	snop  }
0x5: {  	_ = 	snop  }
0x6: {  	_ = 	snop  }
0x7: {  	_ = 	snop  }
__scs_overlays_trampoline_lowered:
0x8: {  	[smem:$0x3FAB] =	sst s0  }
0x9: {  	[smem:$0x3FAC] =	sst s1  }
0xa: {  	[smem:$0x3FAD] =	sst s2  }
0xb: {  	[smem:$0x3FAE] =	sst s3  }
0xc: {  	[smem:$0x3FAF] =	sst s4  }
0xd: {  	[smem:$0x3FB0] =	sst s5  }
0xe: {  	[smem:$0x3FB1] =	sst s6  }
0xf: {  	[smem:$0x3FB2] =	sst s7  }
0x10: {  	[smem:$0x3FB3] =	sst s8  }
0x11: {  	[smem:$0x3FB4] =	sst s9;
	s0 =	simm.s32 @!p0 $0x0  }
0x12: {  	s1 =	sld [smem:$0x3F9A];
	s0 =	simm.s32 @p0 $0x1  }
0x13: {  	[smem:$0x3FB5] =	sst s0;
	s0 =	simm.s32 @!p1 $0x0  }
0x14: {  	s2 =	sld [smem:$0x3F99];
	s0 =	simm.s32 @p1 $0x1  }
0x15: {  	[smem:$0x3FB6] =	sst s0;
	s0 =	simm.s32 @!p2 $0x0  }
0x16: {  	s3 =	sld [smem:$0x3FDB];
	s0 =	simm.s32 @p2 $0x1  }
0x17: {  	s4 =	simm.s32 $0x1BF5;
	[smem:$0x3FB8] =	sst s0  }
0x18: {  	s0 =	sld [smem:$0x3F9B];
	_ =	swait.ge [sflag:s4], $0x0  }
0x19: {  	s7 =	sld [smem:$0x3F9C]  }
0x1a: {  	s8 =	sadd.s32 $0xFFFFE003, lr  }
0x1b: {  	s9 =	sadd.s32 $0xFFFFFEF7, lr;
	s5 =	simm.s32 $0xFFFFFFFF;
	p2 =	slt.u32 s8, $0xFFFFF086  }
0x1c: {  	p1 =	slt.u32 s9, $0xF7A;
	s5 =	simm.s32 @!p2 $0x0  }
0x1d: {  	s5 =	simm.s32 @p1 $0x1;
	p0 =	seq.s32 s7, s2  }
0x1e: {  	s7 =	smul.u32 @!p0 $0xF7A, s2;
	p2 =	seq.s32 @!p0 s5, $0x0  }
0x1f: {  	s9 =	smul.u32 $0xF7A, s1;
	s8 =	simm.s32 @!p0 $0x1BF5;
	p2 =	por !p2, p0  }
0x20: {  	[sflag:s8] =	ssyncset.s32 @!p0 $0xFFFFF086;
	s6 =	sadd.s32 @!p0 s3, s7;
	s7 =	simm.s32 @!p0 $0x108  }
0x21: {  	s3 =	sadd.s32 s3, s9;
	s6 =	sadd.s32 @!p0 $0x88, s6;
	s7 =	simm.s32 @p2 $0x1082  }
0x22: {  	[simem:s7], [sflag:s8] =	dma.local @!p0 [hbm:s6], $0xF7A  }
0x23: {  	s9 =	sor.u32 $0xD0000000, s2;
	s6 =	simm.s32 $0x108;
	_ =	swait.ge @!p0 [sflag:s8], $0x0  }
0x24: {  	s3 =	sadd.s32 $0x88, s3;
	s6 =	simm.s32 @!p1 $0x1082;
	[sflag:s4] =	ssyncset.s32 $0xFFFFF086  }
0x25: {  	[simem:s6], [sflag:s4] =	dma.local [hbm:s3], $0xF7A  }
0x26: {  	[smem:$0x3F9C] =	sst s1;
	(tag) =	ssettag s2;
	_ =	strace s9  }
0x27: {  	s1 =	sld [smem:$0x3FAC]  }
0x28: {  	s2 =	sld [smem:$0x3FAD]  }
0x29: {  	s4 =	sld [smem:$0x3FAF]  }
0x2a: {  	p0 =	seq.s32 s5, $0x0;
	s5 =	sld [smem:$0x3FB0]  }
0x2b: {  	s6 =	sld [smem:$0x3FB1]  }
0x2c: {  	s7 =	sld [smem:$0x3FB2]  }
0x2d: {  	s3 =	simm.s32 $0x108;
	s8 =	sld [smem:$0x3FB3]  }
0x2e: {  	s3 =	simm.s32 @!p0 $0x1082;
	s9 =	sld [smem:$0x3FB4]  }
0x2f: {  	lr =	sadd.s32 s0, s3;
	s0 =	sld [smem:$0x3FAB]  }
0x30: {  	s3 =	sld [smem:$0x3FAE]  }
0x31: {  	[smem:$0x3FB7] =	sst s10  }
0x32: {  	s10 =	sld [smem:$0x3FB5];
	_ =	sdelay $0x3  }
0x33: {  	p0 =	seq.s32 s10, $0x1;
	s10 =	sld [smem:$0x3FB7];
	_ =	sdelay $0x3  }
0x34: {  	[smem:$0x3FB7] =	sst s10  }
0x35: {  	s10 =	sld [smem:$0x3FB6];
	_ =	sdelay $0x3  }
0x36: {  	p1 =	seq.s32 s10, $0x1;
	s10 =	sld [smem:$0x3FB7];
	_ =	sdelay $0x3  }
0x37: {  	[smem:$0x3FB7] =	sst s10  }
0x38: {  	s10 =	sld [smem:$0x3FB8]  }
0x39: {  	_ = 	snop;
	(pc) =	sbr.ind lr, $3  }
0x3a: {  	_ = 	snop  }
0x3b: {  	_ = 	snop  }
0x3c: {  	p2 =	seq.s32 s10, $0x1;
	s10 =	sld [smem:$0x3FB7]  }
0x3d: {  	_ =	shalt  }
0x3e: {  	_ =	shalt  }
0x3f: {  	_ =	shalt  }
0x40: {  	_ =	shalt  }
0x41: {  	_ =	shalt  }
0x42: {  	_ =	shalt  }
0x43: {  	_ =	shalt  }
0x44: {  	_ =	shalt  }
0x45: {  	_ =	shalt  }
0x46: {  	_ =	shalt  }
0x47: {  	_ =	shalt  }
0x48: {  	_ =	shalt  }
0x49: {  	_ =	shalt  }
0x4a: {  	_ =	shalt  }
0x4b: {  	_ =	shalt  }
0x4c: {  	_ =	shalt  }
0x4d: {  	_ =	shalt  }
0x4e: {  	_ =	shalt  }
0x4f: {  	_ =	shalt  }
0x50: {  	_ =	shalt  }
0x51: {  	_ =	shalt  }
0x52: {  	_ =	shalt  }
0x53: {  	_ =	shalt  }
0x54: {  	_ =	shalt  }
0x55: {  	_ =	shalt  }
0x56: {  	_ =	shalt  }
0x57: {  	_ =	shalt  }
0x58: {  	_ =	shalt  }
0x59: {  	_ =	shalt  }
0x5a: {  	_ =	shalt  }
0x5b: {  	_ =	shalt  }
0x5c: {  	_ =	shalt  }
0x5d: {  	_ =	shalt  }
0x5e: {  	_ =	shalt  }
0x5f: {  	_ =	shalt  }
0x60: {  	_ =	shalt  }
0x61: {  	_ =	shalt  }
0x62: {  	_ =	shalt  }
0x63: {  	_ =	shalt  }
0x64: {  	_ =	shalt  }
0x65: {  	_ =	shalt  }
0x66: {  	_ =	shalt  }
0x67: {  	_ =	shalt  }
0x68: {  	_ =	shalt  }
0x69: {  	_ =	shalt  }
0x6a: {  	_ =	shalt  }
0x6b: {  	_ =	shalt  }
0x6c: {  	_ =	shalt  }
0x6d: {  	_ =	shalt  }
0x6e: {  	_ =	shalt  }
0x6f: {  	_ =	shalt  }
0x70: {  	_ =	shalt  }
0x71: {  	_ =	shalt  }
0x72: {  	_ =	shalt  }
0x73: {  	_ =	shalt  }
0x74: {  	_ =	shalt  }
0x75: {  	_ =	shalt  }
0x76: {  	_ =	shalt  }
0x77: {  	_ =	shalt  }
0x78: {  	_ =	shalt  }
0x79: {  	_ =	shalt  }
0x7a: {  	_ =	shalt  }
0x7b: {  	_ =	shalt  }
0x7c: {  	_ =	shalt  }
0x7d: {  	_ =	shalt  }
0x7e: {  	_ =	shalt  }
0x7f: {  	_ =	shalt  }
0x80: {  	_ =	shalt  }
0x81: {  	_ =	shalt  }
0x82: {  	_ =	shalt  }
0x83: {  	_ =	shalt  }
0x84: {  	_ =	shalt  }
0x85: {  	_ =	shalt  }
0x86: {  	_ =	shalt  }
0x87: {  	_ =	shalt  }
.Lfunc_end0:
.L_simem_size_0:
called_computation_lowered:
.L_overlay_start_0:
0x88: {  	s2 =	sld [smem:$0x3FD9]  }
0x89: {  	s3 =	sld [smem:$0x3FFE];
	_ =	sdelay $0x1  }
0x8a: {  	s1 =	srdreg.scid  }
0x8b: {  	s0 =	sand.u32 $0x1, s1  }
0x8c: {  	s17 =	sshll.u32 s0, $0xA;
	s2 =	sadd.s32 s3, s2  }
0x8d: {  	s2 =	sadd.s32 s2, s17  }
0x8e: {  	[smem:$0x3FC3] =	sst s2  }
0x8f: {  	_ = 	snop  }
0x90: {  	s2 =	sld [smem:$0x3FC9]  }
0x91: {  	s18 =	sld [smem:$0x3FC6]  }
0x92: {  	s4 =	sld [smem:$0x3FC5];
	(tm) =	ssettm $0x1  }
0x93: {  	s5 =	sld [smem:$0x3FFB];
	_ =	sdelay $0x3  }
0x94: {  	_ =	strace s5  }
0x95: {  	s5 =	sld [smem:$0x3FFC];
	_ =	sdelay $0x3  }
0x96: {  	_ =	strace s5  }
0x97: {  	s5 =	sld [smem:$0x3FFD];
	_ =	sdelay $0x3  }
0x98: {  	_ =	strace s5  }
0x99: {  	_ =	strace $0x8FFFFFFF  }
0x9a: {  	s19 =	sld [smem:$0x3FDB];
	_ =	sdelay $0x1  }
0x9b: {  	s6 =	simm.s32 $_scs_section_size  }
0x9c: {  	s7 =	simm.s32 $_size__tile_overlayer_lowered;
	s8 =	simm.s32 $_tile_overlayer_lowered  }
0x9d: {  	s22 =	simm.s32 $0x1BFF;
	s21 =	sshll.u32 s8, $0x1;
	s5 =	sadd.s32 s6, s19  }
0x9e: {  	s9 =	simm.s32 $0x0;
	s20 =	sshll.u32 s7, $0x1;
	s7 =	sadd.s32 s21, s5  }
0x9f: {  	[timem:s9], [sflag:s22] =	dma.local [hbm:s7], s20  }
0xa0: {  	_ =	swait.ge [sflag:s22], s20  }
0xa1: {  	s6 =	ssub.s32 $0x0, s20;
	[sflag:s22] =	ssyncset.done $0x0  }
0xa2: {  	[sflag:s22] =	ssyncadd.s32 s6;
	_ =	sdelay $0x1  }
0xa3: {  	s23 =	simm.s32 $0x1B8B  }
0xa4: {  	_ =	swait.ge [sflag:s23], $0x1  }
0xa5: {  	[sflag:s23] =	ssyncset.done $0x0  }
0xa6: {  	s25 =	simm.s32 $0x1B8E;
	s24 =	sld [smem:$0x3FFE];
	[sflag:s23] =	ssyncadd.s32 $0xFFFFFFFF  }
0xa7: {  	s26 =	simm.s32 $execute0_lowered;
	[smem:$0x3FD2] =	sst s25  }
0xa8: {  	s7 =	sshll.u32 s26, $0x1;
	_ =	strace $0x80000046;
	[dreg:$0x1] =	wrdreg $0xFFFFFFFF  }
0xa9: {  	s28 =	simm.s32 $_size_execute0_lowered;
	s5 =	sadd.s32 s5, s7;
	[dreg:$0x0] =	wrdreg $0x0  }
0xaa: {  	s7 =	sshll.u32 s28, $0x1;
	[dreg:$0x2] =	wrdreg s5  }
0xab: {  	[dreg:$0x3] =	wrdreg s7  }
0xac: {  	[dreg:$0x4] =	wrdreg $0xC0  }
0xad: {  	_ =	task [dreg:s9], $0x5FFFF  }
0xae: {  	[dreg:$0x1] =	wrdreg $0xFFFFFFFF  }
0xaf: {  	[dreg:$0x0] =	wrdreg $0x60  }
0xb0: {  	[dreg:$0x2] =	wrdreg s24  }
0xb1: {  	[dreg:$0x3] =	wrdreg s2  }
0xb2: {  	[dreg:$0x4] =	wrdreg s18  }
0xb3: {  	[dreg:$0x5] =	wrdreg s4  }
0xb4: {  	[dreg:$0x6] =	wrdreg $0x9  }
0xb5: {  	_ =	task.clear_ibuf [dreg:s9], $0x7FFFF;
	_ =	strace $0x90000046  }
0xb6: {  	s29 =	simm.s32 $0x9;
	_ =	strace $0x80000048  }
0xb7: {  	_ =	swait.ge [sflag:s29], $0x1  }
0xb8: {  	[sflag:s29] =	ssyncadd.s32 $0xFFFFFFFF  }
0xb9: {  	_ =	strace $0x90000048  }
0xba: {  	_ =	sfence  }
0xbb: {  	s30 =	sld [smem:$0x0];
	_ =	sdelay $0x2  }
0xbc: {  	s31 =	sshll.u32 s1, $0xD;
	s1 =	sshrl.u32 s1, $0x2  }
0xbd: {  	s3 =	sand.u32 $0x4000, s31;
	s1 =	sadd.s32 s1, s30  }
0xbe: {  	s0 =	sor.u32 s3, s0;
	s1 =	sshll.u32 s1, $0x11  }
0xbf: {  	s0 =	sor.u32 s1, s0  }
0xc0: {  	s0 =	sadd.s32 $0x8F2B, s0  }
0xc1: {  	[sflag:s0] =	ssyncadd.remote.s32 $0x1  }
0xc2: {  	_ =	sfence.sel $0xFFFF  }
0xc3: {  	[dreg:$0x0] =	wrdreg $0xFFFFFFFF;
	(pc) =	sbr.abs _section_cstart, $3  }
0xc4: {  	[dreg:$0x1] =	wrdreg $0xFFFFFFFF  }
0xc5: {  	_ =	task.clear_ibuf [dreg:s9], $0x2FFFF;
	_ =	strace $0x9FFFFFFF  }
0xc6: {  	(tm) =	ssettm $0x7FFFFFFF  }
0xc7: {  	_ =	shalt  }
tec
execute0_lowered:
.L_overlay_start_1:
0x0: {  	(tag) =	ssettag $0x1  }
0x1: {  	s7 =	rddreg [dreg:$0x0]  }
0x2: {  	s1 =	rddreg [dreg:$0x1]  }
0x3: {  	s2 =	rddreg [dreg:$0x2]  }
0x4: {  	s3 =	rddreg [dreg:$0x3];
	s4 =	simm.s32 $0x0;
	s5 =	srdreg.scid  }
0x5: {  	s0 =	stileid.u32;
	s12 =	simm.s32 $0x80;
	s13 =	simm.s32 $0x8100  }
0x6: {  	s14 =	simm.s32 $0x8080;
	s15 =	simm.s32 $0xC100;
	s16 =	simm.s32 $0x46  }
0x7: {  	s17 =	simm.s32 $0x10100;
	s18 =	simm.s32 $0x12900;
	s19 =	simm.s32 $0x100  }
0x8: {  	s20 =	simm.s32 $0x15100;
	s21 =	simm.s32 $0x1;
	s22 =	simm.s32 $0x1A100  }
0x9: {  	vm0 =	vmmov $0x1;
	vm1 =	vmmov $0x3;
	vm2 =	vmmov $0x7;
	s23 =	simm.s32 $0x0;
	[smem:$0x7FF] =	sst s4;
	s8 =	sand.u32 $0x1, s5  }
0xa: {  	vm3 =	vmmov $0xf;
	vm4 =	vmmov $0x1f;
	vm5 =	vmmov $0x3f;
	s6 =	sadd.s32 $0x600, s7;
	s11 =	sshll.u32 s0, $0xA;
	s9 =	ssub.s32 $0x2, s8  }
0xb: {  	vm6 =	vmmov $0x7f;
	vm7 =	vmmov $0xff;
	vm8 =	vmmov $0x1ff;
	s7 =	sadd.s32 $0x40600, s7;
	s8 =	sshll.u32 s8, $0x9;
	s10 =	sshrl.u32 s9, $0x1  }
0xc: {  	vm9 =	vmmov $0x3ff;
	vm10 =	vmmov $0x7ff;
	vm11 =	vmmov $0xfff;
	_ =	strace $0x80000047;
	s8 =	sor.u32 s8, s11;
	s9 =	ssub.s32 s9, s10  }
0xd: {  	vm12 =	vmmov $0x1fff;
	vm13 =	vmmov $0x3fff;
	vm14 =	vmmov $0x7fff;
	s11 =	simm.s32 $0x6;
	s10 =	simm.s32 $0x8000;
	s9 =	smax.u32 s9, $0x1  }
.LBB2_1:
0xe: {  	p1 =	por $0x1, $0x1;
	s24 =	simm.s32 $0x0  }
.LBB2_2:
0xf: {  	s24 =	sor.u32 s8, s24  }
0x10: {  	s25 =	sshrl.u32 s24, $0x3  }
0x11: {  	s26 =	sadd.s32 s1, s25;
	s25 =	simm.s32 $0x0  }
0x12: {  	[tilespmem:s10], [sflag:$0x6] =	stream.linear.gather [hbm4b:s26+s25], $0x100, $0x38;
	[tilespmem:$0x1E780] =	vst v63  }
0x13: {  	_ =	swait.ge [sflag:s11], $0x100  }
0x14: {  	s31 =	sshll.u32 s24, $0x4;
	[sflag:s11] =	ssyncset.done $0x0  }
0x15: {  	s26 =	sadd.s32 s6, s31;
	[sflag:s11] =	ssyncadd.s32 $0xFFFFFF00  }
0x16: {  	[tilespmem:s25], [sflag:$0x6] =	stream.linear.gather [hbm4b:s26+s25], $0x8000, $0x38;
	[tilespmem:$0x1E780] =	vst v63  }
0x17: {  	_ =	swait.ge [sflag:s11], $0x8000  }
0x18: {  	[sflag:s11] =	ssyncset.done $0x0  }
0x19: {  	[sflag:s11] =	ssyncadd.s32 $0xFFFF8000  }
0x1a: {  	[tilespmem:s13], [sflag:$0x1] =	stream.indirect.gather [hbm4b:s2+s12], $0x80, s10, s12, $0xb8;
	[tilespmem:$0x1E780] =	vst v63  }
0x1b: {  	_ = 	snop  }
0x1c: {  	[tilespmem:s15], [sflag:$0x1] =	stream.indirect.gather [hbm4b:s2+s12], $0x80, s14, s12, $0xb8;
	[tilespmem:$0x1E780] =	vst v63  }
0x1d: {  	_ = 	snop  }
0x1e: {  	[tilespmem:s17], [sflag:$0x2] =	stream.indirect.gather [hbm4b:s3+s16], $0x80, s25, s16, $0xb8;
	[tilespmem:$0x1E780] =	vst v63  }
0x1f: {  	_ = 	snop  }
0x20: {  	[tilespmem:s18], [sflag:$0x3] =	stream.indirect.gather [hbm4b:s3+s16], $0x80, s12, s16, $0xb8;
	[tilespmem:$0x1E780] =	vst v63  }
0x21: {  	_ = 	snop  }
0x22: {  	[tilespmem:s20], [sflag:$0x4] =	stream.indirect.gather [hbm4b:s3+s16], $0x80, s19, s16, $0xb8;
	[tilespmem:$0x1E780] =	vst v63  }
0x23: {  	_ =	swait.ge [sflag:s21], $0x4000  }
0x24: {  	[sflag:s21] =	ssyncset.done $0x0  }
0x25: {  	[sflag:s21] =	ssyncadd.s32 $0xFFFFC000  }
0x26: {  	_ =	swait.ge [sflag:s21], $0x4000  }
0x27: {  	p0 =	por p1, p1;
	s28 =	simm.s32 $0x1A120;
	[sflag:s21] =	ssyncset.done $0x0  }
0x28: {  	s29 =	simm.s32 $0x8140;
	s26 =	simm.s32 $0x180;
	[sflag:s21] =	ssyncadd.s32 $0xFFFFC000  }
.LBB2_3:
0x29: {  	p1 =	sgt.u32 s25, $0xFC  }
0x2a: {  	s30 =	sand.u32 $0x3, s25;
	s31 =	sadd.s32 @!p1 $0xFFFFFFFF, s25  }
0x2b: {  	s0 =	sadd.s32 $0x2, s30;
	s31 =	sand.u32 @!p1 $0x3, s31  }
0x2c: {  	_ =	swait.ge [sflag:s0], $0x2300;
	s5 =	smul.u32 @!p1 $0xA000, s31  }
0x2d: {  	[sflag:s0] =	ssyncset.done $0x0  }
0x2e: {  	[sflag:s0] =	ssyncadd.s32 $0xFFFFDD00;
	s0 =	sshrl.u32 @!p1 s5, $0x2  }
0x2f: {  	s5 =	sadd.s32 @!p1 $0x2, s31;
	s31 =	simm.s32 @!p1 $0x46;
	s0 =	sor.u32 @!p1 $0x10100, s0  }
0x30: {  	[tilespmem:s0], [sflag:s5] =	stream.indirect.gather @!p1 [hbm4b:s3+s31], $0x80, s26, s31, $0xb8;
	[tilespmem:$0x1E780] =	vst v63  }
0x31: {  	v6 =	vld [tilespmem:s29+$0xFFFFFFC0]  }
0x32: {  	v7 =	vld [tilespmem:s29+$0xFFFFFFD0]  }
0x33: {  	v4 =	vld [tilespmem:s29+$0xFFFFFFE0]  }
0x34: {  	v5 =	vld [tilespmem:s29+$0xFFFFFFF0]  }
0x35: {  	v2 =	vld [tilespmem:s29+$0x0]  }
0x36: {  	s31 =	smul.u32 $0xA000, s30;
	v3 =	vld [tilespmem:s29+$0x10]  }
0x37: {  	v0 =	vld [tilespmem:s29+$0x20]  }
0x38: {  	v1 =	vld [tilespmem:s29+$0x30];
	s30 =	sshrl.u32 s31, $0x2  }
0x39: {  	v8 =	vld [tilespmem:s30+$0x10100]  }
0x3a: {  	v9 =	vld [tilespmem:s30+$0x10110]  }
0x3b: {  	v10 =	vld [tilespmem:s30+$0x10120]  }
0x3c: {  	v11 =	vld [tilespmem:s30+$0x10130]  }
0x3d: {  	v12 =	vld [tilespmem:s30+$0x10140]  }
0x3e: {  	v13 =	vld [tilespmem:s30+$0x10150]  }
0x3f: {  	v14 =	vld [tilespmem:s30+$0x10160]  }
0x40: {  	v15 =	vld [tilespmem:s30+$0x10170]  }
0x41: {  	v16 =	vld [tilespmem:s30+$0x10180]  }
0x42: {  	v17 =	vld [tilespmem:s30+$0x10190]  }
0x43: {  	v18 =	vld [tilespmem:s30+$0x101A0]  }
0x44: {  	v19 =	vld [tilespmem:s30+$0x101B0]  }
0x45: {  	v20 =	vld [tilespmem:s30+$0x101C0]  }
0x46: {  	v21 =	vld [tilespmem:s30+$0x101D0]  }
0x47: {  	v22 =	vld [tilespmem:s30+$0x101E0]  }
0x48: {  	v23 =	vld [tilespmem:s30+$0x101F0]  }
0x49: {  	v24 =	vld [tilespmem:s30+$0x10200]  }
0x4a: {  	v25 =	vld [tilespmem:s30+$0x10210]  }
0x4b: {  	v26 =	vld [tilespmem:s30+$0x10220]  }
0x4c: {  	v27 =	vld [tilespmem:s30+$0x10230]  }
0x4d: {  	v28 =	vld [tilespmem:s30+$0x10240]  }
0x4e: {  	v29 =	vld [tilespmem:s30+$0x10250]  }
0x4f: {  	v30 =	vld [tilespmem:s30+$0x10260]  }
0x50: {  	v31 =	vld [tilespmem:s30+$0x10270]  }
0x51: {  	v32 =	vld [tilespmem:s30+$0x10280]  }
0x52: {  	v33 =	vld [tilespmem:s30+$0x10290]  }
0x53: {  	v34 =	vld [tilespmem:s30+$0x102A0]  }
0x54: {  	v35 =	vld [tilespmem:s30+$0x102B0]  }
0x55: {  	v36 =	vld [tilespmem:s30+$0x102C0]  }
0x56: {  	v37 =	vld [tilespmem:s30+$0x102D0]  }
0x57: {  	v38 =	vld [tilespmem:s30+$0x102E0]  }
0x58: {  	v39 =	vld [tilespmem:s30+$0x102F0]  }
0x59: {  	v40 =	vld [tilespmem:s30+$0x10300]  }
0x5a: {  	v41 =	vld [tilespmem:s30+$0x10310]  }
0x5b: {  	v42 =	vld [tilespmem:s30+$0x10320]  }
0x5c: {  	v43 =	vld [tilespmem:s30+$0x10330]  }
0x5d: {  	v44 =	vld [tilespmem:s30+$0x10340]  }
0x5e: {  	v45 =	vld [tilespmem:s30+$0x10350]  }
0x5f: {  	v46 =	vld [tilespmem:s30+$0x10360]  }
0x60: {  	v47 =	vld [tilespmem:s30+$0x10370]  }
0x61: {  	v48 =	vld [tilespmem:s30+$0x10380]  }
0x62: {  	v49 =	vld [tilespmem:s30+$0x10390]  }
0x63: {  	v50 =	vld [tilespmem:s30+$0x103A0]  }
0x64: {  	v51 =	vld [tilespmem:s30+$0x103B0]  }
0x65: {  	v52 =	vld [tilespmem:s30+$0x103C0]  }
0x66: {  	v53 =	vld [tilespmem:s30+$0x103D0]  }
0x67: {  	v54 =	vld [tilespmem:s30+$0x103E0]  }
0x68: {  	v55 =	vld [tilespmem:s30+$0x103F0]  }
0x69: {  	v56 =	vld [tilespmem:s30+$0x10400]  }
0x6a: {  	v57 =	vld [tilespmem:s30+$0x10410]  }
0x6b: {  	v58 =	vld [tilespmem:s30+$0x10420];
	v8 =	vmul.f32 v8, v6;
	v9 =	vmul.f32 v9, v7  }
0x6c: {  	v59 =	vld [tilespmem:s30+$0x10430];
	v10 =	vmul.f32 v10, v4;
	v11 =	vmul.f32 v11, v5  }
0x6d: {  	v12 =	vmul.f32 v12, v2;
	v61 =	vmul.f32 v22, v0;
	v22 =	vld [tilespmem:s30+$0x10470]  }
0x6e: {  	v13 =	vmul.f32 v13, v3;
	v63 =	vmul.f32 v19, v5;
	v19 =	vld [tilespmem:s30+$0x104B0]  }
0x6f: {  	v14 =	vmul.f32 v14, v0;
	v60 =	vmul.f32 v21, v3;
	v21 =	vld [tilespmem:s30+$0x10550]  }
0x70: {  	v15 =	vmul.f32 v15, v1;
	v62 =	vadd.f32 v11, v10;
	v10 =	vmul.f32 v16, v6;
	v16 =	vld [tilespmem:s30+$0x10440]  }
0x71: {  	v12 =	vadd.f32 v13, v12;
	v13 =	vmul.f32 v18, v4;
	v18 =	vld [tilespmem:s30+$0x10450]  }
0x72: {  	v8 =	vadd.f32 v9, v8;
	v14 =	vadd.f32 v15, v14;
	v15 =	vmul.f32 v20, v2;
	v20 =	vld [tilespmem:s30+$0x10460]  }
0x73: {  	v11 =	vmul.f32 v17, v7;
	v17 =	vld [tilespmem:s30+$0x10480]  }
0x74: {  	v8 =	vadd.f32 v62, v8;
	v62 =	vmul.f32 v23, v1;
	v23 =	vadd.f32 v60, v15;
	v15 =	vld [tilespmem:s30+$0x10490]  }
0x75: {  	v10 =	vadd.f32 v11, v10;
	v12 =	vadd.f32 v14, v12;
	v14 =	vld [tilespmem:s30+$0x104A0]  }
0x76: {  	v63 =	vadd.f32 v63, v13;
	v11 =	vmul.f32 v24, v6;
	v13 =	vmul.f32 v25, v7;
	v25 =	vld [tilespmem:s30+$0x104D0]  }
0x77: {  	v60 =	vmul.f32 v27, v5;
	v24 =	vld [tilespmem:s30+$0x10530];
	v22 =	vmul.f32 v22, v1;
	v9 =	vadd.f32 v62, v61  }
0x78: {  	v8 =	vadd.f32 v12, v8;
	v12 =	vmul.f32 v26, v4;
	v61 =	vmul.f32 v28, v2;
	v28 =	vld [tilespmem:s30+$0x104E0]  }
0x79: {  	v10 =	vadd.f32 v63, v10;
	v62 =	vmul.f32 v29, v3;
	v26 =	vmul.f32 v30, v0;
	v29 =	vld [tilespmem:s30+$0x104F0]  }
0x7a: {  	v63 =	vmul.f32 v31, v1;
	v11 =	vadd.f32 v13, v11;
	v13 =	vmul.f32 v32, v6;
	v31 =	vld [tilespmem:s30+$0x10500]  }
0x7b: {  	v30 =	vld [tilespmem:s30+$0x10540];
	v16 =	vmul.f32 v16, v2;
	v18 =	vmul.f32 v18, v3  }
0x7c: {  	v32 =	vld [tilespmem:s30+$0x10560];
	v9 =	vadd.f32 v9, v23;
	v12 =	vadd.f32 v60, v12;
	v60 =	vmul.f32 v33, v7  }
0x7d: {  	v23 =	vld [tilespmem:s30+$0x104C0];
	v26 =	vadd.f32 v63, v26;
	v63 =	vmul.f32 v36, v2;
	v36 =	vmul.f32 v37, v3  }
0x7e: {  	v33 =	vld [tilespmem:s30+$0x10510];
	v37 =	vmul.f32 v38, v0;
	v38 =	vmul.f32 v39, v1  }
0x7f: {  	v9 =	vadd.f32 v9, v10;
	v10 =	vadd.f32 v62, v61;
	v62 =	vmul.f32 v35, v5;
	v35 =	vld [tilespmem:s30+$0x10520]  }
0x80: {  	v20 =	vmul.f32 v20, v0;
	v11 =	vadd.f32 v12, v11;
	v12 =	vadd.f32 v38, v37;
	v37 =	vld [tilespmem:s30+$0x10570]  }
0x81: {  	v17 =	vmul.f32 v17, v6;
	v15 =	vmul.f32 v15, v7;
	v38 =	vld [tilespmem:s30+$0x10580]  }
0x82: {  	v16 =	vadd.f32 v18, v16;
	v27 =	vadd.f32 v36, v63;
	v63 =	vmul.f32 v44, v2;
	v44 =	vld [tilespmem:s30+$0x105B0]  }
0x83: {  	v20 =	vadd.f32 v22, v20;
	v13 =	vadd.f32 v60, v13;
	v60 =	vmul.f32 v41, v7;
	v41 =	vld [tilespmem:s30+$0x105E0]  }
0x84: {  	v15 =	vadd.f32 v15, v17;
	v17 =	vld [tilespmem:s30+$0x10690]  }
0x85: {  	v45 =	vmul.f32 v45, v3;
	v61 =	vmul.f32 v34, v4;
	v16 =	vadd.f32 v20, v16;
	v20 =	vld [tilespmem:s30+$0x106B0]  }
0x86: {  	v52 =	vmul.f32 v52, v2;
	v53 =	vmul.f32 v53, v3;
	v12 =	vadd.f32 v12, v27;
	v27 =	vld [tilespmem:s30+$0x10590]  }
0x87: {  	v54 =	vmul.f32 v54, v0;
	v39 =	vadd.f32 v62, v61;
	v61 =	vmul.f32 v42, v4;
	v42 =	vld [tilespmem:s30+$0x105A0]  }
0x88: {  	v55 =	vmul.f32 v55, v1;
	v62 =	vmul.f32 v43, v5;
	v43 =	vld [tilespmem:s30+$0x105F0]  }
0x89: {  	v10 =	vadd.f32 v26, v10;
	v26 =	vmul.f32 v40, v6;
	v40 =	vmul.f32 v47, v1;
	v47 =	vld [tilespmem:s30+$0x10610]  }
0x8a: {  	v28 =	vmul.f32 v28, v0;
	v13 =	vadd.f32 v39, v13;
	v39 =	vmul.f32 v46, v0;
	v46 =	vld [tilespmem:s30+$0x105C0]  }
0x8b: {  	v11 =	vadd.f32 v10, v11;
	v26 =	vadd.f32 v60, v26;
	v60 =	vmul.f32 v48, v6;
	v48 =	vld [tilespmem:s30+$0x105D0]  }
0x8c: {  	v34 =	vadd.f32 v62, v61;
	v61 =	vmul.f32 v49, v7;
	v62 =	vmul.f32 v50, v4;
	v50 =	vld [tilespmem:s30+$0x10620]  }
0x8d: {  	v29 =	vmul.f32 v29, v1;
	v10 =	vadd.f32 v12, v13;
	v12 =	vadd.f32 v45, v63;
	v45 =	vld [tilespmem:s30+$0x10650]  }
0x8e: {  	v56 =	vmul.f32 v56, v6;
	v36 =	vadd.f32 v61, v60;
	v61 =	vmul.f32 v19, v5;
	v19 =	vld [tilespmem:s30+$0x10660]  }
0x8f: {  	v57 =	vmul.f32 v57, v7;
	v63 =	vmul.f32 v51, v5;
	v51 =	vadd.f32 v29, v28;
	v29 =	vld [tilespmem:s30+$0x106C0]  }
0x90: {  	v26 =	vadd.f32 v34, v26;
	v34 =	vadd.f32 v55, v54;
	v55 =	vmul.f32 v30, v2;
	v30 =	vld [tilespmem:s30+$0x106E0]  }
0x91: {  	v58 =	vmul.f32 v58, v4;
	v59 =	vmul.f32 v59, v5;
	v28 =	vld [tilespmem:s30+$0x106F0]  }
0x92: {  	v39 =	vadd.f32 v40, v39;
	v40 =	vadd.f32 v53, v52;
	v53 =	vmul.f32 v33, v7;
	v33 =	vld [tilespmem:s30+$0x10700]  }
0x93: {  	v21 =	vmul.f32 v21, v3;
	v60 =	vadd.f32 v57, v56;
	v57 =	vmul.f32 v37, v1;
	v37 =	vld [tilespmem:s30+$0x10710]  }
0x94: {  	v14 =	vmul.f32 v14, v4;
	v54 =	vmul.f32 v35, v4;
	v35 =	vld [tilespmem:s30+$0x10750]  }
0x95: {  	v24 =	vmul.f32 v24, v5;
	v52 =	vmul.f32 v31, v6;
	v12 =	vadd.f32 v39, v12;
	v39 =	vld [tilespmem:s30+$0x10600]  }
0x96: {  	v56 =	vmul.f32 v32, v0;
	v17 =	vmul.f32 v17, v7;
	v34 =	vadd.f32 v34, v40;
	v40 =	vld [tilespmem:s30+$0x10640]  }
0x97: {  	v20 =	vmul.f32 v20, v5;
	v13 =	vadd.f32 v63, v62;
	v63 =	vmul.f32 v25, v3;
	v25 =	vld [tilespmem:s30+$0x10670]  }
0x98: {  	v27 =	vmul.f32 v27, v7;
	v62 =	vmul.f32 v23, v2;
	v14 =	vadd.f32 v61, v14;
	v23 =	vld [tilespmem:s30+$0x106A0]  }
0x99: {  	v22 =	vadd.f32 v53, v52;
	v31 =	vadd.f32 v57, v56;
	v56 =	vld [tilespmem:s30+$0x107A0];
	v61 =	vmul.f32 v46, v2  }
0x9a: {  	v46 =	vmul.f32 v43, v1;
	v43 =	vld [tilespmem:s30+$0x10730];
	v52 =	vmul.f32 v50, v4;
	v36 =	vadd.f32 v13, v36  }
0x9b: {  	v50 =	vld [tilespmem:s30+$0x10840];
	v13 =	vadd.f32 v12, v26;
	v26 =	vadd.f32 v59, v58;
	v58 =	vmul.f32 v38, v6  }
0x9c: {  	v49 =	vadd.f32 v63, v62;
	v59 =	vmul.f32 v42, v4;
	v62 =	vmul.f32 v48, v3;
	v42 =	vld [tilespmem:s30+$0x10720]  }
0x9d: {  	v15 =	vadd.f32 v14, v15;
	v63 =	vmul.f32 v41, v0;
	v41 =	vld [tilespmem:s30+$0x108B0];
	v19 =	vmul.f32 v19, v0  }
0x9e: {  	v30 =	vmul.f32 v30, v0;
	v28 =	vmul.f32 v28, v1;
	v12 =	vadd.f32 v34, v36;
	v34 =	vld [tilespmem:s30+$0x10630]  }
0x9f: {  	v26 =	vadd.f32 v26, v60;
	v36 =	vld [tilespmem:s30+$0x10680];
	v18 =	vadd.f32 v51, v49;
	v60 =	vmul.f32 v44, v5  }
0xa0: {  	v32 =	vadd.f32 v62, v61;
	v49 =	vmul.f32 v47, v7;
	v51 =	vld [tilespmem:s30+$0x10770];
	v44 =	vmul.f32 v33, v6  }
0xa1: {  	v61 =	vld [tilespmem:s30+$0x107E0];
	v48 =	vmul.f32 v39, v6;
	v53 =	vmul.f32 v40, v2;
	v62 =	vadd.f32 v28, v30  }
0xa2: {  	v39 =	vld [tilespmem:s30+$0x10780];
	v25 =	vmul.f32 v25, v1;
	v14 =	vadd.f32 v16, v26;
	v15 =	vadd.f32 v18, v15  }
0xa3: {  	v23 =	vmul.f32 v23, v4;
	v40 =	vld [tilespmem:s30+$0x107C0];
	v16 =	vadd.f32 v24, v54;
	v18 =	vadd.f32 v21, v55  }
0xa4: {  	v56 =	vmul.f32 v56, v4;
	v26 =	vld [tilespmem:s30+$0x106D0];
	v24 =	vadd.f32 v27, v58;
	v21 =	vadd.f32 v60, v59  }
0xa5: {  	v27 =	vld [tilespmem:s30+$0x10740];
	v54 =	vmul.f32 v45, v3;
	v59 =	vmul.f32 v29, v2;
	v19 =	vadd.f32 v25, v19  }
0xa6: {  	v58 =	vld [tilespmem:s30+$0x107B0];
	v45 =	vmul.f32 v37, v7;
	v20 =	vadd.f32 v20, v23;
	v16 =	vadd.f32 v16, v22  }
0xa7: {  	v60 =	vld [tilespmem:s30+$0x107D0];
	v47 =	vmul.f32 v43, v5;
	v22 =	vadd.f32 v46, v63;
	v18 =	vadd.f32 v31, v18  }
0xa8: {  	v28 =	vld [tilespmem:s30+$0x10800];
	v31 =	vadd.f32 v49, v48;
	v49 =	vmul.f32 v35, v3;
	v34 =	vmul.f32 v34, v5  }
0xa9: {  	v55 =	vld [tilespmem:s30+$0x10790];
	v21 =	vadd.f32 v21, v24;
	v57 =	vmul.f32 v36, v6;
	v51 =	vmul.f32 v51, v1  }
0xaa: {  	v23 =	vld [tilespmem:s30+$0x107F0];
	v61 =	vmul.f32 v61, v0;
	v22 =	vadd.f32 v22, v32;
	v16 =	vadd.f32 v18, v16  }
0xab: {  	v24 =	vld [tilespmem:s30+$0x10760];
	v18 =	vadd.f32 v34, v52;
	v26 =	vmul.f32 v26, v3;
	v48 =	vmul.f32 v27, v2  }
0xac: {  	v30 =	vld [tilespmem:s30+$0x10820];
	v17 =	vadd.f32 v17, v57;
	v57 =	vmul.f32 v58, v5;
	v29 =	vmul.f32 v60, v3  }
0xad: {  	v34 =	vld [tilespmem:s30+$0x10830];
	v21 =	vadd.f32 v22, v21;
	v22 =	vadd.f32 v54, v53;
	v53 =	vmul.f32 v39, v6  }
0xae: {  	v52 =	vld [tilespmem:s30+$0x10850];
	v54 =	vmul.f32 v55, v7;
	v18 =	vadd.f32 v18, v31;
	v25 =	vadd.f32 v26, v59  }
0xaf: {  	v58 =	vld [tilespmem:s30+$0x10870];
	v23 =	vmul.f32 v23, v1;
	v17 =	vadd.f32 v20, v17;
	v27 =	vadd.f32 v57, v56  }
0xb0: {  	v60 =	vld [tilespmem:s30+$0x10880];
	v24 =	vmul.f32 v24, v0;
	v19 =	vadd.f32 v19, v22;
	v22 =	vadd.f32 v49, v48  }
0xb1: {  	v55 =	vld [tilespmem:s30+$0x10860];
	v59 =	vmul.f32 v40, v2;
	v33 =	vadd.f32 v54, v53;
	v23 =	vadd.f32 v23, v61  }
0xb2: {  	v50 =	vmul.f32 v50, v2;
	v20 =	vld [tilespmem:s30+$0x10810];
	v63 =	vadd.f32 v62, v25;
	v25 =	vadd.f32 v45, v44  }
0xb3: {  	v46 =	vmul.f32 v42, v4;
	v48 =	vld [tilespmem:s30+$0x108D0];
	v24 =	vadd.f32 v51, v24;
	v38 =	vadd.f32 v29, v59  }
0xb4: {  	(xrf2) =	vadd.scan.msk.f32 $0xffff, v8;
	v54 =	vld [tilespmem:s30+$0x108F0];
	v44 =	vmul.f32 v28, v6;
	v59 =	vmul.f32 v41, v5;
	v18 =	vadd.f32 v19, v18  }
0xb5: {  	(xrf2) =	vadd.scan.msk.f32 $0xffff, v9;
	v62 =	vld [tilespmem:s30+$0x10890];
	v19 =	vadd.f32 v47, v46;
	v43 =	vadd.f32 v27, v33;
	v47 =	vmul.f32 v30, v4  }
0xb6: {  	(xrf2) =	vadd.scan.msk.f32 $0xffff, v11;
	v45 =	vld [tilespmem:s30+$0x108C0];
	v49 =	vmul.f32 v34, v5;
	v52 =	vmul.f32 v52, v3;
	v17 =	vadd.f32 v63, v17  }
0xb7: {  	(xrf2) =	vadd.scan.msk.f32 $0xffff, v10;
	v51 =	vld [tilespmem:s30+$0x108E0];
	v56 =	vmul.f32 v60, v6;
	v42 =	vadd.f32 v24, v22;
	v8 =	vadd.f32 v23, v38  }
0xb8: {  	(xrf2) =	vadd.scan.msk.f32 $0xffff, v13;
	v63 =	vld [tilespmem:s30+$0x108A0];
	v53 =	vmul.f32 v55, v0;
	v55 =	vmul.f32 v58, v1;
	v19 =	vadd.f32 v19, v25  }
0xb9: {  	(xrf2) =	vadd.scan.msk.f32 $0xffff, v12;
	v46 =	vmul.f32 v20, v7;
	v10 =	vadd.f32 v49, v47;
	v13 =	vadd.f32 v52, v50  }
0xba: {  	(xrf2) =	vadd.scan.msk.f32 $0xffff, v14;
	v8 =	vadd.f32 v8, v43;
	v12 =	vadd.f32 v55, v53;
	v61 =	vmul.f32 v48, v3  }
0xbb: {  	(xrf2) =	vadd.scan.msk.f32 $0xffff, v15;
	v9 =	vadd.f32 v42, v19;
	v11 =	vadd.f32 v46, v44;
	v57 =	vmul.f32 v62, v7  }
0xbc: {  	(xrf2) =	vadd.scan.msk.f32 $0xffff, v16;
	v60 =	vmul.f32 v45, v2;
	v62 =	vmul.f32 v51, v0;
	v12 =	vadd.f32 v12, v13  }
0xbd: {  	(xrf2) =	vadd.scan.msk.f32 $0xffff, v21;
	v58 =	vmul.f32 v63, v4;
	v10 =	vadd.f32 v10, v11;
	v63 =	vmul.f32 v54, v1  }
0xbe: {  	v24, _, _ =	vpop (xrf2);
	(xrf2) =	vadd.scan.msk.f32 $0xffff, v18;
	v14 =	vadd.f32 v57, v56;
	v11 =	vadd.f32 v61, v60  }
0xbf: {  	v25, _, _ =	vpop (xrf2);
	(xrf2) =	vadd.scan.msk.f32 $0xffff, v17;
	v15 =	vadd.f32 v59, v58;
	v13 =	vadd.f32 v63, v62  }
0xc0: {  	v26 =	vbroadcast v24, $0xF;
	v27 =	vbroadcast v25, $0xF;
	v28, _, _ =	vpop (xrf2);
	(xrf2) =	vadd.scan.msk.f32 $0xffff, v9;
	v29 =	vadd.f32 v12, v10  }
0xc1: {  	v30 =	vbroadcast v28, $0xF;
	v31, _, _ =	vpop (xrf2);
	(xrf2) =	vadd.scan.msk.f32 $0xffff, v8;
	v32 =	vadd.f32 v15, v14;
	v11 =	vadd.f32 v13, v11  }
0xc2: {  	v33 =	vsel vm0, v26, v27;
	v34, _, _ =	vpop (xrf2);
	v12 =	vbroadcast v31, $0xF;
	(xrf2) =	vadd.scan.msk.f32 $0xffff, v29  }
0xc3: {  	v35 =	vsel vm1, v33, v30;
	v36 =	vbroadcast v34, $0xF;
	v37, _, _ =	vpop (xrf2);
	v8 =	vadd.f32 v11, v32  }
0xc4: {  	v38 =	vbroadcast v37, $0xF;
	v39, _, _ =	vpop (xrf2);
	v9 =	vsel vm2, v35, v12  }
0xc5: {  	v40 =	vbroadcast v39, $0xF;
	v41, _, _ =	vpop (xrf2);
	v9 =	vsel vm3, v9, v36;
	(xrf2) =	vadd.scan.msk.f32 $0xffff, v8  }
0xc6: {  	v43 =	vbroadcast v41, $0xF;
	v44, _, _ =	vpop (xrf2);
	v42 =	vsel vm4, v9, v38  }
0xc7: {  	v45 =	vbroadcast v44, $0xF;
	v46, _, _ =	vpop (xrf2);
	v8 =	vsel vm5, v42, v40  }
0xc8: {  	v47 =	vbroadcast v46, $0xF;
	v48, _, _ =	vpop (xrf2);
	v8 =	vsel vm6, v8, v43  }
0xc9: {  	v49 =	vbroadcast v48, $0xF;
	v50, _, _ =	vpop (xrf2);
	v8 =	vsel vm7, v8, v45  }
0xca: {  	v51 =	vbroadcast v50, $0xF;
	v52, _, _ =	vpop (xrf2);
	v8 =	vsel vm8, v8, v47  }
0xcb: {  	v53 =	vbroadcast v52, $0xF;
	v54, _, _ =	vpop (xrf2);
	v8 =	vsel vm9, v8, v49  }
0xcc: {  	v55 =	vbroadcast v54, $0xF;
	v8 =	vsel vm10, v8, v51;
	v56, _, _ =	vpop (xrf2)  }
0xcd: {  	v8 =	vsel vm11, v8, v53;
	v57 =	vbroadcast v56, $0xF  }
0xce: {  	v8 =	vsel vm12, v8, v55  }
0xcf: {  	v8 =	vsel vm13, v8, v57;
	v58, _, _ =	vpop (xrf2)  }
0xd0: {  	v8 =	vsel vm14, v8, v58  }
0xd1: {  	v8 =	vsub.f32 $0.0e+00, v8;
	_ =	sdelay $0x1  }
0xd2: {  	v8 =	vmul.f32 $1.442695020e+00, v8;
	_ =	sdelay $0x1  }
0xd3: {  	(erf) = vpow2.f32 v8;
	_ =	sdelay $0x8  }
0xd4: {  	v8 =	vpop (erf)  }
0xd5: {  	v8 =	vadd.f32 $1.000000000e+00, v8;
	_ =	sdelay $0x1  }
0xd6: {  	(erf) = vrcp.f32 v8;
	_ =	sdelay $0x8  }
0xd7: {  	v8 =	vpop (erf)  }
0xd8: {  	[tilespmem:s28+$0xFFFFFFE0] =	vst v8  }
0xd9: {  	v8 =	vld [tilespmem:s30+$0x10900]  }
0xda: {  	v59 =	vld [tilespmem:s30+$0x10910]  }
0xdb: {  	v10 =	vld [tilespmem:s30+$0x10920]  }
0xdc: {  	v11 =	vld [tilespmem:s30+$0x10930]  }
0xdd: {  	v12 =	vld [tilespmem:s30+$0x10940]  }
0xde: {  	v13 =	vld [tilespmem:s30+$0x10950]  }
0xdf: {  	v14 =	vld [tilespmem:s30+$0x10960]  }
0xe0: {  	v62 =	vld [tilespmem:s30+$0x10970]  }
0xe1: {  	v16 =	vld [tilespmem:s30+$0x10980]  }
0xe2: {  	v17 =	vld [tilespmem:s30+$0x10990]  }
0xe3: {  	v18 =	vld [tilespmem:s30+$0x109A0]  }
0xe4: {  	v63 =	vld [tilespmem:s30+$0x109B0]  }
0xe5: {  	v20 =	vld [tilespmem:s30+$0x109C0]  }
0xe6: {  	v60 =	vld [tilespmem:s30+$0x109D0]  }
0xe7: {  	v61 =	vld [tilespmem:s30+$0x109E0]  }
0xe8: {  	v23 =	vld [tilespmem:s30+$0x109F0]  }
0xe9: {  	v24 =	vld [tilespmem:s30+$0x10A00]  }
0xea: {  	v25 =	vld [tilespmem:s30+$0x10A10]  }
0xeb: {  	v26 =	vld [tilespmem:s30+$0x10A20]  }
0xec: {  	v27 =	vld [tilespmem:s30+$0x10A30]  }
0xed: {  	v28 =	vld [tilespmem:s30+$0x10A40]  }
0xee: {  	v29 =	vld [tilespmem:s30+$0x10A50]  }
0xef: {  	v30 =	vld [tilespmem:s30+$0x10A60]  }
0xf0: {  	v31 =	vld [tilespmem:s30+$0x10A70]  }
0xf1: {  	v32 =	vld [tilespmem:s30+$0x10A80]  }
0xf2: {  	v33 =	vld [tilespmem:s30+$0x10A90]  }
0xf3: {  	v34 =	vld [tilespmem:s30+$0x10AA0]  }
0xf4: {  	v35 =	vld [tilespmem:s30+$0x10AB0]  }
0xf5: {  	v36 =	vld [tilespmem:s30+$0x10AC0]  }
0xf6: {  	v37 =	vld [tilespmem:s30+$0x10AD0]  }
0xf7: {  	v38 =	vld [tilespmem:s30+$0x10AE0]  }
0xf8: {  	v39 =	vld [tilespmem:s30+$0x10AF0]  }
0xf9: {  	v40 =	vld [tilespmem:s30+$0x10B00]  }
0xfa: {  	v41 =	vld [tilespmem:s30+$0x10B10]  }
0xfb: {  	v42 =	vld [tilespmem:s30+$0x10B20]  }
0xfc: {  	v43 =	vld [tilespmem:s30+$0x10B30]  }
0xfd: {  	v44 =	vld [tilespmem:s30+$0x10B40]  }
0xfe: {  	v45 =	vld [tilespmem:s30+$0x10B50]  }
0xff: {  	v46 =	vld [tilespmem:s30+$0x10B60]  }
0x100: {  	v47 =	vld [tilespmem:s30+$0x10B70]  }
0x101: {  	v48 =	vld [tilespmem:s30+$0x10B80]  }
0x102: {  	v49 =	vld [tilespmem:s30+$0x10B90]  }
0x103: {  	v50 =	vld [tilespmem:s30+$0x10BA0]  }
0x104: {  	v51 =	vld [tilespmem:s30+$0x10BB0]  }
0x105: {  	v52 =	vld [tilespmem:s30+$0x10BC0]  }
0x106: {  	v53 =	vld [tilespmem:s30+$0x10BD0]  }
0x107: {  	v54 =	vld [tilespmem:s30+$0x10BE0]  }
0x108: {  	v55 =	vld [tilespmem:s30+$0x10BF0]  }
0x109: {  	v56 =	vld [tilespmem:s30+$0x10C00]  }
0x10a: {  	v57 =	vld [tilespmem:s30+$0x10C10]  }
0x10b: {  	v58 =	vld [tilespmem:s30+$0x10C20]  }
0x10c: {  	v22 =	vld [tilespmem:s30+$0x10C70];
	v8 =	vmul.f32 v8, v6  }
0x10d: {  	v19 =	vld [tilespmem:s30+$0x10CB0];
	v9 =	vmul.f32 v59, v7;
	v10 =	vmul.f32 v10, v4  }
0x10e: {  	v21 =	vld [tilespmem:s30+$0x10D50];
	v11 =	vmul.f32 v11, v5;
	v12 =	vmul.f32 v12, v2  }
0x10f: {  	v13 =	vmul.f32 v13, v3;
	v14 =	vmul.f32 v14, v0;
	v59 =	vld [tilespmem:s30+$0x10C30]  }
0x110: {  	v15 =	vmul.f32 v62, v1;
	v62 =	vadd.f32 v11, v10;
	v10 =	vmul.f32 v16, v6;
	v16 =	vld [tilespmem:s30+$0x10C40]  }
0x111: {  	v60 =	vmul.f32 v60, v3;
	v12 =	vadd.f32 v13, v12;
	v13 =	vmul.f32 v18, v4;
	v18 =	vld [tilespmem:s30+$0x10C50]  }
0x112: {  	v8 =	vadd.f32 v9, v8;
	v14 =	vadd.f32 v15, v14;
	v15 =	vmul.f32 v20, v2;
	v20 =	vld [tilespmem:s30+$0x10C60]  }
0x113: {  	v63 =	vmul.f32 v63, v5;
	v11 =	vmul.f32 v17, v7;
	v17 =	vld [tilespmem:s30+$0x10C80]  }
0x114: {  	v8 =	vadd.f32 v62, v8;
	v62 =	vmul.f32 v23, v1;
	v23 =	vadd.f32 v60, v15;
	v15 =	vld [tilespmem:s30+$0x10C90]  }
0x115: {  	v61 =	vmul.f32 v61, v0;
	v22 =	vmul.f32 v22, v1;
	v12 =	vadd.f32 v14, v12;
	v14 =	vld [tilespmem:s30+$0x10CA0]  }
0x116: {  	v10 =	vadd.f32 v11, v10;
	v63 =	vadd.f32 v63, v13;
	v13 =	vmul.f32 v25, v7;
	v25 =	vld [tilespmem:s30+$0x10CD0]  }
0x117: {  	v11 =	vmul.f32 v24, v6;
	v60 =	vmul.f32 v27, v5;
	v24 =	vld [tilespmem:s30+$0x10D30];
	v9 =	vadd.f32 v62, v61  }
0x118: {  	v8 =	vadd.f32 v12, v8;
	v12 =	vmul.f32 v26, v4;
	v61 =	vmul.f32 v28, v2;
	v28 =	vld [tilespmem:s30+$0x10CE0]  }
0x119: {  	v10 =	vadd.f32 v63, v10;
	v62 =	vmul.f32 v29, v3;
	v26 =	vmul.f32 v30, v0;
	v29 =	vld [tilespmem:s30+$0x10CF0]  }
0x11a: {  	v63 =	vmul.f32 v31, v1;
	v11 =	vadd.f32 v13, v11;
	v13 =	vmul.f32 v32, v6;
	v31 =	vld [tilespmem:s30+$0x10D00]  }
0x11b: {  	v30 =	vld [tilespmem:s30+$0x10D40];
	v16 =	vmul.f32 v16, v2;
	v18 =	vmul.f32 v18, v3  }
0x11c: {  	v32 =	vld [tilespmem:s30+$0x10D60];
	v9 =	vadd.f32 v9, v23;
	v12 =	vadd.f32 v60, v12;
	v60 =	vmul.f32 v33, v7  }
0x11d: {  	v23 =	vld [tilespmem:s30+$0x10CC0];
	v26 =	vadd.f32 v63, v26;
	v63 =	vmul.f32 v36, v2;
	v36 =	vmul.f32 v37, v3  }
0x11e: {  	v33 =	vld [tilespmem:s30+$0x10D10];
	v37 =	vmul.f32 v38, v0;
	v38 =	vmul.f32 v39, v1  }
0x11f: {  	v9 =	vadd.f32 v9, v10;
	v10 =	vadd.f32 v62, v61;
	v62 =	vmul.f32 v35, v5;
	v35 =	vld [tilespmem:s30+$0x10D20]  }
0x120: {  	v20 =	vmul.f32 v20, v0;
	v11 =	vadd.f32 v12, v11;
	v12 =	vadd.f32 v38, v37;
	v37 =	vld [tilespmem:s30+$0x10D70]  }
0x121: {  	v17 =	vmul.f32 v17, v6;
	v15 =	vmul.f32 v15, v7;
	v38 =	vld [tilespmem:s30+$0x10D80]  }
0x122: {  	v16 =	vadd.f32 v18, v16;
	v27 =	vadd.f32 v36, v63;
	v63 =	vmul.f32 v44, v2;
	v44 =	vld [tilespmem:s30+$0x10DB0]  }
0x123: {  	v20 =	vadd.f32 v22, v20;
	v13 =	vadd.f32 v60, v13;
	v60 =	vmul.f32 v41, v7;
	v41 =	vld [tilespmem:s30+$0x10DE0]  }
0x124: {  	v15 =	vadd.f32 v15, v17;
	v17 =	vld [tilespmem:s30+$0x10E90]  }
0x125: {  	v45 =	vmul.f32 v45, v3;
	v61 =	vmul.f32 v34, v4;
	v16 =	vadd.f32 v20, v16;
	v20 =	vld [tilespmem:s30+$0x10EB0]  }
0x126: {  	v52 =	vmul.f32 v52, v2;
	v53 =	vmul.f32 v53, v3;
	v12 =	vadd.f32 v12, v27;
	v27 =	vld [tilespmem:s30+$0x10D90]  }
0x127: {  	v54 =	vmul.f32 v54, v0;
	v39 =	vadd.f32 v62, v61;
	v61 =	vmul.f32 v42, v4;
	v42 =	vld [tilespmem:s30+$0x10DA0]  }
0x128: {  	v55 =	vmul.f32 v55, v1;
	v62 =	vmul.f32 v43, v5;
	v43 =	vld [tilespmem:s30+$0x10DF0]  }
0x129: {  	v10 =	vadd.f32 v26, v10;
	v26 =	vmul.f32 v40, v6;
	v40 =	vmul.f32 v47, v1;
	v47 =	vld [tilespmem:s30+$0x10E10]  }
0x12a: {  	v28 =	vmul.f32 v28, v0;
	v13 =	vadd.f32 v39, v13;
	v39 =	vmul.f32 v46, v0;
	v46 =	vld [tilespmem:s30+$0x10DC0]  }
0x12b: {  	v11 =	vadd.f32 v10, v11;
	v26 =	vadd.f32 v60, v26;
	v60 =	vmul.f32 v48, v6;
	v48 =	vld [tilespmem:s30+$0x10DD0]  }
0x12c: {  	v34 =	vadd.f32 v62, v61;
	v61 =	vmul.f32 v49, v7;
	v62 =	vmul.f32 v50, v4;
	v50 =	vld [tilespmem:s30+$0x10E20]  }
0x12d: {  	v29 =	vmul.f32 v29, v1;
	v10 =	vadd.f32 v12, v13;
	v12 =	vadd.f32 v45, v63;
	v45 =	vld [tilespmem:s30+$0x10E50]  }
0x12e: {  	v56 =	vmul.f32 v56, v6;
	v36 =	vadd.f32 v61, v60;
	v61 =	vmul.f32 v19, v5;
	v19 =	vld [tilespmem:s30+$0x10E60]  }
0x12f: {  	v57 =	vmul.f32 v57, v7;
	v63 =	vmul.f32 v51, v5;
	v51 =	vadd.f32 v29, v28;
	v29 =	vld [tilespmem:s30+$0x10EC0]  }
0x130: {  	v26 =	vadd.f32 v34, v26;
	v34 =	vadd.f32 v55, v54;
	v55 =	vmul.f32 v30, v2;
	v30 =	vld [tilespmem:s30+$0x10EE0]  }
0x131: {  	v58 =	vmul.f32 v58, v4;
	v21 =	vmul.f32 v21, v3;
	v28 =	vld [tilespmem:s30+$0x10EF0]  }
0x132: {  	v39 =	vadd.f32 v40, v39;
	v40 =	vadd.f32 v53, v52;
	v53 =	vmul.f32 v33, v7;
	v33 =	vld [tilespmem:s30+$0x10F00]  }
0x133: {  	v59 =	vmul.f32 v59, v5;
	v60 =	vadd.f32 v57, v56;
	v57 =	vmul.f32 v37, v1;
	v37 =	vld [tilespmem:s30+$0x10F10]  }
0x134: {  	v14 =	vmul.f32 v14, v4;
	v54 =	vmul.f32 v35, v4;
	v35 =	vld [tilespmem:s30+$0x10F50]  }
0x135: {  	v24 =	vmul.f32 v24, v5;
	v52 =	vmul.f32 v31, v6;
	v12 =	vadd.f32 v39, v12;
	v39 =	vld [tilespmem:s30+$0x10E00]  }
0x136: {  	v56 =	vmul.f32 v32, v0;
	v17 =	vmul.f32 v17, v7;
	v34 =	vadd.f32 v34, v40;
	v40 =	vld [tilespmem:s30+$0x10E40]  }
0x137: {  	v20 =	vmul.f32 v20, v5;
	v13 =	vadd.f32 v63, v62;
	v63 =	vmul.f32 v25, v3;
	v25 =	vld [tilespmem:s30+$0x10E70]  }
0x138: {  	v27 =	vmul.f32 v27, v7;
	v62 =	vmul.f32 v23, v2;
	v14 =	vadd.f32 v61, v14;
	v23 =	vld [tilespmem:s30+$0x10EA0]  }
0x139: {  	v22 =	vadd.f32 v53, v52;
	v31 =	vadd.f32 v57, v56;
	v56 =	vld [tilespmem:s30+$0x10FA0];
	v61 =	vmul.f32 v46, v2  }
0x13a: {  	v46 =	vmul.f32 v43, v1;
	v43 =	vld [tilespmem:s30+$0x10F30];
	v52 =	vmul.f32 v50, v4;
	v36 =	vadd.f32 v13, v36  }
0x13b: {  	v50 =	vld [tilespmem:s30+$0x11040];
	v13 =	vadd.f32 v12, v26;
	v26 =	vadd.f32 v59, v58;
	v58 =	vmul.f32 v38, v6  }
0x13c: {  	v49 =	vadd.f32 v63, v62;
	v59 =	vmul.f32 v42, v4;
	v62 =	vmul.f32 v48, v3;
	v42 =	vld [tilespmem:s30+$0x10F20]  }
0x13d: {  	v15 =	vadd.f32 v14, v15;
	v63 =	vmul.f32 v41, v0;
	v41 =	vld [tilespmem:s30+$0x110B0];
	v19 =	vmul.f32 v19, v0  }
0x13e: {  	v30 =	vmul.f32 v30, v0;
	v28 =	vmul.f32 v28, v1;
	v12 =	vadd.f32 v34, v36;
	v34 =	vld [tilespmem:s30+$0x10E30]  }
0x13f: {  	v26 =	vadd.f32 v26, v60;
	v36 =	vld [tilespmem:s30+$0x10E80];
	v18 =	vadd.f32 v51, v49;
	v60 =	vmul.f32 v44, v5  }
0x140: {  	v32 =	vadd.f32 v62, v61;
	v49 =	vmul.f32 v47, v7;
	v51 =	vld [tilespmem:s30+$0x10F70];
	v44 =	vmul.f32 v33, v6  }
0x141: {  	v61 =	vld [tilespmem:s30+$0x10FE0];
	v48 =	vmul.f32 v39, v6;
	v53 =	vmul.f32 v40, v2;
	v62 =	vadd.f32 v28, v30  }
0x142: {  	v39 =	vld [tilespmem:s30+$0x10F80];
	v25 =	vmul.f32 v25, v1;
	v14 =	vadd.f32 v16, v26;
	v15 =	vadd.f32 v18, v15  }
0x143: {  	v23 =	vmul.f32 v23, v4;
	v40 =	vld [tilespmem:s30+$0x10FC0];
	v16 =	vadd.f32 v24, v54;
	v18 =	vadd.f32 v21, v55  }
0x144: {  	v56 =	vmul.f32 v56, v4;
	v26 =	vld [tilespmem:s30+$0x10ED0];
	v24 =	vadd.f32 v27, v58;
	v21 =	vadd.f32 v60, v59  }
0x145: {  	v27 =	vld [tilespmem:s30+$0x10F40];
	v54 =	vmul.f32 v45, v3;
	v59 =	vmul.f32 v29, v2;
	v19 =	vadd.f32 v25, v19  }
0x146: {  	v58 =	vld [tilespmem:s30+$0x10FB0];
	v45 =	vmul.f32 v37, v7;
	v20 =	vadd.f32 v20, v23;
	v16 =	vadd.f32 v16, v22  }
0x147: {  	v60 =	vld [tilespmem:s30+$0x10FD0];
	v47 =	vmul.f32 v43, v5;
	v22 =	vadd.f32 v46, v63;
	v18 =	vadd.f32 v31, v18  }
0x148: {  	v28 =	vld [tilespmem:s30+$0x11000];
	v31 =	vadd.f32 v49, v48;
	v49 =	vmul.f32 v35, v3;
	v34 =	vmul.f32 v34, v5  }
0x149: {  	v55 =	vld [tilespmem:s30+$0x10F90];
	v21 =	vadd.f32 v21, v24;
	v57 =	vmul.f32 v36, v6;
	v51 =	vmul.f32 v51, v1  }
0x14a: {  	v23 =	vld [tilespmem:s30+$0x10FF0];
	v61 =	vmul.f32 v61, v0;
	v22 =	vadd.f32 v22, v32;
	v16 =	vadd.f32 v18, v16  }
0x14b: {  	v24 =	vld [tilespmem:s30+$0x10F60];
	v18 =	vadd.f32 v34, v52;
	v26 =	vmul.f32 v26, v3;
	v48 =	vmul.f32 v27, v2  }
0x14c: {  	v30 =	vld [tilespmem:s30+$0x11020];
	v17 =	vadd.f32 v17, v57;
	v57 =	vmul.f32 v58, v5;
	v29 =	vmul.f32 v60, v3  }
0x14d: {  	v34 =	vld [tilespmem:s30+$0x11030];
	v21 =	vadd.f32 v22, v21;
	v22 =	vadd.f32 v54, v53;
	v53 =	vmul.f32 v39, v6  }
0x14e: {  	v52 =	vld [tilespmem:s30+$0x11050];
	v54 =	vmul.f32 v55, v7;
	v18 =	vadd.f32 v18, v31;
	v25 =	vadd.f32 v26, v59  }
0x14f: {  	v58 =	vld [tilespmem:s30+$0x11070];
	v23 =	vmul.f32 v23, v1;
	v17 =	vadd.f32 v20, v17;
	v27 =	vadd.f32 v57, v56  }
0x150: {  	v60 =	vld [tilespmem:s30+$0x11080];
	v24 =	vmul.f32 v24, v0;
	v19 =	vadd.f32 v19, v22;
	v22 =	vadd.f32 v49, v48  }
0x151: {  	v55 =	vld [tilespmem:s30+$0x11060];
	v59 =	vmul.f32 v40, v2;
	v33 =	vadd.f32 v54, v53;
	v23 =	vadd.f32 v23, v61  }
0x152: {  	v50 =	vmul.f32 v50, v2;
	v20 =	vld [tilespmem:s30+$0x11010];
	v63 =	vadd.f32 v62, v25;
	v25 =	vadd.f32 v45, v44  }
0x153: {  	v46 =	vmul.f32 v42, v4;
	v48 =	vld [tilespmem:s30+$0x110D0];
	v24 =	vadd.f32 v51, v24;
	v38 =	vadd.f32 v29, v59  }
0x154: {  	(xrf2) =	vadd.scan.msk.f32 $0xffff, v8;
	v54 =	vld [tilespmem:s30+$0x110F0];
	v44 =	vmul.f32 v28, v6;
	v59 =	vmul.f32 v41, v5;
	v18 =	vadd.f32 v19, v18  }
0x155: {  	(xrf2) =	vadd.scan.msk.f32 $0xffff, v9;
	v62 =	vld [tilespmem:s30+$0x11090];
	v19 =	vadd.f32 v47, v46;
	v43 =	vadd.f32 v27, v33;
	v47 =	vmul.f32 v30, v4  }
0x156: {  	(xrf2) =	vadd.scan.msk.f32 $0xffff, v11;
	v45 =	vld [tilespmem:s30+$0x110C0];
	v49 =	vmul.f32 v34, v5;
	v52 =	vmul.f32 v52, v3;
	v17 =	vadd.f32 v63, v17  }
0x157: {  	(xrf2) =	vadd.scan.msk.f32 $0xffff, v10;
	v51 =	vld [tilespmem:s30+$0x110E0];
	v56 =	vmul.f32 v60, v6;
	v42 =	vadd.f32 v24, v22;
	v8 =	vadd.f32 v23, v38  }
0x158: {  	(xrf2) =	vadd.scan.msk.f32 $0xffff, v13;
	v63 =	vld [tilespmem:s30+$0x110A0];
	v53 =	vmul.f32 v55, v0;
	v55 =	vmul.f32 v58, v1;
	v19 =	vadd.f32 v19, v25  }
0x159: {  	(xrf2) =	vadd.scan.msk.f32 $0xffff, v12;
	v46 =	vmul.f32 v20, v7;
	v10 =	vadd.f32 v49, v47;
	v13 =	vadd.f32 v52, v50  }
0x15a: {  	(xrf2) =	vadd.scan.msk.f32 $0xffff, v14;
	v8 =	vadd.f32 v8, v43;
	v12 =	vadd.f32 v55, v53;
	v61 =	vmul.f32 v48, v3  }
0x15b: {  	(xrf2) =	vadd.scan.msk.f32 $0xffff, v15;
	v9 =	vadd.f32 v42, v19;
	v11 =	vadd.f32 v46, v44;
	v57 =	vmul.f32 v62, v7  }
0x15c: {  	(xrf2) =	vadd.scan.msk.f32 $0xffff, v16;
	v60 =	vmul.f32 v45, v2;
	v62 =	vmul.f32 v51, v0;
	v12 =	vadd.f32 v12, v13  }
0x15d: {  	(xrf2) =	vadd.scan.msk.f32 $0xffff, v21;
	v58 =	vmul.f32 v63, v4;
	v10 =	vadd.f32 v10, v11;
	v63 =	vmul.f32 v54, v1  }
0x15e: {  	v24, _, _ =	vpop (xrf2);
	(xrf2) =	vadd.scan.msk.f32 $0xffff, v18;
	v14 =	vadd.f32 v57, v56;
	v11 =	vadd.f32 v61, v60  }
0x15f: {  	v25, _, _ =	vpop (xrf2);
	(xrf2) =	vadd.scan.msk.f32 $0xffff, v17;
	v15 =	vadd.f32 v59, v58;
	v13 =	vadd.f32 v63, v62  }
0x160: {  	v26 =	vbroadcast v24, $0xF;
	v27 =	vbroadcast v25, $0xF;
	v28, _, _ =	vpop (xrf2);
	(xrf2) =	vadd.scan.msk.f32 $0xffff, v9;
	v29 =	vadd.f32 v12, v10  }
0x161: {  	v30 =	vbroadcast v28, $0xF;
	v31, _, _ =	vpop (xrf2);
	(xrf2) =	vadd.scan.msk.f32 $0xffff, v8;
	v32 =	vadd.f32 v15, v14;
	v11 =	vadd.f32 v13, v11  }
0x162: {  	v33 =	vsel vm0, v26, v27;
	v34, _, _ =	vpop (xrf2);
	v12 =	vbroadcast v31, $0xF;
	(xrf2) =	vadd.scan.msk.f32 $0xffff, v29  }
0x163: {  	v35 =	vsel vm1, v33, v30;
	v36 =	vbroadcast v34, $0xF;
	v37, _, _ =	vpop (xrf2);
	v8 =	vadd.f32 v11, v32  }
0x164: {  	v38 =	vbroadcast v37, $0xF;
	v39, _, _ =	vpop (xrf2);
	v9 =	vsel vm2, v35, v12  }
0x165: {  	v40 =	vbroadcast v39, $0xF;
	v41, _, _ =	vpop (xrf2);
	v9 =	vsel vm3, v9, v36;
	(xrf2) =	vadd.scan.msk.f32 $0xffff, v8  }
0x166: {  	v43 =	vbroadcast v41, $0xF;
	v44, _, _ =	vpop (xrf2);
	v42 =	vsel vm4, v9, v38  }
0x167: {  	v45 =	vbroadcast v44, $0xF;
	v46, _, _ =	vpop (xrf2);
	v8 =	vsel vm5, v42, v40  }
0x168: {  	v47 =	vbroadcast v46, $0xF;
	v48, _, _ =	vpop (xrf2);
	v8 =	vsel vm6, v8, v43  }
0x169: {  	v49 =	vbroadcast v48, $0xF;
	v50, _, _ =	vpop (xrf2);
	v8 =	vsel vm7, v8, v45  }
0x16a: {  	v51 =	vbroadcast v50, $0xF;
	v52, _, _ =	vpop (xrf2);
	v8 =	vsel vm8, v8, v47  }
0x16b: {  	v53 =	vbroadcast v52, $0xF;
	v54, _, _ =	vpop (xrf2);
	v8 =	vsel vm9, v8, v49  }
0x16c: {  	v55 =	vbroadcast v54, $0xF;
	v8 =	vsel vm10, v8, v51;
	v56, _, _ =	vpop (xrf2)  }
0x16d: {  	v8 =	vsel vm11, v8, v53;
	v57 =	vbroadcast v56, $0xF  }
0x16e: {  	v8 =	vsel vm12, v8, v55  }
0x16f: {  	v8 =	vsel vm13, v8, v57;
	v58, _, _ =	vpop (xrf2)  }
0x170: {  	v8 =	vsel vm14, v8, v58  }
0x171: {  	v8 =	vsub.f32 $0.0e+00, v8;
	_ =	sdelay $0x1  }
0x172: {  	v8 =	vmul.f32 $1.442695020e+00, v8;
	_ =	sdelay $0x1  }
0x173: {  	(erf) = vpow2.f32 v8;
	_ =	sdelay $0x8  }
0x174: {  	v8 =	vpop (erf)  }
0x175: {  	v8 =	vadd.f32 $1.000000000e+00, v8;
	_ =	sdelay $0x1  }
0x176: {  	(erf) = vrcp.f32 v8;
	_ =	sdelay $0x8  }
0x177: {  	v8 =	vpop (erf)  }
0x178: {  	[tilespmem:s28+$0xFFFFFFF0] =	vst v8  }
0x179: {  	v8 =	vld [tilespmem:s30+$0x11100]  }
0x17a: {  	v59 =	vld [tilespmem:s30+$0x11110]  }
0x17b: {  	v10 =	vld [tilespmem:s30+$0x11120]  }
0x17c: {  	v11 =	vld [tilespmem:s30+$0x11130]  }
0x17d: {  	v12 =	vld [tilespmem:s30+$0x11140]  }
0x17e: {  	v13 =	vld [tilespmem:s30+$0x11150]  }
0x17f: {  	v14 =	vld [tilespmem:s30+$0x11160]  }
0x180: {  	v62 =	vld [tilespmem:s30+$0x11170]  }
0x181: {  	v16 =	vld [tilespmem:s30+$0x11180]  }
0x182: {  	v17 =	vld [tilespmem:s30+$0x11190]  }
0x183: {  	v18 =	vld [tilespmem:s30+$0x111A0]  }
0x184: {  	v63 =	vld [tilespmem:s30+$0x111B0]  }
0x185: {  	v20 =	vld [tilespmem:s30+$0x111C0]  }
0x186: {  	v60 =	vld [tilespmem:s30+$0x111D0]  }
0x187: {  	v61 =	vld [tilespmem:s30+$0x111E0]  }
0x188: {  	v23 =	vld [tilespmem:s30+$0x111F0]  }
0x189: {  	v24 =	vld [tilespmem:s30+$0x11200]  }
0x18a: {  	v25 =	vld [tilespmem:s30+$0x11210]  }
0x18b: {  	v26 =	vld [tilespmem:s30+$0x11220]  }
0x18c: {  	v27 =	vld [tilespmem:s30+$0x11230]  }
0x18d: {  	v28 =	vld [tilespmem:s30+$0x11240]  }
0x18e: {  	v29 =	vld [tilespmem:s30+$0x11250]  }
0x18f: {  	v30 =	vld [tilespmem:s30+$0x11260]  }
0x190: {  	v31 =	vld [tilespmem:s30+$0x11270]  }
0x191: {  	v32 =	vld [tilespmem:s30+$0x11280]  }
0x192: {  	v33 =	vld [tilespmem:s30+$0x11290]  }
0x193: {  	v34 =	vld [tilespmem:s30+$0x112A0]  }
0x194: {  	v35 =	vld [tilespmem:s30+$0x112B0]  }
0x195: {  	v36 =	vld [tilespmem:s30+$0x112C0]  }
0x196: {  	v37 =	vld [tilespmem:s30+$0x112D0]  }
0x197: {  	v38 =	vld [tilespmem:s30+$0x112E0]  }
0x198: {  	v39 =	vld [tilespmem:s30+$0x112F0]  }
0x199: {  	v40 =	vld [tilespmem:s30+$0x11300]  }
0x19a: {  	v41 =	vld [tilespmem:s30+$0x11310]  }
0x19b: {  	v42 =	vld [tilespmem:s30+$0x11320]  }
0x19c: {  	v43 =	vld [tilespmem:s30+$0x11330]  }
0x19d: {  	v44 =	vld [tilespmem:s30+$0x11340]  }
0x19e: {  	v45 =	vld [tilespmem:s30+$0x11350]  }
0x19f: {  	v46 =	vld [tilespmem:s30+$0x11360]  }
0x1a0: {  	v47 =	vld [tilespmem:s30+$0x11370]  }
0x1a1: {  	v48 =	vld [tilespmem:s30+$0x11380]  }
0x1a2: {  	v49 =	vld [tilespmem:s30+$0x11390]  }
0x1a3: {  	v50 =	vld [tilespmem:s30+$0x113A0]  }
0x1a4: {  	v51 =	vld [tilespmem:s30+$0x113B0]  }
0x1a5: {  	v52 =	vld [tilespmem:s30+$0x113C0]  }
0x1a6: {  	v53 =	vld [tilespmem:s30+$0x113D0]  }
0x1a7: {  	v54 =	vld [tilespmem:s30+$0x113E0]  }
0x1a8: {  	v55 =	vld [tilespmem:s30+$0x113F0]  }
0x1a9: {  	v56 =	vld [tilespmem:s30+$0x11400]  }
0x1aa: {  	v57 =	vld [tilespmem:s30+$0x11410]  }
0x1ab: {  	v58 =	vld [tilespmem:s30+$0x11420]  }
0x1ac: {  	v22 =	vld [tilespmem:s30+$0x11470];
	v8 =	vmul.f32 v8, v6  }
0x1ad: {  	v19 =	vld [tilespmem:s30+$0x114B0];
	v9 =	vmul.f32 v59, v7;
	v10 =	vmul.f32 v10, v4  }
0x1ae: {  	v21 =	vld [tilespmem:s30+$0x11550];
	v11 =	vmul.f32 v11, v5;
	v12 =	vmul.f32 v12, v2  }
0x1af: {  	v13 =	vmul.f32 v13, v3;
	v14 =	vmul.f32 v14, v0;
	v59 =	vld [tilespmem:s30+$0x11430]  }
0x1b0: {  	v15 =	vmul.f32 v62, v1;
	v62 =	vadd.f32 v11, v10;
	v10 =	vmul.f32 v16, v6;
	v16 =	vld [tilespmem:s30+$0x11440]  }
0x1b1: {  	v60 =	vmul.f32 v60, v3;
	v12 =	vadd.f32 v13, v12;
	v13 =	vmul.f32 v18, v4;
	v18 =	vld [tilespmem:s30+$0x11450]  }
0x1b2: {  	v8 =	vadd.f32 v9, v8;
	v14 =	vadd.f32 v15, v14;
	v15 =	vmul.f32 v20, v2;
	v20 =	vld [tilespmem:s30+$0x11460]  }
0x1b3: {  	v63 =	vmul.f32 v63, v5;
	v11 =	vmul.f32 v17, v7;
	v17 =	vld [tilespmem:s30+$0x11480]  }
0x1b4: {  	v8 =	vadd.f32 v62, v8;
	v62 =	vmul.f32 v23, v1;
	v23 =	vadd.f32 v60, v15;
	v15 =	vld [tilespmem:s30+$0x11490]  }
0x1b5: {  	v61 =	vmul.f32 v61, v0;
	v22 =	vmul.f32 v22, v1;
	v12 =	vadd.f32 v14, v12;
	v14 =	vld [tilespmem:s30+$0x114A0]  }
0x1b6: {  	v10 =	vadd.f32 v11, v10;
	v63 =	vadd.f32 v63, v13;
	v13 =	vmul.f32 v25, v7;
	v25 =	vld [tilespmem:s30+$0x114D0]  }
0x1b7: {  	v11 =	vmul.f32 v24, v6;
	v60 =	vmul.f32 v27, v5;
	v24 =	vld [tilespmem:s30+$0x11530];
	v9 =	vadd.f32 v62, v61  }
0x1b8: {  	v8 =	vadd.f32 v12, v8;
	v12 =	vmul.f32 v26, v4;
	v61 =	vmul.f32 v28, v2;
	v28 =	vld [tilespmem:s30+$0x114E0]  }
0x1b9: {  	v10 =	vadd.f32 v63, v10;
	v62 =	vmul.f32 v29, v3;
	v26 =	vmul.f32 v30, v0;
	v29 =	vld [tilespmem:s30+$0x114F0]  }
0x1ba: {  	v63 =	vmul.f32 v31, v1;
	v11 =	vadd.f32 v13, v11;
	v13 =	vmul.f32 v32, v6;
	v31 =	vld [tilespmem:s30+$0x11500]  }
0x1bb: {  	v30 =	vld [tilespmem:s30+$0x11540];
	v16 =	vmul.f32 v16, v2;
	v18 =	vmul.f32 v18, v3  }
0x1bc: {  	v32 =	vld [tilespmem:s30+$0x11560];
	v9 =	vadd.f32 v9, v23;
	v12 =	vadd.f32 v60, v12;
	v60 =	vmul.f32 v33, v7  }
0x1bd: {  	v23 =	vld [tilespmem:s30+$0x114C0];
	v26 =	vadd.f32 v63, v26;
	v63 =	vmul.f32 v36, v2;
	v36 =	vmul.f32 v37, v3  }
0x1be: {  	v33 =	vld [tilespmem:s30+$0x11510];
	v37 =	vmul.f32 v38, v0;
	v38 =	vmul.f32 v39, v1  }
0x1bf: {  	v9 =	vadd.f32 v9, v10;
	v10 =	vadd.f32 v62, v61;
	v62 =	vmul.f32 v35, v5;
	v35 =	vld [tilespmem:s30+$0x11520]  }
0x1c0: {  	v20 =	vmul.f32 v20, v0;
	v11 =	vadd.f32 v12, v11;
	v12 =	vadd.f32 v38, v37;
	v37 =	vld [tilespmem:s30+$0x11570]  }
0x1c1: {  	v17 =	vmul.f32 v17, v6;
	v15 =	vmul.f32 v15, v7;
	v38 =	vld [tilespmem:s30+$0x11580]  }
0x1c2: {  	v16 =	vadd.f32 v18, v16;
	v27 =	vadd.f32 v36, v63;
	v63 =	vmul.f32 v44, v2;
	v44 =	vld [tilespmem:s30+$0x115B0]  }
0x1c3: {  	v20 =	vadd.f32 v22, v20;
	v13 =	vadd.f32 v60, v13;
	v60 =	vmul.f32 v41, v7;
	v41 =	vld [tilespmem:s30+$0x115E0]  }
0x1c4: {  	v15 =	vadd.f32 v15, v17;
	v17 =	vld [tilespmem:s30+$0x11690]  }
0x1c5: {  	v45 =	vmul.f32 v45, v3;
	v61 =	vmul.f32 v34, v4;
	v16 =	vadd.f32 v20, v16;
	v20 =	vld [tilespmem:s30+$0x116B0]  }
0x1c6: {  	v52 =	vmul.f32 v52, v2;
	v53 =	vmul.f32 v53, v3;
	v12 =	vadd.f32 v12, v27;
	v27 =	vld [tilespmem:s30+$0x11590]  }
0x1c7: {  	v54 =	vmul.f32 v54, v0;
	v39 =	vadd.f32 v62, v61;
	v61 =	vmul.f32 v42, v4;
	v42 =	vld [tilespmem:s30+$0x115A0]  }
0x1c8: {  	v55 =	vmul.f32 v55, v1;
	v62 =	vmul.f32 v43, v5;
	v43 =	vld [tilespmem:s30+$0x115F0]  }
0x1c9: {  	v10 =	vadd.f32 v26, v10;
	v26 =	vmul.f32 v40, v6;
	v40 =	vmul.f32 v47, v1;
	v47 =	vld [tilespmem:s30+$0x11610]  }
0x1ca: {  	v28 =	vmul.f32 v28, v0;
	v13 =	vadd.f32 v39, v13;
	v39 =	vmul.f32 v46, v0;
	v46 =	vld [tilespmem:s30+$0x115C0]  }
0x1cb: {  	v11 =	vadd.f32 v10, v11;
	v26 =	vadd.f32 v60, v26;
	v60 =	vmul.f32 v48, v6;
	v48 =	vld [tilespmem:s30+$0x115D0]  }
0x1cc: {  	v34 =	vadd.f32 v62, v61;
	v61 =	vmul.f32 v49, v7;
	v62 =	vmul.f32 v50, v4;
	v50 =	vld [tilespmem:s30+$0x11620]  }
0x1cd: {  	v29 =	vmul.f32 v29, v1;
	v10 =	vadd.f32 v12, v13;
	v12 =	vadd.f32 v45, v63;
	v45 =	vld [tilespmem:s30+$0x11650]  }
0x1ce: {  	v56 =	vmul.f32 v56, v6;
	v36 =	vadd.f32 v61, v60;
	v61 =	vmul.f32 v19, v5;
	v19 =	vld [tilespmem:s30+$0x11660]  }
0x1cf: {  	v57 =	vmul.f32 v57, v7;
	v63 =	vmul.f32 v51, v5;
	v51 =	vadd.f32 v29, v28;
	v29 =	vld [tilespmem:s30+$0x116C0]  }
0x1d0: {  	v26 =	vadd.f32 v34, v26;
	v34 =	vadd.f32 v55, v54;
	v55 =	vmul.f32 v30, v2;
	v30 =	vld [tilespmem:s30+$0x116E0]  }
0x1d1: {  	v58 =	vmul.f32 v58, v4;
	v21 =	vmul.f32 v21, v3;
	v28 =	vld [tilespmem:s30+$0x116F0]  }
0x1d2: {  	v39 =	vadd.f32 v40, v39;
	v40 =	vadd.f32 v53, v52;
	v53 =	vmul.f32 v33, v7;
	v33 =	vld [tilespmem:s30+$0x11700]  }
0x1d3: {  	v59 =	vmul.f32 v59, v5;
	v60 =	vadd.f32 v57, v56;
	v57 =	vmul.f32 v37, v1;
	v37 =	vld [tilespmem:s30+$0x11710]  }
0x1d4: {  	v14 =	vmul.f32 v14, v4;
	v54 =	vmul.f32 v35, v4;
	v35 =	vld [tilespmem:s30+$0x11750]  }
0x1d5: {  	v24 =	vmul.f32 v24, v5;
	v52 =	vmul.f32 v31, v6;
	v12 =	vadd.f32 v39, v12;
	v39 =	vld [tilespmem:s30+$0x11600]  }
0x1d6: {  	v56 =	vmul.f32 v32, v0;
	v17 =	vmul.f32 v17, v7;
	v34 =	vadd.f32 v34, v40;
	v40 =	vld [tilespmem:s30+$0x11640]  }
0x1d7: {  	v20 =	vmul.f32 v20, v5;
	v13 =	vadd.f32 v63, v62;
	v63 =	vmul.f32 v25, v3;
	v25 =	vld [tilespmem:s30+$0x11670]  }
0x1d8: {  	v27 =	vmul.f32 v27, v7;
	v62 =	vmul.f32 v23, v2;
	v14 =	vadd.f32 v61, v14;
	v23 =	vld [tilespmem:s30+$0x116A0]  }
0x1d9: {  	v22 =	vadd.f32 v53, v52;
	v31 =	vadd.f32 v57, v56;
	v56 =	vld [tilespmem:s30+$0x117A0];
	v61 =	vmul.f32 v46, v2  }
0x1da: {  	v46 =	vmul.f32 v43, v1;
	v43 =	vld [tilespmem:s30+$0x11730];
	v52 =	vmul.f32 v50, v4;
	v36 =	vadd.f32 v13, v36  }
0x1db: {  	v50 =	vld [tilespmem:s30+$0x11840];
	v13 =	vadd.f32 v12, v26;
	v26 =	vadd.f32 v59, v58;
	v58 =	vmul.f32 v38, v6  }
0x1dc: {  	v49 =	vadd.f32 v63, v62;
	v59 =	vmul.f32 v42, v4;
	v62 =	vmul.f32 v48, v3;
	v42 =	vld [tilespmem:s30+$0x11720]  }
0x1dd: {  	v15 =	vadd.f32 v14, v15;
	v63 =	vmul.f32 v41, v0;
	v41 =	vld [tilespmem:s30+$0x118B0];
	v19 =	vmul.f32 v19, v0  }
0x1de: {  	v30 =	vmul.f32 v30, v0;
	v28 =	vmul.f32 v28, v1;
	v12 =	vadd.f32 v34, v36;
	v34 =	vld [tilespmem:s30+$0x11630]  }
0x1df: {  	v26 =	vadd.f32 v26, v60;
	v36 =	vld [tilespmem:s30+$0x11680];
	v18 =	vadd.f32 v51, v49;
	v60 =	vmul.f32 v44, v5  }
0x1e0: {  	v32 =	vadd.f32 v62, v61;
	v49 =	vmul.f32 v47, v7;
	v51 =	vld [tilespmem:s30+$0x11770];
	v44 =	vmul.f32 v33, v6  }
0x1e1: {  	v61 =	vld [tilespmem:s30+$0x117E0];
	v48 =	vmul.f32 v39, v6;
	v53 =	vmul.f32 v40, v2;
	v62 =	vadd.f32 v28, v30  }
0x1e2: {  	v39 =	vld [tilespmem:s30+$0x11780];
	v25 =	vmul.f32 v25, v1;
	v14 =	vadd.f32 v16, v26;
	v15 =	vadd.f32 v18, v15  }
0x1e3: {  	v23 =	vmul.f32 v23, v4;
	v40 =	vld [tilespmem:s30+$0x117C0];
	v16 =	vadd.f32 v24, v54;
	v18 =	vadd.f32 v21, v55  }
0x1e4: {  	v56 =	vmul.f32 v56, v4;
	v26 =	vld [tilespmem:s30+$0x116D0];
	v24 =	vadd.f32 v27, v58;
	v21 =	vadd.f32 v60, v59  }
0x1e5: {  	v27 =	vld [tilespmem:s30+$0x11740];
	v54 =	vmul.f32 v45, v3;
	v59 =	vmul.f32 v29, v2;
	v19 =	vadd.f32 v25, v19  }
0x1e6: {  	v58 =	vld [tilespmem:s30+$0x117B0];
	v45 =	vmul.f32 v37, v7;
	v20 =	vadd.f32 v20, v23;
	v16 =	vadd.f32 v16, v22  }
0x1e7: {  	v60 =	vld [tilespmem:s30+$0x117D0];
	v47 =	vmul.f32 v43, v5;
	v22 =	vadd.f32 v46, v63;
	v18 =	vadd.f32 v31, v18  }
0x1e8: {  	v28 =	vld [tilespmem:s30+$0x11800];
	v31 =	vadd.f32 v49, v48;
	v49 =	vmul.f32 v35, v3;
	v34 =	vmul.f32 v34, v5  }
0x1e9: {  	v55 =	vld [tilespmem:s30+$0x11790];
	v21 =	vadd.f32 v21, v24;
	v57 =	vmul.f32 v36, v6;
	v51 =	vmul.f32 v51, v1  }
0x1ea: {  	v23 =	vld [tilespmem:s30+$0x117F0];
	v61 =	vmul.f32 v61, v0;
	v22 =	vadd.f32 v22, v32;
	v16 =	vadd.f32 v18, v16  }
0x1eb: {  	v24 =	vld [tilespmem:s30+$0x11760];
	v18 =	vadd.f32 v34, v52;
	v26 =	vmul.f32 v26, v3;
	v48 =	vmul.f32 v27, v2  }
0x1ec: {  	v30 =	vld [tilespmem:s30+$0x11820];
	v17 =	vadd.f32 v17, v57;
	v57 =	vmul.f32 v58, v5;
	v29 =	vmul.f32 v60, v3  }
0x1ed: {  	v34 =	vld [tilespmem:s30+$0x11830];
	v21 =	vadd.f32 v22, v21;
	v22 =	vadd.f32 v54, v53;
	v53 =	vmul.f32 v39, v6  }
0x1ee: {  	v52 =	vld [tilespmem:s30+$0x11850];
	v54 =	vmul.f32 v55, v7;
	v18 =	vadd.f32 v18, v31;
	v25 =	vadd.f32 v26, v59  }
0x1ef: {  	v58 =	vld [tilespmem:s30+$0x11870];
	v23 =	vmul.f32 v23, v1;
	v17 =	vadd.f32 v20, v17;
	v27 =	vadd.f32 v57, v56  }
0x1f0: {  	v60 =	vld [tilespmem:s30+$0x11880];
	v24 =	vmul.f32 v24, v0;
	v19 =	vadd.f32 v19, v22;
	v22 =	vadd.f32 v49, v48  }
0x1f1: {  	v55 =	vld [tilespmem:s30+$0x11860];
	v59 =	vmul.f32 v40, v2;
	v33 =	vadd.f32 v54, v53;
	v23 =	vadd.f32 v23, v61  }
0x1f2: {  	v50 =	vmul.f32 v50, v2;
	v20 =	vld [tilespmem:s30+$0x11810];
	v63 =	vadd.f32 v62, v25;
	v25 =	vadd.f32 v45, v44  }
0x1f3: {  	v46 =	vmul.f32 v42, v4;
	v48 =	vld [tilespmem:s30+$0x118D0];
	v24 =	vadd.f32 v51, v24;
	v38 =	vadd.f32 v29, v59  }
0x1f4: {  	(xrf2) =	vadd.scan.msk.f32 $0xffff, v8;
	v54 =	vld [tilespmem:s30+$0x118F0];
	v44 =	vmul.f32 v28, v6;
	v59 =	vmul.f32 v41, v5;
	v18 =	vadd.f32 v19, v18  }
0x1f5: {  	(xrf2) =	vadd.scan.msk.f32 $0xffff, v9;
	v62 =	vld [tilespmem:s30+$0x11890];
	v19 =	vadd.f32 v47, v46;
	v43 =	vadd.f32 v27, v33;
	v47 =	vmul.f32 v30, v4  }
0x1f6: {  	(xrf2) =	vadd.scan.msk.f32 $0xffff, v11;
	v45 =	vld [tilespmem:s30+$0x118C0];
	v49 =	vmul.f32 v34, v5;
	v52 =	vmul.f32 v52, v3;
	v17 =	vadd.f32 v63, v17  }
0x1f7: {  	(xrf2) =	vadd.scan.msk.f32 $0xffff, v10;
	v51 =	vld [tilespmem:s30+$0x118E0];
	v56 =	vmul.f32 v60, v6;
	v42 =	vadd.f32 v24, v22;
	v8 =	vadd.f32 v23, v38  }
0x1f8: {  	(xrf2) =	vadd.scan.msk.f32 $0xffff, v13;
	v63 =	vld [tilespmem:s30+$0x118A0];
	v53 =	vmul.f32 v55, v0;
	v55 =	vmul.f32 v58, v1;
	v19 =	vadd.f32 v19, v25  }
0x1f9: {  	(xrf2) =	vadd.scan.msk.f32 $0xffff, v12;
	v46 =	vmul.f32 v20, v7;
	v10 =	vadd.f32 v49, v47;
	v13 =	vadd.f32 v52, v50  }
0x1fa: {  	(xrf2) =	vadd.scan.msk.f32 $0xffff, v14;
	v8 =	vadd.f32 v8, v43;
	v12 =	vadd.f32 v55, v53;
	v61 =	vmul.f32 v48, v3  }
0x1fb: {  	(xrf2) =	vadd.scan.msk.f32 $0xffff, v15;
	v9 =	vadd.f32 v42, v19;
	v11 =	vadd.f32 v46, v44;
	v57 =	vmul.f32 v62, v7  }
0x1fc: {  	(xrf2) =	vadd.scan.msk.f32 $0xffff, v16;
	v60 =	vmul.f32 v45, v2;
	v62 =	vmul.f32 v51, v0;
	v12 =	vadd.f32 v12, v13  }
0x1fd: {  	(xrf2) =	vadd.scan.msk.f32 $0xffff, v21;
	v58 =	vmul.f32 v63, v4;
	v10 =	vadd.f32 v10, v11;
	v63 =	vmul.f32 v54, v1  }
0x1fe: {  	v24, _, _ =	vpop (xrf2);
	(xrf2) =	vadd.scan.msk.f32 $0xffff, v18;
	v14 =	vadd.f32 v57, v56;
	v11 =	vadd.f32 v61, v60  }
0x1ff: {  	v25, _, _ =	vpop (xrf2);
	(xrf2) =	vadd.scan.msk.f32 $0xffff, v17;
	v15 =	vadd.f32 v59, v58;
	v13 =	vadd.f32 v63, v62  }
0x200: {  	v26 =	vbroadcast v24, $0xF;
	v27 =	vbroadcast v25, $0xF;
	v28, _, _ =	vpop (xrf2);
	(xrf2) =	vadd.scan.msk.f32 $0xffff, v9;
	v29 =	vadd.f32 v12, v10  }
0x201: {  	v30 =	vbroadcast v28, $0xF;
	v31, _, _ =	vpop (xrf2);
	(xrf2) =	vadd.scan.msk.f32 $0xffff, v8;
	v32 =	vadd.f32 v15, v14;
	v11 =	vadd.f32 v13, v11  }
0x202: {  	v33 =	vsel vm0, v26, v27;
	v34, _, _ =	vpop (xrf2);
	v12 =	vbroadcast v31, $0xF;
	(xrf2) =	vadd.scan.msk.f32 $0xffff, v29  }
0x203: {  	v35 =	vsel vm1, v33, v30;
	v36 =	vbroadcast v34, $0xF;
	v37, _, _ =	vpop (xrf2);
	v8 =	vadd.f32 v11, v32  }
0x204: {  	v38 =	vbroadcast v37, $0xF;
	v39, _, _ =	vpop (xrf2);
	v9 =	vsel vm2, v35, v12  }
0x205: {  	v40 =	vbroadcast v39, $0xF;
	v41, _, _ =	vpop (xrf2);
	v9 =	vsel vm3, v9, v36;
	(xrf2) =	vadd.scan.msk.f32 $0xffff, v8  }
0x206: {  	v43 =	vbroadcast v41, $0xF;
	v44, _, _ =	vpop (xrf2);
	v42 =	vsel vm4, v9, v38  }
0x207: {  	v45 =	vbroadcast v44, $0xF;
	v46, _, _ =	vpop (xrf2);
	v8 =	vsel vm5, v42, v40  }
0x208: {  	v47 =	vbroadcast v46, $0xF;
	v48, _, _ =	vpop (xrf2);
	v8 =	vsel vm6, v8, v43  }
0x209: {  	v49 =	vbroadcast v48, $0xF;
	v50, _, _ =	vpop (xrf2);
	v8 =	vsel vm7, v8, v45  }
0x20a: {  	v51 =	vbroadcast v50, $0xF;
	v52, _, _ =	vpop (xrf2);
	v8 =	vsel vm8, v8, v47  }
0x20b: {  	v53 =	vbroadcast v52, $0xF;
	v54, _, _ =	vpop (xrf2);
	v8 =	vsel vm9, v8, v49  }
0x20c: {  	v55 =	vbroadcast v54, $0xF;
	v8 =	vsel vm10, v8, v51;
	v56, _, _ =	vpop (xrf2)  }
0x20d: {  	v8 =	vsel vm11, v8, v53;
	v57 =	vbroadcast v56, $0xF  }
0x20e: {  	v8 =	vsel vm12, v8, v55  }
0x20f: {  	v8 =	vsel vm13, v8, v57;
	v58, _, _ =	vpop (xrf2)  }
0x210: {  	v8 =	vsel vm14, v8, v58  }
0x211: {  	v8 =	vsub.f32 $0.0e+00, v8;
	_ =	sdelay $0x1  }
0x212: {  	v8 =	vmul.f32 $1.442695020e+00, v8;
	_ =	sdelay $0x1  }
0x213: {  	(erf) = vpow2.f32 v8;
	_ =	sdelay $0x8  }
0x214: {  	v8 =	vpop (erf)  }
0x215: {  	v8 =	vadd.f32 $1.000000000e+00, v8;
	_ =	sdelay $0x1  }
0x216: {  	(erf) = vrcp.f32 v8;
	_ =	sdelay $0x8  }
0x217: {  	v8 =	vpop (erf)  }
0x218: {  	[tilespmem:s28+$0x0] =	vst v8  }
0x219: {  	v8 =	vld [tilespmem:s30+$0x11900]  }
0x21a: {  	v59 =	vld [tilespmem:s30+$0x11910]  }
0x21b: {  	v10 =	vld [tilespmem:s30+$0x11920]  }
0x21c: {  	v11 =	vld [tilespmem:s30+$0x11930]  }
0x21d: {  	v12 =	vld [tilespmem:s30+$0x11940]  }
0x21e: {  	v13 =	vld [tilespmem:s30+$0x11950]  }
0x21f: {  	v14 =	vld [tilespmem:s30+$0x11960]  }
0x220: {  	v62 =	vld [tilespmem:s30+$0x11970]  }
0x221: {  	v16 =	vld [tilespmem:s30+$0x11980]  }
0x222: {  	v17 =	vld [tilespmem:s30+$0x11990]  }
0x223: {  	v18 =	vld [tilespmem:s30+$0x119A0]  }
0x224: {  	v63 =	vld [tilespmem:s30+$0x119B0]  }
0x225: {  	v20 =	vld [tilespmem:s30+$0x119C0]  }
0x226: {  	v60 =	vld [tilespmem:s30+$0x119D0]  }
0x227: {  	v61 =	vld [tilespmem:s30+$0x119E0]  }
0x228: {  	v23 =	vld [tilespmem:s30+$0x119F0]  }
0x229: {  	v24 =	vld [tilespmem:s30+$0x11A00]  }
0x22a: {  	v25 =	vld [tilespmem:s30+$0x11A10]  }
0x22b: {  	v26 =	vld [tilespmem:s30+$0x11A20]  }
0x22c: {  	v27 =	vld [tilespmem:s30+$0x11A30]  }
0x22d: {  	v28 =	vld [tilespmem:s30+$0x11A40]  }
0x22e: {  	v29 =	vld [tilespmem:s30+$0x11A50]  }
0x22f: {  	v30 =	vld [tilespmem:s30+$0x11A60]  }
0x230: {  	v31 =	vld [tilespmem:s30+$0x11A70]  }
0x231: {  	v32 =	vld [tilespmem:s30+$0x11A80]  }
0x232: {  	v33 =	vld [tilespmem:s30+$0x11A90]  }
0x233: {  	v34 =	vld [tilespmem:s30+$0x11AA0]  }
0x234: {  	v35 =	vld [tilespmem:s30+$0x11AB0]  }
0x235: {  	v36 =	vld [tilespmem:s30+$0x11AC0]  }
0x236: {  	v37 =	vld [tilespmem:s30+$0x11AD0]  }
0x237: {  	v38 =	vld [tilespmem:s30+$0x11AE0]  }
0x238: {  	v39 =	vld [tilespmem:s30+$0x11AF0]  }
0x239: {  	v40 =	vld [tilespmem:s30+$0x11B00]  }
0x23a: {  	v41 =	vld [tilespmem:s30+$0x11B10]  }
0x23b: {  	v42 =	vld [tilespmem:s30+$0x11B20]  }
0x23c: {  	v43 =	vld [tilespmem:s30+$0x11B30]  }
0x23d: {  	v44 =	vld [tilespmem:s30+$0x11B40]  }
0x23e: {  	v45 =	vld [tilespmem:s30+$0x11B50]  }
0x23f: {  	v46 =	vld [tilespmem:s30+$0x11B60]  }
0x240: {  	v47 =	vld [tilespmem:s30+$0x11B70]  }
0x241: {  	v48 =	vld [tilespmem:s30+$0x11B80]  }
0x242: {  	v49 =	vld [tilespmem:s30+$0x11B90]  }
0x243: {  	v50 =	vld [tilespmem:s30+$0x11BA0]  }
0x244: {  	v51 =	vld [tilespmem:s30+$0x11BB0]  }
0x245: {  	v52 =	vld [tilespmem:s30+$0x11BC0]  }
0x246: {  	v53 =	vld [tilespmem:s30+$0x11BD0]  }
0x247: {  	v54 =	vld [tilespmem:s30+$0x11BE0]  }
0x248: {  	v55 =	vld [tilespmem:s30+$0x11BF0]  }
0x249: {  	v56 =	vld [tilespmem:s30+$0x11C00]  }
0x24a: {  	v57 =	vld [tilespmem:s30+$0x11C10]  }
0x24b: {  	v58 =	vld [tilespmem:s30+$0x11C20]  }
0x24c: {  	v22 =	vld [tilespmem:s30+$0x11C70];
	v8 =	vmul.f32 v8, v6  }
0x24d: {  	v19 =	vld [tilespmem:s30+$0x11CB0];
	v9 =	vmul.f32 v59, v7;
	v10 =	vmul.f32 v10, v4  }
0x24e: {  	v21 =	vld [tilespmem:s30+$0x11D50];
	v11 =	vmul.f32 v11, v5;
	v12 =	vmul.f32 v12, v2  }
0x24f: {  	v13 =	vmul.f32 v13, v3;
	v14 =	vmul.f32 v14, v0;
	v59 =	vld [tilespmem:s30+$0x11C30]  }
0x250: {  	v15 =	vmul.f32 v62, v1;
	v62 =	vadd.f32 v11, v10;
	v10 =	vmul.f32 v16, v6;
	v16 =	vld [tilespmem:s30+$0x11C40]  }
0x251: {  	v60 =	vmul.f32 v60, v3;
	v12 =	vadd.f32 v13, v12;
	v13 =	vmul.f32 v18, v4;
	v18 =	vld [tilespmem:s30+$0x11C50]  }
0x252: {  	v8 =	vadd.f32 v9, v8;
	v14 =	vadd.f32 v15, v14;
	v15 =	vmul.f32 v20, v2;
	v20 =	vld [tilespmem:s30+$0x11C60]  }
0x253: {  	v63 =	vmul.f32 v63, v5;
	v11 =	vmul.f32 v17, v7;
	v17 =	vld [tilespmem:s30+$0x11C80]  }
0x254: {  	v8 =	vadd.f32 v62, v8;
	v62 =	vmul.f32 v23, v1;
	v23 =	vadd.f32 v60, v15;
	v15 =	vld [tilespmem:s30+$0x11C90]  }
0x255: {  	v61 =	vmul.f32 v61, v0;
	v22 =	vmul.f32 v22, v1;
	v12 =	vadd.f32 v14, v12;
	v14 =	vld [tilespmem:s30+$0x11CA0]  }
0x256: {  	v10 =	vadd.f32 v11, v10;
	v63 =	vadd.f32 v63, v13;
	v13 =	vmul.f32 v25, v7;
	v25 =	vld [tilespmem:s30+$0x11CD0]  }
0x257: {  	v11 =	vmul.f32 v24, v6;
	v60 =	vmul.f32 v27, v5;
	v24 =	vld [tilespmem:s30+$0x11D30];
	v9 =	vadd.f32 v62, v61  }
0x258: {  	v8 =	vadd.f32 v12, v8;
	v12 =	vmul.f32 v26, v4;
	v61 =	vmul.f32 v28, v2;
	v28 =	vld [tilespmem:s30+$0x11CE0]  }
0x259: {  	v10 =	vadd.f32 v63, v10;
	v62 =	vmul.f32 v29, v3;
	v26 =	vmul.f32 v30, v0;
	v29 =	vld [tilespmem:s30+$0x11CF0]  }
0x25a: {  	v63 =	vmul.f32 v31, v1;
	v11 =	vadd.f32 v13, v11;
	v13 =	vmul.f32 v32, v6;
	v31 =	vld [tilespmem:s30+$0x11D00]  }
0x25b: {  	v30 =	vld [tilespmem:s30+$0x11D40];
	v16 =	vmul.f32 v16, v2;
	v18 =	vmul.f32 v18, v3  }
0x25c: {  	v32 =	vld [tilespmem:s30+$0x11D60];
	v9 =	vadd.f32 v9, v23;
	v12 =	vadd.f32 v60, v12;
	v60 =	vmul.f32 v33, v7  }
0x25d: {  	v23 =	vld [tilespmem:s30+$0x11CC0];
	v26 =	vadd.f32 v63, v26;
	v63 =	vmul.f32 v36, v2;
	v36 =	vmul.f32 v37, v3  }
0x25e: {  	v33 =	vld [tilespmem:s30+$0x11D10];
	v37 =	vmul.f32 v38, v0;
	v38 =	vmul.f32 v39, v1  }
0x25f: {  	v9 =	vadd.f32 v9, v10;
	v10 =	vadd.f32 v62, v61;
	v62 =	vmul.f32 v35, v5;
	v35 =	vld [tilespmem:s30+$0x11D20]  }
0x260: {  	v20 =	vmul.f32 v20, v0;
	v11 =	vadd.f32 v12, v11;
	v12 =	vadd.f32 v38, v37;
	v37 =	vld [tilespmem:s30+$0x11D70]  }
0x261: {  	v17 =	vmul.f32 v17, v6;
	v15 =	vmul.f32 v15, v7;
	v38 =	vld [tilespmem:s30+$0x11D80]  }
0x262: {  	v16 =	vadd.f32 v18, v16;
	v27 =	vadd.f32 v36, v63;
	v63 =	vmul.f32 v44, v2;
	v44 =	vld [tilespmem:s30+$0x11DB0]  }
0x263: {  	v20 =	vadd.f32 v22, v20;
	v13 =	vadd.f32 v60, v13;
	v60 =	vmul.f32 v41, v7;
	v41 =	vld [tilespmem:s30+$0x11DE0]  }
0x264: {  	v15 =	vadd.f32 v15, v17;
	v17 =	vld [tilespmem:s30+$0x11E90]  }
0x265: {  	v45 =	vmul.f32 v45, v3;
	v61 =	vmul.f32 v34, v4;
	v16 =	vadd.f32 v20, v16;
	v20 =	vld [tilespmem:s30+$0x11EB0]  }
0x266: {  	v52 =	vmul.f32 v52, v2;
	v53 =	vmul.f32 v53, v3;
	v12 =	vadd.f32 v12, v27;
	v27 =	vld [tilespmem:s30+$0x11D90]  }
0x267: {  	v54 =	vmul.f32 v54, v0;
	v39 =	vadd.f32 v62, v61;
	v61 =	vmul.f32 v42, v4;
	v42 =	vld [tilespmem:s30+$0x11DA0]  }
0x268: {  	v55 =	vmul.f32 v55, v1;
	v62 =	vmul.f32 v43, v5;
	v43 =	vld [tilespmem:s30+$0x11DF0]  }
0x269: {  	v10 =	vadd.f32 v26, v10;
	v26 =	vmul.f32 v40, v6;
	v40 =	vmul.f32 v47, v1;
	v47 =	vld [tilespmem:s30+$0x11E10]  }
0x26a: {  	v28 =	vmul.f32 v28, v0;
	v13 =	vadd.f32 v39, v13;
	v39 =	vmul.f32 v46, v0;
	v46 =	vld [tilespmem:s30+$0x11DC0]  }
0x26b: {  	v11 =	vadd.f32 v10, v11;
	v26 =	vadd.f32 v60, v26;
	v60 =	vmul.f32 v48, v6;
	v48 =	vld [tilespmem:s30+$0x11DD0]  }
0x26c: {  	v34 =	vadd.f32 v62, v61;
	v61 =	vmul.f32 v49, v7;
	v62 =	vmul.f32 v50, v4;
	v50 =	vld [tilespmem:s30+$0x11E20]  }
0x26d: {  	v29 =	vmul.f32 v29, v1;
	v10 =	vadd.f32 v12, v13;
	v12 =	vadd.f32 v45, v63;
	v45 =	vld [tilespmem:s30+$0x11E50]  }
0x26e: {  	v56 =	vmul.f32 v56, v6;
	v36 =	vadd.f32 v61, v60;
	v61 =	vmul.f32 v19, v5;
	v19 =	vld [tilespmem:s30+$0x11E60]  }
0x26f: {  	v57 =	vmul.f32 v57, v7;
	v63 =	vmul.f32 v51, v5;
	v51 =	vadd.f32 v29, v28;
	v29 =	vld [tilespmem:s30+$0x11EC0]  }
0x270: {  	v26 =	vadd.f32 v34, v26;
	v34 =	vadd.f32 v55, v54;
	v55 =	vmul.f32 v30, v2;
	v30 =	vld [tilespmem:s30+$0x11EE0]  }
0x271: {  	v58 =	vmul.f32 v58, v4;
	v21 =	vmul.f32 v21, v3;
	v28 =	vld [tilespmem:s30+$0x11EF0]  }
0x272: {  	v39 =	vadd.f32 v40, v39;
	v40 =	vadd.f32 v53, v52;
	v53 =	vmul.f32 v33, v7;
	v33 =	vld [tilespmem:s30+$0x11F00]  }
0x273: {  	v59 =	vmul.f32 v59, v5;
	v60 =	vadd.f32 v57, v56;
	v57 =	vmul.f32 v37, v1;
	v37 =	vld [tilespmem:s30+$0x11F10]  }
0x274: {  	v14 =	vmul.f32 v14, v4;
	v54 =	vmul.f32 v35, v4;
	v35 =	vld [tilespmem:s30+$0x11F50]  }
0x275: {  	v24 =	vmul.f32 v24, v5;
	v52 =	vmul.f32 v31, v6;
	v12 =	vadd.f32 v39, v12;
	v39 =	vld [tilespmem:s30+$0x11E00]  }
0x276: {  	v56 =	vmul.f32 v32, v0;
	v17 =	vmul.f32 v17, v7;
	v34 =	vadd.f32 v34, v40;
	v40 =	vld [tilespmem:s30+$0x11E40]  }
0x277: {  	v20 =	vmul.f32 v20, v5;
	v13 =	vadd.f32 v63, v62;
	v63 =	vmul.f32 v25, v3;
	v25 =	vld [tilespmem:s30+$0x11E70]  }
0x278: {  	v27 =	vmul.f32 v27, v7;
	v62 =	vmul.f32 v23, v2;
	v14 =	vadd.f32 v61, v14;
	v23 =	vld [tilespmem:s30+$0x11EA0]  }
0x279: {  	v22 =	vadd.f32 v53, v52;
	v31 =	vadd.f32 v57, v56;
	v56 =	vld [tilespmem:s30+$0x11FA0];
	v61 =	vmul.f32 v46, v2  }
0x27a: {  	v46 =	vmul.f32 v43, v1;
	v43 =	vld [tilespmem:s30+$0x11F30];
	v52 =	vmul.f32 v50, v4;
	v36 =	vadd.f32 v13, v36  }
0x27b: {  	v50 =	vld [tilespmem:s30+$0x12040];
	v13 =	vadd.f32 v12, v26;
	v26 =	vadd.f32 v59, v58;
	v58 =	vmul.f32 v38, v6  }
0x27c: {  	v49 =	vadd.f32 v63, v62;
	v59 =	vmul.f32 v42, v4;
	v62 =	vmul.f32 v48, v3;
	v42 =	vld [tilespmem:s30+$0x11F20]  }
0x27d: {  	v15 =	vadd.f32 v14, v15;
	v63 =	vmul.f32 v41, v0;
	v38 =	vld [tilespmem:s30+$0x120B0];
	v19 =	vmul.f32 v19, v0  }
0x27e: {  	v30 =	vmul.f32 v30, v0;
	v28 =	vmul.f32 v28, v1;
	v12 =	vadd.f32 v34, v36;
	v34 =	vld [tilespmem:s30+$0x11E30]  }
0x27f: {  	v26 =	vadd.f32 v26, v60;
	v36 =	vld [tilespmem:s30+$0x11E80];
	v18 =	vadd.f32 v51, v49;
	v60 =	vmul.f32 v44, v5  }
0x280: {  	v32 =	vadd.f32 v62, v61;
	v49 =	vmul.f32 v47, v7;
	v51 =	vld [tilespmem:s30+$0x11F70];
	v44 =	vmul.f32 v33, v6  }
0x281: {  	v61 =	vld [tilespmem:s30+$0x11FE0];
	v48 =	vmul.f32 v39, v6;
	v53 =	vmul.f32 v40, v2;
	v62 =	vadd.f32 v28, v30  }
0x282: {  	v39 =	vld [tilespmem:s30+$0x11F80];
	v25 =	vmul.f32 v25, v1;
	v14 =	vadd.f32 v16, v26;
	v15 =	vadd.f32 v18, v15  }
0x283: {  	v23 =	vmul.f32 v23, v4;
	v40 =	vld [tilespmem:s30+$0x11FC0];
	v16 =	vadd.f32 v24, v54;
	v18 =	vadd.f32 v21, v55  }
0x284: {  	v56 =	vmul.f32 v56, v4;
	v26 =	vld [tilespmem:s30+$0x11ED0];
	v24 =	vadd.f32 v27, v58;
	v21 =	vadd.f32 v60, v59  }
0x285: {  	v27 =	vld [tilespmem:s30+$0x11F40];
	v54 =	vmul.f32 v45, v3;
	v59 =	vmul.f32 v29, v2;
	v19 =	vadd.f32 v25, v19  }
0x286: {  	v58 =	vld [tilespmem:s30+$0x11FB0];
	v45 =	vmul.f32 v37, v7;
	v20 =	vadd.f32 v20, v23;
	v16 =	vadd.f32 v16, v22  }
0x287: {  	v60 =	vld [tilespmem:s30+$0x11FD0];
	v47 =	vmul.f32 v43, v5;
	v22 =	vadd.f32 v46, v63;
	v18 =	vadd.f32 v31, v18  }
0x288: {  	v28 =	vld [tilespmem:s30+$0x12000];
	v31 =	vadd.f32 v49, v48;
	v49 =	vmul.f32 v35, v3;
	v34 =	vmul.f32 v34, v5  }
0x289: {  	v55 =	vld [tilespmem:s30+$0x11F90];
	v21 =	vadd.f32 v21, v24;
	v57 =	vmul.f32 v36, v6;
	v51 =	vmul.f32 v51, v1  }
0x28a: {  	v23 =	vld [tilespmem:s30+$0x11FF0];
	v61 =	vmul.f32 v61, v0;
	v22 =	vadd.f32 v22, v32;
	v16 =	vadd.f32 v18, v16  }
0x28b: {  	v24 =	vld [tilespmem:s30+$0x11F60];
	v18 =	vadd.f32 v34, v52;
	v26 =	vmul.f32 v26, v3;
	v48 =	vmul.f32 v27, v2  }
0x28c: {  	v30 =	vld [tilespmem:s30+$0x12020];
	v17 =	vadd.f32 v17, v57;
	v57 =	vmul.f32 v58, v5;
	v29 =	vmul.f32 v60, v3  }
0x28d: {  	v34 =	vld [tilespmem:s30+$0x12030];
	v21 =	vadd.f32 v22, v21;
	v22 =	vadd.f32 v54, v53;
	v53 =	vmul.f32 v39, v6  }
0x28e: {  	v52 =	vld [tilespmem:s30+$0x12050];
	v54 =	vmul.f32 v55, v7;
	v18 =	vadd.f32 v18, v31;
	v25 =	vadd.f32 v26, v59  }
0x28f: {  	v58 =	vld [tilespmem:s30+$0x12070];
	v23 =	vmul.f32 v23, v1;
	v17 =	vadd.f32 v20, v17;
	v27 =	vadd.f32 v57, v56  }
0x290: {  	v60 =	vld [tilespmem:s30+$0x12080];
	v24 =	vmul.f32 v24, v0;
	v19 =	vadd.f32 v19, v22;
	v22 =	vadd.f32 v49, v48  }
0x291: {  	v55 =	vld [tilespmem:s30+$0x12060];
	v59 =	vmul.f32 v40, v2;
	v33 =	vadd.f32 v54, v53;
	v23 =	vadd.f32 v23, v61  }
0x292: {  	v46 =	vmul.f32 v42, v4;
	v20 =	vld [tilespmem:s30+$0x12010];
	v63 =	vadd.f32 v62, v25;
	v25 =	vadd.f32 v45, v44  }
0x293: {  	v49 =	vmul.f32 v50, v2;
	v50 =	vld [tilespmem:s30+$0x120E0];
	v24 =	vadd.f32 v51, v24;
	v37 =	vadd.f32 v29, v59  }
0x294: {  	(xrf2) =	vadd.scan.msk.f32 $0xffff, v8;
	v43 =	vmul.f32 v28, v6;
	v53 =	vld [tilespmem:s30+$0x120F0];
	v18 =	vadd.f32 v19, v18;
	v19 =	vadd.f32 v47, v46  }
0x295: {  	(xrf2) =	vadd.scan.msk.f32 $0xffff, v9;
	v62 =	vld [tilespmem:s30+$0x12090];
	v42 =	vadd.f32 v27, v33;
	v46 =	vmul.f32 v30, v4;
	v48 =	vmul.f32 v34, v5  }
0x296: {  	(xrf2) =	vadd.scan.msk.f32 $0xffff, v11;
	v44 =	vld [tilespmem:s30+$0x120C0];
	v51 =	vmul.f32 v52, v3;
	v54 =	vmul.f32 v58, v1;
	v17 =	vadd.f32 v63, v17  }
0x297: {  	(xrf2) =	vadd.scan.msk.f32 $0xffff, v10;
	v47 =	vld [tilespmem:s30+$0x120D0];
	v58 =	vmul.f32 v38, v5;
	v41 =	vadd.f32 v24, v22;
	v8 =	vadd.f32 v23, v37  }
0x298: {  	(xrf2) =	vadd.scan.msk.f32 $0xffff, v13;
	v63 =	vld [tilespmem:s30+$0x120A0];
	v52 =	vmul.f32 v55, v0;
	v55 =	vmul.f32 v60, v6;
	v19 =	vadd.f32 v19, v25  }
0x299: {  	(xrf2) =	vadd.scan.msk.f32 $0xffff, v12;
	v45 =	vmul.f32 v20, v7;
	v10 =	vadd.f32 v48, v46;
	v13 =	vadd.f32 v51, v49  }
0x29a: {  	(xrf2) =	vadd.scan.msk.f32 $0xffff, v14;
	v8 =	vadd.f32 v8, v42;
	v12 =	vadd.f32 v54, v52;
	v61 =	vmul.f32 v50, v0  }
0x29b: {  	(xrf2) =	vadd.scan.msk.f32 $0xffff, v15;
	v11 =	vadd.f32 v45, v43;
	v56 =	vmul.f32 v62, v7;
	v59 =	vmul.f32 v44, v2  }
0x29c: {  	(xrf2) =	vadd.scan.msk.f32 $0xffff, v16;
	v9 =	vadd.f32 v41, v19;
	v62 =	vmul.f32 v53, v1;
	v60 =	vmul.f32 v47, v3  }
0x29d: {  	(xrf2) =	vadd.scan.msk.f32 $0xffff, v21;
	v12 =	vadd.f32 v12, v13;
	v57 =	vmul.f32 v63, v4;
	v10 =	vadd.f32 v10, v11  }
0x29e: {  	v63, _, _ =	vpop (xrf2);
	(xrf2) =	vadd.scan.msk.f32 $0xffff, v18;
	v14 =	vadd.f32 v56, v55;
	v13 =	vadd.f32 v62, v61  }
0x29f: {  	v23, _, _ =	vpop (xrf2);
	(xrf2) =	vadd.scan.msk.f32 $0xffff, v17;
	v11 =	vadd.f32 v60, v59;
	v15 =	vadd.f32 v58, v57  }
0x2a0: {  	v24 =	vbroadcast v63, $0xF;
	v25 =	vbroadcast v23, $0xF;
	v26, _, _ =	vpop (xrf2);
	(xrf2) =	vadd.scan.msk.f32 $0xffff, v9;
	v27 =	vadd.f32 v12, v10  }
0x2a1: {  	v28 =	vbroadcast v26, $0xF;
	v29, _, _ =	vpop (xrf2);
	(xrf2) =	vadd.scan.msk.f32 $0xffff, v8;
	v11 =	vadd.f32 v13, v11;
	v30 =	vadd.f32 v15, v14  }
0x2a2: {  	v31 =	vsel vm0, v24, v25;
	v12 =	vbroadcast v29, $0xF;
	v32, _, _ =	vpop (xrf2);
	(xrf2) =	vadd.scan.msk.f32 $0xffff, v27  }
0x2a3: {  	v33 =	vsel vm1, v31, v28;
	v34 =	vbroadcast v32, $0xF;
	v35, _, _ =	vpop (xrf2);
	v8 =	vadd.f32 v11, v30  }
0x2a4: {  	v9 =	vsel vm2, v33, v12;
	v36 =	vbroadcast v35, $0xF;
	v37, _, _ =	vpop (xrf2)  }
0x2a5: {  	v9 =	vsel vm3, v9, v34;
	v38 =	vbroadcast v37, $0xF;
	v39, _, _ =	vpop (xrf2);
	(xrf2) =	vadd.scan.msk.f32 $0xffff, v8  }
0x2a6: {  	v40 =	vsel vm4, v9, v36;
	v41 =	vbroadcast v39, $0xF;
	v42, _, _ =	vpop (xrf2)  }
0x2a7: {  	v8 =	vsel vm5, v40, v38;
	v43 =	vbroadcast v42, $0xF;
	v44, _, _ =	vpop (xrf2)  }
0x2a8: {  	v8 =	vsel vm6, v8, v41;
	v45 =	vbroadcast v44, $0xF;
	v46, _, _ =	vpop (xrf2)  }
0x2a9: {  	v8 =	vsel vm7, v8, v43;
	v47 =	vbroadcast v46, $0xF;
	v48, _, _ =	vpop (xrf2)  }
0x2aa: {  	v8 =	vsel vm8, v8, v45;
	v49 =	vbroadcast v48, $0xF;
	v50, _, _ =	vpop (xrf2)  }
0x2ab: {  	v8 =	vsel vm9, v8, v47;
	v51 =	vbroadcast v50, $0xF;
	v52, _, _ =	vpop (xrf2)  }
0x2ac: {  	v8 =	vsel vm10, v8, v49;
	v53 =	vbroadcast v52, $0xF;
	v54, _, _ =	vpop (xrf2)  }
0x2ad: {  	v8 =	vsel vm11, v8, v51;
	v55 =	vbroadcast v54, $0xF  }
0x2ae: {  	v8 =	vsel vm12, v8, v53  }
0x2af: {  	v8 =	vsel vm13, v8, v55;
	v56, _, _ =	vpop (xrf2)  }
0x2b0: {  	v8 =	vsel vm14, v8, v56  }
0x2b1: {  	v8 =	vsub.f32 $0.0e+00, v8;
	_ =	sdelay $0x1  }
0x2b2: {  	v8 =	vmul.f32 $1.442695020e+00, v8;
	_ =	sdelay $0x1  }
0x2b3: {  	(erf) = vpow2.f32 v8;
	_ =	sdelay $0x8  }
0x2b4: {  	v8 =	vpop (erf)  }
0x2b5: {  	v8 =	vadd.f32 $1.000000000e+00, v8;
	_ =	sdelay $0x1  }
0x2b6: {  	(erf) = vrcp.f32 v8;
	_ =	sdelay $0x8  }
0x2b7: {  	v8 =	vpop (erf)  }
0x2b8: {  	[tilespmem:s28+$0x10] =	vst v8  }
0x2b9: {  	v8 =	vld [tilespmem:s30+$0x12100]  }
0x2ba: {  	v57 =	vld [tilespmem:s30+$0x12110]  }
0x2bb: {  	v58 =	vld [tilespmem:s30+$0x12120]  }
0x2bc: {  	v59 =	vld [tilespmem:s30+$0x12130]  }
0x2bd: {  	v12 =	vld [tilespmem:s30+$0x12140]  }
0x2be: {  	v13 =	vld [tilespmem:s30+$0x12150]  }
0x2bf: {  	v14 =	vld [tilespmem:s30+$0x12160]  }
0x2c0: {  	v15 =	vld [tilespmem:s30+$0x12170]  }
0x2c1: {  	v16 =	vld [tilespmem:s30+$0x12180]  }
0x2c2: {  	v17 =	vld [tilespmem:s30+$0x12190]  }
0x2c3: {  	v18 =	vld [tilespmem:s30+$0x121A0]  }
0x2c4: {  	v60 =	vld [tilespmem:s30+$0x121B0]  }
0x2c5: {  	v61 =	vld [tilespmem:s30+$0x121C0]  }
0x2c6: {  	v62 =	vld [tilespmem:s30+$0x121D0]  }
0x2c7: {  	v63 =	vld [tilespmem:s30+$0x121E0]  }
0x2c8: {  	v23 =	vld [tilespmem:s30+$0x121F0]  }
0x2c9: {  	v24 =	vld [tilespmem:s30+$0x12200]  }
0x2ca: {  	v25 =	vld [tilespmem:s30+$0x12210]  }
0x2cb: {  	v26 =	vld [tilespmem:s30+$0x12220]  }
0x2cc: {  	v27 =	vld [tilespmem:s30+$0x12230]  }
0x2cd: {  	v28 =	vld [tilespmem:s30+$0x12240]  }
0x2ce: {  	v29 =	vld [tilespmem:s30+$0x12250]  }
0x2cf: {  	v30 =	vld [tilespmem:s30+$0x12260]  }
0x2d0: {  	v31 =	vld [tilespmem:s30+$0x12270]  }
0x2d1: {  	v32 =	vld [tilespmem:s30+$0x12280]  }
0x2d2: {  	v33 =	vld [tilespmem:s30+$0x12290]  }
0x2d3: {  	v34 =	vld [tilespmem:s30+$0x122A0]  }
0x2d4: {  	v35 =	vld [tilespmem:s30+$0x122B0]  }
0x2d5: {  	v36 =	vld [tilespmem:s30+$0x122C0]  }
0x2d6: {  	v37 =	vld [tilespmem:s30+$0x122D0]  }
0x2d7: {  	v38 =	vld [tilespmem:s30+$0x122E0]  }
0x2d8: {  	v39 =	vld [tilespmem:s30+$0x122F0]  }
0x2d9: {  	v40 =	vld [tilespmem:s30+$0x12300]  }
0x2da: {  	v41 =	vld [tilespmem:s30+$0x12310]  }
0x2db: {  	v42 =	vld [tilespmem:s30+$0x12320]  }
0x2dc: {  	v43 =	vld [tilespmem:s30+$0x12330]  }
0x2dd: {  	v44 =	vld [tilespmem:s30+$0x12340]  }
0x2de: {  	v45 =	vld [tilespmem:s30+$0x12350]  }
0x2df: {  	v46 =	vld [tilespmem:s30+$0x12360]  }
0x2e0: {  	v47 =	vld [tilespmem:s30+$0x12370]  }
0x2e1: {  	v48 =	vld [tilespmem:s30+$0x12380]  }
0x2e2: {  	v49 =	vld [tilespmem:s30+$0x12390]  }
0x2e3: {  	v50 =	vld [tilespmem:s30+$0x123A0]  }
0x2e4: {  	v51 =	vld [tilespmem:s30+$0x123B0]  }
0x2e5: {  	v52 =	vld [tilespmem:s30+$0x123C0]  }
0x2e6: {  	v53 =	vld [tilespmem:s30+$0x123D0]  }
0x2e7: {  	v54 =	vld [tilespmem:s30+$0x123E0]  }
0x2e8: {  	v55 =	vld [tilespmem:s30+$0x123F0]  }
0x2e9: {  	v56 =	vld [tilespmem:s30+$0x12400]  }
0x2ea: {  	v19 =	vld [tilespmem:s30+$0x12440];
	v8 =	vmul.f32 v8, v6  }
0x2eb: {  	v21 =	vld [tilespmem:s30+$0x12450];
	v9 =	vmul.f32 v57, v7;
	v10 =	vmul.f32 v58, v4  }
0x2ec: {  	v20 =	vld [tilespmem:s30+$0x124B0];
	v11 =	vmul.f32 v59, v5;
	v12 =	vmul.f32 v12, v2  }
0x2ed: {  	v22 =	vld [tilespmem:s30+$0x124C0];
	v13 =	vmul.f32 v13, v3;
	v14 =	vmul.f32 v14, v0  }
0x2ee: {  	v57 =	vld [tilespmem:s30+$0x12410];
	v15 =	vmul.f32 v15, v1;
	v61 =	vmul.f32 v61, v2  }
0x2ef: {  	v58 =	vld [tilespmem:s30+$0x12420];
	v62 =	vmul.f32 v62, v3;
	v63 =	vmul.f32 v63, v0  }
0x2f0: {  	v59 =	vmul.f32 v23, v1;
	v23 =	vld [tilespmem:s30+$0x12460];
	v19 =	vmul.f32 v19, v2  }
0x2f1: {  	v8 =	vadd.f32 v9, v8;
	v9 =	vmul.f32 v16, v6;
	v16 =	vmul.f32 v17, v7;
	v17 =	vld [tilespmem:s30+$0x12430]  }
0x2f2: {  	v21 =	vmul.f32 v21, v3;
	v10 =	vadd.f32 v11, v10;
	v11 =	vmul.f32 v18, v4;
	v18 =	vld [tilespmem:s30+$0x12480]  }
0x2f3: {  	v14 =	vadd.f32 v15, v14;
	v15 =	vadd.f32 v59, v63;
	v59 =	vmul.f32 v27, v5;
	v27 =	vld [tilespmem:s30+$0x12530]  }
0x2f4: {  	v63 =	vmul.f32 v25, v7;
	v25 =	vmul.f32 v40, v6;
	v40 =	vld [tilespmem:s30+$0x12570]  }
0x2f5: {  	v60 =	vmul.f32 v60, v5;
	v12 =	vadd.f32 v13, v12;
	v19 =	vadd.f32 v21, v19;
	v21 =	vld [tilespmem:s30+$0x12650]  }
0x2f6: {  	v13 =	vadd.f32 v62, v61;
	v9 =	vadd.f32 v16, v9;
	v16 =	vld [tilespmem:s30+$0x12470]  }
0x2f7: {  	v62 =	vmul.f32 v24, v6;
	v11 =	vadd.f32 v60, v11;
	v60 =	vadd.f32 v14, v12;
	v14 =	vld [tilespmem:s30+$0x12490]  }
0x2f8: {  	v61 =	vadd.f32 v15, v13;
	v15 =	vld [tilespmem:s30+$0x124A0]  }
0x2f9: {  	v8 =	vadd.f32 v10, v8;
	v10 =	vadd.f32 v63, v62;
	v63 =	vmul.f32 v31, v1;
	v31 =	vld [tilespmem:s30+$0x12500]  }
0x2fa: {  	v62 =	vmul.f32 v30, v0;
	v30 =	vld [tilespmem:s30+$0x12540];
	v23 =	vmul.f32 v23, v0  }
0x2fb: {  	v9 =	vadd.f32 v11, v9;
	v8 =	vadd.f32 v60, v8;
	v11 =	vmul.f32 v26, v4;
	v26 =	vld [tilespmem:s30+$0x124D0]  }
0x2fc: {  	v60 =	vmul.f32 v28, v2;
	v28 =	vld [tilespmem:s30+$0x124E0];
	v12 =	vadd.f32 v63, v62;
	v62 =	vmul.f32 v35, v5  }
0x2fd: {  	v63 =	vmul.f32 v36, v2;
	v36 =	vmul.f32 v37, v3;
	v35 =	vld [tilespmem:s30+$0x12520]  }
0x2fe: {  	v18 =	vmul.f32 v18, v6;
	v9 =	vadd.f32 v61, v9;
	v61 =	vmul.f32 v29, v3;
	v29 =	vld [tilespmem:s30+$0x124F0]  }
0x2ff: {  	v11 =	vadd.f32 v59, v11;
	v59 =	vmul.f32 v32, v6;
	v32 =	vmul.f32 v41, v7;
	v41 =	vld [tilespmem:s30+$0x12580]  }
0x300: {  	v16 =	vmul.f32 v16, v1;
	v13 =	vadd.f32 v61, v60;
	v60 =	vmul.f32 v33, v7;
	v33 =	vld [tilespmem:s30+$0x12510]  }
0x301: {  	v14 =	vmul.f32 v14, v7;
	v61 =	vmul.f32 v34, v4;
	v34 =	vld [tilespmem:s30+$0x12550]  }
0x302: {  	v10 =	vadd.f32 v11, v10;
	v11 =	vadd.f32 v36, v63;
	v63 =	vmul.f32 v47, v1;
	v47 =	vld [tilespmem:s30+$0x125B0]  }
0x303: {  	v37 =	vmul.f32 v38, v0;
	v38 =	vmul.f32 v39, v1;
	v16 =	vadd.f32 v16, v23;
	v23 =	vld [tilespmem:s30+$0x12660]  }
0x304: {  	v25 =	vadd.f32 v32, v25;
	v14 =	vadd.f32 v14, v18;
	v18 =	vld [tilespmem:s30+$0x12690]  }
0x305: {  	v22 =	vmul.f32 v22, v2;
	v12 =	vadd.f32 v12, v13;
	v13 =	vadd.f32 v38, v37;
	v38 =	vld [tilespmem:s30+$0x12560]  }
0x306: {  	v32 =	vmul.f32 v48, v6;
	v24 =	vadd.f32 v60, v59;
	v60 =	vmul.f32 v43, v5;
	v43 =	vld [tilespmem:s30+$0x12590]  }
0x307: {  	v39 =	vadd.f32 v62, v61;
	v61 =	vmul.f32 v44, v2;
	v62 =	vmul.f32 v45, v3;
	v45 =	vld [tilespmem:s30+$0x125A0]  }
0x308: {  	v59 =	vmul.f32 v42, v4;
	v42 =	vmul.f32 v49, v7;
	v49 =	vld [tilespmem:s30+$0x125C0];
	v13 =	vadd.f32 v13, v11  }
0x309: {  	v44 =	vld [tilespmem:s30+$0x125E0];
	v11 =	vadd.f32 v12, v10;
	v12 =	vadd.f32 v62, v61;
	v61 =	vmul.f32 v52, v2  }
0x30a: {  	v62 =	vmul.f32 v53, v3;
	v52 =	vmul.f32 v55, v1;
	v32 =	vadd.f32 v42, v32;
	v42 =	vld [tilespmem:s30+$0x125D0]  }
0x30b: {  	v36 =	vadd.f32 v60, v59;
	v53 =	vmul.f32 v56, v6;
	v56 =	vmul.f32 v26, v3;
	v26 =	vld [tilespmem:s30+$0x12670]  }
0x30c: {  	v24 =	vadd.f32 v39, v24;
	v55 =	vmul.f32 v58, v4;
	v58 =	vmul.f32 v29, v1;
	v29 =	vld [tilespmem:s30+$0x12680]  }
0x30d: {  	v59 =	vmul.f32 v50, v4;
	v60 =	vmul.f32 v51, v5;
	v25 =	vadd.f32 v36, v25;
	v36 =	vld [tilespmem:s30+$0x125F0]  }
0x30e: {  	v10 =	vadd.f32 v13, v24;
	v13 =	vmul.f32 v46, v0;
	v46 =	vld [tilespmem:s30+$0x12610]  }
0x30f: {  	v20 =	vmul.f32 v20, v5;
	v37 =	vadd.f32 v60, v59;
	v59 =	vadd.f32 v56, v22;
	v22 =	vld [tilespmem:s30+$0x126A0]  }
0x310: {  	v17 =	vmul.f32 v17, v5;
	v60 =	vmul.f32 v31, v6;
	v31 =	vld [tilespmem:s30+$0x126B0]  }
0x311: {  	v15 =	vmul.f32 v15, v4;
	v39 =	vadd.f32 v62, v61;
	v61 =	vmul.f32 v33, v7;
	v33 =	vld [tilespmem:s30+$0x126C0]  }
0x312: {  	v27 =	vmul.f32 v27, v5;
	v62 =	vmul.f32 v35, v4;
	v35 =	vld [tilespmem:s30+$0x126E0]  }
0x313: {  	v21 =	vmul.f32 v21, v3;
	v15 =	vadd.f32 v20, v15;
	v50 =	vmul.f32 v38, v0;
	v38 =	vld [tilespmem:s30+$0x12730]  }
0x314: {  	v17 =	vadd.f32 v17, v55;
	v56 =	vmul.f32 v47, v5;
	v55 =	vmul.f32 v45, v4;
	v45 =	vld [tilespmem:s30+$0x12850]  }
0x315: {  	v23 =	vmul.f32 v23, v0;
	v13 =	vadd.f32 v63, v13;
	v32 =	vadd.f32 v37, v32;
	v37 =	vld [tilespmem:s30+$0x12600]  }
0x316: {  	v63 =	vmul.f32 v54, v0;
	v20 =	vadd.f32 v27, v62;
	v27 =	vadd.f32 v56, v55;
	v55 =	vld [tilespmem:s30+$0x127E0]  }
0x317: {  	v54 =	vmul.f32 v57, v7;
	v57 =	vmul.f32 v28, v0;
	v56 =	vld [tilespmem:s30+$0x127F0]  }
0x318: {  	v26 =	vmul.f32 v26, v1;
	v24 =	vadd.f32 v52, v63;
	v63 =	vmul.f32 v30, v2;
	v30 =	vld [tilespmem:s30+$0x126D0]  }
0x319: {  	v16 =	vadd.f32 v16, v19;
	v51 =	vmul.f32 v40, v1;
	v19 =	vadd.f32 v58, v57;
	v58 =	vld [tilespmem:s30+$0x12710]  }
0x31a: {  	v48 =	vmul.f32 v34, v3;
	v18 =	vmul.f32 v18, v7;
	v23 =	vadd.f32 v26, v23;
	v26 =	vld [tilespmem:s30+$0x12800]  }
0x31b: {  	v12 =	vadd.f32 v13, v12;
	v57 =	vmul.f32 v49, v2;
	v49 =	vmul.f32 v31, v5;
	v31 =	vld [tilespmem:s30+$0x128F0]  }
0x31c: {  	v42 =	vmul.f32 v42, v3;
	v47 =	vmul.f32 v29, v6;
	v24 =	vadd.f32 v24, v39;
	v39 =	vld [tilespmem:s30+$0x12630]  }
0x31d: {  	v52 =	vmul.f32 v41, v6;
	v13 =	vadd.f32 v12, v25;
	v25 =	vadd.f32 v54, v53;
	v54 =	vld [tilespmem:s30+$0x126F0]  }
0x31e: {  	v15 =	vadd.f32 v15, v14;
	v22 =	vmul.f32 v22, v4;
	v53 =	vmul.f32 v43, v7;
	v43 =	vld [tilespmem:s30+$0x12700]  }
0x31f: {  	v18 =	vadd.f32 v18, v47;
	v19 =	vadd.f32 v19, v59;
	v62 =	vmul.f32 v37, v6;
	v37 =	vld [tilespmem:s30+$0x12780]  }
0x320: {  	v36 =	vmul.f32 v36, v1;
	v22 =	vadd.f32 v49, v22;
	v49 =	vld [tilespmem:s30+$0x12870];
	v12 =	vadd.f32 v24, v32  }
0x321: {  	v59 =	vmul.f32 v44, v0;
	v32 =	vld [tilespmem:s30+$0x12620];
	v17 =	vadd.f32 v17, v25;
	v15 =	vadd.f32 v19, v15  }
0x322: {  	v38 =	vmul.f32 v38, v5;
	v24 =	vld [tilespmem:s30+$0x12640];
	v25 =	vadd.f32 v61, v60;
	v19 =	vadd.f32 v51, v50  }
0x323: {  	v60 =	vld [tilespmem:s30+$0x12720];
	v28 =	vadd.f32 v53, v52;
	v34 =	vadd.f32 v36, v59;
	v51 =	vmul.f32 v33, v2  }
0x324: {  	v36 =	vld [tilespmem:s30+$0x12740];
	v53 =	vmul.f32 v35, v0;
	v30 =	vmul.f32 v30, v3;
	v18 =	vadd.f32 v22, v18  }
0x325: {  	v50 =	vld [tilespmem:s30+$0x127C0];
	v58 =	vmul.f32 v58, v7;
	v14 =	vadd.f32 v16, v17;
	v16 =	vadd.f32 v48, v63  }
0x326: {  	v59 =	vld [tilespmem:s30+$0x12810];
	v17 =	vadd.f32 v42, v57;
	v63 =	vmul.f32 v46, v7;
	v42 =	vmul.f32 v39, v5  }
0x327: {  	v61 =	vadd.f32 v27, v28;
	v27 =	vld [tilespmem:s30+$0x12760];
	v54 =	vmul.f32 v54, v1;
	v57 =	vmul.f32 v43, v6  }
0x328: {  	v20 =	vadd.f32 v20, v25;
	v28 =	vld [tilespmem:s30+$0x12790];
	v44 =	vmul.f32 v37, v6;
	v33 =	vmul.f32 v49, v1  }
0x329: {  	v46 =	vld [tilespmem:s30+$0x127A0];
	v16 =	vadd.f32 v19, v16;
	v41 =	vmul.f32 v32, v4;
	v24 =	vmul.f32 v24, v2  }
0x32a: {  	v48 =	vld [tilespmem:s30+$0x127B0];
	v17 =	vadd.f32 v34, v17;
	v60 =	vmul.f32 v60, v4;
	v47 =	vmul.f32 v50, v2  }
0x32b: {  	v52 =	vld [tilespmem:s30+$0x127D0];
	v22 =	vadd.f32 v58, v57;
	v50 =	vmul.f32 v55, v0;
	v58 =	vmul.f32 v26, v6  }
0x32c: {  	v43 =	vld [tilespmem:s30+$0x12840];
	v59 =	vmul.f32 v59, v7;
	v16 =	vadd.f32 v16, v20;
	v17 =	vadd.f32 v17, v61  }
0x32d: {  	(xrf2) =	vadd.scan.msk.f32 $0xffff, v8;
	v19 =	vld [tilespmem:s30+$0x12750];
	v20 =	vadd.f32 v63, v62;
	v62 =	vmul.f32 v36, v2;
	v25 =	vadd.f32 v42, v41  }
0x32e: {  	(xrf2) =	vadd.scan.msk.f32 $0xffff, v9;
	v34 =	vld [tilespmem:s30+$0x12770];
	v21 =	vadd.f32 v21, v24;
	v41 =	vmul.f32 v27, v0;
	v28 =	vmul.f32 v28, v7  }
0x32f: {  	(xrf2) =	vadd.scan.msk.f32 $0xffff, v11;
	v61 =	vld [tilespmem:s30+$0x12820];
	v32 =	vmul.f32 v46, v4;
	v29 =	vmul.f32 v48, v5;
	v11 =	vadd.f32 v59, v58  }
0x330: {  	v63 =	vld [tilespmem:s30+$0x12830];
	v48 =	vmul.f32 v52, v3;
	v20 =	vadd.f32 v25, v20;
	v21 =	vadd.f32 v23, v21  }
0x331: {  	v55 =	vld [tilespmem:s30+$0x128B0];
	v24 =	vmul.f32 v56, v1;
	v25 =	vadd.f32 v30, v51;
	v23 =	vadd.f32 v54, v53  }
0x332: {  	v57 =	vld [tilespmem:s30+$0x128C0];
	v19 =	vmul.f32 v19, v3;
	v28 =	vadd.f32 v28, v44;
	v29 =	vadd.f32 v29, v32  }
0x333: {  	v46 =	vld [tilespmem:s30+$0x12860];
	v42 =	vmul.f32 v34, v1;
	v24 =	vadd.f32 v24, v50;
	v23 =	vadd.f32 v23, v25  }
0x334: {  	v52 =	vld [tilespmem:s30+$0x12890];
	v1 =	vmul.f32 v31, v1;
	v20 =	vadd.f32 v21, v20;
	v25 =	vadd.f32 v38, v60  }
0x335: {  	v51 =	vld [tilespmem:s30+$0x12880];
	v19 =	vadd.f32 v19, v62;
	v61 =	vmul.f32 v61, v4;
	v62 =	vmul.f32 v63, v5  }
0x336: {  	v53 =	vld [tilespmem:s30+$0x128A0];
	v56 =	vadd.f32 v29, v28;
	v28 =	vmul.f32 v43, v2;
	v29 =	vmul.f32 v45, v3  }
0x337: {  	(xrf2) =	vadd.scan.msk.f32 $0xffff, v10;
	v21 =	vadd.f32 v48, v47;
	v60 =	vld [tilespmem:s30+$0x128D0];
	v5 =	vmul.f32 v55, v5;
	v2 =	vmul.f32 v57, v2  }
0x338: {  	(xrf2) =	vadd.scan.msk.f32 $0xffff, v13;
	v63 =	vld [tilespmem:s30+$0x128E0];
	v32 =	vmul.f32 v46, v0;
	v18 =	vadd.f32 v23, v18;
	v23 =	vadd.f32 v42, v41  }
0x339: {  	(xrf2) =	vadd.scan.msk.f32 $0xffff, v12;
	v7 =	vmul.f32 v52, v7;
	v54 =	vadd.f32 v25, v22;
	v21 =	vadd.f32 v24, v21  }
0x33a: {  	(xrf2) =	vadd.scan.msk.f32 $0xffff, v14;
	v10 =	vadd.f32 v62, v61;
	v13 =	vadd.f32 v29, v28;
	v6 =	vmul.f32 v51, v6  }
0x33b: {  	(xrf2) =	vadd.scan.msk.f32 $0xffff, v15;
	v12 =	vadd.f32 v33, v32;
	v4 =	vmul.f32 v53, v4;
	v19 =	vadd.f32 v23, v19  }
0x33c: {  	(xrf2) =	vadd.scan.msk.f32 $0xffff, v16;
	v9 =	vadd.f32 v21, v56;
	v10 =	vadd.f32 v10, v11;
	v3 =	vmul.f32 v60, v3  }
0x33d: {  	(xrf2) =	vadd.scan.msk.f32 $0xffff, v17;
	v34 =	vadd.f32 v12, v13;
	v0 =	vmul.f32 v63, v0;
	v6 =	vadd.f32 v7, v6  }
0x33e: {  	v35, _, _ =	vpop (xrf2);
	(xrf2) =	vadd.scan.msk.f32 $0xffff, v20;
	v4 =	vadd.f32 v5, v4;
	v8 =	vadd.f32 v19, v54  }
0x33f: {  	v36, _, _ =	vpop (xrf2);
	(xrf2) =	vadd.scan.msk.f32 $0xffff, v18;
	v2 =	vadd.f32 v3, v2;
	v0 =	vadd.f32 v1, v0  }
0x340: {  	v37 =	vbroadcast v35, $0xF;
	v39, _, _ =	vpop (xrf2);
	v38 =	vbroadcast v36, $0xF;
	v40 =	vadd.f32 v34, v10;
	(xrf2) =	vadd.scan.msk.f32 $0xffff, v8  }
0x341: {  	v41, _, _ =	vpop (xrf2);
	v5 =	vbroadcast v39, $0xF;
	v4 =	vadd.f32 v4, v6;
	(xrf2) =	vadd.scan.msk.f32 $0xffff, v9;
	v0 =	vadd.f32 v0, v2  }
0x342: {  	v42 =	vbroadcast v41, $0xF;
	v43, _, _ =	vpop (xrf2);
	v1 =	vsel vm0, v37, v38;
	(xrf2) =	vadd.scan.msk.f32 $0xffff, v40  }
0x343: {  	v44, _, _ =	vpop (xrf2);
	v3 =	vbroadcast v43, $0xF;
	v1 =	vsel vm1, v1, v5;
	v0 =	vadd.f32 v0, v4  }
0x344: {  	v45, _, _ =	vpop (xrf2);
	v46 =	vbroadcast v44, $0xF;
	v1 =	vsel vm2, v1, v42  }
0x345: {  	v47 =	vbroadcast v45, $0xF;
	v48, _, _ =	vpop (xrf2);
	v1 =	vsel vm3, v1, v3;
	(xrf2) =	vadd.scan.msk.f32 $0xffff, v0  }
0x346: {  	v49, _, _ =	vpop (xrf2);
	v50 =	vbroadcast v48, $0xF;
	v1 =	vsel vm4, v1, v46  }
0x347: {  	v51, _, _ =	vpop (xrf2);
	v1 =	vsel vm5, v1, v47;
	v0 =	vbroadcast v49, $0xF  }
0x348: {  	v53 =	vbroadcast v51, $0xF;
	v52, _, _ =	vpop (xrf2);
	v1 =	vsel vm6, v1, v50  }
0x349: {  	v55 =	vbroadcast v52, $0xF;
	v54, _, _ =	vpop (xrf2);
	v0 =	vsel vm7, v1, v0  }
0x34a: {  	v57 =	vbroadcast v54, $0xF;
	v0 =	vsel vm8, v0, v53;
	v56, _, _ =	vpop (xrf2)  }
0x34b: {  	v0 =	vsel vm9, v0, v55;
	v58, _, _ =	vpop (xrf2);
	v59 =	vbroadcast v56, $0xF  }
0x34c: {  	v0 =	vsel vm10, v0, v57;
	v60, _, _ =	vpop (xrf2);
	v61 =	vbroadcast v58, $0xF  }
0x34d: {  	v0 =	vsel vm11, v0, v59;
	v62 =	vbroadcast v60, $0xF  }
0x34e: {  	v0 =	vsel vm12, v0, v61  }
0x34f: {  	v0 =	vsel vm13, v0, v62;
	v63, _, _ =	vpop (xrf2)  }
0x350: {  	v0 =	vsel vm14, v0, v63  }
0x351: {  	v0 =	vsub.f32 $0.0e+00, v0;
	_ =	sdelay $0x1  }
0x352: {  	v0 =	vmul.f32 $1.442695020e+00, v0;
	_ =	sdelay $0x1  }
0x353: {  	(erf) = vpow2.f32 v0;
	_ =	sdelay $0x8  }
0x354: {  	v0 =	vpop (erf)  }
0x355: {  	v0 =	vadd.f32 $1.000000000e+00, v0;
	_ =	sdelay $0x1  }
0x356: {  	(erf) = vrcp.f32 v0;
	_ =	sdelay $0x3  }
0x357: {  	s25 =	sadd.s32 $0x1, s25  }
0x358: {  	p1 =	sne.s32 s25, $0x100  }
.Ltmp0:
0x359: {  	_ = 	snop;
	(pc) =	sbr.rel @p1 .LBB2_3-.Ltmp0, $3  }
0x35a: {  	_ =	sdelay $0x1  }
0x35b: {  	v0 =	vpop (erf)  }
0x35c: {  	s26 =	sadd.s32 $0x80, s26;
	s29 =	sadd.s32 $0x80, s29;
	[tilespmem:s28+$0x20] =	vst v0;
	s28 =	sadd.s32 $0x46, s28  }
0x35d: {  	s0 =	smul.u32 $0x46, s24;
	_ =	sdelay $0x1  }
0x35e: {  	s0 =	sshrl.u32 s0, $0x3  }
.Ltmp1:
0x35f: {  	s0 =	sadd.s32 s7, s0;
	(pc) =	sbr.rel @p0 .LBB2_2-.Ltmp1, $4  }
0x360: {  	[hbm4b:s0+s4] =	stream.linear.scatter [tilespmem:s22], [sflag:$0x6], $0x4600, $0x38;
	[tilespmem:$0x1E780] =	vst v63  }
0x361: {  	_ =	swait.ge [sflag:s11], $0x4600  }
0x362: {  	[sflag:s11] =	ssyncset.done $0x0  }
0x363: {  	s24 =	simm.s32 $0x100;
	p1 =	por $0x0, $0x0;
	[sflag:s11] =	ssyncadd.s32 $0xFFFFBA00  }
0x364: {  	s23 =	sadd.s32 $0x1, s23  }
0x365: {  	p0 =	sne.s32 s23, s9  }
.Ltmp2:
0x366: {  	_ = 	snop;
	(pc) =	sbr.rel @p0 .LBB2_1-.Ltmp2, $1  }
0x367: {  	_ =	sdelay $0x3  }
0x368: {  	_ =	sfence.sel $0x180000  }
0x369: {  	[bflag:$0x0] =	sbarrier.arrive $0xFFFF  }
0x36a: {  	_ =	strace $0x90000047  }
0x36b: {  	s0 =	stileid.u32;
	[bflag:$0x2] =	sbarrier.arrive $0xFFFF  }
0x36c: {  	p0 =	sne.s32 s0, $0x0;
	s0 =	rddreg [dreg:$0x4]  }
0x36d: {  	s0 =	sadd.s32 @!p0 $0x100000, s0  }
0x36e: {  	[sflag:s0] =	ssyncadd.tile.s32 @!p0 $0x1;
	_ =	shalt  }
.Lfunc_end2:
_tile_overlayer_lowered:
.L_overlay_start_2:
0x36f: {  	(tag) =	ssettag $0x2  }
0x370: {  	s0 =	rddreg [dreg:$0x0];
	s2 =	stileid.u32  }
0x371: {  	s1 =	rddreg [dreg:$0x1];
	p0 =	sne.s32 s2, $0x0  }
0x372: {  	s3 =	rddreg [dreg:$0x2];
	[bflag:$0x3] =	sbarrier.arrive $0xFFFF;
	s2 =	simm.s32 @!p0 $0x1C06  }
0x373: {  	[timem:s3], [sflag:s2] =	dma.local @!p0 [hbm:s0], s1  }
0x374: {  	s0 =	simm.s32 @!p0 $0x6  }
0x375: {  	_ =	swait.ge @!p0 [sflag:s0], s1  }
0x376: {  	s1 =	ssub.s32 @!p0 $0x0, s1;
	[sflag:s0] =	ssyncset.done @!p0 $0x0  }
0x377: {  	[sflag:s0] =	ssyncadd.s32 @!p0 s1  }
0x378: {  	[bflag:$0x3] =	sbarrier.arrive $0xFFFF  }
0x379: {  	_ =	shalt  }

</sc_bundles>
